<compile_context>
chip_gen: v7x
topology: tpu7x:2x2x1
jax: 0.10.2.dev20260603
libtpu: 0.0.44.dev20260713+nightly
codegen_flags: <defaults>
</compile_context>

<pallas_src>
import functools

import jax
import jax.numpy as jnp
from jax import lax
from jax.experimental import pallas as pl
from jax.experimental.pallas import tpu as pltpu
from jax.experimental.pallas import tpu_sc as plsc

EPS = 1e-6
TOK_BLK = 256
TOPK = 2
BLK = 128


def _gelu_exact(y):
    return 0.5 * y * (1.0 + jax.lax.erf(y * 0.7071067811865476))


def _router_body(x_ref, wr_ref, c_ref, xn_ref, xnb_ref, aff_ref, sc_ref,
                 ei_ref):
    xb = x_ref[...]
    ms = jnp.mean(xb * xb, axis=-1, keepdims=True)
    xn = wr_ref[...] * (xb * jax.lax.rsqrt(ms + EPS))
    xn_ref[...] = xn
    xnb_ref[...] = xn.astype(jnp.bfloat16)
    logits = jax.lax.dot_general(
        xn, c_ref[...], (((1,), (1,)), ((), ())),
        preferred_element_type=jnp.float32)
    m = jnp.max(logits, axis=-1, keepdims=True)
    ex = jnp.exp(logits - m)
    aff = ex / jnp.sum(ex, axis=-1, keepdims=True)
    aff_ref[...] = aff
    ne = aff.shape[-1]
    idx = jax.lax.broadcasted_iota(jnp.int32, aff.shape, 1)
    m1 = jnp.max(aff, axis=-1, keepdims=True)
    i1 = jnp.min(jnp.where(aff == m1, idx, ne), axis=-1, keepdims=True)
    oh1 = idx == i1
    a2 = jnp.where(oh1, -jnp.inf, aff)
    m2 = jnp.max(a2, axis=-1, keepdims=True)
    i2 = jnp.min(jnp.where(a2 == m2, idx, ne), axis=-1, keepdims=True)
    sc_ref[...] = jnp.concatenate([m1, m2], axis=1)
    ei_ref[...] = jnp.concatenate([i1, i2], axis=1)


def _make_s1(s, ne, p, padq, tok_off=0, interpret=False):
    n_tiles = 16
    per = p // n_tiles
    nvec = per // 16
    zper = padq // n_tiles
    nsc = per // 128
    mesh = plsc.VectorSubcoreMesh(
        core_axis_name="c", subcore_axis_name="s", num_cores=1)

    @functools.partial(
        pl.kernel,
        out_type=[
            jax.ShapeDtypeStruct((p,), jnp.int32),
            jax.ShapeDtypeStruct((padq,), jnp.int32),
            jax.ShapeDtypeStruct((16,), jnp.int32),
        ],
        mesh=mesh,
        interpret=interpret,
        compiler_params=pltpu.CompilerParams(needs_layout_passes=False),
        scratch_types=[
            pltpu.VMEM((per,), jnp.int32),
            pltpu.VMEM((per,), jnp.int32),
            pltpu.VMEM((nsc, 128), jnp.int32),
            pltpu.VMEM((nsc, 128), jnp.int32),
            pltpu.VMEM((16,), jnp.int32),
            pltpu.VMEM((16,), jnp.int32),
            pltpu.VMEM((zper,), jnp.int32),
            pltpu.VMEM((16, 16), jnp.int32),
            pltpu.VMEM_SHARED((16, 16), jnp.int32),
            pltpu.VMEM_SHARED((padq,), jnp.int32),
        ],
    )
    def s1(ei_hbm, pos_hbm, rowtok_hbm, spec_hbm, e_vm, pos_vm, pos2_vm,
           tok2_vm, row_vm, base_vm, zero_vm, allcnt_vm, counts_sh,
           rowtok_sh):
        wid = lax.axis_index("s")
        base = wid * per
        pltpu.sync_copy(ei_hbm.at[pl.ds(base, per)], e_vm)
        iota = lax.iota(jnp.int32, 16)
        zv = jnp.zeros((16,), jnp.int32)
        ones = jnp.full((16,), 1, jnp.int32)
        c15 = jnp.full((16,), 15, jnp.int32)

        def cvc(x):
            return jnp.full((16,), x, jnp.int32)

        for w in range(n_tiles):
            @pl.when(wid == w)
            def _(w=w):
                row_vm[...] = cvc(w)
        wid_vec = row_vm[...]

        ridx = {k: (iota - cvc(k)) & c15 for k in range(1, 16)}
        geq = {k: iota >= cvc(k) for k in range(1, 16)}

        def rotg(k):
            return plsc.load_gather(row_vm, [ridx[k]])

        def allred(x):
            for k in (1, 2, 4, 8):
                row_vm[...] = x
                x = x + rotg(k)
            return x

        def prefix_incl(x):
            for k in (1, 2, 4, 8):
                row_vm[...] = x
                g = rotg(k)
                x = x + jnp.where(geq[k], g, zv)
            return x

        acc = [zv for _ in range(ne)]
        for i in range(nvec):
            v = e_vm[pl.ds(i * 16, 16)]
            for e in range(ne):
                acc[e] = acc[e] + jnp.where(v == cvc(e), ones, zv)
        hist = zv
        for e in range(ne):
            hist = hist + jnp.where(iota == cvc(e), allred(acc[e]), zv)
        row_vm[...] = hist
        pltpu.sync_copy(row_vm, counts_sh.at[wid])
        for i in range(zper // 16):
            zero_vm[pl.ds(i * 16, 16)] = zv
        plsc.subcore_barrier()
        pltpu.sync_copy(counts_sh, allcnt_vm)
        totals = zv
        prior = zv
        for w in range(n_tiles):
            vw = allcnt_vm[w]
            totals = totals + vw
            prior = prior + vw * jnp.where(cvc(w) < wid_vec, ones, zv)
        nblk = lax.shift_right_logical(totals + cvc(BLK - 1), cvc(7))
        cb_inc = prefix_incl(nblk)
        cb_exc = cb_inc - nblk
        base_vec = cb_exc * cvc(BLK) + prior
        base_vm[...] = base_vec
        for i in range(nvec):
            v = e_vm[pl.ds(i * 16, 16)]
            bv = plsc.load_gather(base_vm, [v])
            row_vm[...] = v
            rank = zv
            cntv = ones
            for k in range(1, 16):
                eq = jnp.where(rotg(k) == v, ones, zv)
                rank = rank + jnp.where(geq[k], eq, zv)
                cntv = cntv + eq
            posv = bv + rank
            plsc.store_scatter(base_vm, [v], bv + cntv)
            pos_vm[pl.ds(i * 16, 16)] = posv
            r, c0 = divmod(i * 16, 128)
            pos2_vm[r, pl.ds(c0, 16)] = posv
            tok2_vm[r, pl.ds(c0, 16)] = lax.shift_right_logical(
                wid_vec * cvc(per) + cvc(i * 16) + iota, ones) + cvc(tok_off)
        pltpu.sync_copy(pos_vm, pos_hbm.at[pl.ds(base, per)])
        pltpu.sync_copy(zero_vm, rowtok_sh.at[pl.ds(wid * zper, zper)])
        plsc.subcore_barrier()
        for ch in range(nsc):
            pltpu.sync_copy(tok2_vm.at[ch], rowtok_sh.at[pos2_vm.at[ch]])
        plsc.subcore_barrier()

        @pl.when(wid == 0)
        def _():
            pltpu.sync_copy(rowtok_sh, rowtok_hbm)
            zero_vm[pl.ds(0, 16)] = cb_inc
            pltpu.sync_copy(zero_vm.at[pl.ds(0, 16)], spec_hbm)

    return s1


def _expert_of(j, spec_ref, ne):
    e = jnp.int32(0)
    for k in range(ne - 1):
        e = e + jnp.where(j >= spec_ref[k], 1, 0).astype(jnp.int32)
    return e


def _grouped_body(spec_ref, rt_ref, xnb_ref, w1_ref, w2_ref, br1_ref,
                  br2_ref, y_ref):
    j = pl.program_id(0)
    ne = br1_ref.shape[0]
    nact = spec_ref[ne - 1]
    be = _expert_of(j, spec_ref, ne)

    @pl.when(j < nact)
    def _():
        rt = rt_ref[...]
        s = xnb_ref.shape[0]
        ioty = jax.lax.broadcasted_iota(jnp.int32, (rt.shape[0], s), 1)
        oh = (ioty == rt).astype(jnp.bfloat16)
        xg = jax.lax.dot_general(
            oh, xnb_ref[...], (((1,), (0,)), ((), ())),
            preferred_element_type=jnp.float32).astype(jnp.bfloat16)
        h = jax.lax.dot_general(
            xg, w1_ref[0], (((1,), (0,)), ((), ())),
            preferred_element_type=jnp.float32)
        h = h + br1_ref[pl.ds(be, 1), :]
        y = jax.lax.dot_general(
            h.astype(jnp.bfloat16), w2_ref[0], (((1,), (0,)), ((), ())),
            preferred_element_type=jnp.float32)
        y = y + br2_ref[pl.ds(be, 1), :]
        y_ref[...] = _gelu_exact(y).astype(jnp.bfloat16)


def _combine_body(xn_ref, xnb_ref, sc_ref, pos_ref, y_ref, w1_ref,
                  w2_ref, bs1_ref, bs2_ref, out_ref):
    padq = y_ref.shape[0]
    blk = xn_ref.shape[0]
    x = xnb_ref[...]
    h = jax.lax.dot_general(
        x, w1_ref[0], (((1,), (0,)), ((), ())),
        preferred_element_type=jnp.float32)
    h = h + bs1_ref[...]
    ys = jax.lax.dot_general(
        h.astype(jnp.bfloat16), w2_ref[0], (((1,), (0,)), ((), ())),
        preferred_element_type=jnp.float32)
    shg = _gelu_exact(ys + bs2_ref[...])
    s0 = sc_ref[:, 0:1]
    s1 = sc_ref[:, 1:2]
    pa = pos_ref[:, 0:1]
    pb = pos_ref[:, 1:2]
    ioty = jax.lax.broadcasted_iota(jnp.int32, (blk, padq), 1)
    ohw = (jnp.where(ioty == pa, s0, 0.0)
           + jnp.where(ioty == pb, s1, 0.0)).astype(jnp.bfloat16)
    routed = jax.lax.dot_general(
        ohw, y_ref[...], (((1,), (0,)), ((), ())),
        preferred_element_type=jnp.float32)
    out_ref[...] = xn_ref[...] + shg + routed


def _impl(x, w_rms, Ws1, bs1, Ws2, bs2, Wr1, br1, Wr2, br2, centroids,
          interpret):
    b, s, d = x.shape
    ne, _, e = Wr1.shape
    xm = x.reshape(s, d)
    nt = s // TOK_BLK
    p = s * TOPK
    nb = p // BLK + ne
    padq = nb * BLK

    xn, xnb, aff, scores, eidx = pl.pallas_call(
        _router_body,
        grid=(nt,),
        in_specs=[
            pl.BlockSpec((TOK_BLK, d), lambda t: (t, 0)),
            pl.BlockSpec((1, d), lambda t: (0, 0)),
            pl.BlockSpec((ne, d), lambda t: (0, 0)),
        ],
        out_specs=[
            pl.BlockSpec((TOK_BLK, d), lambda t: (t, 0)),
            pl.BlockSpec((TOK_BLK, d), lambda t: (t, 0)),
            pl.BlockSpec((TOK_BLK, ne), lambda t: (t, 0)),
            pl.BlockSpec((TOK_BLK, TOPK), lambda t: (t, 0)),
            pl.BlockSpec((TOK_BLK, TOPK), lambda t: (t, 0)),
        ],
        out_shape=[
            jax.ShapeDtypeStruct((s, d), jnp.float32),
            jax.ShapeDtypeStruct((s, d), jnp.bfloat16),
            jax.ShapeDtypeStruct((s, ne), jnp.float32),
            jax.ShapeDtypeStruct((s, TOPK), jnp.float32),
            jax.ShapeDtypeStruct((s, TOPK), jnp.int32),
        ],
        interpret=interpret,
    )(xm, w_rms.reshape(1, d), centroids)

    w1b = Wr1.astype(jnp.bfloat16)
    w2b = Wr2.astype(jnp.bfloat16)
    ws1b = Ws1.astype(jnp.bfloat16)
    ws2b = Ws2.astype(jnp.bfloat16)

    s1k = _make_s1(s, ne, p, padq, 0, interpret)
    pos, rowtok, spec = s1k(eidx.reshape(p))

    y = pl.pallas_call(
        _grouped_body,
        grid_spec=pltpu.PrefetchScalarGridSpec(
            num_scalar_prefetch=1,
            grid=(nb,),
            in_specs=[
                pl.BlockSpec((BLK, 1), lambda j, spec: (j, 0)),
                pl.BlockSpec((s, d), lambda j, spec: (0, 0)),
                pl.BlockSpec((1, d, e),
                             lambda j, spec: (_expert_of(j, spec, ne), 0, 0)),
                pl.BlockSpec((1, e, d),
                             lambda j, spec: (_expert_of(j, spec, ne), 0, 0)),
                pl.BlockSpec((ne, e), lambda j, spec: (0, 0)),
                pl.BlockSpec((ne, d), lambda j, spec: (0, 0)),
            ],
            out_specs=pl.BlockSpec((BLK, d), lambda j, spec: (j, 0)),
        ),
        out_shape=jax.ShapeDtypeStruct((padq, d), jnp.bfloat16),
        interpret=interpret,
    )(spec, rowtok.reshape(padq, 1), xnb, w1b, w2b, br1, br2)

    out = pl.pallas_call(
        _combine_body,
        grid=(nt,),
        in_specs=[
            pl.BlockSpec((TOK_BLK, d), lambda t: (t, 0)),
            pl.BlockSpec((TOK_BLK, d), lambda t: (t, 0)),
            pl.BlockSpec((TOK_BLK, TOPK), lambda t: (t, 0)),
            pl.BlockSpec((TOK_BLK, TOPK), lambda t: (t, 0)),
            pl.BlockSpec((padq, d), lambda t: (0, 0)),
            pl.BlockSpec((1, d, e), lambda t: (0, 0, 0)),
            pl.BlockSpec((1, e, d), lambda t: (0, 0, 0)),
            pl.BlockSpec((1, e), lambda t: (0, 0)),
            pl.BlockSpec((1, d), lambda t: (0, 0)),
        ],
        out_specs=pl.BlockSpec((TOK_BLK, d), lambda t: (t, 0)),
        out_shape=jax.ShapeDtypeStruct((s, d), jnp.float32),
        interpret=interpret,
    )(xn, xnb, scores, pos.reshape(s, TOPK), y, ws1b, ws2b, bs1, bs2)

    return out.reshape(b, s, d), aff


def kernel(x, w_rms, Ws1, bs1, Ws2, bs2, Wr1, br1, Wr2, br2, centroids):
    return _impl(x, w_rms, Ws1, bs1, Ws2, bs2, Wr1, br1, Wr2, br2, centroids,
                 interpret=False)

# --- scband reference (transcript-rebuilt; emitter-appended) ---
"""Pipeline reference for scband-deep-seek-mo-e-74217034875660 (READ-ONLY COPY).

The authoritative reference and input builder live on the scoring server;
editing this copy changes nothing except your own understanding.
"""

import jax, jax.numpy as jnp
import numpy as np

B, S, DIM, ED, NS, NR, TOPK, EPS = 1, 2048, 1024, 2048, 1, 8, 2, 1e-6


def setup_inputs(seed: int = 0) -> dict:
    key = jax.random.key(seed)
    ks = jax.random.split(key, 12)
    s = 0.02
    return {
        "x": jax.random.normal(ks[0], (B, S, DIM), dtype=jnp.float32),
        "w_rms": jnp.ones((DIM,), dtype=jnp.float32),
        "Ws1": jax.random.normal(ks[1], (NS, DIM, ED), dtype=jnp.float32) * s,
        "bs1": jnp.zeros((NS, ED), dtype=jnp.float32),
        "Ws2": jax.random.normal(ks[2], (NS, ED, DIM), dtype=jnp.float32) * s,
        "bs2": jnp.zeros((NS, DIM), dtype=jnp.float32),
        "Wr1": jax.random.normal(ks[3], (NR, DIM, ED), dtype=jnp.float32) * s,
        "br1": jnp.zeros((NR, ED), dtype=jnp.float32),
        "Wr2": jax.random.normal(ks[4], (NR, ED, DIM), dtype=jnp.float32) * s,
        "br2": jnp.zeros((NR, DIM), dtype=jnp.float32),
        "centroids": jax.random.normal(ks[5], (NR, DIM), dtype=jnp.float32),
    }


def reference(x, w_rms, Ws1, bs1, Ws2, bs2, Wr1, br1, Wr2, br2, centroids):
    # RMSNorm (computed in float32, scaled by w)
    xf = x.astype(jnp.float32)
    xn = w_rms * (xf * jax.lax.rsqrt(jnp.mean(xf * xf, axis=-1, keepdims=True) + EPS))
    xn = xn.astype(x.dtype)
    # Shared experts: Linear -> Linear -> GELU (exact erf gelu, torch default), summed
    h_s = jnp.einsum('bsd,nde->nbse', xn, Ws1) + bs1[:, None, None, :]
    out_s = jax.nn.gelu(jnp.einsum('nbse,ned->nbsd', h_s, Ws2) + bs2[:, None, None, :], approximate=False)
    shared_out = out_s.sum(axis=0)
    # Router affinity over flattened tokens
    x_flat = xn.reshape(-1, DIM)
    affinity = jax.nn.softmax(x_flat @ centroids.T, axis=-1)
    topk_scores, topk_idx = jax.lax.top_k(affinity, TOPK)
    T = x_flat.shape[0]
    mask = jnp.zeros_like(affinity).at[jnp.arange(T)[:, None], topk_idx].set(topk_scores)
    # Routed experts: each expert runs densely on all tokens, then masked-summed
    h_r = jnp.einsum('td,nde->tne', x_flat, Wr1) + br1[None, :, :]
    out_r = jax.nn.gelu(jnp.einsum('tne,ned->tnd', h_r, Wr2) + br2[None, :, :], approximate=False)
    routed_out = jnp.einsum('tn,tnd->td', mask, out_r).reshape(B, S, DIM)
    out = xn + shared_out + routed_out
    return (out, affinity)

if __name__ == "__main__":
    import jax
    _d = setup_inputs()
    print(jax.jit(kernel)(*tuple(_d.values())))

</pallas_src>

<mosaic_0001>
#map = affine_map<(d0, d1) -> (0)>
module attributes {stable_mosaic.version = 14 : i64} {
  func.func @s1(%arg0: i32, %arg1: i32, %arg2: memref<4096xi32, #tpu.memory_space<hbm>>, %arg3: memref<4096xi32, #tpu.memory_space<hbm>>, %arg4: memref<5120xi32, #tpu.memory_space<hbm>>, %arg5: memref<16xi32, #tpu.memory_space<hbm>>, %arg6: memref<256xi32, #tpu.memory_space<vmem>>, %arg7: memref<256xi32, #tpu.memory_space<vmem>>, %arg8: memref<2x128xi32, #tpu.memory_space<vmem>>, %arg9: memref<2x128xi32, #tpu.memory_space<vmem>>, %arg10: memref<16xi32, #tpu.memory_space<vmem>>, %arg11: memref<16xi32, #tpu.memory_space<vmem>>, %arg12: memref<320xi32, #tpu.memory_space<vmem>>, %arg13: memref<16x16xi32, #tpu.memory_space<vmem>>, %arg14: memref<16x16xi32, #tpu.memory_space<vmem_shared>>, %arg15: memref<5120xi32, #tpu.memory_space<vmem_shared>>) attributes {dimension_semantics = [#tpu.dimension_semantics<core_parallel>, #tpu.dimension_semantics<subcore_parallel>], iteration_bounds = array<i64: 1, 16>, scalar_prefetch = 0 : i64, scratch_operands = 10 : i64, tpu.core_type = #tpu.core_type<sc_vector_subcore>, window_params = [{transform_indices = #map}, {transform_indices = #map}, {transform_indices = #map}, {transform_indices = #map}]} {
    %mul3A = arith.constant 256 : i32
    %mul3A_0 = arith.muli %arg1, %mul3A : i32
    "tpu.region"() ({
      %run_scoped3A_3171 = tpu.sem_alloc : memref<!tpu.dma_semaphore, #tpu.memory_space<semaphore_mem>>
      %dma_start3A = tpu.memref_slice %arg2[%mul3A_0] : memref<4096xi32, #tpu.memory_space<hbm>> -> memref<256xi32, #tpu.memory_space<hbm>>
      %dma_start3A_3172 = tpu.memref_slice %arg2[%mul3A_0] : memref<4096xi32, #tpu.memory_space<hbm>> -> memref<256xi32, #tpu.memory_space<hbm>>
      tpu.enqueue_dma source(%dma_start3A_3172 : memref<256xi32, #tpu.memory_space<hbm>>) target(%arg6 : memref<256xi32, #tpu.memory_space<vmem>>) target_semaphore(%run_scoped3A_3171 : memref<!tpu.dma_semaphore, #tpu.memory_space<semaphore_mem>>)
      %dma_wait3A = tpu.memref_slice %arg2[%mul3A_0] : memref<4096xi32, #tpu.memory_space<hbm>> -> memref<256xi32, #tpu.memory_space<hbm>>
      %dma_wait3A_3173 = tpu.memref_slice %arg2[%mul3A_0] : memref<4096xi32, #tpu.memory_space<hbm>> -> memref<256xi32, #tpu.memory_space<hbm>>
      tpu.wait_dma2 semaphore(%run_scoped3A_3171 : memref<!tpu.dma_semaphore, #tpu.memory_space<semaphore_mem>>) src(%dma_wait3A_3173 : memref<256xi32, #tpu.memory_space<hbm>>) dst(%arg6 : memref<256xi32, #tpu.memory_space<vmem>>)
      tpu.yield
    }) : () -> ()
    %iota3A = tpu.iota {dimensions = array<i32: 0>} : vector<16xi32>
    %broadcast_in_dim3A = arith.constant 0 : i32
    %broadcast_in_dim3A_1 = vector.broadcast %broadcast_in_dim3A : i32 to vector<16xi32>
    %broadcast_in_dim3A_2 = arith.constant 1 : i32
    %broadcast_in_dim3A_3 = vector.broadcast %broadcast_in_dim3A_2 : i32 to vector<16xi32>
    %broadcast_in_dim3A_4 = arith.constant 15 : i32
    %broadcast_in_dim3A_5 = vector.broadcast %broadcast_in_dim3A_4 : i32 to vector<16xi32>
    %eq3A = arith.constant 0 : i32
    %eq3A_6 = arith.cmpi eq, %arg1, %eq3A : i32
    %convert_element_type3A = arith.extui %eq3A_6 : i1 to i32
    %cond3A = arith.constant 0 : i32
    %cond3A_7 = arith.cmpi ne, %convert_element_type3A, %cond3A : i32
    scf.if %cond3A_7 {
      %broadcast_in_dim3A_3171 = arith.constant 0 : i32
      %broadcast_in_dim3A_3172 = vector.broadcast %broadcast_in_dim3A_3171 : i32 to vector<16xi32>
      %swap3A_3173 = arith.constant 0 : index
      %swap3A_3174 = tpu.vector_load %arg10[%swap3A_3173] {strides = array<i32>} : memref<16xi32, #tpu.memory_space<vmem>>, vector<16xi32>,
      tpu.vector_store %arg10[%swap3A_3173], %broadcast_in_dim3A_3172 {strides = array<i32>} : memref<16xi32, #tpu.memory_space<vmem>>, vector<16xi32>,
    } else {
    }
    %eq3A_8 = arith.constant 1 : i32
    %eq3A_9 = arith.cmpi eq, %arg1, %eq3A_8 : i32
    %convert_element_type3A_10 = arith.extui %eq3A_9 : i1 to i32
    %cond3A_11 = arith.constant 0 : i32
    %cond3A_12 = arith.cmpi ne, %convert_element_type3A_10, %cond3A_11 : i32
    scf.if %cond3A_12 {
      %broadcast_in_dim3A_3171 = arith.constant 1 : i32
      %broadcast_in_dim3A_3172 = vector.broadcast %broadcast_in_dim3A_3171 : i32 to vector<16xi32>
      %swap3A_3173 = arith.constant 0 : index
      %swap3A_3174 = tpu.vector_load %arg10[%swap3A_3173] {strides = array<i32>} : memref<16xi32, #tpu.memory_space<vmem>>, vector<16xi32>,
      tpu.vector_store %arg10[%swap3A_3173], %broadcast_in_dim3A_3172 {strides = array<i32>} : memref<16xi32, #tpu.memory_space<vmem>>, vector<16xi32>,
    } else {
    }
    %eq3A_13 = arith.constant 2 : i32
    %eq3A_14 = arith.cmpi eq, %arg1, %eq3A_13 : i32
    %convert_element_type3A_15 = arith.extui %eq3A_14 : i1 to i32
    %cond3A_16 = arith.constant 0 : i32
    %cond3A_17 = arith.cmpi ne, %convert_element_type3A_15, %cond3A_16 : i32
    scf.if %cond3A_17 {
      %broadcast_in_dim3A_3171 = arith.constant 2 : i32
      %broadcast_in_dim3A_3172 = vector.broadcast %broadcast_in_dim3A_3171 : i32 to vector<16xi32>
      %swap3A_3173 = arith.constant 0 : index
      %swap3A_3174 = tpu.vector_load %arg10[%swap3A_3173] {strides = array<i32>} : memref<16xi32, #tpu.memory_space<vmem>>, vector<16xi32>,
      tpu.vector_store %arg10[%swap3A_3173], %broadcast_in_dim3A_3172 {strides = array<i32>} : memref<16xi32, #tpu.memory_space<vmem>>, vector<16xi32>,
    } else {
    }
    %eq3A_18 = arith.constant 3 : i32
    %eq3A_19 = arith.cmpi eq, %arg1, %eq3A_18 : i32
    %convert_element_type3A_20 = arith.extui %eq3A_19 : i1 to i32
    %cond3A_21 = arith.constant 0 : i32
    %cond3A_22 = arith.cmpi ne, %convert_element_type3A_20, %cond3A_21 : i32
    scf.if %cond3A_22 {
      %broadcast_in_dim3A_3171 = arith.constant 3 : i32
      %broadcast_in_dim3A_3172 = vector.broadcast %broadcast_in_dim3A_3171 : i32 to vector<16xi32>
      %swap3A_3173 = arith.constant 0 : index
      %swap3A_3174 = tpu.vector_load %arg10[%swap3A_3173] {strides = array<i32>} : memref<16xi32, #tpu.memory_space<vmem>>, vector<16xi32>,
      tpu.vector_store %arg10[%swap3A_3173], %broadcast_in_dim3A_3172 {strides = array<i32>} : memref<16xi32, #tpu.memory_space<vmem>>, vector<16xi32>,
    } else {
    }
    %eq3A_23 = arith.constant 4 : i32
    %eq3A_24 = arith.cmpi eq, %arg1, %eq3A_23 : i32
    %convert_element_type3A_25 = arith.extui %eq3A_24 : i1 to i32
    %cond3A_26 = arith.constant 0 : i32
    %cond3A_27 = arith.cmpi ne, %convert_element_type3A_25, %cond3A_26 : i32
    scf.if %cond3A_27 {
      %broadcast_in_dim3A_3171 = arith.constant 4 : i32
      %broadcast_in_dim3A_3172 = vector.broadcast %broadcast_in_dim3A_3171 : i32 to vector<16xi32>
      %swap3A_3173 = arith.constant 0 : index
      %swap3A_3174 = tpu.vector_load %arg10[%swap3A_3173] {strides = array<i32>} : memref<16xi32, #tpu.memory_space<vmem>>, vector<16xi32>,
      tpu.vector_store %arg10[%swap3A_3173], %broadcast_in_dim3A_3172 {strides = array<i32>} : memref<16xi32, #tpu.memory_space<vmem>>, vector<16xi32>,
    } else {
    }
    %eq3A_28 = arith.constant 5 : i32
    %eq3A_29 = arith.cmpi eq, %arg1, %eq3A_28 : i32
    %convert_element_type3A_30 = arith.extui %eq3A_29 : i1 to i32
    %cond3A_31 = arith.constant 0 : i32
    %cond3A_32 = arith.cmpi ne, %convert_element_type3A_30, %cond3A_31 : i32
    scf.if %cond3A_32 {
      %broadcast_in_dim3A_3171 = arith.constant 5 : i32
      %broadcast_in_dim3A_3172 = vector.broadcast %broadcast_in_dim3A_3171 : i32 to vector<16xi32>
      %swap3A_3173 = arith.constant 0 : index
      %swap3A_3174 = tpu.vector_load %arg10[%swap3A_3173] {strides = array<i32>} : memref<16xi32, #tpu.memory_space<vmem>>, vector<16xi32>,
      tpu.vector_store %arg10[%swap3A_3173], %broadcast_in_dim3A_3172 {strides = array<i32>} : memref<16xi32, #tpu.memory_space<vmem>>, vector<16xi32>,
    } else {
    }
    %eq3A_33 = arith.constant 6 : i32
    %eq3A_34 = arith.cmpi eq, %arg1, %eq3A_33 : i32
    %convert_element_type3A_35 = arith.extui %eq3A_34 : i1 to i32
    %cond3A_36 = arith.constant 0 : i32
    %cond3A_37 = arith.cmpi ne, %convert_element_type3A_35, %cond3A_36 : i32
    scf.if %cond3A_37 {
      %broadcast_in_dim3A_3171 = arith.constant 6 : i32
      %broadcast_in_dim3A_3172 = vector.broadcast %broadcast_in_dim3A_3171 : i32 to vector<16xi32>
      %swap3A_3173 = arith.constant 0 : index
      %swap3A_3174 = tpu.vector_load %arg10[%swap3A_3173] {strides = array<i32>} : memref<16xi32, #tpu.memory_space<vmem>>, vector<16xi32>,
      tpu.vector_store %arg10[%swap3A_3173], %broadcast_in_dim3A_3172 {strides = array<i32>} : memref<16xi32, #tpu.memory_space<vmem>>, vector<16xi32>,
    } else {
    }
    %eq3A_38 = arith.constant 7 : i32
    %eq3A_39 = arith.cmpi eq, %arg1, %eq3A_38 : i32
    %convert_element_type3A_40 = arith.extui %eq3A_39 : i1 to i32
    %cond3A_41 = arith.constant 0 : i32
    %cond3A_42 = arith.cmpi ne, %convert_element_type3A_40, %cond3A_41 : i32
    scf.if %cond3A_42 {
      %broadcast_in_dim3A_3171 = arith.constant 7 : i32
      %broadcast_in_dim3A_3172 = vector.broadcast %broadcast_in_dim3A_3171 : i32 to vector<16xi32>
      %swap3A_3173 = arith.constant 0 : index
      %swap3A_3174 = tpu.vector_load %arg10[%swap3A_3173] {strides = array<i32>} : memref<16xi32, #tpu.memory_space<vmem>>, vector<16xi32>,
      tpu.vector_store %arg10[%swap3A_3173], %broadcast_in_dim3A_3172 {strides = array<i32>} : memref<16xi32, #tpu.memory_space<vmem>>, vector<16xi32>,
    } else {
    }
    %eq3A_43 = arith.constant 8 : i32
    %eq3A_44 = arith.cmpi eq, %arg1, %eq3A_43 : i32
    %convert_element_type3A_45 = arith.extui %eq3A_44 : i1 to i32
    %cond3A_46 = arith.constant 0 : i32
    %cond3A_47 = arith.cmpi ne, %convert_element_type3A_45, %cond3A_46 : i32
    scf.if %cond3A_47 {
      %broadcast_in_dim3A_3171 = arith.constant 8 : i32
      %broadcast_in_dim3A_3172 = vector.broadcast %broadcast_in_dim3A_3171 : i32 to vector<16xi32>
      %swap3A_3173 = arith.constant 0 : index
      %swap3A_3174 = tpu.vector_load %arg10[%swap3A_3173] {strides = array<i32>} : memref<16xi32, #tpu.memory_space<vmem>>, vector<16xi32>,
      tpu.vector_store %arg10[%swap3A_3173], %broadcast_in_dim3A_3172 {strides = array<i32>} : memref<16xi32, #tpu.memory_space<vmem>>, vector<16xi32>,
    } else {
    }
    %eq3A_48 = arith.constant 9 : i32
    %eq3A_49 = arith.cmpi eq, %arg1, %eq3A_48 : i32
    %convert_element_type3A_50 = arith.extui %eq3A_49 : i1 to i32
    %cond3A_51 = arith.constant 0 : i32
    %cond3A_52 = arith.cmpi ne, %convert_element_type3A_50, %cond3A_51 : i32
    scf.if %cond3A_52 {
      %broadcast_in_dim3A_3171 = arith.constant 9 : i32
      %broadcast_in_dim3A_3172 = vector.broadcast %broadcast_in_dim3A_3171 : i32 to vector<16xi32>
      %swap3A_3173 = arith.constant 0 : index
      %swap3A_3174 = tpu.vector_load %arg10[%swap3A_3173] {strides = array<i32>} : memref<16xi32, #tpu.memory_space<vmem>>, vector<16xi32>,
      tpu.vector_store %arg10[%swap3A_3173], %broadcast_in_dim3A_3172 {strides = array<i32>} : memref<16xi32, #tpu.memory_space<vmem>>, vector<16xi32>,
    } else {
    }
    %eq3A_53 = arith.constant 10 : i32
    %eq3A_54 = arith.cmpi eq, %arg1, %eq3A_53 : i32
    %convert_element_type3A_55 = arith.extui %eq3A_54 : i1 to i32
    %cond3A_56 = arith.constant 0 : i32
    %cond3A_57 = arith.cmpi ne, %convert_element_type3A_55, %cond3A_56 : i32
    scf.if %cond3A_57 {
      %broadcast_in_dim3A_3171 = arith.constant 10 : i32
      %broadcast_in_dim3A_3172 = vector.broadcast %broadcast_in_dim3A_3171 : i32 to vector<16xi32>
      %swap3A_3173 = arith.constant 0 : index
      %swap3A_3174 = tpu.vector_load %arg10[%swap3A_3173] {strides = array<i32>} : memref<16xi32, #tpu.memory_space<vmem>>, vector<16xi32>,
      tpu.vector_store %arg10[%swap3A_3173], %broadcast_in_dim3A_3172 {strides = array<i32>} : memref<16xi32, #tpu.memory_space<vmem>>, vector<16xi32>,
    } else {
    }
    %eq3A_58 = arith.constant 11 : i32
    %eq3A_59 = arith.cmpi eq, %arg1, %eq3A_58 : i32
    %convert_element_type3A_60 = arith.extui %eq3A_59 : i1 to i32
    %cond3A_61 = arith.constant 0 : i32
    %cond3A_62 = arith.cmpi ne, %convert_element_type3A_60, %cond3A_61 : i32
    scf.if %cond3A_62 {
      %broadcast_in_dim3A_3171 = arith.constant 11 : i32
      %broadcast_in_dim3A_3172 = vector.broadcast %broadcast_in_dim3A_3171 : i32 to vector<16xi32>
      %swap3A_3173 = arith.constant 0 : index
      %swap3A_3174 = tpu.vector_load %arg10[%swap3A_3173] {strides = array<i32>} : memref<16xi32, #tpu.memory_space<vmem>>, vector<16xi32>,
      tpu.vector_store %arg10[%swap3A_3173], %broadcast_in_dim3A_3172 {strides = array<i32>} : memref<16xi32, #tpu.memory_space<vmem>>, vector<16xi32>,
    } else {
    }
    %eq3A_63 = arith.constant 12 : i32
    %eq3A_64 = arith.cmpi eq, %arg1, %eq3A_63 : i32
    %convert_element_type3A_65 = arith.extui %eq3A_64 : i1 to i32
    %cond3A_66 = arith.constant 0 : i32
    %cond3A_67 = arith.cmpi ne, %convert_element_type3A_65, %cond3A_66 : i32
    scf.if %cond3A_67 {
      %broadcast_in_dim3A_3171 = arith.constant 12 : i32
      %broadcast_in_dim3A_3172 = vector.broadcast %broadcast_in_dim3A_3171 : i32 to vector<16xi32>
      %swap3A_3173 = arith.constant 0 : index
      %swap3A_3174 = tpu.vector_load %arg10[%swap3A_3173] {strides = array<i32>} : memref<16xi32, #tpu.memory_space<vmem>>, vector<16xi32>,
      tpu.vector_store %arg10[%swap3A_3173], %broadcast_in_dim3A_3172 {strides = array<i32>} : memref<16xi32, #tpu.memory_space<vmem>>, vector<16xi32>,
    } else {
    }
    %eq3A_68 = arith.constant 13 : i32
    %eq3A_69 = arith.cmpi eq, %arg1, %eq3A_68 : i32
    %convert_element_type3A_70 = arith.extui %eq3A_69 : i1 to i32
    %cond3A_71 = arith.constant 0 : i32
    %cond3A_72 = arith.cmpi ne, %convert_element_type3A_70, %cond3A_71 : i32
    scf.if %cond3A_72 {
      %broadcast_in_dim3A_3171 = arith.constant 13 : i32
      %broadcast_in_dim3A_3172 = vector.broadcast %broadcast_in_dim3A_3171 : i32 to vector<16xi32>
      %swap3A_3173 = arith.constant 0 : index
      %swap3A_3174 = tpu.vector_load %arg10[%swap3A_3173] {strides = array<i32>} : memref<16xi32, #tpu.memory_space<vmem>>, vector<16xi32>,
      tpu.vector_store %arg10[%swap3A_3173], %broadcast_in_dim3A_3172 {strides = array<i32>} : memref<16xi32, #tpu.memory_space<vmem>>, vector<16xi32>,
    } else {
    }
    %eq3A_73 = arith.constant 14 : i32
    %eq3A_74 = arith.cmpi eq, %arg1, %eq3A_73 : i32
    %convert_element_type3A_75 = arith.extui %eq3A_74 : i1 to i32
    %cond3A_76 = arith.constant 0 : i32
    %cond3A_77 = arith.cmpi ne, %convert_element_type3A_75, %cond3A_76 : i32
    scf.if %cond3A_77 {
      %broadcast_in_dim3A_3171 = arith.constant 14 : i32
      %broadcast_in_dim3A_3172 = vector.broadcast %broadcast_in_dim3A_3171 : i32 to vector<16xi32>
      %swap3A_3173 = arith.constant 0 : index
      %swap3A_3174 = tpu.vector_load %arg10[%swap3A_3173] {strides = array<i32>} : memref<16xi32, #tpu.memory_space<vmem>>, vector<16xi32>,
      tpu.vector_store %arg10[%swap3A_3173], %broadcast_in_dim3A_3172 {strides = array<i32>} : memref<16xi32, #tpu.memory_space<vmem>>, vector<16xi32>,
    } else {
    }
    %eq3A_78 = arith.constant 15 : i32
    %eq3A_79 = arith.cmpi eq, %arg1, %eq3A_78 : i32
    %convert_element_type3A_80 = arith.extui %eq3A_79 : i1 to i32
    %cond3A_81 = arith.constant 0 : i32
    %cond3A_82 = arith.cmpi ne, %convert_element_type3A_80, %cond3A_81 : i32
    scf.if %cond3A_82 {
      %broadcast_in_dim3A_3171 = arith.constant 15 : i32
      %broadcast_in_dim3A_3172 = vector.broadcast %broadcast_in_dim3A_3171 : i32 to vector<16xi32>
      %swap3A_3173 = arith.constant 0 : index
      %swap3A_3174 = tpu.vector_load %arg10[%swap3A_3173] {strides = array<i32>} : memref<16xi32, #tpu.memory_space<vmem>>, vector<16xi32>,
      tpu.vector_store %arg10[%swap3A_3173], %broadcast_in_dim3A_3172 {strides = array<i32>} : memref<16xi32, #tpu.memory_space<vmem>>, vector<16xi32>,
    } else {
    }
    %get3A = arith.constant 0 : index
    %get3A_83 = tpu.vector_load %arg10[%get3A] {strides = array<i32>} : memref<16xi32, #tpu.memory_space<vmem>>, vector<16xi32>,
    %broadcast_in_dim3A_84 = arith.constant 1 : i32
    %broadcast_in_dim3A_85 = vector.broadcast %broadcast_in_dim3A_84 : i32 to vector<16xi32>
    %sub3A = arith.subi %iota3A, %broadcast_in_dim3A_85 : vector<16xi32>
    %and3A = arith.andi %sub3A, %broadcast_in_dim3A_5 : vector<16xi32>
    %broadcast_in_dim3A_86 = arith.constant 2 : i32
    %broadcast_in_dim3A_87 = vector.broadcast %broadcast_in_dim3A_86 : i32 to vector<16xi32>
    %sub3A_88 = arith.subi %iota3A, %broadcast_in_dim3A_87 : vector<16xi32>
    %and3A_89 = arith.andi %sub3A_88, %broadcast_in_dim3A_5 : vector<16xi32>
    %broadcast_in_dim3A_90 = arith.constant 3 : i32
    %broadcast_in_dim3A_91 = vector.broadcast %broadcast_in_dim3A_90 : i32 to vector<16xi32>
    %sub3A_92 = arith.subi %iota3A, %broadcast_in_dim3A_91 : vector<16xi32>
    %and3A_93 = arith.andi %sub3A_92, %broadcast_in_dim3A_5 : vector<16xi32>
    %broadcast_in_dim3A_94 = arith.constant 4 : i32
    %broadcast_in_dim3A_95 = vector.broadcast %broadcast_in_dim3A_94 : i32 to vector<16xi32>
    %sub3A_96 = arith.subi %iota3A, %broadcast_in_dim3A_95 : vector<16xi32>
    %and3A_97 = arith.andi %sub3A_96, %broadcast_in_dim3A_5 : vector<16xi32>
    %broadcast_in_dim3A_98 = arith.constant 5 : i32
    %broadcast_in_dim3A_99 = vector.broadcast %broadcast_in_dim3A_98 : i32 to vector<16xi32>
    %sub3A_100 = arith.subi %iota3A, %broadcast_in_dim3A_99 : vector<16xi32>
    %and3A_101 = arith.andi %sub3A_100, %broadcast_in_dim3A_5 : vector<16xi32>
    %broadcast_in_dim3A_102 = arith.constant 6 : i32
    %broadcast_in_dim3A_103 = vector.broadcast %broadcast_in_dim3A_102 : i32 to vector<16xi32>
    %sub3A_104 = arith.subi %iota3A, %broadcast_in_dim3A_103 : vector<16xi32>
    %and3A_105 = arith.andi %sub3A_104, %broadcast_in_dim3A_5 : vector<16xi32>
    %broadcast_in_dim3A_106 = arith.constant 7 : i32
    %broadcast_in_dim3A_107 = vector.broadcast %broadcast_in_dim3A_106 : i32 to vector<16xi32>
    %sub3A_108 = arith.subi %iota3A, %broadcast_in_dim3A_107 : vector<16xi32>
    %and3A_109 = arith.andi %sub3A_108, %broadcast_in_dim3A_5 : vector<16xi32>
    %broadcast_in_dim3A_110 = arith.constant 8 : i32
    %broadcast_in_dim3A_111 = vector.broadcast %broadcast_in_dim3A_110 : i32 to vector<16xi32>
    %sub3A_112 = arith.subi %iota3A, %broadcast_in_dim3A_111 : vector<16xi32>
    %and3A_113 = arith.andi %sub3A_112, %broadcast_in_dim3A_5 : vector<16xi32>
    %broadcast_in_dim3A_114 = arith.constant 9 : i32
    %broadcast_in_dim3A_115 = vector.broadcast %broadcast_in_dim3A_114 : i32 to vector<16xi32>
    %sub3A_116 = arith.subi %iota3A, %broadcast_in_dim3A_115 : vector<16xi32>
    %and3A_117 = arith.andi %sub3A_116, %broadcast_in_dim3A_5 : vector<16xi32>
    %broadcast_in_dim3A_118 = arith.constant 10 : i32
    %broadcast_in_dim3A_119 = vector.broadcast %broadcast_in_dim3A_118 : i32 to vector<16xi32>
    %sub3A_120 = arith.subi %iota3A, %broadcast_in_dim3A_119 : vector<16xi32>
    %and3A_121 = arith.andi %sub3A_120, %broadcast_in_dim3A_5 : vector<16xi32>
    %broadcast_in_dim3A_122 = arith.constant 11 : i32
    %broadcast_in_dim3A_123 = vector.broadcast %broadcast_in_dim3A_122 : i32 to vector<16xi32>
    %sub3A_124 = arith.subi %iota3A, %broadcast_in_dim3A_123 : vector<16xi32>
    %and3A_125 = arith.andi %sub3A_124, %broadcast_in_dim3A_5 : vector<16xi32>
    %broadcast_in_dim3A_126 = arith.constant 12 : i32
    %broadcast_in_dim3A_127 = vector.broadcast %broadcast_in_dim3A_126 : i32 to vector<16xi32>
    %sub3A_128 = arith.subi %iota3A, %broadcast_in_dim3A_127 : vector<16xi32>
    %and3A_129 = arith.andi %sub3A_128, %broadcast_in_dim3A_5 : vector<16xi32>
    %broadcast_in_dim3A_130 = arith.constant 13 : i32
    %broadcast_in_dim3A_131 = vector.broadcast %broadcast_in_dim3A_130 : i32 to vector<16xi32>
    %sub3A_132 = arith.subi %iota3A, %broadcast_in_dim3A_131 : vector<16xi32>
    %and3A_133 = arith.andi %sub3A_132, %broadcast_in_dim3A_5 : vector<16xi32>
    %broadcast_in_dim3A_134 = arith.constant 14 : i32
    %broadcast_in_dim3A_135 = vector.broadcast %broadcast_in_dim3A_134 : i32 to vector<16xi32>
    %sub3A_136 = arith.subi %iota3A, %broadcast_in_dim3A_135 : vector<16xi32>
    %and3A_137 = arith.andi %sub3A_136, %broadcast_in_dim3A_5 : vector<16xi32>
    %broadcast_in_dim3A_138 = arith.constant 15 : i32
    %broadcast_in_dim3A_139 = vector.broadcast %broadcast_in_dim3A_138 : i32 to vector<16xi32>
    %sub3A_140 = arith.subi %iota3A, %broadcast_in_dim3A_139 : vector<16xi32>
    %and3A_141 = arith.andi %sub3A_140, %broadcast_in_dim3A_5 : vector<16xi32>
    %broadcast_in_dim3A_142 = arith.constant 1 : i32
    %broadcast_in_dim3A_143 = vector.broadcast %broadcast_in_dim3A_142 : i32 to vector<16xi32>
    %ge3A = arith.cmpi sge, %iota3A, %broadcast_in_dim3A_143 : vector<16xi32>
    %broadcast_in_dim3A_144 = arith.constant 2 : i32
    %broadcast_in_dim3A_145 = vector.broadcast %broadcast_in_dim3A_144 : i32 to vector<16xi32>
    %ge3A_146 = arith.cmpi sge, %iota3A, %broadcast_in_dim3A_145 : vector<16xi32>
    %broadcast_in_dim3A_147 = arith.constant 3 : i32
    %broadcast_in_dim3A_148 = vector.broadcast %broadcast_in_dim3A_147 : i32 to vector<16xi32>
    %ge3A_149 = arith.cmpi sge, %iota3A, %broadcast_in_dim3A_148 : vector<16xi32>
    %broadcast_in_dim3A_150 = arith.constant 4 : i32
    %broadcast_in_dim3A_151 = vector.broadcast %broadcast_in_dim3A_150 : i32 to vector<16xi32>
    %ge3A_152 = arith.cmpi sge, %iota3A, %broadcast_in_dim3A_151 : vector<16xi32>
    %broadcast_in_dim3A_153 = arith.constant 5 : i32
    %broadcast_in_dim3A_154 = vector.broadcast %broadcast_in_dim3A_153 : i32 to vector<16xi32>
    %ge3A_155 = arith.cmpi sge, %iota3A, %broadcast_in_dim3A_154 : vector<16xi32>
    %broadcast_in_dim3A_156 = arith.constant 6 : i32
    %broadcast_in_dim3A_157 = vector.broadcast %broadcast_in_dim3A_156 : i32 to vector<16xi32>
    %ge3A_158 = arith.cmpi sge, %iota3A, %broadcast_in_dim3A_157 : vector<16xi32>
    %broadcast_in_dim3A_159 = arith.constant 7 : i32
    %broadcast_in_dim3A_160 = vector.broadcast %broadcast_in_dim3A_159 : i32 to vector<16xi32>
    %ge3A_161 = arith.cmpi sge, %iota3A, %broadcast_in_dim3A_160 : vector<16xi32>
    %broadcast_in_dim3A_162 = arith.constant 8 : i32
    %broadcast_in_dim3A_163 = vector.broadcast %broadcast_in_dim3A_162 : i32 to vector<16xi32>
    %ge3A_164 = arith.cmpi sge, %iota3A, %broadcast_in_dim3A_163 : vector<16xi32>
    %broadcast_in_dim3A_165 = arith.constant 9 : i32
    %broadcast_in_dim3A_166 = vector.broadcast %broadcast_in_dim3A_165 : i32 to vector<16xi32>
    %ge3A_167 = arith.cmpi sge, %iota3A, %broadcast_in_dim3A_166 : vector<16xi32>
    %broadcast_in_dim3A_168 = arith.constant 10 : i32
    %broadcast_in_dim3A_169 = vector.broadcast %broadcast_in_dim3A_168 : i32 to vector<16xi32>
    %ge3A_170 = arith.cmpi sge, %iota3A, %broadcast_in_dim3A_169 : vector<16xi32>
    %broadcast_in_dim3A_171 = arith.constant 11 : i32
    %broadcast_in_dim3A_172 = vector.broadcast %broadcast_in_dim3A_171 : i32 to vector<16xi32>
    %ge3A_173 = arith.cmpi sge, %iota3A, %broadcast_in_dim3A_172 : vector<16xi32>
    %broadcast_in_dim3A_174 = arith.constant 12 : i32
    %broadcast_in_dim3A_175 = vector.broadcast %broadcast_in_dim3A_174 : i32 to vector<16xi32>
    %ge3A_176 = arith.cmpi sge, %iota3A, %broadcast_in_dim3A_175 : vector<16xi32>
    %broadcast_in_dim3A_177 = arith.constant 13 : i32
    %broadcast_in_dim3A_178 = vector.broadcast %broadcast_in_dim3A_177 : i32 to vector<16xi32>
    %ge3A_179 = arith.cmpi sge, %iota3A, %broadcast_in_dim3A_178 : vector<16xi32>
    %broadcast_in_dim3A_180 = arith.constant 14 : i32
    %broadcast_in_dim3A_181 = vector.broadcast %broadcast_in_dim3A_180 : i32 to vector<16xi32>
    %ge3A_182 = arith.cmpi sge, %iota3A, %broadcast_in_dim3A_181 : vector<16xi32>
    %broadcast_in_dim3A_183 = arith.constant 15 : i32
    %broadcast_in_dim3A_184 = vector.broadcast %broadcast_in_dim3A_183 : i32 to vector<16xi32>
    %ge3A_185 = arith.cmpi sge, %iota3A, %broadcast_in_dim3A_184 : vector<16xi32>
    %get3A_186 = arith.constant 0 : index
    %get3A_187 = tpu.vector_load %arg6[%get3A_186] {strides = array<i32>} : memref<256xi32, #tpu.memory_space<vmem>>, vector<16xi32>,
    %broadcast_in_dim3A_188 = arith.constant 0 : i32
    %broadcast_in_dim3A_189 = vector.broadcast %broadcast_in_dim3A_188 : i32 to vector<16xi32>
    %eq3A_190 = arith.cmpi eq, %get3A_187, %broadcast_in_dim3A_189 : vector<16xi32>
    %select_n3A = arith.select %eq3A_190, %broadcast_in_dim3A_3, %broadcast_in_dim3A_1 : vector<16xi1>, vector<16xi32>
    %add3A = arith.addi %broadcast_in_dim3A_1, %select_n3A : vector<16xi32>
    %broadcast_in_dim3A_191 = arith.constant 1 : i32
    %broadcast_in_dim3A_192 = vector.broadcast %broadcast_in_dim3A_191 : i32 to vector<16xi32>
    %eq3A_193 = arith.cmpi eq, %get3A_187, %broadcast_in_dim3A_192 : vector<16xi32>
    %select_n3A_194 = arith.select %eq3A_193, %broadcast_in_dim3A_3, %broadcast_in_dim3A_1 : vector<16xi1>, vector<16xi32>
    %add3A_195 = arith.addi %broadcast_in_dim3A_1, %select_n3A_194 : vector<16xi32>
    %broadcast_in_dim3A_196 = arith.constant 2 : i32
    %broadcast_in_dim3A_197 = vector.broadcast %broadcast_in_dim3A_196 : i32 to vector<16xi32>
    %eq3A_198 = arith.cmpi eq, %get3A_187, %broadcast_in_dim3A_197 : vector<16xi32>
    %select_n3A_199 = arith.select %eq3A_198, %broadcast_in_dim3A_3, %broadcast_in_dim3A_1 : vector<16xi1>, vector<16xi32>
    %add3A_200 = arith.addi %broadcast_in_dim3A_1, %select_n3A_199 : vector<16xi32>
    %broadcast_in_dim3A_201 = arith.constant 3 : i32
    %broadcast_in_dim3A_202 = vector.broadcast %broadcast_in_dim3A_201 : i32 to vector<16xi32>
    %eq3A_203 = arith.cmpi eq, %get3A_187, %broadcast_in_dim3A_202 : vector<16xi32>
    %select_n3A_204 = arith.select %eq3A_203, %broadcast_in_dim3A_3, %broadcast_in_dim3A_1 : vector<16xi1>, vector<16xi32>
    %add3A_205 = arith.addi %broadcast_in_dim3A_1, %select_n3A_204 : vector<16xi32>
    %broadcast_in_dim3A_206 = arith.constant 4 : i32
    %broadcast_in_dim3A_207 = vector.broadcast %broadcast_in_dim3A_206 : i32 to vector<16xi32>
    %eq3A_208 = arith.cmpi eq, %get3A_187, %broadcast_in_dim3A_207 : vector<16xi32>
    %select_n3A_209 = arith.select %eq3A_208, %broadcast_in_dim3A_3, %broadcast_in_dim3A_1 : vector<16xi1>, vector<16xi32>
    %add3A_210 = arith.addi %broadcast_in_dim3A_1, %select_n3A_209 : vector<16xi32>
    %broadcast_in_dim3A_211 = arith.constant 5 : i32
    %broadcast_in_dim3A_212 = vector.broadcast %broadcast_in_dim3A_211 : i32 to vector<16xi32>
    %eq3A_213 = arith.cmpi eq, %get3A_187, %broadcast_in_dim3A_212 : vector<16xi32>
    %select_n3A_214 = arith.select %eq3A_213, %broadcast_in_dim3A_3, %broadcast_in_dim3A_1 : vector<16xi1>, vector<16xi32>
    %add3A_215 = arith.addi %broadcast_in_dim3A_1, %select_n3A_214 : vector<16xi32>
    %broadcast_in_dim3A_216 = arith.constant 6 : i32
    %broadcast_in_dim3A_217 = vector.broadcast %broadcast_in_dim3A_216 : i32 to vector<16xi32>
    %eq3A_218 = arith.cmpi eq, %get3A_187, %broadcast_in_dim3A_217 : vector<16xi32>
    %select_n3A_219 = arith.select %eq3A_218, %broadcast_in_dim3A_3, %broadcast_in_dim3A_1 : vector<16xi1>, vector<16xi32>
    %add3A_220 = arith.addi %broadcast_in_dim3A_1, %select_n3A_219 : vector<16xi32>
    %broadcast_in_dim3A_221 = arith.constant 7 : i32
    %broadcast_in_dim3A_222 = vector.broadcast %broadcast_in_dim3A_221 : i32 to vector<16xi32>
    %eq3A_223 = arith.cmpi eq, %get3A_187, %broadcast_in_dim3A_222 : vector<16xi32>
    %select_n3A_224 = arith.select %eq3A_223, %broadcast_in_dim3A_3, %broadcast_in_dim3A_1 : vector<16xi1>, vector<16xi32>
    %add3A_225 = arith.addi %broadcast_in_dim3A_1, %select_n3A_224 : vector<16xi32>
    %get3A_226 = arith.constant 16 : index
    %get3A_227 = tpu.vector_load %arg6[%get3A_226] {strides = array<i32>} : memref<256xi32, #tpu.memory_space<vmem>>, vector<16xi32>,
    %broadcast_in_dim3A_228 = arith.constant 0 : i32
    %broadcast_in_dim3A_229 = vector.broadcast %broadcast_in_dim3A_228 : i32 to vector<16xi32>
    %eq3A_230 = arith.cmpi eq, %get3A_227, %broadcast_in_dim3A_229 : vector<16xi32>
    %select_n3A_231 = arith.select %eq3A_230, %broadcast_in_dim3A_3, %broadcast_in_dim3A_1 : vector<16xi1>, vector<16xi32>
    %add3A_232 = arith.addi %add3A, %select_n3A_231 : vector<16xi32>
    %broadcast_in_dim3A_233 = arith.constant 1 : i32
    %broadcast_in_dim3A_234 = vector.broadcast %broadcast_in_dim3A_233 : i32 to vector<16xi32>
    %eq3A_235 = arith.cmpi eq, %get3A_227, %broadcast_in_dim3A_234 : vector<16xi32>
    %select_n3A_236 = arith.select %eq3A_235, %broadcast_in_dim3A_3, %broadcast_in_dim3A_1 : vector<16xi1>, vector<16xi32>
    %add3A_237 = arith.addi %add3A_195, %select_n3A_236 : vector<16xi32>
    %broadcast_in_dim3A_238 = arith.constant 2 : i32
    %broadcast_in_dim3A_239 = vector.broadcast %broadcast_in_dim3A_238 : i32 to vector<16xi32>
    %eq3A_240 = arith.cmpi eq, %get3A_227, %broadcast_in_dim3A_239 : vector<16xi32>
    %select_n3A_241 = arith.select %eq3A_240, %broadcast_in_dim3A_3, %broadcast_in_dim3A_1 : vector<16xi1>, vector<16xi32>
    %add3A_242 = arith.addi %add3A_200, %select_n3A_241 : vector<16xi32>
    %broadcast_in_dim3A_243 = arith.constant 3 : i32
    %broadcast_in_dim3A_244 = vector.broadcast %broadcast_in_dim3A_243 : i32 to vector<16xi32>
    %eq3A_245 = arith.cmpi eq, %get3A_227, %broadcast_in_dim3A_244 : vector<16xi32>
    %select_n3A_246 = arith.select %eq3A_245, %broadcast_in_dim3A_3, %broadcast_in_dim3A_1 : vector<16xi1>, vector<16xi32>
    %add3A_247 = arith.addi %add3A_205, %select_n3A_246 : vector<16xi32>
    %broadcast_in_dim3A_248 = arith.constant 4 : i32
    %broadcast_in_dim3A_249 = vector.broadcast %broadcast_in_dim3A_248 : i32 to vector<16xi32>
    %eq3A_250 = arith.cmpi eq, %get3A_227, %broadcast_in_dim3A_249 : vector<16xi32>
    %select_n3A_251 = arith.select %eq3A_250, %broadcast_in_dim3A_3, %broadcast_in_dim3A_1 : vector<16xi1>, vector<16xi32>
    %add3A_252 = arith.addi %add3A_210, %select_n3A_251 : vector<16xi32>
    %broadcast_in_dim3A_253 = arith.constant 5 : i32
    %broadcast_in_dim3A_254 = vector.broadcast %broadcast_in_dim3A_253 : i32 to vector<16xi32>
    %eq3A_255 = arith.cmpi eq, %get3A_227, %broadcast_in_dim3A_254 : vector<16xi32>
    %select_n3A_256 = arith.select %eq3A_255, %broadcast_in_dim3A_3, %broadcast_in_dim3A_1 : vector<16xi1>, vector<16xi32>
    %add3A_257 = arith.addi %add3A_215, %select_n3A_256 : vector<16xi32>
    %broadcast_in_dim3A_258 = arith.constant 6 : i32
    %broadcast_in_dim3A_259 = vector.broadcast %broadcast_in_dim3A_258 : i32 to vector<16xi32>
    %eq3A_260 = arith.cmpi eq, %get3A_227, %broadcast_in_dim3A_259 : vector<16xi32>
    %select_n3A_261 = arith.select %eq3A_260, %broadcast_in_dim3A_3, %broadcast_in_dim3A_1 : vector<16xi1>, vector<16xi32>
    %add3A_262 = arith.addi %add3A_220, %select_n3A_261 : vector<16xi32>
    %broadcast_in_dim3A_263 = arith.constant 7 : i32
    %broadcast_in_dim3A_264 = vector.broadcast %broadcast_in_dim3A_263 : i32 to vector<16xi32>
    %eq3A_265 = arith.cmpi eq, %get3A_227, %broadcast_in_dim3A_264 : vector<16xi32>
    %select_n3A_266 = arith.select %eq3A_265, %broadcast_in_dim3A_3, %broadcast_in_dim3A_1 : vector<16xi1>, vector<16xi32>
    %add3A_267 = arith.addi %add3A_225, %select_n3A_266 : vector<16xi32>
    %get3A_268 = arith.constant 32 : index
    %get3A_269 = tpu.vector_load %arg6[%get3A_268] {strides = array<i32>} : memref<256xi32, #tpu.memory_space<vmem>>, vector<16xi32>,
    %broadcast_in_dim3A_270 = arith.constant 0 : i32
    %broadcast_in_dim3A_271 = vector.broadcast %broadcast_in_dim3A_270 : i32 to vector<16xi32>
    %eq3A_272 = arith.cmpi eq, %get3A_269, %broadcast_in_dim3A_271 : vector<16xi32>
    %select_n3A_273 = arith.select %eq3A_272, %broadcast_in_dim3A_3, %broadcast_in_dim3A_1 : vector<16xi1>, vector<16xi32>
    %add3A_274 = arith.addi %add3A_232, %select_n3A_273 : vector<16xi32>
    %broadcast_in_dim3A_275 = arith.constant 1 : i32
    %broadcast_in_dim3A_276 = vector.broadcast %broadcast_in_dim3A_275 : i32 to vector<16xi32>
    %eq3A_277 = arith.cmpi eq, %get3A_269, %broadcast_in_dim3A_276 : vector<16xi32>
    %select_n3A_278 = arith.select %eq3A_277, %broadcast_in_dim3A_3, %broadcast_in_dim3A_1 : vector<16xi1>, vector<16xi32>
    %add3A_279 = arith.addi %add3A_237, %select_n3A_278 : vector<16xi32>
    %broadcast_in_dim3A_280 = arith.constant 2 : i32
    %broadcast_in_dim3A_281 = vector.broadcast %broadcast_in_dim3A_280 : i32 to vector<16xi32>
    %eq3A_282 = arith.cmpi eq, %get3A_269, %broadcast_in_dim3A_281 : vector<16xi32>
    %select_n3A_283 = arith.select %eq3A_282, %broadcast_in_dim3A_3, %broadcast_in_dim3A_1 : vector<16xi1>, vector<16xi32>
    %add3A_284 = arith.addi %add3A_242, %select_n3A_283 : vector<16xi32>
    %broadcast_in_dim3A_285 = arith.constant 3 : i32
    %broadcast_in_dim3A_286 = vector.broadcast %broadcast_in_dim3A_285 : i32 to vector<16xi32>
    %eq3A_287 = arith.cmpi eq, %get3A_269, %broadcast_in_dim3A_286 : vector<16xi32>
    %select_n3A_288 = arith.select %eq3A_287, %broadcast_in_dim3A_3, %broadcast_in_dim3A_1 : vector<16xi1>, vector<16xi32>
    %add3A_289 = arith.addi %add3A_247, %select_n3A_288 : vector<16xi32>
    %broadcast_in_dim3A_290 = arith.constant 4 : i32
    %broadcast_in_dim3A_291 = vector.broadcast %broadcast_in_dim3A_290 : i32 to vector<16xi32>
    %eq3A_292 = arith.cmpi eq, %get3A_269, %broadcast_in_dim3A_291 : vector<16xi32>
    %select_n3A_293 = arith.select %eq3A_292, %broadcast_in_dim3A_3, %broadcast_in_dim3A_1 : vector<16xi1>, vector<16xi32>
    %add3A_294 = arith.addi %add3A_252, %select_n3A_293 : vector<16xi32>
    %broadcast_in_dim3A_295 = arith.constant 5 : i32
    %broadcast_in_dim3A_296 = vector.broadcast %broadcast_in_dim3A_295 : i32 to vector<16xi32>
    %eq3A_297 = arith.cmpi eq, %get3A_269, %broadcast_in_dim3A_296 : vector<16xi32>
    %select_n3A_298 = arith.select %eq3A_297, %broadcast_in_dim3A_3, %broadcast_in_dim3A_1 : vector<16xi1>, vector<16xi32>
    %add3A_299 = arith.addi %add3A_257, %select_n3A_298 : vector<16xi32>
    %broadcast_in_dim3A_300 = arith.constant 6 : i32
    %broadcast_in_dim3A_301 = vector.broadcast %broadcast_in_dim3A_300 : i32 to vector<16xi32>
    %eq3A_302 = arith.cmpi eq, %get3A_269, %broadcast_in_dim3A_301 : vector<16xi32>
    %select_n3A_303 = arith.select %eq3A_302, %broadcast_in_dim3A_3, %broadcast_in_dim3A_1 : vector<16xi1>, vector<16xi32>
    %add3A_304 = arith.addi %add3A_262, %select_n3A_303 : vector<16xi32>
    %broadcast_in_dim3A_305 = arith.constant 7 : i32
    %broadcast_in_dim3A_306 = vector.broadcast %broadcast_in_dim3A_305 : i32 to vector<16xi32>
    %eq3A_307 = arith.cmpi eq, %get3A_269, %broadcast_in_dim3A_306 : vector<16xi32>
    %select_n3A_308 = arith.select %eq3A_307, %broadcast_in_dim3A_3, %broadcast_in_dim3A_1 : vector<16xi1>, vector<16xi32>
    %add3A_309 = arith.addi %add3A_267, %select_n3A_308 : vector<16xi32>
    %get3A_310 = arith.constant 48 : index
    %get3A_311 = tpu.vector_load %arg6[%get3A_310] {strides = array<i32>} : memref<256xi32, #tpu.memory_space<vmem>>, vector<16xi32>,
    %broadcast_in_dim3A_312 = arith.constant 0 : i32
    %broadcast_in_dim3A_313 = vector.broadcast %broadcast_in_dim3A_312 : i32 to vector<16xi32>
    %eq3A_314 = arith.cmpi eq, %get3A_311, %broadcast_in_dim3A_313 : vector<16xi32>
    %select_n3A_315 = arith.select %eq3A_314, %broadcast_in_dim3A_3, %broadcast_in_dim3A_1 : vector<16xi1>, vector<16xi32>
    %add3A_316 = arith.addi %add3A_274, %select_n3A_315 : vector<16xi32>
    %broadcast_in_dim3A_317 = arith.constant 1 : i32
    %broadcast_in_dim3A_318 = vector.broadcast %broadcast_in_dim3A_317 : i32 to vector<16xi32>
    %eq3A_319 = arith.cmpi eq, %get3A_311, %broadcast_in_dim3A_318 : vector<16xi32>
    %select_n3A_320 = arith.select %eq3A_319, %broadcast_in_dim3A_3, %broadcast_in_dim3A_1 : vector<16xi1>, vector<16xi32>
    %add3A_321 = arith.addi %add3A_279, %select_n3A_320 : vector<16xi32>
    %broadcast_in_dim3A_322 = arith.constant 2 : i32
    %broadcast_in_dim3A_323 = vector.broadcast %broadcast_in_dim3A_322 : i32 to vector<16xi32>
    %eq3A_324 = arith.cmpi eq, %get3A_311, %broadcast_in_dim3A_323 : vector<16xi32>
    %select_n3A_325 = arith.select %eq3A_324, %broadcast_in_dim3A_3, %broadcast_in_dim3A_1 : vector<16xi1>, vector<16xi32>
    %add3A_326 = arith.addi %add3A_284, %select_n3A_325 : vector<16xi32>
    %broadcast_in_dim3A_327 = arith.constant 3 : i32
    %broadcast_in_dim3A_328 = vector.broadcast %broadcast_in_dim3A_327 : i32 to vector<16xi32>
    %eq3A_329 = arith.cmpi eq, %get3A_311, %broadcast_in_dim3A_328 : vector<16xi32>
    %select_n3A_330 = arith.select %eq3A_329, %broadcast_in_dim3A_3, %broadcast_in_dim3A_1 : vector<16xi1>, vector<16xi32>
    %add3A_331 = arith.addi %add3A_289, %select_n3A_330 : vector<16xi32>
    %broadcast_in_dim3A_332 = arith.constant 4 : i32
    %broadcast_in_dim3A_333 = vector.broadcast %broadcast_in_dim3A_332 : i32 to vector<16xi32>
    %eq3A_334 = arith.cmpi eq, %get3A_311, %broadcast_in_dim3A_333 : vector<16xi32>
    %select_n3A_335 = arith.select %eq3A_334, %broadcast_in_dim3A_3, %broadcast_in_dim3A_1 : vector<16xi1>, vector<16xi32>
    %add3A_336 = arith.addi %add3A_294, %select_n3A_335 : vector<16xi32>
    %broadcast_in_dim3A_337 = arith.constant 5 : i32
    %broadcast_in_dim3A_338 = vector.broadcast %broadcast_in_dim3A_337 : i32 to vector<16xi32>
    %eq3A_339 = arith.cmpi eq, %get3A_311, %broadcast_in_dim3A_338 : vector<16xi32>
    %select_n3A_340 = arith.select %eq3A_339, %broadcast_in_dim3A_3, %broadcast_in_dim3A_1 : vector<16xi1>, vector<16xi32>
    %add3A_341 = arith.addi %add3A_299, %select_n3A_340 : vector<16xi32>
    %broadcast_in_dim3A_342 = arith.constant 6 : i32
    %broadcast_in_dim3A_343 = vector.broadcast %broadcast_in_dim3A_342 : i32 to vector<16xi32>
    %eq3A_344 = arith.cmpi eq, %get3A_311, %broadcast_in_dim3A_343 : vector<16xi32>
    %select_n3A_345 = arith.select %eq3A_344, %broadcast_in_dim3A_3, %broadcast_in_dim3A_1 : vector<16xi1>, vector<16xi32>
    %add3A_346 = arith.addi %add3A_304, %select_n3A_345 : vector<16xi32>
    %broadcast_in_dim3A_347 = arith.constant 7 : i32
    %broadcast_in_dim3A_348 = vector.broadcast %broadcast_in_dim3A_347 : i32 to vector<16xi32>
    %eq3A_349 = arith.cmpi eq, %get3A_311, %broadcast_in_dim3A_348 : vector<16xi32>
    %select_n3A_350 = arith.select %eq3A_349, %broadcast_in_dim3A_3, %broadcast_in_dim3A_1 : vector<16xi1>, vector<16xi32>
    %add3A_351 = arith.addi %add3A_309, %select_n3A_350 : vector<16xi32>
    %get3A_352 = arith.constant 64 : index
    %get3A_353 = tpu.vector_load %arg6[%get3A_352] {strides = array<i32>} : memref<256xi32, #tpu.memory_space<vmem>>, vector<16xi32>,
    %broadcast_in_dim3A_354 = arith.constant 0 : i32
    %broadcast_in_dim3A_355 = vector.broadcast %broadcast_in_dim3A_354 : i32 to vector<16xi32>
    %eq3A_356 = arith.cmpi eq, %get3A_353, %broadcast_in_dim3A_355 : vector<16xi32>
    %select_n3A_357 = arith.select %eq3A_356, %broadcast_in_dim3A_3, %broadcast_in_dim3A_1 : vector<16xi1>, vector<16xi32>
    %add3A_358 = arith.addi %add3A_316, %select_n3A_357 : vector<16xi32>
    %broadcast_in_dim3A_359 = arith.constant 1 : i32
    %broadcast_in_dim3A_360 = vector.broadcast %broadcast_in_dim3A_359 : i32 to vector<16xi32>
    %eq3A_361 = arith.cmpi eq, %get3A_353, %broadcast_in_dim3A_360 : vector<16xi32>
    %select_n3A_362 = arith.select %eq3A_361, %broadcast_in_dim3A_3, %broadcast_in_dim3A_1 : vector<16xi1>, vector<16xi32>
    %add3A_363 = arith.addi %add3A_321, %select_n3A_362 : vector<16xi32>
    %broadcast_in_dim3A_364 = arith.constant 2 : i32
    %broadcast_in_dim3A_365 = vector.broadcast %broadcast_in_dim3A_364 : i32 to vector<16xi32>
    %eq3A_366 = arith.cmpi eq, %get3A_353, %broadcast_in_dim3A_365 : vector<16xi32>
    %select_n3A_367 = arith.select %eq3A_366, %broadcast_in_dim3A_3, %broadcast_in_dim3A_1 : vector<16xi1>, vector<16xi32>
    %add3A_368 = arith.addi %add3A_326, %select_n3A_367 : vector<16xi32>
    %broadcast_in_dim3A_369 = arith.constant 3 : i32
    %broadcast_in_dim3A_370 = vector.broadcast %broadcast_in_dim3A_369 : i32 to vector<16xi32>
    %eq3A_371 = arith.cmpi eq, %get3A_353, %broadcast_in_dim3A_370 : vector<16xi32>
    %select_n3A_372 = arith.select %eq3A_371, %broadcast_in_dim3A_3, %broadcast_in_dim3A_1 : vector<16xi1>, vector<16xi32>
    %add3A_373 = arith.addi %add3A_331, %select_n3A_372 : vector<16xi32>
    %broadcast_in_dim3A_374 = arith.constant 4 : i32
    %broadcast_in_dim3A_375 = vector.broadcast %broadcast_in_dim3A_374 : i32 to vector<16xi32>
    %eq3A_376 = arith.cmpi eq, %get3A_353, %broadcast_in_dim3A_375 : vector<16xi32>
    %select_n3A_377 = arith.select %eq3A_376, %broadcast_in_dim3A_3, %broadcast_in_dim3A_1 : vector<16xi1>, vector<16xi32>
    %add3A_378 = arith.addi %add3A_336, %select_n3A_377 : vector<16xi32>
    %broadcast_in_dim3A_379 = arith.constant 5 : i32
    %broadcast_in_dim3A_380 = vector.broadcast %broadcast_in_dim3A_379 : i32 to vector<16xi32>
    %eq3A_381 = arith.cmpi eq, %get3A_353, %broadcast_in_dim3A_380 : vector<16xi32>
    %select_n3A_382 = arith.select %eq3A_381, %broadcast_in_dim3A_3, %broadcast_in_dim3A_1 : vector<16xi1>, vector<16xi32>
    %add3A_383 = arith.addi %add3A_341, %select_n3A_382 : vector<16xi32>
    %broadcast_in_dim3A_384 = arith.constant 6 : i32
    %broadcast_in_dim3A_385 = vector.broadcast %broadcast_in_dim3A_384 : i32 to vector<16xi32>
    %eq3A_386 = arith.cmpi eq, %get3A_353, %broadcast_in_dim3A_385 : vector<16xi32>
    %select_n3A_387 = arith.select %eq3A_386, %broadcast_in_dim3A_3, %broadcast_in_dim3A_1 : vector<16xi1>, vector<16xi32>
    %add3A_388 = arith.addi %add3A_346, %select_n3A_387 : vector<16xi32>
    %broadcast_in_dim3A_389 = arith.constant 7 : i32
    %broadcast_in_dim3A_390 = vector.broadcast %broadcast_in_dim3A_389 : i32 to vector<16xi32>
    %eq3A_391 = arith.cmpi eq, %get3A_353, %broadcast_in_dim3A_390 : vector<16xi32>
    %select_n3A_392 = arith.select %eq3A_391, %broadcast_in_dim3A_3, %broadcast_in_dim3A_1 : vector<16xi1>, vector<16xi32>
    %add3A_393 = arith.addi %add3A_351, %select_n3A_392 : vector<16xi32>
    %get3A_394 = arith.constant 80 : index
    %get3A_395 = tpu.vector_load %arg6[%get3A_394] {strides = array<i32>} : memref<256xi32, #tpu.memory_space<vmem>>, vector<16xi32>,
    %broadcast_in_dim3A_396 = arith.constant 0 : i32
    %broadcast_in_dim3A_397 = vector.broadcast %broadcast_in_dim3A_396 : i32 to vector<16xi32>
    %eq3A_398 = arith.cmpi eq, %get3A_395, %broadcast_in_dim3A_397 : vector<16xi32>
    %select_n3A_399 = arith.select %eq3A_398, %broadcast_in_dim3A_3, %broadcast_in_dim3A_1 : vector<16xi1>, vector<16xi32>
    %add3A_400 = arith.addi %add3A_358, %select_n3A_399 : vector<16xi32>
    %broadcast_in_dim3A_401 = arith.constant 1 : i32
    %broadcast_in_dim3A_402 = vector.broadcast %broadcast_in_dim3A_401 : i32 to vector<16xi32>
    %eq3A_403 = arith.cmpi eq, %get3A_395, %broadcast_in_dim3A_402 : vector<16xi32>
    %select_n3A_404 = arith.select %eq3A_403, %broadcast_in_dim3A_3, %broadcast_in_dim3A_1 : vector<16xi1>, vector<16xi32>
    %add3A_405 = arith.addi %add3A_363, %select_n3A_404 : vector<16xi32>
    %broadcast_in_dim3A_406 = arith.constant 2 : i32
    %broadcast_in_dim3A_407 = vector.broadcast %broadcast_in_dim3A_406 : i32 to vector<16xi32>
    %eq3A_408 = arith.cmpi eq, %get3A_395, %broadcast_in_dim3A_407 : vector<16xi32>
    %select_n3A_409 = arith.select %eq3A_408, %broadcast_in_dim3A_3, %broadcast_in_dim3A_1 : vector<16xi1>, vector<16xi32>
    %add3A_410 = arith.addi %add3A_368, %select_n3A_409 : vector<16xi32>
    %broadcast_in_dim3A_411 = arith.constant 3 : i32
    %broadcast_in_dim3A_412 = vector.broadcast %broadcast_in_dim3A_411 : i32 to vector<16xi32>
    %eq3A_413 = arith.cmpi eq, %get3A_395, %broadcast_in_dim3A_412 : vector<16xi32>
    %select_n3A_414 = arith.select %eq3A_413, %broadcast_in_dim3A_3, %broadcast_in_dim3A_1 : vector<16xi1>, vector<16xi32>
    %add3A_415 = arith.addi %add3A_373, %select_n3A_414 : vector<16xi32>
    %broadcast_in_dim3A_416 = arith.constant 4 : i32
    %broadcast_in_dim3A_417 = vector.broadcast %broadcast_in_dim3A_416 : i32 to vector<16xi32>
    %eq3A_418 = arith.cmpi eq, %get3A_395, %broadcast_in_dim3A_417 : vector<16xi32>
    %select_n3A_419 = arith.select %eq3A_418, %broadcast_in_dim3A_3, %broadcast_in_dim3A_1 : vector<16xi1>, vector<16xi32>
    %add3A_420 = arith.addi %add3A_378, %select_n3A_419 : vector<16xi32>
    %broadcast_in_dim3A_421 = arith.constant 5 : i32
    %broadcast_in_dim3A_422 = vector.broadcast %broadcast_in_dim3A_421 : i32 to vector<16xi32>
    %eq3A_423 = arith.cmpi eq, %get3A_395, %broadcast_in_dim3A_422 : vector<16xi32>
    %select_n3A_424 = arith.select %eq3A_423, %broadcast_in_dim3A_3, %broadcast_in_dim3A_1 : vector<16xi1>, vector<16xi32>
    %add3A_425 = arith.addi %add3A_383, %select_n3A_424 : vector<16xi32>
    %broadcast_in_dim3A_426 = arith.constant 6 : i32
    %broadcast_in_dim3A_427 = vector.broadcast %broadcast_in_dim3A_426 : i32 to vector<16xi32>
    %eq3A_428 = arith.cmpi eq, %get3A_395, %broadcast_in_dim3A_427 : vector<16xi32>
    %select_n3A_429 = arith.select %eq3A_428, %broadcast_in_dim3A_3, %broadcast_in_dim3A_1 : vector<16xi1>, vector<16xi32>
    %add3A_430 = arith.addi %add3A_388, %select_n3A_429 : vector<16xi32>
    %broadcast_in_dim3A_431 = arith.constant 7 : i32
    %broadcast_in_dim3A_432 = vector.broadcast %broadcast_in_dim3A_431 : i32 to vector<16xi32>
    %eq3A_433 = arith.cmpi eq, %get3A_395, %broadcast_in_dim3A_432 : vector<16xi32>
    %select_n3A_434 = arith.select %eq3A_433, %broadcast_in_dim3A_3, %broadcast_in_dim3A_1 : vector<16xi1>, vector<16xi32>
    %add3A_435 = arith.addi %add3A_393, %select_n3A_434 : vector<16xi32>
    %get3A_436 = arith.constant 96 : index
    %get3A_437 = tpu.vector_load %arg6[%get3A_436] {strides = array<i32>} : memref<256xi32, #tpu.memory_space<vmem>>, vector<16xi32>,
    %broadcast_in_dim3A_438 = arith.constant 0 : i32
    %broadcast_in_dim3A_439 = vector.broadcast %broadcast_in_dim3A_438 : i32 to vector<16xi32>
    %eq3A_440 = arith.cmpi eq, %get3A_437, %broadcast_in_dim3A_439 : vector<16xi32>
    %select_n3A_441 = arith.select %eq3A_440, %broadcast_in_dim3A_3, %broadcast_in_dim3A_1 : vector<16xi1>, vector<16xi32>
    %add3A_442 = arith.addi %add3A_400, %select_n3A_441 : vector<16xi32>
    %broadcast_in_dim3A_443 = arith.constant 1 : i32
    %broadcast_in_dim3A_444 = vector.broadcast %broadcast_in_dim3A_443 : i32 to vector<16xi32>
    %eq3A_445 = arith.cmpi eq, %get3A_437, %broadcast_in_dim3A_444 : vector<16xi32>
    %select_n3A_446 = arith.select %eq3A_445, %broadcast_in_dim3A_3, %broadcast_in_dim3A_1 : vector<16xi1>, vector<16xi32>
    %add3A_447 = arith.addi %add3A_405, %select_n3A_446 : vector<16xi32>
    %broadcast_in_dim3A_448 = arith.constant 2 : i32
    %broadcast_in_dim3A_449 = vector.broadcast %broadcast_in_dim3A_448 : i32 to vector<16xi32>
    %eq3A_450 = arith.cmpi eq, %get3A_437, %broadcast_in_dim3A_449 : vector<16xi32>
    %select_n3A_451 = arith.select %eq3A_450, %broadcast_in_dim3A_3, %broadcast_in_dim3A_1 : vector<16xi1>, vector<16xi32>
    %add3A_452 = arith.addi %add3A_410, %select_n3A_451 : vector<16xi32>
    %broadcast_in_dim3A_453 = arith.constant 3 : i32
    %broadcast_in_dim3A_454 = vector.broadcast %broadcast_in_dim3A_453 : i32 to vector<16xi32>
    %eq3A_455 = arith.cmpi eq, %get3A_437, %broadcast_in_dim3A_454 : vector<16xi32>
    %select_n3A_456 = arith.select %eq3A_455, %broadcast_in_dim3A_3, %broadcast_in_dim3A_1 : vector<16xi1>, vector<16xi32>
    %add3A_457 = arith.addi %add3A_415, %select_n3A_456 : vector<16xi32>
    %broadcast_in_dim3A_458 = arith.constant 4 : i32
    %broadcast_in_dim3A_459 = vector.broadcast %broadcast_in_dim3A_458 : i32 to vector<16xi32>
    %eq3A_460 = arith.cmpi eq, %get3A_437, %broadcast_in_dim3A_459 : vector<16xi32>
    %select_n3A_461 = arith.select %eq3A_460, %broadcast_in_dim3A_3, %broadcast_in_dim3A_1 : vector<16xi1>, vector<16xi32>
    %add3A_462 = arith.addi %add3A_420, %select_n3A_461 : vector<16xi32>
    %broadcast_in_dim3A_463 = arith.constant 5 : i32
    %broadcast_in_dim3A_464 = vector.broadcast %broadcast_in_dim3A_463 : i32 to vector<16xi32>
    %eq3A_465 = arith.cmpi eq, %get3A_437, %broadcast_in_dim3A_464 : vector<16xi32>
    %select_n3A_466 = arith.select %eq3A_465, %broadcast_in_dim3A_3, %broadcast_in_dim3A_1 : vector<16xi1>, vector<16xi32>
    %add3A_467 = arith.addi %add3A_425, %select_n3A_466 : vector<16xi32>
    %broadcast_in_dim3A_468 = arith.constant 6 : i32
    %broadcast_in_dim3A_469 = vector.broadcast %broadcast_in_dim3A_468 : i32 to vector<16xi32>
    %eq3A_470 = arith.cmpi eq, %get3A_437, %broadcast_in_dim3A_469 : vector<16xi32>
    %select_n3A_471 = arith.select %eq3A_470, %broadcast_in_dim3A_3, %broadcast_in_dim3A_1 : vector<16xi1>, vector<16xi32>
    %add3A_472 = arith.addi %add3A_430, %select_n3A_471 : vector<16xi32>
    %broadcast_in_dim3A_473 = arith.constant 7 : i32
    %broadcast_in_dim3A_474 = vector.broadcast %broadcast_in_dim3A_473 : i32 to vector<16xi32>
    %eq3A_475 = arith.cmpi eq, %get3A_437, %broadcast_in_dim3A_474 : vector<16xi32>
    %select_n3A_476 = arith.select %eq3A_475, %broadcast_in_dim3A_3, %broadcast_in_dim3A_1 : vector<16xi1>, vector<16xi32>
    %add3A_477 = arith.addi %add3A_435, %select_n3A_476 : vector<16xi32>
    %get3A_478 = arith.constant 112 : index
    %get3A_479 = tpu.vector_load %arg6[%get3A_478] {strides = array<i32>} : memref<256xi32, #tpu.memory_space<vmem>>, vector<16xi32>,
    %broadcast_in_dim3A_480 = arith.constant 0 : i32
    %broadcast_in_dim3A_481 = vector.broadcast %broadcast_in_dim3A_480 : i32 to vector<16xi32>
    %eq3A_482 = arith.cmpi eq, %get3A_479, %broadcast_in_dim3A_481 : vector<16xi32>
    %select_n3A_483 = arith.select %eq3A_482, %broadcast_in_dim3A_3, %broadcast_in_dim3A_1 : vector<16xi1>, vector<16xi32>
    %add3A_484 = arith.addi %add3A_442, %select_n3A_483 : vector<16xi32>
    %broadcast_in_dim3A_485 = arith.constant 1 : i32
    %broadcast_in_dim3A_486 = vector.broadcast %broadcast_in_dim3A_485 : i32 to vector<16xi32>
    %eq3A_487 = arith.cmpi eq, %get3A_479, %broadcast_in_dim3A_486 : vector<16xi32>
    %select_n3A_488 = arith.select %eq3A_487, %broadcast_in_dim3A_3, %broadcast_in_dim3A_1 : vector<16xi1>, vector<16xi32>
    %add3A_489 = arith.addi %add3A_447, %select_n3A_488 : vector<16xi32>
    %broadcast_in_dim3A_490 = arith.constant 2 : i32
    %broadcast_in_dim3A_491 = vector.broadcast %broadcast_in_dim3A_490 : i32 to vector<16xi32>
    %eq3A_492 = arith.cmpi eq, %get3A_479, %broadcast_in_dim3A_491 : vector<16xi32>
    %select_n3A_493 = arith.select %eq3A_492, %broadcast_in_dim3A_3, %broadcast_in_dim3A_1 : vector<16xi1>, vector<16xi32>
    %add3A_494 = arith.addi %add3A_452, %select_n3A_493 : vector<16xi32>
    %broadcast_in_dim3A_495 = arith.constant 3 : i32
    %broadcast_in_dim3A_496 = vector.broadcast %broadcast_in_dim3A_495 : i32 to vector<16xi32>
    %eq3A_497 = arith.cmpi eq, %get3A_479, %broadcast_in_dim3A_496 : vector<16xi32>
    %select_n3A_498 = arith.select %eq3A_497, %broadcast_in_dim3A_3, %broadcast_in_dim3A_1 : vector<16xi1>, vector<16xi32>
    %add3A_499 = arith.addi %add3A_457, %select_n3A_498 : vector<16xi32>
    %broadcast_in_dim3A_500 = arith.constant 4 : i32
    %broadcast_in_dim3A_501 = vector.broadcast %broadcast_in_dim3A_500 : i32 to vector<16xi32>
    %eq3A_502 = arith.cmpi eq, %get3A_479, %broadcast_in_dim3A_501 : vector<16xi32>
    %select_n3A_503 = arith.select %eq3A_502, %broadcast_in_dim3A_3, %broadcast_in_dim3A_1 : vector<16xi1>, vector<16xi32>
    %add3A_504 = arith.addi %add3A_462, %select_n3A_503 : vector<16xi32>
    %broadcast_in_dim3A_505 = arith.constant 5 : i32
    %broadcast_in_dim3A_506 = vector.broadcast %broadcast_in_dim3A_505 : i32 to vector<16xi32>
    %eq3A_507 = arith.cmpi eq, %get3A_479, %broadcast_in_dim3A_506 : vector<16xi32>
    %select_n3A_508 = arith.select %eq3A_507, %broadcast_in_dim3A_3, %broadcast_in_dim3A_1 : vector<16xi1>, vector<16xi32>
    %add3A_509 = arith.addi %add3A_467, %select_n3A_508 : vector<16xi32>
    %broadcast_in_dim3A_510 = arith.constant 6 : i32
    %broadcast_in_dim3A_511 = vector.broadcast %broadcast_in_dim3A_510 : i32 to vector<16xi32>
    %eq3A_512 = arith.cmpi eq, %get3A_479, %broadcast_in_dim3A_511 : vector<16xi32>
    %select_n3A_513 = arith.select %eq3A_512, %broadcast_in_dim3A_3, %broadcast_in_dim3A_1 : vector<16xi1>, vector<16xi32>
    %add3A_514 = arith.addi %add3A_472, %select_n3A_513 : vector<16xi32>
    %broadcast_in_dim3A_515 = arith.constant 7 : i32
    %broadcast_in_dim3A_516 = vector.broadcast %broadcast_in_dim3A_515 : i32 to vector<16xi32>
    %eq3A_517 = arith.cmpi eq, %get3A_479, %broadcast_in_dim3A_516 : vector<16xi32>
    %select_n3A_518 = arith.select %eq3A_517, %broadcast_in_dim3A_3, %broadcast_in_dim3A_1 : vector<16xi1>, vector<16xi32>
    %add3A_519 = arith.addi %add3A_477, %select_n3A_518 : vector<16xi32>
    %get3A_520 = arith.constant 128 : index
    %get3A_521 = tpu.vector_load %arg6[%get3A_520] {strides = array<i32>} : memref<256xi32, #tpu.memory_space<vmem>>, vector<16xi32>,
    %broadcast_in_dim3A_522 = arith.constant 0 : i32
    %broadcast_in_dim3A_523 = vector.broadcast %broadcast_in_dim3A_522 : i32 to vector<16xi32>
    %eq3A_524 = arith.cmpi eq, %get3A_521, %broadcast_in_dim3A_523 : vector<16xi32>
    %select_n3A_525 = arith.select %eq3A_524, %broadcast_in_dim3A_3, %broadcast_in_dim3A_1 : vector<16xi1>, vector<16xi32>
    %add3A_526 = arith.addi %add3A_484, %select_n3A_525 : vector<16xi32>
    %broadcast_in_dim3A_527 = arith.constant 1 : i32
    %broadcast_in_dim3A_528 = vector.broadcast %broadcast_in_dim3A_527 : i32 to vector<16xi32>
    %eq3A_529 = arith.cmpi eq, %get3A_521, %broadcast_in_dim3A_528 : vector<16xi32>
    %select_n3A_530 = arith.select %eq3A_529, %broadcast_in_dim3A_3, %broadcast_in_dim3A_1 : vector<16xi1>, vector<16xi32>
    %add3A_531 = arith.addi %add3A_489, %select_n3A_530 : vector<16xi32>
    %broadcast_in_dim3A_532 = arith.constant 2 : i32
    %broadcast_in_dim3A_533 = vector.broadcast %broadcast_in_dim3A_532 : i32 to vector<16xi32>
    %eq3A_534 = arith.cmpi eq, %get3A_521, %broadcast_in_dim3A_533 : vector<16xi32>
    %select_n3A_535 = arith.select %eq3A_534, %broadcast_in_dim3A_3, %broadcast_in_dim3A_1 : vector<16xi1>, vector<16xi32>
    %add3A_536 = arith.addi %add3A_494, %select_n3A_535 : vector<16xi32>
    %broadcast_in_dim3A_537 = arith.constant 3 : i32
    %broadcast_in_dim3A_538 = vector.broadcast %broadcast_in_dim3A_537 : i32 to vector<16xi32>
    %eq3A_539 = arith.cmpi eq, %get3A_521, %broadcast_in_dim3A_538 : vector<16xi32>
    %select_n3A_540 = arith.select %eq3A_539, %broadcast_in_dim3A_3, %broadcast_in_dim3A_1 : vector<16xi1>, vector<16xi32>
    %add3A_541 = arith.addi %add3A_499, %select_n3A_540 : vector<16xi32>
    %broadcast_in_dim3A_542 = arith.constant 4 : i32
    %broadcast_in_dim3A_543 = vector.broadcast %broadcast_in_dim3A_542 : i32 to vector<16xi32>
    %eq3A_544 = arith.cmpi eq, %get3A_521, %broadcast_in_dim3A_543 : vector<16xi32>
    %select_n3A_545 = arith.select %eq3A_544, %broadcast_in_dim3A_3, %broadcast_in_dim3A_1 : vector<16xi1>, vector<16xi32>
    %add3A_546 = arith.addi %add3A_504, %select_n3A_545 : vector<16xi32>
    %broadcast_in_dim3A_547 = arith.constant 5 : i32
    %broadcast_in_dim3A_548 = vector.broadcast %broadcast_in_dim3A_547 : i32 to vector<16xi32>
    %eq3A_549 = arith.cmpi eq, %get3A_521, %broadcast_in_dim3A_548 : vector<16xi32>
    %select_n3A_550 = arith.select %eq3A_549, %broadcast_in_dim3A_3, %broadcast_in_dim3A_1 : vector<16xi1>, vector<16xi32>
    %add3A_551 = arith.addi %add3A_509, %select_n3A_550 : vector<16xi32>
    %broadcast_in_dim3A_552 = arith.constant 6 : i32
    %broadcast_in_dim3A_553 = vector.broadcast %broadcast_in_dim3A_552 : i32 to vector<16xi32>
    %eq3A_554 = arith.cmpi eq, %get3A_521, %broadcast_in_dim3A_553 : vector<16xi32>
    %select_n3A_555 = arith.select %eq3A_554, %broadcast_in_dim3A_3, %broadcast_in_dim3A_1 : vector<16xi1>, vector<16xi32>
    %add3A_556 = arith.addi %add3A_514, %select_n3A_555 : vector<16xi32>
    %broadcast_in_dim3A_557 = arith.constant 7 : i32
    %broadcast_in_dim3A_558 = vector.broadcast %broadcast_in_dim3A_557 : i32 to vector<16xi32>
    %eq3A_559 = arith.cmpi eq, %get3A_521, %broadcast_in_dim3A_558 : vector<16xi32>
    %select_n3A_560 = arith.select %eq3A_559, %broadcast_in_dim3A_3, %broadcast_in_dim3A_1 : vector<16xi1>, vector<16xi32>
    %add3A_561 = arith.addi %add3A_519, %select_n3A_560 : vector<16xi32>
    %get3A_562 = arith.constant 144 : index
    %get3A_563 = tpu.vector_load %arg6[%get3A_562] {strides = array<i32>} : memref<256xi32, #tpu.memory_space<vmem>>, vector<16xi32>,
    %broadcast_in_dim3A_564 = arith.constant 0 : i32
    %broadcast_in_dim3A_565 = vector.broadcast %broadcast_in_dim3A_564 : i32 to vector<16xi32>
    %eq3A_566 = arith.cmpi eq, %get3A_563, %broadcast_in_dim3A_565 : vector<16xi32>
    %select_n3A_567 = arith.select %eq3A_566, %broadcast_in_dim3A_3, %broadcast_in_dim3A_1 : vector<16xi1>, vector<16xi32>
    %add3A_568 = arith.addi %add3A_526, %select_n3A_567 : vector<16xi32>
    %broadcast_in_dim3A_569 = arith.constant 1 : i32
    %broadcast_in_dim3A_570 = vector.broadcast %broadcast_in_dim3A_569 : i32 to vector<16xi32>
    %eq3A_571 = arith.cmpi eq, %get3A_563, %broadcast_in_dim3A_570 : vector<16xi32>
    %select_n3A_572 = arith.select %eq3A_571, %broadcast_in_dim3A_3, %broadcast_in_dim3A_1 : vector<16xi1>, vector<16xi32>
    %add3A_573 = arith.addi %add3A_531, %select_n3A_572 : vector<16xi32>
    %broadcast_in_dim3A_574 = arith.constant 2 : i32
    %broadcast_in_dim3A_575 = vector.broadcast %broadcast_in_dim3A_574 : i32 to vector<16xi32>
    %eq3A_576 = arith.cmpi eq, %get3A_563, %broadcast_in_dim3A_575 : vector<16xi32>
    %select_n3A_577 = arith.select %eq3A_576, %broadcast_in_dim3A_3, %broadcast_in_dim3A_1 : vector<16xi1>, vector<16xi32>
    %add3A_578 = arith.addi %add3A_536, %select_n3A_577 : vector<16xi32>
    %broadcast_in_dim3A_579 = arith.constant 3 : i32
    %broadcast_in_dim3A_580 = vector.broadcast %broadcast_in_dim3A_579 : i32 to vector<16xi32>
    %eq3A_581 = arith.cmpi eq, %get3A_563, %broadcast_in_dim3A_580 : vector<16xi32>
    %select_n3A_582 = arith.select %eq3A_581, %broadcast_in_dim3A_3, %broadcast_in_dim3A_1 : vector<16xi1>, vector<16xi32>
    %add3A_583 = arith.addi %add3A_541, %select_n3A_582 : vector<16xi32>
    %broadcast_in_dim3A_584 = arith.constant 4 : i32
    %broadcast_in_dim3A_585 = vector.broadcast %broadcast_in_dim3A_584 : i32 to vector<16xi32>
    %eq3A_586 = arith.cmpi eq, %get3A_563, %broadcast_in_dim3A_585 : vector<16xi32>
    %select_n3A_587 = arith.select %eq3A_586, %broadcast_in_dim3A_3, %broadcast_in_dim3A_1 : vector<16xi1>, vector<16xi32>
    %add3A_588 = arith.addi %add3A_546, %select_n3A_587 : vector<16xi32>
    %broadcast_in_dim3A_589 = arith.constant 5 : i32
    %broadcast_in_dim3A_590 = vector.broadcast %broadcast_in_dim3A_589 : i32 to vector<16xi32>
    %eq3A_591 = arith.cmpi eq, %get3A_563, %broadcast_in_dim3A_590 : vector<16xi32>
    %select_n3A_592 = arith.select %eq3A_591, %broadcast_in_dim3A_3, %broadcast_in_dim3A_1 : vector<16xi1>, vector<16xi32>
    %add3A_593 = arith.addi %add3A_551, %select_n3A_592 : vector<16xi32>
    %broadcast_in_dim3A_594 = arith.constant 6 : i32
    %broadcast_in_dim3A_595 = vector.broadcast %broadcast_in_dim3A_594 : i32 to vector<16xi32>
    %eq3A_596 = arith.cmpi eq, %get3A_563, %broadcast_in_dim3A_595 : vector<16xi32>
    %select_n3A_597 = arith.select %eq3A_596, %broadcast_in_dim3A_3, %broadcast_in_dim3A_1 : vector<16xi1>, vector<16xi32>
    %add3A_598 = arith.addi %add3A_556, %select_n3A_597 : vector<16xi32>
    %broadcast_in_dim3A_599 = arith.constant 7 : i32
    %broadcast_in_dim3A_600 = vector.broadcast %broadcast_in_dim3A_599 : i32 to vector<16xi32>
    %eq3A_601 = arith.cmpi eq, %get3A_563, %broadcast_in_dim3A_600 : vector<16xi32>
    %select_n3A_602 = arith.select %eq3A_601, %broadcast_in_dim3A_3, %broadcast_in_dim3A_1 : vector<16xi1>, vector<16xi32>
    %add3A_603 = arith.addi %add3A_561, %select_n3A_602 : vector<16xi32>
    %get3A_604 = arith.constant 160 : index
    %get3A_605 = tpu.vector_load %arg6[%get3A_604] {strides = array<i32>} : memref<256xi32, #tpu.memory_space<vmem>>, vector<16xi32>,
    %broadcast_in_dim3A_606 = arith.constant 0 : i32
    %broadcast_in_dim3A_607 = vector.broadcast %broadcast_in_dim3A_606 : i32 to vector<16xi32>
    %eq3A_608 = arith.cmpi eq, %get3A_605, %broadcast_in_dim3A_607 : vector<16xi32>
    %select_n3A_609 = arith.select %eq3A_608, %broadcast_in_dim3A_3, %broadcast_in_dim3A_1 : vector<16xi1>, vector<16xi32>
    %add3A_610 = arith.addi %add3A_568, %select_n3A_609 : vector<16xi32>
    %broadcast_in_dim3A_611 = arith.constant 1 : i32
    %broadcast_in_dim3A_612 = vector.broadcast %broadcast_in_dim3A_611 : i32 to vector<16xi32>
    %eq3A_613 = arith.cmpi eq, %get3A_605, %broadcast_in_dim3A_612 : vector<16xi32>
    %select_n3A_614 = arith.select %eq3A_613, %broadcast_in_dim3A_3, %broadcast_in_dim3A_1 : vector<16xi1>, vector<16xi32>
    %add3A_615 = arith.addi %add3A_573, %select_n3A_614 : vector<16xi32>
    %broadcast_in_dim3A_616 = arith.constant 2 : i32
    %broadcast_in_dim3A_617 = vector.broadcast %broadcast_in_dim3A_616 : i32 to vector<16xi32>
    %eq3A_618 = arith.cmpi eq, %get3A_605, %broadcast_in_dim3A_617 : vector<16xi32>
    %select_n3A_619 = arith.select %eq3A_618, %broadcast_in_dim3A_3, %broadcast_in_dim3A_1 : vector<16xi1>, vector<16xi32>
    %add3A_620 = arith.addi %add3A_578, %select_n3A_619 : vector<16xi32>
    %broadcast_in_dim3A_621 = arith.constant 3 : i32
    %broadcast_in_dim3A_622 = vector.broadcast %broadcast_in_dim3A_621 : i32 to vector<16xi32>
    %eq3A_623 = arith.cmpi eq, %get3A_605, %broadcast_in_dim3A_622 : vector<16xi32>
    %select_n3A_624 = arith.select %eq3A_623, %broadcast_in_dim3A_3, %broadcast_in_dim3A_1 : vector<16xi1>, vector<16xi32>
    %add3A_625 = arith.addi %add3A_583, %select_n3A_624 : vector<16xi32>
    %broadcast_in_dim3A_626 = arith.constant 4 : i32
    %broadcast_in_dim3A_627 = vector.broadcast %broadcast_in_dim3A_626 : i32 to vector<16xi32>
    %eq3A_628 = arith.cmpi eq, %get3A_605, %broadcast_in_dim3A_627 : vector<16xi32>
    %select_n3A_629 = arith.select %eq3A_628, %broadcast_in_dim3A_3, %broadcast_in_dim3A_1 : vector<16xi1>, vector<16xi32>
    %add3A_630 = arith.addi %add3A_588, %select_n3A_629 : vector<16xi32>
    %broadcast_in_dim3A_631 = arith.constant 5 : i32
    %broadcast_in_dim3A_632 = vector.broadcast %broadcast_in_dim3A_631 : i32 to vector<16xi32>
    %eq3A_633 = arith.cmpi eq, %get3A_605, %broadcast_in_dim3A_632 : vector<16xi32>
    %select_n3A_634 = arith.select %eq3A_633, %broadcast_in_dim3A_3, %broadcast_in_dim3A_1 : vector<16xi1>, vector<16xi32>
    %add3A_635 = arith.addi %add3A_593, %select_n3A_634 : vector<16xi32>
    %broadcast_in_dim3A_636 = arith.constant 6 : i32
    %broadcast_in_dim3A_637 = vector.broadcast %broadcast_in_dim3A_636 : i32 to vector<16xi32>
    %eq3A_638 = arith.cmpi eq, %get3A_605, %broadcast_in_dim3A_637 : vector<16xi32>
    %select_n3A_639 = arith.select %eq3A_638, %broadcast_in_dim3A_3, %broadcast_in_dim3A_1 : vector<16xi1>, vector<16xi32>
    %add3A_640 = arith.addi %add3A_598, %select_n3A_639 : vector<16xi32>
    %broadcast_in_dim3A_641 = arith.constant 7 : i32
    %broadcast_in_dim3A_642 = vector.broadcast %broadcast_in_dim3A_641 : i32 to vector<16xi32>
    %eq3A_643 = arith.cmpi eq, %get3A_605, %broadcast_in_dim3A_642 : vector<16xi32>
    %select_n3A_644 = arith.select %eq3A_643, %broadcast_in_dim3A_3, %broadcast_in_dim3A_1 : vector<16xi1>, vector<16xi32>
    %add3A_645 = arith.addi %add3A_603, %select_n3A_644 : vector<16xi32>
    %get3A_646 = arith.constant 176 : index
    %get3A_647 = tpu.vector_load %arg6[%get3A_646] {strides = array<i32>} : memref<256xi32, #tpu.memory_space<vmem>>, vector<16xi32>,
    %broadcast_in_dim3A_648 = arith.constant 0 : i32
    %broadcast_in_dim3A_649 = vector.broadcast %broadcast_in_dim3A_648 : i32 to vector<16xi32>
    %eq3A_650 = arith.cmpi eq, %get3A_647, %broadcast_in_dim3A_649 : vector<16xi32>
    %select_n3A_651 = arith.select %eq3A_650, %broadcast_in_dim3A_3, %broadcast_in_dim3A_1 : vector<16xi1>, vector<16xi32>
    %add3A_652 = arith.addi %add3A_610, %select_n3A_651 : vector<16xi32>
    %broadcast_in_dim3A_653 = arith.constant 1 : i32
    %broadcast_in_dim3A_654 = vector.broadcast %broadcast_in_dim3A_653 : i32 to vector<16xi32>
    %eq3A_655 = arith.cmpi eq, %get3A_647, %broadcast_in_dim3A_654 : vector<16xi32>
    %select_n3A_656 = arith.select %eq3A_655, %broadcast_in_dim3A_3, %broadcast_in_dim3A_1 : vector<16xi1>, vector<16xi32>
    %add3A_657 = arith.addi %add3A_615, %select_n3A_656 : vector<16xi32>
    %broadcast_in_dim3A_658 = arith.constant 2 : i32
    %broadcast_in_dim3A_659 = vector.broadcast %broadcast_in_dim3A_658 : i32 to vector<16xi32>
    %eq3A_660 = arith.cmpi eq, %get3A_647, %broadcast_in_dim3A_659 : vector<16xi32>
    %select_n3A_661 = arith.select %eq3A_660, %broadcast_in_dim3A_3, %broadcast_in_dim3A_1 : vector<16xi1>, vector<16xi32>
    %add3A_662 = arith.addi %add3A_620, %select_n3A_661 : vector<16xi32>
    %broadcast_in_dim3A_663 = arith.constant 3 : i32
    %broadcast_in_dim3A_664 = vector.broadcast %broadcast_in_dim3A_663 : i32 to vector<16xi32>
    %eq3A_665 = arith.cmpi eq, %get3A_647, %broadcast_in_dim3A_664 : vector<16xi32>
    %select_n3A_666 = arith.select %eq3A_665, %broadcast_in_dim3A_3, %broadcast_in_dim3A_1 : vector<16xi1>, vector<16xi32>
    %add3A_667 = arith.addi %add3A_625, %select_n3A_666 : vector<16xi32>
    %broadcast_in_dim3A_668 = arith.constant 4 : i32
    %broadcast_in_dim3A_669 = vector.broadcast %broadcast_in_dim3A_668 : i32 to vector<16xi32>
    %eq3A_670 = arith.cmpi eq, %get3A_647, %broadcast_in_dim3A_669 : vector<16xi32>
    %select_n3A_671 = arith.select %eq3A_670, %broadcast_in_dim3A_3, %broadcast_in_dim3A_1 : vector<16xi1>, vector<16xi32>
    %add3A_672 = arith.addi %add3A_630, %select_n3A_671 : vector<16xi32>
    %broadcast_in_dim3A_673 = arith.constant 5 : i32
    %broadcast_in_dim3A_674 = vector.broadcast %broadcast_in_dim3A_673 : i32 to vector<16xi32>
    %eq3A_675 = arith.cmpi eq, %get3A_647, %broadcast_in_dim3A_674 : vector<16xi32>
    %select_n3A_676 = arith.select %eq3A_675, %broadcast_in_dim3A_3, %broadcast_in_dim3A_1 : vector<16xi1>, vector<16xi32>
    %add3A_677 = arith.addi %add3A_635, %select_n3A_676 : vector<16xi32>
    %broadcast_in_dim3A_678 = arith.constant 6 : i32
    %broadcast_in_dim3A_679 = vector.broadcast %broadcast_in_dim3A_678 : i32 to vector<16xi32>
    %eq3A_680 = arith.cmpi eq, %get3A_647, %broadcast_in_dim3A_679 : vector<16xi32>
    %select_n3A_681 = arith.select %eq3A_680, %broadcast_in_dim3A_3, %broadcast_in_dim3A_1 : vector<16xi1>, vector<16xi32>
    %add3A_682 = arith.addi %add3A_640, %select_n3A_681 : vector<16xi32>
    %broadcast_in_dim3A_683 = arith.constant 7 : i32
    %broadcast_in_dim3A_684 = vector.broadcast %broadcast_in_dim3A_683 : i32 to vector<16xi32>
    %eq3A_685 = arith.cmpi eq, %get3A_647, %broadcast_in_dim3A_684 : vector<16xi32>
    %select_n3A_686 = arith.select %eq3A_685, %broadcast_in_dim3A_3, %broadcast_in_dim3A_1 : vector<16xi1>, vector<16xi32>
    %add3A_687 = arith.addi %add3A_645, %select_n3A_686 : vector<16xi32>
    %get3A_688 = arith.constant 192 : index
    %get3A_689 = tpu.vector_load %arg6[%get3A_688] {strides = array<i32>} : memref<256xi32, #tpu.memory_space<vmem>>, vector<16xi32>,
    %broadcast_in_dim3A_690 = arith.constant 0 : i32
    %broadcast_in_dim3A_691 = vector.broadcast %broadcast_in_dim3A_690 : i32 to vector<16xi32>
    %eq3A_692 = arith.cmpi eq, %get3A_689, %broadcast_in_dim3A_691 : vector<16xi32>
    %select_n3A_693 = arith.select %eq3A_692, %broadcast_in_dim3A_3, %broadcast_in_dim3A_1 : vector<16xi1>, vector<16xi32>
    %add3A_694 = arith.addi %add3A_652, %select_n3A_693 : vector<16xi32>
    %broadcast_in_dim3A_695 = arith.constant 1 : i32
    %broadcast_in_dim3A_696 = vector.broadcast %broadcast_in_dim3A_695 : i32 to vector<16xi32>
    %eq3A_697 = arith.cmpi eq, %get3A_689, %broadcast_in_dim3A_696 : vector<16xi32>
    %select_n3A_698 = arith.select %eq3A_697, %broadcast_in_dim3A_3, %broadcast_in_dim3A_1 : vector<16xi1>, vector<16xi32>
    %add3A_699 = arith.addi %add3A_657, %select_n3A_698 : vector<16xi32>
    %broadcast_in_dim3A_700 = arith.constant 2 : i32
    %broadcast_in_dim3A_701 = vector.broadcast %broadcast_in_dim3A_700 : i32 to vector<16xi32>
    %eq3A_702 = arith.cmpi eq, %get3A_689, %broadcast_in_dim3A_701 : vector<16xi32>
    %select_n3A_703 = arith.select %eq3A_702, %broadcast_in_dim3A_3, %broadcast_in_dim3A_1 : vector<16xi1>, vector<16xi32>
    %add3A_704 = arith.addi %add3A_662, %select_n3A_703 : vector<16xi32>
    %broadcast_in_dim3A_705 = arith.constant 3 : i32
    %broadcast_in_dim3A_706 = vector.broadcast %broadcast_in_dim3A_705 : i32 to vector<16xi32>
    %eq3A_707 = arith.cmpi eq, %get3A_689, %broadcast_in_dim3A_706 : vector<16xi32>
    %select_n3A_708 = arith.select %eq3A_707, %broadcast_in_dim3A_3, %broadcast_in_dim3A_1 : vector<16xi1>, vector<16xi32>
    %add3A_709 = arith.addi %add3A_667, %select_n3A_708 : vector<16xi32>
    %broadcast_in_dim3A_710 = arith.constant 4 : i32
    %broadcast_in_dim3A_711 = vector.broadcast %broadcast_in_dim3A_710 : i32 to vector<16xi32>
    %eq3A_712 = arith.cmpi eq, %get3A_689, %broadcast_in_dim3A_711 : vector<16xi32>
    %select_n3A_713 = arith.select %eq3A_712, %broadcast_in_dim3A_3, %broadcast_in_dim3A_1 : vector<16xi1>, vector<16xi32>
    %add3A_714 = arith.addi %add3A_672, %select_n3A_713 : vector<16xi32>
    %broadcast_in_dim3A_715 = arith.constant 5 : i32
    %broadcast_in_dim3A_716 = vector.broadcast %broadcast_in_dim3A_715 : i32 to vector<16xi32>
    %eq3A_717 = arith.cmpi eq, %get3A_689, %broadcast_in_dim3A_716 : vector<16xi32>
    %select_n3A_718 = arith.select %eq3A_717, %broadcast_in_dim3A_3, %broadcast_in_dim3A_1 : vector<16xi1>, vector<16xi32>
    %add3A_719 = arith.addi %add3A_677, %select_n3A_718 : vector<16xi32>
    %broadcast_in_dim3A_720 = arith.constant 6 : i32
    %broadcast_in_dim3A_721 = vector.broadcast %broadcast_in_dim3A_720 : i32 to vector<16xi32>
    %eq3A_722 = arith.cmpi eq, %get3A_689, %broadcast_in_dim3A_721 : vector<16xi32>
    %select_n3A_723 = arith.select %eq3A_722, %broadcast_in_dim3A_3, %broadcast_in_dim3A_1 : vector<16xi1>, vector<16xi32>
    %add3A_724 = arith.addi %add3A_682, %select_n3A_723 : vector<16xi32>
    %broadcast_in_dim3A_725 = arith.constant 7 : i32
    %broadcast_in_dim3A_726 = vector.broadcast %broadcast_in_dim3A_725 : i32 to vector<16xi32>
    %eq3A_727 = arith.cmpi eq, %get3A_689, %broadcast_in_dim3A_726 : vector<16xi32>
    %select_n3A_728 = arith.select %eq3A_727, %broadcast_in_dim3A_3, %broadcast_in_dim3A_1 : vector<16xi1>, vector<16xi32>
    %add3A_729 = arith.addi %add3A_687, %select_n3A_728 : vector<16xi32>
    %get3A_730 = arith.constant 208 : index
    %get3A_731 = tpu.vector_load %arg6[%get3A_730] {strides = array<i32>} : memref<256xi32, #tpu.memory_space<vmem>>, vector<16xi32>,
    %broadcast_in_dim3A_732 = arith.constant 0 : i32
    %broadcast_in_dim3A_733 = vector.broadcast %broadcast_in_dim3A_732 : i32 to vector<16xi32>
    %eq3A_734 = arith.cmpi eq, %get3A_731, %broadcast_in_dim3A_733 : vector<16xi32>
    %select_n3A_735 = arith.select %eq3A_734, %broadcast_in_dim3A_3, %broadcast_in_dim3A_1 : vector<16xi1>, vector<16xi32>
    %add3A_736 = arith.addi %add3A_694, %select_n3A_735 : vector<16xi32>
    %broadcast_in_dim3A_737 = arith.constant 1 : i32
    %broadcast_in_dim3A_738 = vector.broadcast %broadcast_in_dim3A_737 : i32 to vector<16xi32>
    %eq3A_739 = arith.cmpi eq, %get3A_731, %broadcast_in_dim3A_738 : vector<16xi32>
    %select_n3A_740 = arith.select %eq3A_739, %broadcast_in_dim3A_3, %broadcast_in_dim3A_1 : vector<16xi1>, vector<16xi32>
    %add3A_741 = arith.addi %add3A_699, %select_n3A_740 : vector<16xi32>
    %broadcast_in_dim3A_742 = arith.constant 2 : i32
    %broadcast_in_dim3A_743 = vector.broadcast %broadcast_in_dim3A_742 : i32 to vector<16xi32>
    %eq3A_744 = arith.cmpi eq, %get3A_731, %broadcast_in_dim3A_743 : vector<16xi32>
    %select_n3A_745 = arith.select %eq3A_744, %broadcast_in_dim3A_3, %broadcast_in_dim3A_1 : vector<16xi1>, vector<16xi32>
    %add3A_746 = arith.addi %add3A_704, %select_n3A_745 : vector<16xi32>
    %broadcast_in_dim3A_747 = arith.constant 3 : i32
    %broadcast_in_dim3A_748 = vector.broadcast %broadcast_in_dim3A_747 : i32 to vector<16xi32>
    %eq3A_749 = arith.cmpi eq, %get3A_731, %broadcast_in_dim3A_748 : vector<16xi32>
    %select_n3A_750 = arith.select %eq3A_749, %broadcast_in_dim3A_3, %broadcast_in_dim3A_1 : vector<16xi1>, vector<16xi32>
    %add3A_751 = arith.addi %add3A_709, %select_n3A_750 : vector<16xi32>
    %broadcast_in_dim3A_752 = arith.constant 4 : i32
    %broadcast_in_dim3A_753 = vector.broadcast %broadcast_in_dim3A_752 : i32 to vector<16xi32>
    %eq3A_754 = arith.cmpi eq, %get3A_731, %broadcast_in_dim3A_753 : vector<16xi32>
    %select_n3A_755 = arith.select %eq3A_754, %broadcast_in_dim3A_3, %broadcast_in_dim3A_1 : vector<16xi1>, vector<16xi32>
    %add3A_756 = arith.addi %add3A_714, %select_n3A_755 : vector<16xi32>
    %broadcast_in_dim3A_757 = arith.constant 5 : i32
    %broadcast_in_dim3A_758 = vector.broadcast %broadcast_in_dim3A_757 : i32 to vector<16xi32>
    %eq3A_759 = arith.cmpi eq, %get3A_731, %broadcast_in_dim3A_758 : vector<16xi32>
    %select_n3A_760 = arith.select %eq3A_759, %broadcast_in_dim3A_3, %broadcast_in_dim3A_1 : vector<16xi1>, vector<16xi32>
    %add3A_761 = arith.addi %add3A_719, %select_n3A_760 : vector<16xi32>
    %broadcast_in_dim3A_762 = arith.constant 6 : i32
    %broadcast_in_dim3A_763 = vector.broadcast %broadcast_in_dim3A_762 : i32 to vector<16xi32>
    %eq3A_764 = arith.cmpi eq, %get3A_731, %broadcast_in_dim3A_763 : vector<16xi32>
    %select_n3A_765 = arith.select %eq3A_764, %broadcast_in_dim3A_3, %broadcast_in_dim3A_1 : vector<16xi1>, vector<16xi32>
    %add3A_766 = arith.addi %add3A_724, %select_n3A_765 : vector<16xi32>
    %broadcast_in_dim3A_767 = arith.constant 7 : i32
    %broadcast_in_dim3A_768 = vector.broadcast %broadcast_in_dim3A_767 : i32 to vector<16xi32>
    %eq3A_769 = arith.cmpi eq, %get3A_731, %broadcast_in_dim3A_768 : vector<16xi32>
    %select_n3A_770 = arith.select %eq3A_769, %broadcast_in_dim3A_3, %broadcast_in_dim3A_1 : vector<16xi1>, vector<16xi32>
    %add3A_771 = arith.addi %add3A_729, %select_n3A_770 : vector<16xi32>
    %get3A_772 = arith.constant 224 : index
    %get3A_773 = tpu.vector_load %arg6[%get3A_772] {strides = array<i32>} : memref<256xi32, #tpu.memory_space<vmem>>, vector<16xi32>,
    %broadcast_in_dim3A_774 = arith.constant 0 : i32
    %broadcast_in_dim3A_775 = vector.broadcast %broadcast_in_dim3A_774 : i32 to vector<16xi32>
    %eq3A_776 = arith.cmpi eq, %get3A_773, %broadcast_in_dim3A_775 : vector<16xi32>
    %select_n3A_777 = arith.select %eq3A_776, %broadcast_in_dim3A_3, %broadcast_in_dim3A_1 : vector<16xi1>, vector<16xi32>
    %add3A_778 = arith.addi %add3A_736, %select_n3A_777 : vector<16xi32>
    %broadcast_in_dim3A_779 = arith.constant 1 : i32
    %broadcast_in_dim3A_780 = vector.broadcast %broadcast_in_dim3A_779 : i32 to vector<16xi32>
    %eq3A_781 = arith.cmpi eq, %get3A_773, %broadcast_in_dim3A_780 : vector<16xi32>
    %select_n3A_782 = arith.select %eq3A_781, %broadcast_in_dim3A_3, %broadcast_in_dim3A_1 : vector<16xi1>, vector<16xi32>
    %add3A_783 = arith.addi %add3A_741, %select_n3A_782 : vector<16xi32>
    %broadcast_in_dim3A_784 = arith.constant 2 : i32
    %broadcast_in_dim3A_785 = vector.broadcast %broadcast_in_dim3A_784 : i32 to vector<16xi32>
    %eq3A_786 = arith.cmpi eq, %get3A_773, %broadcast_in_dim3A_785 : vector<16xi32>
    %select_n3A_787 = arith.select %eq3A_786, %broadcast_in_dim3A_3, %broadcast_in_dim3A_1 : vector<16xi1>, vector<16xi32>
    %add3A_788 = arith.addi %add3A_746, %select_n3A_787 : vector<16xi32>
    %broadcast_in_dim3A_789 = arith.constant 3 : i32
    %broadcast_in_dim3A_790 = vector.broadcast %broadcast_in_dim3A_789 : i32 to vector<16xi32>
    %eq3A_791 = arith.cmpi eq, %get3A_773, %broadcast_in_dim3A_790 : vector<16xi32>
    %select_n3A_792 = arith.select %eq3A_791, %broadcast_in_dim3A_3, %broadcast_in_dim3A_1 : vector<16xi1>, vector<16xi32>
    %add3A_793 = arith.addi %add3A_751, %select_n3A_792 : vector<16xi32>
    %broadcast_in_dim3A_794 = arith.constant 4 : i32
    %broadcast_in_dim3A_795 = vector.broadcast %broadcast_in_dim3A_794 : i32 to vector<16xi32>
    %eq3A_796 = arith.cmpi eq, %get3A_773, %broadcast_in_dim3A_795 : vector<16xi32>
    %select_n3A_797 = arith.select %eq3A_796, %broadcast_in_dim3A_3, %broadcast_in_dim3A_1 : vector<16xi1>, vector<16xi32>
    %add3A_798 = arith.addi %add3A_756, %select_n3A_797 : vector<16xi32>
    %broadcast_in_dim3A_799 = arith.constant 5 : i32
    %broadcast_in_dim3A_800 = vector.broadcast %broadcast_in_dim3A_799 : i32 to vector<16xi32>
    %eq3A_801 = arith.cmpi eq, %get3A_773, %broadcast_in_dim3A_800 : vector<16xi32>
    %select_n3A_802 = arith.select %eq3A_801, %broadcast_in_dim3A_3, %broadcast_in_dim3A_1 : vector<16xi1>, vector<16xi32>
    %add3A_803 = arith.addi %add3A_761, %select_n3A_802 : vector<16xi32>
    %broadcast_in_dim3A_804 = arith.constant 6 : i32
    %broadcast_in_dim3A_805 = vector.broadcast %broadcast_in_dim3A_804 : i32 to vector<16xi32>
    %eq3A_806 = arith.cmpi eq, %get3A_773, %broadcast_in_dim3A_805 : vector<16xi32>
    %select_n3A_807 = arith.select %eq3A_806, %broadcast_in_dim3A_3, %broadcast_in_dim3A_1 : vector<16xi1>, vector<16xi32>
    %add3A_808 = arith.addi %add3A_766, %select_n3A_807 : vector<16xi32>
    %broadcast_in_dim3A_809 = arith.constant 7 : i32
    %broadcast_in_dim3A_810 = vector.broadcast %broadcast_in_dim3A_809 : i32 to vector<16xi32>
    %eq3A_811 = arith.cmpi eq, %get3A_773, %broadcast_in_dim3A_810 : vector<16xi32>
    %select_n3A_812 = arith.select %eq3A_811, %broadcast_in_dim3A_3, %broadcast_in_dim3A_1 : vector<16xi1>, vector<16xi32>
    %add3A_813 = arith.addi %add3A_771, %select_n3A_812 : vector<16xi32>
    %get3A_814 = arith.constant 240 : index
    %get3A_815 = tpu.vector_load %arg6[%get3A_814] {strides = array<i32>} : memref<256xi32, #tpu.memory_space<vmem>>, vector<16xi32>,
    %broadcast_in_dim3A_816 = arith.constant 0 : i32
    %broadcast_in_dim3A_817 = vector.broadcast %broadcast_in_dim3A_816 : i32 to vector<16xi32>
    %eq3A_818 = arith.cmpi eq, %get3A_815, %broadcast_in_dim3A_817 : vector<16xi32>
    %select_n3A_819 = arith.select %eq3A_818, %broadcast_in_dim3A_3, %broadcast_in_dim3A_1 : vector<16xi1>, vector<16xi32>
    %add3A_820 = arith.addi %add3A_778, %select_n3A_819 : vector<16xi32>
    %broadcast_in_dim3A_821 = arith.constant 1 : i32
    %broadcast_in_dim3A_822 = vector.broadcast %broadcast_in_dim3A_821 : i32 to vector<16xi32>
    %eq3A_823 = arith.cmpi eq, %get3A_815, %broadcast_in_dim3A_822 : vector<16xi32>
    %select_n3A_824 = arith.select %eq3A_823, %broadcast_in_dim3A_3, %broadcast_in_dim3A_1 : vector<16xi1>, vector<16xi32>
    %add3A_825 = arith.addi %add3A_783, %select_n3A_824 : vector<16xi32>
    %broadcast_in_dim3A_826 = arith.constant 2 : i32
    %broadcast_in_dim3A_827 = vector.broadcast %broadcast_in_dim3A_826 : i32 to vector<16xi32>
    %eq3A_828 = arith.cmpi eq, %get3A_815, %broadcast_in_dim3A_827 : vector<16xi32>
    %select_n3A_829 = arith.select %eq3A_828, %broadcast_in_dim3A_3, %broadcast_in_dim3A_1 : vector<16xi1>, vector<16xi32>
    %add3A_830 = arith.addi %add3A_788, %select_n3A_829 : vector<16xi32>
    %broadcast_in_dim3A_831 = arith.constant 3 : i32
    %broadcast_in_dim3A_832 = vector.broadcast %broadcast_in_dim3A_831 : i32 to vector<16xi32>
    %eq3A_833 = arith.cmpi eq, %get3A_815, %broadcast_in_dim3A_832 : vector<16xi32>
    %select_n3A_834 = arith.select %eq3A_833, %broadcast_in_dim3A_3, %broadcast_in_dim3A_1 : vector<16xi1>, vector<16xi32>
    %add3A_835 = arith.addi %add3A_793, %select_n3A_834 : vector<16xi32>
    %broadcast_in_dim3A_836 = arith.constant 4 : i32
    %broadcast_in_dim3A_837 = vector.broadcast %broadcast_in_dim3A_836 : i32 to vector<16xi32>
    %eq3A_838 = arith.cmpi eq, %get3A_815, %broadcast_in_dim3A_837 : vector<16xi32>
    %select_n3A_839 = arith.select %eq3A_838, %broadcast_in_dim3A_3, %broadcast_in_dim3A_1 : vector<16xi1>, vector<16xi32>
    %add3A_840 = arith.addi %add3A_798, %select_n3A_839 : vector<16xi32>
    %broadcast_in_dim3A_841 = arith.constant 5 : i32
    %broadcast_in_dim3A_842 = vector.broadcast %broadcast_in_dim3A_841 : i32 to vector<16xi32>
    %eq3A_843 = arith.cmpi eq, %get3A_815, %broadcast_in_dim3A_842 : vector<16xi32>
    %select_n3A_844 = arith.select %eq3A_843, %broadcast_in_dim3A_3, %broadcast_in_dim3A_1 : vector<16xi1>, vector<16xi32>
    %add3A_845 = arith.addi %add3A_803, %select_n3A_844 : vector<16xi32>
    %broadcast_in_dim3A_846 = arith.constant 6 : i32
    %broadcast_in_dim3A_847 = vector.broadcast %broadcast_in_dim3A_846 : i32 to vector<16xi32>
    %eq3A_848 = arith.cmpi eq, %get3A_815, %broadcast_in_dim3A_847 : vector<16xi32>
    %select_n3A_849 = arith.select %eq3A_848, %broadcast_in_dim3A_3, %broadcast_in_dim3A_1 : vector<16xi1>, vector<16xi32>
    %add3A_850 = arith.addi %add3A_808, %select_n3A_849 : vector<16xi32>
    %broadcast_in_dim3A_851 = arith.constant 7 : i32
    %broadcast_in_dim3A_852 = vector.broadcast %broadcast_in_dim3A_851 : i32 to vector<16xi32>
    %eq3A_853 = arith.cmpi eq, %get3A_815, %broadcast_in_dim3A_852 : vector<16xi32>
    %select_n3A_854 = arith.select %eq3A_853, %broadcast_in_dim3A_3, %broadcast_in_dim3A_1 : vector<16xi1>, vector<16xi32>
    %add3A_855 = arith.addi %add3A_813, %select_n3A_854 : vector<16xi32>
    %broadcast_in_dim3A_856 = arith.constant 0 : i32
    %broadcast_in_dim3A_857 = vector.broadcast %broadcast_in_dim3A_856 : i32 to vector<16xi32>
    %eq3A_858 = arith.cmpi eq, %iota3A, %broadcast_in_dim3A_857 : vector<16xi32>
    %swap3A = arith.constant 0 : index
    %swap3A_859 = tpu.vector_load %arg10[%swap3A] {strides = array<i32>} : memref<16xi32, #tpu.memory_space<vmem>>, vector<16xi32>,
    tpu.vector_store %arg10[%swap3A], %add3A_820 {strides = array<i32>} : memref<16xi32, #tpu.memory_space<vmem>>, vector<16xi32>,
    %gather3A = tpu.vector_load_idx %arg10[%and3A] : memref<16xi32, #tpu.memory_space<vmem>>[vector<16xi32>], vector<16xi32>,
    %add3A_860 = arith.addi %add3A_820, %gather3A : vector<16xi32>
    %swap3A_861 = arith.constant 0 : index
    %swap3A_862 = tpu.vector_load %arg10[%swap3A_861] {strides = array<i32>} : memref<16xi32, #tpu.memory_space<vmem>>, vector<16xi32>,
    tpu.vector_store %arg10[%swap3A_861], %add3A_860 {strides = array<i32>} : memref<16xi32, #tpu.memory_space<vmem>>, vector<16xi32>,
    %gather3A_863 = tpu.vector_load_idx %arg10[%and3A_89] : memref<16xi32, #tpu.memory_space<vmem>>[vector<16xi32>], vector<16xi32>,
    %add3A_864 = arith.addi %add3A_860, %gather3A_863 : vector<16xi32>
    %swap3A_865 = arith.constant 0 : index
    %swap3A_866 = tpu.vector_load %arg10[%swap3A_865] {strides = array<i32>} : memref<16xi32, #tpu.memory_space<vmem>>, vector<16xi32>,
    tpu.vector_store %arg10[%swap3A_865], %add3A_864 {strides = array<i32>} : memref<16xi32, #tpu.memory_space<vmem>>, vector<16xi32>,
    %gather3A_867 = tpu.vector_load_idx %arg10[%and3A_97] : memref<16xi32, #tpu.memory_space<vmem>>[vector<16xi32>], vector<16xi32>,
    %add3A_868 = arith.addi %add3A_864, %gather3A_867 : vector<16xi32>
    %swap3A_869 = arith.constant 0 : index
    %swap3A_870 = tpu.vector_load %arg10[%swap3A_869] {strides = array<i32>} : memref<16xi32, #tpu.memory_space<vmem>>, vector<16xi32>,
    tpu.vector_store %arg10[%swap3A_869], %add3A_868 {strides = array<i32>} : memref<16xi32, #tpu.memory_space<vmem>>, vector<16xi32>,
    %gather3A_871 = tpu.vector_load_idx %arg10[%and3A_113] : memref<16xi32, #tpu.memory_space<vmem>>[vector<16xi32>], vector<16xi32>,
    %add3A_872 = arith.addi %add3A_868, %gather3A_871 : vector<16xi32>
    %select_n3A_873 = arith.select %eq3A_858, %add3A_872, %broadcast_in_dim3A_1 : vector<16xi1>, vector<16xi32>
    %add3A_874 = arith.addi %broadcast_in_dim3A_1, %select_n3A_873 : vector<16xi32>
    %broadcast_in_dim3A_875 = arith.constant 1 : i32
    %broadcast_in_dim3A_876 = vector.broadcast %broadcast_in_dim3A_875 : i32 to vector<16xi32>
    %eq3A_877 = arith.cmpi eq, %iota3A, %broadcast_in_dim3A_876 : vector<16xi32>
    %swap3A_878 = arith.constant 0 : index
    %swap3A_879 = tpu.vector_load %arg10[%swap3A_878] {strides = array<i32>} : memref<16xi32, #tpu.memory_space<vmem>>, vector<16xi32>,
    tpu.vector_store %arg10[%swap3A_878], %add3A_825 {strides = array<i32>} : memref<16xi32, #tpu.memory_space<vmem>>, vector<16xi32>,
    %gather3A_880 = tpu.vector_load_idx %arg10[%and3A] : memref<16xi32, #tpu.memory_space<vmem>>[vector<16xi32>], vector<16xi32>,
    %add3A_881 = arith.addi %add3A_825, %gather3A_880 : vector<16xi32>
    %swap3A_882 = arith.constant 0 : index
    %swap3A_883 = tpu.vector_load %arg10[%swap3A_882] {strides = array<i32>} : memref<16xi32, #tpu.memory_space<vmem>>, vector<16xi32>,
    tpu.vector_store %arg10[%swap3A_882], %add3A_881 {strides = array<i32>} : memref<16xi32, #tpu.memory_space<vmem>>, vector<16xi32>,
    %gather3A_884 = tpu.vector_load_idx %arg10[%and3A_89] : memref<16xi32, #tpu.memory_space<vmem>>[vector<16xi32>], vector<16xi32>,
    %add3A_885 = arith.addi %add3A_881, %gather3A_884 : vector<16xi32>
    %swap3A_886 = arith.constant 0 : index
    %swap3A_887 = tpu.vector_load %arg10[%swap3A_886] {strides = array<i32>} : memref<16xi32, #tpu.memory_space<vmem>>, vector<16xi32>,
    tpu.vector_store %arg10[%swap3A_886], %add3A_885 {strides = array<i32>} : memref<16xi32, #tpu.memory_space<vmem>>, vector<16xi32>,
    %gather3A_888 = tpu.vector_load_idx %arg10[%and3A_97] : memref<16xi32, #tpu.memory_space<vmem>>[vector<16xi32>], vector<16xi32>,
    %add3A_889 = arith.addi %add3A_885, %gather3A_888 : vector<16xi32>
    %swap3A_890 = arith.constant 0 : index
    %swap3A_891 = tpu.vector_load %arg10[%swap3A_890] {strides = array<i32>} : memref<16xi32, #tpu.memory_space<vmem>>, vector<16xi32>,
    tpu.vector_store %arg10[%swap3A_890], %add3A_889 {strides = array<i32>} : memref<16xi32, #tpu.memory_space<vmem>>, vector<16xi32>,
    %gather3A_892 = tpu.vector_load_idx %arg10[%and3A_113] : memref<16xi32, #tpu.memory_space<vmem>>[vector<16xi32>], vector<16xi32>,
    %add3A_893 = arith.addi %add3A_889, %gather3A_892 : vector<16xi32>
    %select_n3A_894 = arith.select %eq3A_877, %add3A_893, %broadcast_in_dim3A_1 : vector<16xi1>, vector<16xi32>
    %add3A_895 = arith.addi %add3A_874, %select_n3A_894 : vector<16xi32>
    %broadcast_in_dim3A_896 = arith.constant 2 : i32
    %broadcast_in_dim3A_897 = vector.broadcast %broadcast_in_dim3A_896 : i32 to vector<16xi32>
    %eq3A_898 = arith.cmpi eq, %iota3A, %broadcast_in_dim3A_897 : vector<16xi32>
    %swap3A_899 = arith.constant 0 : index
    %swap3A_900 = tpu.vector_load %arg10[%swap3A_899] {strides = array<i32>} : memref<16xi32, #tpu.memory_space<vmem>>, vector<16xi32>,
    tpu.vector_store %arg10[%swap3A_899], %add3A_830 {strides = array<i32>} : memref<16xi32, #tpu.memory_space<vmem>>, vector<16xi32>,
    %gather3A_901 = tpu.vector_load_idx %arg10[%and3A] : memref<16xi32, #tpu.memory_space<vmem>>[vector<16xi32>], vector<16xi32>,
    %add3A_902 = arith.addi %add3A_830, %gather3A_901 : vector<16xi32>
    %swap3A_903 = arith.constant 0 : index
    %swap3A_904 = tpu.vector_load %arg10[%swap3A_903] {strides = array<i32>} : memref<16xi32, #tpu.memory_space<vmem>>, vector<16xi32>,
    tpu.vector_store %arg10[%swap3A_903], %add3A_902 {strides = array<i32>} : memref<16xi32, #tpu.memory_space<vmem>>, vector<16xi32>,
    %gather3A_905 = tpu.vector_load_idx %arg10[%and3A_89] : memref<16xi32, #tpu.memory_space<vmem>>[vector<16xi32>], vector<16xi32>,
    %add3A_906 = arith.addi %add3A_902, %gather3A_905 : vector<16xi32>
    %swap3A_907 = arith.constant 0 : index
    %swap3A_908 = tpu.vector_load %arg10[%swap3A_907] {strides = array<i32>} : memref<16xi32, #tpu.memory_space<vmem>>, vector<16xi32>,
    tpu.vector_store %arg10[%swap3A_907], %add3A_906 {strides = array<i32>} : memref<16xi32, #tpu.memory_space<vmem>>, vector<16xi32>,
    %gather3A_909 = tpu.vector_load_idx %arg10[%and3A_97] : memref<16xi32, #tpu.memory_space<vmem>>[vector<16xi32>], vector<16xi32>,
    %add3A_910 = arith.addi %add3A_906, %gather3A_909 : vector<16xi32>
    %swap3A_911 = arith.constant 0 : index
    %swap3A_912 = tpu.vector_load %arg10[%swap3A_911] {strides = array<i32>} : memref<16xi32, #tpu.memory_space<vmem>>, vector<16xi32>,
    tpu.vector_store %arg10[%swap3A_911], %add3A_910 {strides = array<i32>} : memref<16xi32, #tpu.memory_space<vmem>>, vector<16xi32>,
    %gather3A_913 = tpu.vector_load_idx %arg10[%and3A_113] : memref<16xi32, #tpu.memory_space<vmem>>[vector<16xi32>], vector<16xi32>,
    %add3A_914 = arith.addi %add3A_910, %gather3A_913 : vector<16xi32>
    %select_n3A_915 = arith.select %eq3A_898, %add3A_914, %broadcast_in_dim3A_1 : vector<16xi1>, vector<16xi32>
    %add3A_916 = arith.addi %add3A_895, %select_n3A_915 : vector<16xi32>
    %broadcast_in_dim3A_917 = arith.constant 3 : i32
    %broadcast_in_dim3A_918 = vector.broadcast %broadcast_in_dim3A_917 : i32 to vector<16xi32>
    %eq3A_919 = arith.cmpi eq, %iota3A, %broadcast_in_dim3A_918 : vector<16xi32>
    %swap3A_920 = arith.constant 0 : index
    %swap3A_921 = tpu.vector_load %arg10[%swap3A_920] {strides = array<i32>} : memref<16xi32, #tpu.memory_space<vmem>>, vector<16xi32>,
    tpu.vector_store %arg10[%swap3A_920], %add3A_835 {strides = array<i32>} : memref<16xi32, #tpu.memory_space<vmem>>, vector<16xi32>,
    %gather3A_922 = tpu.vector_load_idx %arg10[%and3A] : memref<16xi32, #tpu.memory_space<vmem>>[vector<16xi32>], vector<16xi32>,
    %add3A_923 = arith.addi %add3A_835, %gather3A_922 : vector<16xi32>
    %swap3A_924 = arith.constant 0 : index
    %swap3A_925 = tpu.vector_load %arg10[%swap3A_924] {strides = array<i32>} : memref<16xi32, #tpu.memory_space<vmem>>, vector<16xi32>,
    tpu.vector_store %arg10[%swap3A_924], %add3A_923 {strides = array<i32>} : memref<16xi32, #tpu.memory_space<vmem>>, vector<16xi32>,
    %gather3A_926 = tpu.vector_load_idx %arg10[%and3A_89] : memref<16xi32, #tpu.memory_space<vmem>>[vector<16xi32>], vector<16xi32>,
    %add3A_927 = arith.addi %add3A_923, %gather3A_926 : vector<16xi32>
    %swap3A_928 = arith.constant 0 : index
    %swap3A_929 = tpu.vector_load %arg10[%swap3A_928] {strides = array<i32>} : memref<16xi32, #tpu.memory_space<vmem>>, vector<16xi32>,
    tpu.vector_store %arg10[%swap3A_928], %add3A_927 {strides = array<i32>} : memref<16xi32, #tpu.memory_space<vmem>>, vector<16xi32>,
    %gather3A_930 = tpu.vector_load_idx %arg10[%and3A_97] : memref<16xi32, #tpu.memory_space<vmem>>[vector<16xi32>], vector<16xi32>,
    %add3A_931 = arith.addi %add3A_927, %gather3A_930 : vector<16xi32>
    %swap3A_932 = arith.constant 0 : index
    %swap3A_933 = tpu.vector_load %arg10[%swap3A_932] {strides = array<i32>} : memref<16xi32, #tpu.memory_space<vmem>>, vector<16xi32>,
    tpu.vector_store %arg10[%swap3A_932], %add3A_931 {strides = array<i32>} : memref<16xi32, #tpu.memory_space<vmem>>, vector<16xi32>,
    %gather3A_934 = tpu.vector_load_idx %arg10[%and3A_113] : memref<16xi32, #tpu.memory_space<vmem>>[vector<16xi32>], vector<16xi32>,
    %add3A_935 = arith.addi %add3A_931, %gather3A_934 : vector<16xi32>
    %select_n3A_936 = arith.select %eq3A_919, %add3A_935, %broadcast_in_dim3A_1 : vector<16xi1>, vector<16xi32>
    %add3A_937 = arith.addi %add3A_916, %select_n3A_936 : vector<16xi32>
    %broadcast_in_dim3A_938 = arith.constant 4 : i32
    %broadcast_in_dim3A_939 = vector.broadcast %broadcast_in_dim3A_938 : i32 to vector<16xi32>
    %eq3A_940 = arith.cmpi eq, %iota3A, %broadcast_in_dim3A_939 : vector<16xi32>
    %swap3A_941 = arith.constant 0 : index
    %swap3A_942 = tpu.vector_load %arg10[%swap3A_941] {strides = array<i32>} : memref<16xi32, #tpu.memory_space<vmem>>, vector<16xi32>,
    tpu.vector_store %arg10[%swap3A_941], %add3A_840 {strides = array<i32>} : memref<16xi32, #tpu.memory_space<vmem>>, vector<16xi32>,
    %gather3A_943 = tpu.vector_load_idx %arg10[%and3A] : memref<16xi32, #tpu.memory_space<vmem>>[vector<16xi32>], vector<16xi32>,
    %add3A_944 = arith.addi %add3A_840, %gather3A_943 : vector<16xi32>
    %swap3A_945 = arith.constant 0 : index
    %swap3A_946 = tpu.vector_load %arg10[%swap3A_945] {strides = array<i32>} : memref<16xi32, #tpu.memory_space<vmem>>, vector<16xi32>,
    tpu.vector_store %arg10[%swap3A_945], %add3A_944 {strides = array<i32>} : memref<16xi32, #tpu.memory_space<vmem>>, vector<16xi32>,
    %gather3A_947 = tpu.vector_load_idx %arg10[%and3A_89] : memref<16xi32, #tpu.memory_space<vmem>>[vector<16xi32>], vector<16xi32>,
    %add3A_948 = arith.addi %add3A_944, %gather3A_947 : vector<16xi32>
    %swap3A_949 = arith.constant 0 : index
    %swap3A_950 = tpu.vector_load %arg10[%swap3A_949] {strides = array<i32>} : memref<16xi32, #tpu.memory_space<vmem>>, vector<16xi32>,
    tpu.vector_store %arg10[%swap3A_949], %add3A_948 {strides = array<i32>} : memref<16xi32, #tpu.memory_space<vmem>>, vector<16xi32>,
    %gather3A_951 = tpu.vector_load_idx %arg10[%and3A_97] : memref<16xi32, #tpu.memory_space<vmem>>[vector<16xi32>], vector<16xi32>,
    %add3A_952 = arith.addi %add3A_948, %gather3A_951 : vector<16xi32>
    %swap3A_953 = arith.constant 0 : index
    %swap3A_954 = tpu.vector_load %arg10[%swap3A_953] {strides = array<i32>} : memref<16xi32, #tpu.memory_space<vmem>>, vector<16xi32>,
    tpu.vector_store %arg10[%swap3A_953], %add3A_952 {strides = array<i32>} : memref<16xi32, #tpu.memory_space<vmem>>, vector<16xi32>,
    %gather3A_955 = tpu.vector_load_idx %arg10[%and3A_113] : memref<16xi32, #tpu.memory_space<vmem>>[vector<16xi32>], vector<16xi32>,
    %add3A_956 = arith.addi %add3A_952, %gather3A_955 : vector<16xi32>
    %select_n3A_957 = arith.select %eq3A_940, %add3A_956, %broadcast_in_dim3A_1 : vector<16xi1>, vector<16xi32>
    %add3A_958 = arith.addi %add3A_937, %select_n3A_957 : vector<16xi32>
    %broadcast_in_dim3A_959 = arith.constant 5 : i32
    %broadcast_in_dim3A_960 = vector.broadcast %broadcast_in_dim3A_959 : i32 to vector<16xi32>
    %eq3A_961 = arith.cmpi eq, %iota3A, %broadcast_in_dim3A_960 : vector<16xi32>
    %swap3A_962 = arith.constant 0 : index
    %swap3A_963 = tpu.vector_load %arg10[%swap3A_962] {strides = array<i32>} : memref<16xi32, #tpu.memory_space<vmem>>, vector<16xi32>,
    tpu.vector_store %arg10[%swap3A_962], %add3A_845 {strides = array<i32>} : memref<16xi32, #tpu.memory_space<vmem>>, vector<16xi32>,
    %gather3A_964 = tpu.vector_load_idx %arg10[%and3A] : memref<16xi32, #tpu.memory_space<vmem>>[vector<16xi32>], vector<16xi32>,
    %add3A_965 = arith.addi %add3A_845, %gather3A_964 : vector<16xi32>
    %swap3A_966 = arith.constant 0 : index
    %swap3A_967 = tpu.vector_load %arg10[%swap3A_966] {strides = array<i32>} : memref<16xi32, #tpu.memory_space<vmem>>, vector<16xi32>,
    tpu.vector_store %arg10[%swap3A_966], %add3A_965 {strides = array<i32>} : memref<16xi32, #tpu.memory_space<vmem>>, vector<16xi32>,
    %gather3A_968 = tpu.vector_load_idx %arg10[%and3A_89] : memref<16xi32, #tpu.memory_space<vmem>>[vector<16xi32>], vector<16xi32>,
    %add3A_969 = arith.addi %add3A_965, %gather3A_968 : vector<16xi32>
    %swap3A_970 = arith.constant 0 : index
    %swap3A_971 = tpu.vector_load %arg10[%swap3A_970] {strides = array<i32>} : memref<16xi32, #tpu.memory_space<vmem>>, vector<16xi32>,
    tpu.vector_store %arg10[%swap3A_970], %add3A_969 {strides = array<i32>} : memref<16xi32, #tpu.memory_space<vmem>>, vector<16xi32>,
    %gather3A_972 = tpu.vector_load_idx %arg10[%and3A_97] : memref<16xi32, #tpu.memory_space<vmem>>[vector<16xi32>], vector<16xi32>,
    %add3A_973 = arith.addi %add3A_969, %gather3A_972 : vector<16xi32>
    %swap3A_974 = arith.constant 0 : index
    %swap3A_975 = tpu.vector_load %arg10[%swap3A_974] {strides = array<i32>} : memref<16xi32, #tpu.memory_space<vmem>>, vector<16xi32>,
    tpu.vector_store %arg10[%swap3A_974], %add3A_973 {strides = array<i32>} : memref<16xi32, #tpu.memory_space<vmem>>, vector<16xi32>,
    %gather3A_976 = tpu.vector_load_idx %arg10[%and3A_113] : memref<16xi32, #tpu.memory_space<vmem>>[vector<16xi32>], vector<16xi32>,
    %add3A_977 = arith.addi %add3A_973, %gather3A_976 : vector<16xi32>
    %select_n3A_978 = arith.select %eq3A_961, %add3A_977, %broadcast_in_dim3A_1 : vector<16xi1>, vector<16xi32>
    %add3A_979 = arith.addi %add3A_958, %select_n3A_978 : vector<16xi32>
    %broadcast_in_dim3A_980 = arith.constant 6 : i32
    %broadcast_in_dim3A_981 = vector.broadcast %broadcast_in_dim3A_980 : i32 to vector<16xi32>
    %eq3A_982 = arith.cmpi eq, %iota3A, %broadcast_in_dim3A_981 : vector<16xi32>
    %swap3A_983 = arith.constant 0 : index
    %swap3A_984 = tpu.vector_load %arg10[%swap3A_983] {strides = array<i32>} : memref<16xi32, #tpu.memory_space<vmem>>, vector<16xi32>,
    tpu.vector_store %arg10[%swap3A_983], %add3A_850 {strides = array<i32>} : memref<16xi32, #tpu.memory_space<vmem>>, vector<16xi32>,
    %gather3A_985 = tpu.vector_load_idx %arg10[%and3A] : memref<16xi32, #tpu.memory_space<vmem>>[vector<16xi32>], vector<16xi32>,
    %add3A_986 = arith.addi %add3A_850, %gather3A_985 : vector<16xi32>
    %swap3A_987 = arith.constant 0 : index
    %swap3A_988 = tpu.vector_load %arg10[%swap3A_987] {strides = array<i32>} : memref<16xi32, #tpu.memory_space<vmem>>, vector<16xi32>,
    tpu.vector_store %arg10[%swap3A_987], %add3A_986 {strides = array<i32>} : memref<16xi32, #tpu.memory_space<vmem>>, vector<16xi32>,
    %gather3A_989 = tpu.vector_load_idx %arg10[%and3A_89] : memref<16xi32, #tpu.memory_space<vmem>>[vector<16xi32>], vector<16xi32>,
    %add3A_990 = arith.addi %add3A_986, %gather3A_989 : vector<16xi32>
    %swap3A_991 = arith.constant 0 : index
    %swap3A_992 = tpu.vector_load %arg10[%swap3A_991] {strides = array<i32>} : memref<16xi32, #tpu.memory_space<vmem>>, vector<16xi32>,
    tpu.vector_store %arg10[%swap3A_991], %add3A_990 {strides = array<i32>} : memref<16xi32, #tpu.memory_space<vmem>>, vector<16xi32>,
    %gather3A_993 = tpu.vector_load_idx %arg10[%and3A_97] : memref<16xi32, #tpu.memory_space<vmem>>[vector<16xi32>], vector<16xi32>,
    %add3A_994 = arith.addi %add3A_990, %gather3A_993 : vector<16xi32>
    %swap3A_995 = arith.constant 0 : index
    %swap3A_996 = tpu.vector_load %arg10[%swap3A_995] {strides = array<i32>} : memref<16xi32, #tpu.memory_space<vmem>>, vector<16xi32>,
    tpu.vector_store %arg10[%swap3A_995], %add3A_994 {strides = array<i32>} : memref<16xi32, #tpu.memory_space<vmem>>, vector<16xi32>,
    %gather3A_997 = tpu.vector_load_idx %arg10[%and3A_113] : memref<16xi32, #tpu.memory_space<vmem>>[vector<16xi32>], vector<16xi32>,
    %add3A_998 = arith.addi %add3A_994, %gather3A_997 : vector<16xi32>
    %select_n3A_999 = arith.select %eq3A_982, %add3A_998, %broadcast_in_dim3A_1 : vector<16xi1>, vector<16xi32>
    %add3A_1000 = arith.addi %add3A_979, %select_n3A_999 : vector<16xi32>
    %broadcast_in_dim3A_1001 = arith.constant 7 : i32
    %broadcast_in_dim3A_1002 = vector.broadcast %broadcast_in_dim3A_1001 : i32 to vector<16xi32>
    %eq3A_1003 = arith.cmpi eq, %iota3A, %broadcast_in_dim3A_1002 : vector<16xi32>
    %swap3A_1004 = arith.constant 0 : index
    %swap3A_1005 = tpu.vector_load %arg10[%swap3A_1004] {strides = array<i32>} : memref<16xi32, #tpu.memory_space<vmem>>, vector<16xi32>,
    tpu.vector_store %arg10[%swap3A_1004], %add3A_855 {strides = array<i32>} : memref<16xi32, #tpu.memory_space<vmem>>, vector<16xi32>,
    %gather3A_1006 = tpu.vector_load_idx %arg10[%and3A] : memref<16xi32, #tpu.memory_space<vmem>>[vector<16xi32>], vector<16xi32>,
    %add3A_1007 = arith.addi %add3A_855, %gather3A_1006 : vector<16xi32>
    %swap3A_1008 = arith.constant 0 : index
    %swap3A_1009 = tpu.vector_load %arg10[%swap3A_1008] {strides = array<i32>} : memref<16xi32, #tpu.memory_space<vmem>>, vector<16xi32>,
    tpu.vector_store %arg10[%swap3A_1008], %add3A_1007 {strides = array<i32>} : memref<16xi32, #tpu.memory_space<vmem>>, vector<16xi32>,
    %gather3A_1010 = tpu.vector_load_idx %arg10[%and3A_89] : memref<16xi32, #tpu.memory_space<vmem>>[vector<16xi32>], vector<16xi32>,
    %add3A_1011 = arith.addi %add3A_1007, %gather3A_1010 : vector<16xi32>
    %swap3A_1012 = arith.constant 0 : index
    %swap3A_1013 = tpu.vector_load %arg10[%swap3A_1012] {strides = array<i32>} : memref<16xi32, #tpu.memory_space<vmem>>, vector<16xi32>,
    tpu.vector_store %arg10[%swap3A_1012], %add3A_1011 {strides = array<i32>} : memref<16xi32, #tpu.memory_space<vmem>>, vector<16xi32>,
    %gather3A_1014 = tpu.vector_load_idx %arg10[%and3A_97] : memref<16xi32, #tpu.memory_space<vmem>>[vector<16xi32>], vector<16xi32>,
    %add3A_1015 = arith.addi %add3A_1011, %gather3A_1014 : vector<16xi32>
    %swap3A_1016 = arith.constant 0 : index
    %swap3A_1017 = tpu.vector_load %arg10[%swap3A_1016] {strides = array<i32>} : memref<16xi32, #tpu.memory_space<vmem>>, vector<16xi32>,
    tpu.vector_store %arg10[%swap3A_1016], %add3A_1015 {strides = array<i32>} : memref<16xi32, #tpu.memory_space<vmem>>, vector<16xi32>,
    %gather3A_1018 = tpu.vector_load_idx %arg10[%and3A_113] : memref<16xi32, #tpu.memory_space<vmem>>[vector<16xi32>], vector<16xi32>,
    %add3A_1019 = arith.addi %add3A_1015, %gather3A_1018 : vector<16xi32>
    %select_n3A_1020 = arith.select %eq3A_1003, %add3A_1019, %broadcast_in_dim3A_1 : vector<16xi1>, vector<16xi32>
    %add3A_1021 = arith.addi %add3A_1000, %select_n3A_1020 : vector<16xi32>
    %swap3A_1022 = arith.constant 0 : index
    %swap3A_1023 = tpu.vector_load %arg10[%swap3A_1022] {strides = array<i32>} : memref<16xi32, #tpu.memory_space<vmem>>, vector<16xi32>,
    tpu.vector_store %arg10[%swap3A_1022], %add3A_1021 {strides = array<i32>} : memref<16xi32, #tpu.memory_space<vmem>>, vector<16xi32>,
    "tpu.region"() ({
      %run_scoped3A_3171 = tpu.sem_alloc : memref<!tpu.dma_semaphore, #tpu.memory_space<semaphore_mem>>
      %dma_start3A = arith.constant 0 : i32
      %dma_start3A_3172 = tpu.memref_slice %arg14[%arg1, %dma_start3A] : memref<16x16xi32, #tpu.memory_space<vmem_shared>> -> memref<1x16xi32, #tpu.memory_space<vmem_shared>>
      %dma_start3A_3173 = tpu.memref_squeeze %dma_start3A_3172 : memref<1x16xi32, #tpu.memory_space<vmem_shared>> -> memref<16xi32, #tpu.memory_space<vmem_shared>>
      %dma_start3A_3174 = arith.constant 0 : i32
      %dma_start3A_3175 = tpu.memref_slice %arg14[%arg1, %dma_start3A_3174] : memref<16x16xi32, #tpu.memory_space<vmem_shared>> -> memref<1x16xi32, #tpu.memory_space<vmem_shared>>
      %dma_start3A_3176 = tpu.memref_squeeze %dma_start3A_3175 : memref<1x16xi32, #tpu.memory_space<vmem_shared>> -> memref<16xi32, #tpu.memory_space<vmem_shared>>
      tpu.enqueue_dma source(%arg10 : memref<16xi32, #tpu.memory_space<vmem>>) target(%dma_start3A_3176 : memref<16xi32, #tpu.memory_space<vmem_shared>>) target_semaphore(%run_scoped3A_3171 : memref<!tpu.dma_semaphore, #tpu.memory_space<semaphore_mem>>)
      %dma_wait3A = arith.constant 0 : i32
      %dma_wait3A_3177 = tpu.memref_slice %arg14[%arg1, %dma_wait3A] : memref<16x16xi32, #tpu.memory_space<vmem_shared>> -> memref<1x16xi32, #tpu.memory_space<vmem_shared>>
      %dma_wait3A_3178 = tpu.memref_squeeze %dma_wait3A_3177 : memref<1x16xi32, #tpu.memory_space<vmem_shared>> -> memref<16xi32, #tpu.memory_space<vmem_shared>>
      %dma_wait3A_3179 = arith.constant 0 : i32
      %dma_wait3A_3180 = tpu.memref_slice %arg14[%arg1, %dma_wait3A_3179] : memref<16x16xi32, #tpu.memory_space<vmem_shared>> -> memref<1x16xi32, #tpu.memory_space<vmem_shared>>
      %dma_wait3A_3181 = tpu.memref_squeeze %dma_wait3A_3180 : memref<1x16xi32, #tpu.memory_space<vmem_shared>> -> memref<16xi32, #tpu.memory_space<vmem_shared>>
      tpu.wait_dma2 semaphore(%run_scoped3A_3171 : memref<!tpu.dma_semaphore, #tpu.memory_space<semaphore_mem>>) src(%arg10 : memref<16xi32, #tpu.memory_space<vmem>>) dst(%dma_wait3A_3181 : memref<16xi32, #tpu.memory_space<vmem_shared>>)
      tpu.yield
    }) : () -> ()
    %swap3A_1024 = arith.constant 0 : index
    %swap3A_1025 = tpu.vector_load %arg12[%swap3A_1024] {strides = array<i32>} : memref<320xi32, #tpu.memory_space<vmem>>, vector<16xi32>,
    tpu.vector_store %arg12[%swap3A_1024], %broadcast_in_dim3A_1 {strides = array<i32>} : memref<320xi32, #tpu.memory_space<vmem>>, vector<16xi32>,
    %swap3A_1026 = arith.constant 16 : index
    %swap3A_1027 = tpu.vector_load %arg12[%swap3A_1026] {strides = array<i32>} : memref<320xi32, #tpu.memory_space<vmem>>, vector<16xi32>,
    tpu.vector_store %arg12[%swap3A_1026], %broadcast_in_dim3A_1 {strides = array<i32>} : memref<320xi32, #tpu.memory_space<vmem>>, vector<16xi32>,
    %swap3A_1028 = arith.constant 32 : index
    %swap3A_1029 = tpu.vector_load %arg12[%swap3A_1028] {strides = array<i32>} : memref<320xi32, #tpu.memory_space<vmem>>, vector<16xi32>,
    tpu.vector_store %arg12[%swap3A_1028], %broadcast_in_dim3A_1 {strides = array<i32>} : memref<320xi32, #tpu.memory_space<vmem>>, vector<16xi32>,
    %swap3A_1030 = arith.constant 48 : index
    %swap3A_1031 = tpu.vector_load %arg12[%swap3A_1030] {strides = array<i32>} : memref<320xi32, #tpu.memory_space<vmem>>, vector<16xi32>,
    tpu.vector_store %arg12[%swap3A_1030], %broadcast_in_dim3A_1 {strides = array<i32>} : memref<320xi32, #tpu.memory_space<vmem>>, vector<16xi32>,
    %swap3A_1032 = arith.constant 64 : index
    %swap3A_1033 = tpu.vector_load %arg12[%swap3A_1032] {strides = array<i32>} : memref<320xi32, #tpu.memory_space<vmem>>, vector<16xi32>,
    tpu.vector_store %arg12[%swap3A_1032], %broadcast_in_dim3A_1 {strides = array<i32>} : memref<320xi32, #tpu.memory_space<vmem>>, vector<16xi32>,
    %swap3A_1034 = arith.constant 80 : index
    %swap3A_1035 = tpu.vector_load %arg12[%swap3A_1034] {strides = array<i32>} : memref<320xi32, #tpu.memory_space<vmem>>, vector<16xi32>,
    tpu.vector_store %arg12[%swap3A_1034], %broadcast_in_dim3A_1 {strides = array<i32>} : memref<320xi32, #tpu.memory_space<vmem>>, vector<16xi32>,
    %swap3A_1036 = arith.constant 96 : index
    %swap3A_1037 = tpu.vector_load %arg12[%swap3A_1036] {strides = array<i32>} : memref<320xi32, #tpu.memory_space<vmem>>, vector<16xi32>,
    tpu.vector_store %arg12[%swap3A_1036], %broadcast_in_dim3A_1 {strides = array<i32>} : memref<320xi32, #tpu.memory_space<vmem>>, vector<16xi32>,
    %swap3A_1038 = arith.constant 112 : index
    %swap3A_1039 = tpu.vector_load %arg12[%swap3A_1038] {strides = array<i32>} : memref<320xi32, #tpu.memory_space<vmem>>, vector<16xi32>,
    tpu.vector_store %arg12[%swap3A_1038], %broadcast_in_dim3A_1 {strides = array<i32>} : memref<320xi32, #tpu.memory_space<vmem>>, vector<16xi32>,
    %swap3A_1040 = arith.constant 128 : index
    %swap3A_1041 = tpu.vector_load %arg12[%swap3A_1040] {strides = array<i32>} : memref<320xi32, #tpu.memory_space<vmem>>, vector<16xi32>,
    tpu.vector_store %arg12[%swap3A_1040], %broadcast_in_dim3A_1 {strides = array<i32>} : memref<320xi32, #tpu.memory_space<vmem>>, vector<16xi32>,
    %swap3A_1042 = arith.constant 144 : index
    %swap3A_1043 = tpu.vector_load %arg12[%swap3A_1042] {strides = array<i32>} : memref<320xi32, #tpu.memory_space<vmem>>, vector<16xi32>,
    tpu.vector_store %arg12[%swap3A_1042], %broadcast_in_dim3A_1 {strides = array<i32>} : memref<320xi32, #tpu.memory_space<vmem>>, vector<16xi32>,
    %swap3A_1044 = arith.constant 160 : index
    %swap3A_1045 = tpu.vector_load %arg12[%swap3A_1044] {strides = array<i32>} : memref<320xi32, #tpu.memory_space<vmem>>, vector<16xi32>,
    tpu.vector_store %arg12[%swap3A_1044], %broadcast_in_dim3A_1 {strides = array<i32>} : memref<320xi32, #tpu.memory_space<vmem>>, vector<16xi32>,
    %swap3A_1046 = arith.constant 176 : index
    %swap3A_1047 = tpu.vector_load %arg12[%swap3A_1046] {strides = array<i32>} : memref<320xi32, #tpu.memory_space<vmem>>, vector<16xi32>,
    tpu.vector_store %arg12[%swap3A_1046], %broadcast_in_dim3A_1 {strides = array<i32>} : memref<320xi32, #tpu.memory_space<vmem>>, vector<16xi32>,
    %swap3A_1048 = arith.constant 192 : index
    %swap3A_1049 = tpu.vector_load %arg12[%swap3A_1048] {strides = array<i32>} : memref<320xi32, #tpu.memory_space<vmem>>, vector<16xi32>,
    tpu.vector_store %arg12[%swap3A_1048], %broadcast_in_dim3A_1 {strides = array<i32>} : memref<320xi32, #tpu.memory_space<vmem>>, vector<16xi32>,
    %swap3A_1050 = arith.constant 208 : index
    %swap3A_1051 = tpu.vector_load %arg12[%swap3A_1050] {strides = array<i32>} : memref<320xi32, #tpu.memory_space<vmem>>, vector<16xi32>,
    tpu.vector_store %arg12[%swap3A_1050], %broadcast_in_dim3A_1 {strides = array<i32>} : memref<320xi32, #tpu.memory_space<vmem>>, vector<16xi32>,
    %swap3A_1052 = arith.constant 224 : index
    %swap3A_1053 = tpu.vector_load %arg12[%swap3A_1052] {strides = array<i32>} : memref<320xi32, #tpu.memory_space<vmem>>, vector<16xi32>,
    tpu.vector_store %arg12[%swap3A_1052], %broadcast_in_dim3A_1 {strides = array<i32>} : memref<320xi32, #tpu.memory_space<vmem>>, vector<16xi32>,
    %swap3A_1054 = arith.constant 240 : index
    %swap3A_1055 = tpu.vector_load %arg12[%swap3A_1054] {strides = array<i32>} : memref<320xi32, #tpu.memory_space<vmem>>, vector<16xi32>,
    tpu.vector_store %arg12[%swap3A_1054], %broadcast_in_dim3A_1 {strides = array<i32>} : memref<320xi32, #tpu.memory_space<vmem>>, vector<16xi32>,
    %swap3A_1056 = arith.constant 256 : index
    %swap3A_1057 = tpu.vector_load %arg12[%swap3A_1056] {strides = array<i32>} : memref<320xi32, #tpu.memory_space<vmem>>, vector<16xi32>,
    tpu.vector_store %arg12[%swap3A_1056], %broadcast_in_dim3A_1 {strides = array<i32>} : memref<320xi32, #tpu.memory_space<vmem>>, vector<16xi32>,
    %swap3A_1058 = arith.constant 272 : index
    %swap3A_1059 = tpu.vector_load %arg12[%swap3A_1058] {strides = array<i32>} : memref<320xi32, #tpu.memory_space<vmem>>, vector<16xi32>,
    tpu.vector_store %arg12[%swap3A_1058], %broadcast_in_dim3A_1 {strides = array<i32>} : memref<320xi32, #tpu.memory_space<vmem>>, vector<16xi32>,
    %swap3A_1060 = arith.constant 288 : index
    %swap3A_1061 = tpu.vector_load %arg12[%swap3A_1060] {strides = array<i32>} : memref<320xi32, #tpu.memory_space<vmem>>, vector<16xi32>,
    tpu.vector_store %arg12[%swap3A_1060], %broadcast_in_dim3A_1 {strides = array<i32>} : memref<320xi32, #tpu.memory_space<vmem>>, vector<16xi32>,
    %swap3A_1062 = arith.constant 304 : index
    %swap3A_1063 = tpu.vector_load %arg12[%swap3A_1062] {strides = array<i32>} : memref<320xi32, #tpu.memory_space<vmem>>, vector<16xi32>,
    tpu.vector_store %arg12[%swap3A_1062], %broadcast_in_dim3A_1 {strides = array<i32>} : memref<320xi32, #tpu.memory_space<vmem>>, vector<16xi32>,
    %barrier3A = arith.constant 0 : index
    tpu.barrier barrier_id(%barrier3A)
    "tpu.region"() ({
      %run_scoped3A_3171 = tpu.sem_alloc : memref<!tpu.dma_semaphore, #tpu.memory_space<semaphore_mem>>
      tpu.enqueue_dma source(%arg14 : memref<16x16xi32, #tpu.memory_space<vmem_shared>>) target(%arg13 : memref<16x16xi32, #tpu.memory_space<vmem>>) target_semaphore(%run_scoped3A_3171 : memref<!tpu.dma_semaphore, #tpu.memory_space<semaphore_mem>>)
      tpu.wait_dma2 semaphore(%run_scoped3A_3171 : memref<!tpu.dma_semaphore, #tpu.memory_space<semaphore_mem>>) src(%arg14 : memref<16x16xi32, #tpu.memory_space<vmem_shared>>) dst(%arg13 : memref<16x16xi32, #tpu.memory_space<vmem>>)
      tpu.yield
    }) : () -> ()
    %get3A_1064 = arith.constant 0 : i32
    %get3A_1065 = arith.index_cast %get3A_1064 : i32 to index
    %get3A_1066 = arith.constant 0 : index
    %get3A_1067 = tpu.vector_load %arg13[%get3A_1065, %get3A_1066] {strides = array<i32>} : memref<16x16xi32, #tpu.memory_space<vmem>>, vector<16xi32>,
    %add3A_1068 = arith.addi %broadcast_in_dim3A_1, %get3A_1067 : vector<16xi32>
    %broadcast_in_dim3A_1069 = arith.constant 0 : i32
    %broadcast_in_dim3A_1070 = vector.broadcast %broadcast_in_dim3A_1069 : i32 to vector<16xi32>
    %lt3A = arith.cmpi slt, %broadcast_in_dim3A_1070, %get3A_83 : vector<16xi32>
    %select_n3A_1071 = arith.select %lt3A, %broadcast_in_dim3A_3, %broadcast_in_dim3A_1 : vector<16xi1>, vector<16xi32>
    %mul3A_1072 = arith.muli %get3A_1067, %select_n3A_1071 : vector<16xi32>
    %add3A_1073 = arith.addi %broadcast_in_dim3A_1, %mul3A_1072 : vector<16xi32>
    %get3A_1074 = arith.constant 1 : i32
    %get3A_1075 = arith.index_cast %get3A_1074 : i32 to index
    %get3A_1076 = arith.constant 0 : index
    %get3A_1077 = tpu.vector_load %arg13[%get3A_1075, %get3A_1076] {strides = array<i32>} : memref<16x16xi32, #tpu.memory_space<vmem>>, vector<16xi32>,
    %add3A_1078 = arith.addi %add3A_1068, %get3A_1077 : vector<16xi32>
    %broadcast_in_dim3A_1079 = arith.constant 1 : i32
    %broadcast_in_dim3A_1080 = vector.broadcast %broadcast_in_dim3A_1079 : i32 to vector<16xi32>
    %lt3A_1081 = arith.cmpi slt, %broadcast_in_dim3A_1080, %get3A_83 : vector<16xi32>
    %select_n3A_1082 = arith.select %lt3A_1081, %broadcast_in_dim3A_3, %broadcast_in_dim3A_1 : vector<16xi1>, vector<16xi32>
    %mul3A_1083 = arith.muli %get3A_1077, %select_n3A_1082 : vector<16xi32>
    %add3A_1084 = arith.addi %add3A_1073, %mul3A_1083 : vector<16xi32>
    %get3A_1085 = arith.constant 2 : i32
    %get3A_1086 = arith.index_cast %get3A_1085 : i32 to index
    %get3A_1087 = arith.constant 0 : index
    %get3A_1088 = tpu.vector_load %arg13[%get3A_1086, %get3A_1087] {strides = array<i32>} : memref<16x16xi32, #tpu.memory_space<vmem>>, vector<16xi32>,
    %add3A_1089 = arith.addi %add3A_1078, %get3A_1088 : vector<16xi32>
    %broadcast_in_dim3A_1090 = arith.constant 2 : i32
    %broadcast_in_dim3A_1091 = vector.broadcast %broadcast_in_dim3A_1090 : i32 to vector<16xi32>
    %lt3A_1092 = arith.cmpi slt, %broadcast_in_dim3A_1091, %get3A_83 : vector<16xi32>
    %select_n3A_1093 = arith.select %lt3A_1092, %broadcast_in_dim3A_3, %broadcast_in_dim3A_1 : vector<16xi1>, vector<16xi32>
    %mul3A_1094 = arith.muli %get3A_1088, %select_n3A_1093 : vector<16xi32>
    %add3A_1095 = arith.addi %add3A_1084, %mul3A_1094 : vector<16xi32>
    %get3A_1096 = arith.constant 3 : i32
    %get3A_1097 = arith.index_cast %get3A_1096 : i32 to index
    %get3A_1098 = arith.constant 0 : index
    %get3A_1099 = tpu.vector_load %arg13[%get3A_1097, %get3A_1098] {strides = array<i32>} : memref<16x16xi32, #tpu.memory_space<vmem>>, vector<16xi32>,
    %add3A_1100 = arith.addi %add3A_1089, %get3A_1099 : vector<16xi32>
    %broadcast_in_dim3A_1101 = arith.constant 3 : i32
    %broadcast_in_dim3A_1102 = vector.broadcast %broadcast_in_dim3A_1101 : i32 to vector<16xi32>
    %lt3A_1103 = arith.cmpi slt, %broadcast_in_dim3A_1102, %get3A_83 : vector<16xi32>
    %select_n3A_1104 = arith.select %lt3A_1103, %broadcast_in_dim3A_3, %broadcast_in_dim3A_1 : vector<16xi1>, vector<16xi32>
    %mul3A_1105 = arith.muli %get3A_1099, %select_n3A_1104 : vector<16xi32>
    %add3A_1106 = arith.addi %add3A_1095, %mul3A_1105 : vector<16xi32>
    %get3A_1107 = arith.constant 4 : i32
    %get3A_1108 = arith.index_cast %get3A_1107 : i32 to index
    %get3A_1109 = arith.constant 0 : index
    %get3A_1110 = tpu.vector_load %arg13[%get3A_1108, %get3A_1109] {strides = array<i32>} : memref<16x16xi32, #tpu.memory_space<vmem>>, vector<16xi32>,
    %add3A_1111 = arith.addi %add3A_1100, %get3A_1110 : vector<16xi32>
    %broadcast_in_dim3A_1112 = arith.constant 4 : i32
    %broadcast_in_dim3A_1113 = vector.broadcast %broadcast_in_dim3A_1112 : i32 to vector<16xi32>
    %lt3A_1114 = arith.cmpi slt, %broadcast_in_dim3A_1113, %get3A_83 : vector<16xi32>
    %select_n3A_1115 = arith.select %lt3A_1114, %broadcast_in_dim3A_3, %broadcast_in_dim3A_1 : vector<16xi1>, vector<16xi32>
    %mul3A_1116 = arith.muli %get3A_1110, %select_n3A_1115 : vector<16xi32>
    %add3A_1117 = arith.addi %add3A_1106, %mul3A_1116 : vector<16xi32>
    %get3A_1118 = arith.constant 5 : i32
    %get3A_1119 = arith.index_cast %get3A_1118 : i32 to index
    %get3A_1120 = arith.constant 0 : index
    %get3A_1121 = tpu.vector_load %arg13[%get3A_1119, %get3A_1120] {strides = array<i32>} : memref<16x16xi32, #tpu.memory_space<vmem>>, vector<16xi32>,
    %add3A_1122 = arith.addi %add3A_1111, %get3A_1121 : vector<16xi32>
    %broadcast_in_dim3A_1123 = arith.constant 5 : i32
    %broadcast_in_dim3A_1124 = vector.broadcast %broadcast_in_dim3A_1123 : i32 to vector<16xi32>
    %lt3A_1125 = arith.cmpi slt, %broadcast_in_dim3A_1124, %get3A_83 : vector<16xi32>
    %select_n3A_1126 = arith.select %lt3A_1125, %broadcast_in_dim3A_3, %broadcast_in_dim3A_1 : vector<16xi1>, vector<16xi32>
    %mul3A_1127 = arith.muli %get3A_1121, %select_n3A_1126 : vector<16xi32>
    %add3A_1128 = arith.addi %add3A_1117, %mul3A_1127 : vector<16xi32>
    %get3A_1129 = arith.constant 6 : i32
    %get3A_1130 = arith.index_cast %get3A_1129 : i32 to index
    %get3A_1131 = arith.constant 0 : index
    %get3A_1132 = tpu.vector_load %arg13[%get3A_1130, %get3A_1131] {strides = array<i32>} : memref<16x16xi32, #tpu.memory_space<vmem>>, vector<16xi32>,
    %add3A_1133 = arith.addi %add3A_1122, %get3A_1132 : vector<16xi32>
    %broadcast_in_dim3A_1134 = arith.constant 6 : i32
    %broadcast_in_dim3A_1135 = vector.broadcast %broadcast_in_dim3A_1134 : i32 to vector<16xi32>
    %lt3A_1136 = arith.cmpi slt, %broadcast_in_dim3A_1135, %get3A_83 : vector<16xi32>
    %select_n3A_1137 = arith.select %lt3A_1136, %broadcast_in_dim3A_3, %broadcast_in_dim3A_1 : vector<16xi1>, vector<16xi32>
    %mul3A_1138 = arith.muli %get3A_1132, %select_n3A_1137 : vector<16xi32>
    %add3A_1139 = arith.addi %add3A_1128, %mul3A_1138 : vector<16xi32>
    %get3A_1140 = arith.constant 7 : i32
    %get3A_1141 = arith.index_cast %get3A_1140 : i32 to index
    %get3A_1142 = arith.constant 0 : index
    %get3A_1143 = tpu.vector_load %arg13[%get3A_1141, %get3A_1142] {strides = array<i32>} : memref<16x16xi32, #tpu.memory_space<vmem>>, vector<16xi32>,
    %add3A_1144 = arith.addi %add3A_1133, %get3A_1143 : vector<16xi32>
    %broadcast_in_dim3A_1145 = arith.constant 7 : i32
    %broadcast_in_dim3A_1146 = vector.broadcast %broadcast_in_dim3A_1145 : i32 to vector<16xi32>
    %lt3A_1147 = arith.cmpi slt, %broadcast_in_dim3A_1146, %get3A_83 : vector<16xi32>
    %select_n3A_1148 = arith.select %lt3A_1147, %broadcast_in_dim3A_3, %broadcast_in_dim3A_1 : vector<16xi1>, vector<16xi32>
    %mul3A_1149 = arith.muli %get3A_1143, %select_n3A_1148 : vector<16xi32>
    %add3A_1150 = arith.addi %add3A_1139, %mul3A_1149 : vector<16xi32>
    %get3A_1151 = arith.constant 8 : i32
    %get3A_1152 = arith.index_cast %get3A_1151 : i32 to index
    %get3A_1153 = arith.constant 0 : index
    %get3A_1154 = tpu.vector_load %arg13[%get3A_1152, %get3A_1153] {strides = array<i32>} : memref<16x16xi32, #tpu.memory_space<vmem>>, vector<16xi32>,
    %add3A_1155 = arith.addi %add3A_1144, %get3A_1154 : vector<16xi32>
    %broadcast_in_dim3A_1156 = arith.constant 8 : i32
    %broadcast_in_dim3A_1157 = vector.broadcast %broadcast_in_dim3A_1156 : i32 to vector<16xi32>
    %lt3A_1158 = arith.cmpi slt, %broadcast_in_dim3A_1157, %get3A_83 : vector<16xi32>
    %select_n3A_1159 = arith.select %lt3A_1158, %broadcast_in_dim3A_3, %broadcast_in_dim3A_1 : vector<16xi1>, vector<16xi32>
    %mul3A_1160 = arith.muli %get3A_1154, %select_n3A_1159 : vector<16xi32>
    %add3A_1161 = arith.addi %add3A_1150, %mul3A_1160 : vector<16xi32>
    %get3A_1162 = arith.constant 9 : i32
    %get3A_1163 = arith.index_cast %get3A_1162 : i32 to index
    %get3A_1164 = arith.constant 0 : index
    %get3A_1165 = tpu.vector_load %arg13[%get3A_1163, %get3A_1164] {strides = array<i32>} : memref<16x16xi32, #tpu.memory_space<vmem>>, vector<16xi32>,
    %add3A_1166 = arith.addi %add3A_1155, %get3A_1165 : vector<16xi32>
    %broadcast_in_dim3A_1167 = arith.constant 9 : i32
    %broadcast_in_dim3A_1168 = vector.broadcast %broadcast_in_dim3A_1167 : i32 to vector<16xi32>
    %lt3A_1169 = arith.cmpi slt, %broadcast_in_dim3A_1168, %get3A_83 : vector<16xi32>
    %select_n3A_1170 = arith.select %lt3A_1169, %broadcast_in_dim3A_3, %broadcast_in_dim3A_1 : vector<16xi1>, vector<16xi32>
    %mul3A_1171 = arith.muli %get3A_1165, %select_n3A_1170 : vector<16xi32>
    %add3A_1172 = arith.addi %add3A_1161, %mul3A_1171 : vector<16xi32>
    %get3A_1173 = arith.constant 10 : i32
    %get3A_1174 = arith.index_cast %get3A_1173 : i32 to index
    %get3A_1175 = arith.constant 0 : index
    %get3A_1176 = tpu.vector_load %arg13[%get3A_1174, %get3A_1175] {strides = array<i32>} : memref<16x16xi32, #tpu.memory_space<vmem>>, vector<16xi32>,
    %add3A_1177 = arith.addi %add3A_1166, %get3A_1176 : vector<16xi32>
    %broadcast_in_dim3A_1178 = arith.constant 10 : i32
    %broadcast_in_dim3A_1179 = vector.broadcast %broadcast_in_dim3A_1178 : i32 to vector<16xi32>
    %lt3A_1180 = arith.cmpi slt, %broadcast_in_dim3A_1179, %get3A_83 : vector<16xi32>
    %select_n3A_1181 = arith.select %lt3A_1180, %broadcast_in_dim3A_3, %broadcast_in_dim3A_1 : vector<16xi1>, vector<16xi32>
    %mul3A_1182 = arith.muli %get3A_1176, %select_n3A_1181 : vector<16xi32>
    %add3A_1183 = arith.addi %add3A_1172, %mul3A_1182 : vector<16xi32>
    %get3A_1184 = arith.constant 11 : i32
    %get3A_1185 = arith.index_cast %get3A_1184 : i32 to index
    %get3A_1186 = arith.constant 0 : index
    %get3A_1187 = tpu.vector_load %arg13[%get3A_1185, %get3A_1186] {strides = array<i32>} : memref<16x16xi32, #tpu.memory_space<vmem>>, vector<16xi32>,
    %add3A_1188 = arith.addi %add3A_1177, %get3A_1187 : vector<16xi32>
    %broadcast_in_dim3A_1189 = arith.constant 11 : i32
    %broadcast_in_dim3A_1190 = vector.broadcast %broadcast_in_dim3A_1189 : i32 to vector<16xi32>
    %lt3A_1191 = arith.cmpi slt, %broadcast_in_dim3A_1190, %get3A_83 : vector<16xi32>
    %select_n3A_1192 = arith.select %lt3A_1191, %broadcast_in_dim3A_3, %broadcast_in_dim3A_1 : vector<16xi1>, vector<16xi32>
    %mul3A_1193 = arith.muli %get3A_1187, %select_n3A_1192 : vector<16xi32>
    %add3A_1194 = arith.addi %add3A_1183, %mul3A_1193 : vector<16xi32>
    %get3A_1195 = arith.constant 12 : i32
    %get3A_1196 = arith.index_cast %get3A_1195 : i32 to index
    %get3A_1197 = arith.constant 0 : index
    %get3A_1198 = tpu.vector_load %arg13[%get3A_1196, %get3A_1197] {strides = array<i32>} : memref<16x16xi32, #tpu.memory_space<vmem>>, vector<16xi32>,
    %add3A_1199 = arith.addi %add3A_1188, %get3A_1198 : vector<16xi32>
    %broadcast_in_dim3A_1200 = arith.constant 12 : i32
    %broadcast_in_dim3A_1201 = vector.broadcast %broadcast_in_dim3A_1200 : i32 to vector<16xi32>
    %lt3A_1202 = arith.cmpi slt, %broadcast_in_dim3A_1201, %get3A_83 : vector<16xi32>
    %select_n3A_1203 = arith.select %lt3A_1202, %broadcast_in_dim3A_3, %broadcast_in_dim3A_1 : vector<16xi1>, vector<16xi32>
    %mul3A_1204 = arith.muli %get3A_1198, %select_n3A_1203 : vector<16xi32>
    %add3A_1205 = arith.addi %add3A_1194, %mul3A_1204 : vector<16xi32>
    %get3A_1206 = arith.constant 13 : i32
    %get3A_1207 = arith.index_cast %get3A_1206 : i32 to index
    %get3A_1208 = arith.constant 0 : index
    %get3A_1209 = tpu.vector_load %arg13[%get3A_1207, %get3A_1208] {strides = array<i32>} : memref<16x16xi32, #tpu.memory_space<vmem>>, vector<16xi32>,
    %add3A_1210 = arith.addi %add3A_1199, %get3A_1209 : vector<16xi32>
    %broadcast_in_dim3A_1211 = arith.constant 13 : i32
    %broadcast_in_dim3A_1212 = vector.broadcast %broadcast_in_dim3A_1211 : i32 to vector<16xi32>
    %lt3A_1213 = arith.cmpi slt, %broadcast_in_dim3A_1212, %get3A_83 : vector<16xi32>
    %select_n3A_1214 = arith.select %lt3A_1213, %broadcast_in_dim3A_3, %broadcast_in_dim3A_1 : vector<16xi1>, vector<16xi32>
    %mul3A_1215 = arith.muli %get3A_1209, %select_n3A_1214 : vector<16xi32>
    %add3A_1216 = arith.addi %add3A_1205, %mul3A_1215 : vector<16xi32>
    %get3A_1217 = arith.constant 14 : i32
    %get3A_1218 = arith.index_cast %get3A_1217 : i32 to index
    %get3A_1219 = arith.constant 0 : index
    %get3A_1220 = tpu.vector_load %arg13[%get3A_1218, %get3A_1219] {strides = array<i32>} : memref<16x16xi32, #tpu.memory_space<vmem>>, vector<16xi32>,
    %add3A_1221 = arith.addi %add3A_1210, %get3A_1220 : vector<16xi32>
    %broadcast_in_dim3A_1222 = arith.constant 14 : i32
    %broadcast_in_dim3A_1223 = vector.broadcast %broadcast_in_dim3A_1222 : i32 to vector<16xi32>
    %lt3A_1224 = arith.cmpi slt, %broadcast_in_dim3A_1223, %get3A_83 : vector<16xi32>
    %select_n3A_1225 = arith.select %lt3A_1224, %broadcast_in_dim3A_3, %broadcast_in_dim3A_1 : vector<16xi1>, vector<16xi32>
    %mul3A_1226 = arith.muli %get3A_1220, %select_n3A_1225 : vector<16xi32>
    %add3A_1227 = arith.addi %add3A_1216, %mul3A_1226 : vector<16xi32>
    %get3A_1228 = arith.constant 15 : i32
    %get3A_1229 = arith.index_cast %get3A_1228 : i32 to index
    %get3A_1230 = arith.constant 0 : index
    %get3A_1231 = tpu.vector_load %arg13[%get3A_1229, %get3A_1230] {strides = array<i32>} : memref<16x16xi32, #tpu.memory_space<vmem>>, vector<16xi32>,
    %add3A_1232 = arith.addi %add3A_1221, %get3A_1231 : vector<16xi32>
    %broadcast_in_dim3A_1233 = arith.constant 15 : i32
    %broadcast_in_dim3A_1234 = vector.broadcast %broadcast_in_dim3A_1233 : i32 to vector<16xi32>
    %lt3A_1235 = arith.cmpi slt, %broadcast_in_dim3A_1234, %get3A_83 : vector<16xi32>
    %select_n3A_1236 = arith.select %lt3A_1235, %broadcast_in_dim3A_3, %broadcast_in_dim3A_1 : vector<16xi1>, vector<16xi32>
    %mul3A_1237 = arith.muli %get3A_1231, %select_n3A_1236 : vector<16xi32>
    %add3A_1238 = arith.addi %add3A_1227, %mul3A_1237 : vector<16xi32>
    %broadcast_in_dim3A_1239 = arith.constant 127 : i32
    %broadcast_in_dim3A_1240 = vector.broadcast %broadcast_in_dim3A_1239 : i32 to vector<16xi32>
    %add3A_1241 = arith.addi %add3A_1232, %broadcast_in_dim3A_1240 : vector<16xi32>
    %broadcast_in_dim3A_1242 = arith.constant 7 : i32
    %broadcast_in_dim3A_1243 = vector.broadcast %broadcast_in_dim3A_1242 : i32 to vector<16xi32>
    %shift_right_logical3A = arith.shrui %add3A_1241, %broadcast_in_dim3A_1243 : vector<16xi32>
    %swap3A_1244 = arith.constant 0 : index
    %swap3A_1245 = tpu.vector_load %arg10[%swap3A_1244] {strides = array<i32>} : memref<16xi32, #tpu.memory_space<vmem>>, vector<16xi32>,
    tpu.vector_store %arg10[%swap3A_1244], %shift_right_logical3A {strides = array<i32>} : memref<16xi32, #tpu.memory_space<vmem>>, vector<16xi32>,
    %gather3A_1246 = tpu.vector_load_idx %arg10[%and3A] : memref<16xi32, #tpu.memory_space<vmem>>[vector<16xi32>], vector<16xi32>,
    %select_n3A_1247 = arith.select %ge3A, %gather3A_1246, %broadcast_in_dim3A_1 : vector<16xi1>, vector<16xi32>
    %add3A_1248 = arith.addi %shift_right_logical3A, %select_n3A_1247 : vector<16xi32>
    %swap3A_1249 = arith.constant 0 : index
    %swap3A_1250 = tpu.vector_load %arg10[%swap3A_1249] {strides = array<i32>} : memref<16xi32, #tpu.memory_space<vmem>>, vector<16xi32>,
    tpu.vector_store %arg10[%swap3A_1249], %add3A_1248 {strides = array<i32>} : memref<16xi32, #tpu.memory_space<vmem>>, vector<16xi32>,
    %gather3A_1251 = tpu.vector_load_idx %arg10[%and3A_89] : memref<16xi32, #tpu.memory_space<vmem>>[vector<16xi32>], vector<16xi32>,
    %select_n3A_1252 = arith.select %ge3A_146, %gather3A_1251, %broadcast_in_dim3A_1 : vector<16xi1>, vector<16xi32>
    %add3A_1253 = arith.addi %add3A_1248, %select_n3A_1252 : vector<16xi32>
    %swap3A_1254 = arith.constant 0 : index
    %swap3A_1255 = tpu.vector_load %arg10[%swap3A_1254] {strides = array<i32>} : memref<16xi32, #tpu.memory_space<vmem>>, vector<16xi32>,
    tpu.vector_store %arg10[%swap3A_1254], %add3A_1253 {strides = array<i32>} : memref<16xi32, #tpu.memory_space<vmem>>, vector<16xi32>,
    %gather3A_1256 = tpu.vector_load_idx %arg10[%and3A_97] : memref<16xi32, #tpu.memory_space<vmem>>[vector<16xi32>], vector<16xi32>,
    %select_n3A_1257 = arith.select %ge3A_152, %gather3A_1256, %broadcast_in_dim3A_1 : vector<16xi1>, vector<16xi32>
    %add3A_1258 = arith.addi %add3A_1253, %select_n3A_1257 : vector<16xi32>
    %swap3A_1259 = arith.constant 0 : index
    %swap3A_1260 = tpu.vector_load %arg10[%swap3A_1259] {strides = array<i32>} : memref<16xi32, #tpu.memory_space<vmem>>, vector<16xi32>,
    tpu.vector_store %arg10[%swap3A_1259], %add3A_1258 {strides = array<i32>} : memref<16xi32, #tpu.memory_space<vmem>>, vector<16xi32>,
    %gather3A_1261 = tpu.vector_load_idx %arg10[%and3A_113] : memref<16xi32, #tpu.memory_space<vmem>>[vector<16xi32>], vector<16xi32>,
    %select_n3A_1262 = arith.select %ge3A_164, %gather3A_1261, %broadcast_in_dim3A_1 : vector<16xi1>, vector<16xi32>
    %add3A_1263 = arith.addi %add3A_1258, %select_n3A_1262 : vector<16xi32>
    %sub3A_1264 = arith.subi %add3A_1263, %shift_right_logical3A : vector<16xi32>
    %broadcast_in_dim3A_1265 = arith.constant 128 : i32
    %broadcast_in_dim3A_1266 = vector.broadcast %broadcast_in_dim3A_1265 : i32 to vector<16xi32>
    %mul3A_1267 = arith.muli %sub3A_1264, %broadcast_in_dim3A_1266 : vector<16xi32>
    %add3A_1268 = arith.addi %mul3A_1267, %add3A_1238 : vector<16xi32>
    %swap3A_1269 = arith.constant 0 : index
    %swap3A_1270 = tpu.vector_load %arg11[%swap3A_1269] {strides = array<i32>} : memref<16xi32, #tpu.memory_space<vmem>>, vector<16xi32>,
    tpu.vector_store %arg11[%swap3A_1269], %add3A_1268 {strides = array<i32>} : memref<16xi32, #tpu.memory_space<vmem>>, vector<16xi32>,
    %get3A_1271 = arith.constant 0 : index
    %get3A_1272 = tpu.vector_load %arg6[%get3A_1271] {strides = array<i32>} : memref<256xi32, #tpu.memory_space<vmem>>, vector<16xi32>,
    %gather3A_1273 = tpu.vector_load_idx %arg11[%get3A_1272] : memref<16xi32, #tpu.memory_space<vmem>>[vector<16xi32>], vector<16xi32>,
    %swap3A_1274 = arith.constant 0 : index
    %swap3A_1275 = tpu.vector_load %arg10[%swap3A_1274] {strides = array<i32>} : memref<16xi32, #tpu.memory_space<vmem>>, vector<16xi32>,
    tpu.vector_store %arg10[%swap3A_1274], %get3A_1272 {strides = array<i32>} : memref<16xi32, #tpu.memory_space<vmem>>, vector<16xi32>,
    %gather3A_1276 = tpu.vector_load_idx %arg10[%and3A] : memref<16xi32, #tpu.memory_space<vmem>>[vector<16xi32>], vector<16xi32>,
    %eq3A_1277 = arith.cmpi eq, %gather3A_1276, %get3A_1272 : vector<16xi32>
    %select_n3A_1278 = arith.select %eq3A_1277, %broadcast_in_dim3A_3, %broadcast_in_dim3A_1 : vector<16xi1>, vector<16xi32>
    %select_n3A_1279 = arith.select %ge3A, %select_n3A_1278, %broadcast_in_dim3A_1 : vector<16xi1>, vector<16xi32>
    %add3A_1280 = arith.addi %broadcast_in_dim3A_1, %select_n3A_1279 : vector<16xi32>
    %add3A_1281 = arith.addi %broadcast_in_dim3A_3, %select_n3A_1278 : vector<16xi32>
    %gather3A_1282 = tpu.vector_load_idx %arg10[%and3A_89] : memref<16xi32, #tpu.memory_space<vmem>>[vector<16xi32>], vector<16xi32>,
    %eq3A_1283 = arith.cmpi eq, %gather3A_1282, %get3A_1272 : vector<16xi32>
    %select_n3A_1284 = arith.select %eq3A_1283, %broadcast_in_dim3A_3, %broadcast_in_dim3A_1 : vector<16xi1>, vector<16xi32>
    %select_n3A_1285 = arith.select %ge3A_146, %select_n3A_1284, %broadcast_in_dim3A_1 : vector<16xi1>, vector<16xi32>
    %add3A_1286 = arith.addi %add3A_1280, %select_n3A_1285 : vector<16xi32>
    %add3A_1287 = arith.addi %add3A_1281, %select_n3A_1284 : vector<16xi32>
    %gather3A_1288 = tpu.vector_load_idx %arg10[%and3A_93] : memref<16xi32, #tpu.memory_space<vmem>>[vector<16xi32>], vector<16xi32>,
    %eq3A_1289 = arith.cmpi eq, %gather3A_1288, %get3A_1272 : vector<16xi32>
    %select_n3A_1290 = arith.select %eq3A_1289, %broadcast_in_dim3A_3, %broadcast_in_dim3A_1 : vector<16xi1>, vector<16xi32>
    %select_n3A_1291 = arith.select %ge3A_149, %select_n3A_1290, %broadcast_in_dim3A_1 : vector<16xi1>, vector<16xi32>
    %add3A_1292 = arith.addi %add3A_1286, %select_n3A_1291 : vector<16xi32>
    %add3A_1293 = arith.addi %add3A_1287, %select_n3A_1290 : vector<16xi32>
    %gather3A_1294 = tpu.vector_load_idx %arg10[%and3A_97] : memref<16xi32, #tpu.memory_space<vmem>>[vector<16xi32>], vector<16xi32>,
    %eq3A_1295 = arith.cmpi eq, %gather3A_1294, %get3A_1272 : vector<16xi32>
    %select_n3A_1296 = arith.select %eq3A_1295, %broadcast_in_dim3A_3, %broadcast_in_dim3A_1 : vector<16xi1>, vector<16xi32>
    %select_n3A_1297 = arith.select %ge3A_152, %select_n3A_1296, %broadcast_in_dim3A_1 : vector<16xi1>, vector<16xi32>
    %add3A_1298 = arith.addi %add3A_1292, %select_n3A_1297 : vector<16xi32>
    %add3A_1299 = arith.addi %add3A_1293, %select_n3A_1296 : vector<16xi32>
    %gather3A_1300 = tpu.vector_load_idx %arg10[%and3A_101] : memref<16xi32, #tpu.memory_space<vmem>>[vector<16xi32>], vector<16xi32>,
    %eq3A_1301 = arith.cmpi eq, %gather3A_1300, %get3A_1272 : vector<16xi32>
    %select_n3A_1302 = arith.select %eq3A_1301, %broadcast_in_dim3A_3, %broadcast_in_dim3A_1 : vector<16xi1>, vector<16xi32>
    %select_n3A_1303 = arith.select %ge3A_155, %select_n3A_1302, %broadcast_in_dim3A_1 : vector<16xi1>, vector<16xi32>
    %add3A_1304 = arith.addi %add3A_1298, %select_n3A_1303 : vector<16xi32>
    %add3A_1305 = arith.addi %add3A_1299, %select_n3A_1302 : vector<16xi32>
    %gather3A_1306 = tpu.vector_load_idx %arg10[%and3A_105] : memref<16xi32, #tpu.memory_space<vmem>>[vector<16xi32>], vector<16xi32>,
    %eq3A_1307 = arith.cmpi eq, %gather3A_1306, %get3A_1272 : vector<16xi32>
    %select_n3A_1308 = arith.select %eq3A_1307, %broadcast_in_dim3A_3, %broadcast_in_dim3A_1 : vector<16xi1>, vector<16xi32>
    %select_n3A_1309 = arith.select %ge3A_158, %select_n3A_1308, %broadcast_in_dim3A_1 : vector<16xi1>, vector<16xi32>
    %add3A_1310 = arith.addi %add3A_1304, %select_n3A_1309 : vector<16xi32>
    %add3A_1311 = arith.addi %add3A_1305, %select_n3A_1308 : vector<16xi32>
    %gather3A_1312 = tpu.vector_load_idx %arg10[%and3A_109] : memref<16xi32, #tpu.memory_space<vmem>>[vector<16xi32>], vector<16xi32>,
    %eq3A_1313 = arith.cmpi eq, %gather3A_1312, %get3A_1272 : vector<16xi32>
    %select_n3A_1314 = arith.select %eq3A_1313, %broadcast_in_dim3A_3, %broadcast_in_dim3A_1 : vector<16xi1>, vector<16xi32>
    %select_n3A_1315 = arith.select %ge3A_161, %select_n3A_1314, %broadcast_in_dim3A_1 : vector<16xi1>, vector<16xi32>
    %add3A_1316 = arith.addi %add3A_1310, %select_n3A_1315 : vector<16xi32>
    %add3A_1317 = arith.addi %add3A_1311, %select_n3A_1314 : vector<16xi32>
    %gather3A_1318 = tpu.vector_load_idx %arg10[%and3A_113] : memref<16xi32, #tpu.memory_space<vmem>>[vector<16xi32>], vector<16xi32>,
    %eq3A_1319 = arith.cmpi eq, %gather3A_1318, %get3A_1272 : vector<16xi32>
    %select_n3A_1320 = arith.select %eq3A_1319, %broadcast_in_dim3A_3, %broadcast_in_dim3A_1 : vector<16xi1>, vector<16xi32>
    %select_n3A_1321 = arith.select %ge3A_164, %select_n3A_1320, %broadcast_in_dim3A_1 : vector<16xi1>, vector<16xi32>
    %add3A_1322 = arith.addi %add3A_1316, %select_n3A_1321 : vector<16xi32>
    %add3A_1323 = arith.addi %add3A_1317, %select_n3A_1320 : vector<16xi32>
    %gather3A_1324 = tpu.vector_load_idx %arg10[%and3A_117] : memref<16xi32, #tpu.memory_space<vmem>>[vector<16xi32>], vector<16xi32>,
    %eq3A_1325 = arith.cmpi eq, %gather3A_1324, %get3A_1272 : vector<16xi32>
    %select_n3A_1326 = arith.select %eq3A_1325, %broadcast_in_dim3A_3, %broadcast_in_dim3A_1 : vector<16xi1>, vector<16xi32>
    %select_n3A_1327 = arith.select %ge3A_167, %select_n3A_1326, %broadcast_in_dim3A_1 : vector<16xi1>, vector<16xi32>
    %add3A_1328 = arith.addi %add3A_1322, %select_n3A_1327 : vector<16xi32>
    %add3A_1329 = arith.addi %add3A_1323, %select_n3A_1326 : vector<16xi32>
    %gather3A_1330 = tpu.vector_load_idx %arg10[%and3A_121] : memref<16xi32, #tpu.memory_space<vmem>>[vector<16xi32>], vector<16xi32>,
    %eq3A_1331 = arith.cmpi eq, %gather3A_1330, %get3A_1272 : vector<16xi32>
    %select_n3A_1332 = arith.select %eq3A_1331, %broadcast_in_dim3A_3, %broadcast_in_dim3A_1 : vector<16xi1>, vector<16xi32>
    %select_n3A_1333 = arith.select %ge3A_170, %select_n3A_1332, %broadcast_in_dim3A_1 : vector<16xi1>, vector<16xi32>
    %add3A_1334 = arith.addi %add3A_1328, %select_n3A_1333 : vector<16xi32>
    %add3A_1335 = arith.addi %add3A_1329, %select_n3A_1332 : vector<16xi32>
    %gather3A_1336 = tpu.vector_load_idx %arg10[%and3A_125] : memref<16xi32, #tpu.memory_space<vmem>>[vector<16xi32>], vector<16xi32>,
    %eq3A_1337 = arith.cmpi eq, %gather3A_1336, %get3A_1272 : vector<16xi32>
    %select_n3A_1338 = arith.select %eq3A_1337, %broadcast_in_dim3A_3, %broadcast_in_dim3A_1 : vector<16xi1>, vector<16xi32>
    %select_n3A_1339 = arith.select %ge3A_173, %select_n3A_1338, %broadcast_in_dim3A_1 : vector<16xi1>, vector<16xi32>
    %add3A_1340 = arith.addi %add3A_1334, %select_n3A_1339 : vector<16xi32>
    %add3A_1341 = arith.addi %add3A_1335, %select_n3A_1338 : vector<16xi32>
    %gather3A_1342 = tpu.vector_load_idx %arg10[%and3A_129] : memref<16xi32, #tpu.memory_space<vmem>>[vector<16xi32>], vector<16xi32>,
    %eq3A_1343 = arith.cmpi eq, %gather3A_1342, %get3A_1272 : vector<16xi32>
    %select_n3A_1344 = arith.select %eq3A_1343, %broadcast_in_dim3A_3, %broadcast_in_dim3A_1 : vector<16xi1>, vector<16xi32>
    %select_n3A_1345 = arith.select %ge3A_176, %select_n3A_1344, %broadcast_in_dim3A_1 : vector<16xi1>, vector<16xi32>
    %add3A_1346 = arith.addi %add3A_1340, %select_n3A_1345 : vector<16xi32>
    %add3A_1347 = arith.addi %add3A_1341, %select_n3A_1344 : vector<16xi32>
    %gather3A_1348 = tpu.vector_load_idx %arg10[%and3A_133] : memref<16xi32, #tpu.memory_space<vmem>>[vector<16xi32>], vector<16xi32>,
    %eq3A_1349 = arith.cmpi eq, %gather3A_1348, %get3A_1272 : vector<16xi32>
    %select_n3A_1350 = arith.select %eq3A_1349, %broadcast_in_dim3A_3, %broadcast_in_dim3A_1 : vector<16xi1>, vector<16xi32>
    %select_n3A_1351 = arith.select %ge3A_179, %select_n3A_1350, %broadcast_in_dim3A_1 : vector<16xi1>, vector<16xi32>
    %add3A_1352 = arith.addi %add3A_1346, %select_n3A_1351 : vector<16xi32>
    %add3A_1353 = arith.addi %add3A_1347, %select_n3A_1350 : vector<16xi32>
    %gather3A_1354 = tpu.vector_load_idx %arg10[%and3A_137] : memref<16xi32, #tpu.memory_space<vmem>>[vector<16xi32>], vector<16xi32>,
    %eq3A_1355 = arith.cmpi eq, %gather3A_1354, %get3A_1272 : vector<16xi32>
    %select_n3A_1356 = arith.select %eq3A_1355, %broadcast_in_dim3A_3, %broadcast_in_dim3A_1 : vector<16xi1>, vector<16xi32>
    %select_n3A_1357 = arith.select %ge3A_182, %select_n3A_1356, %broadcast_in_dim3A_1 : vector<16xi1>, vector<16xi32>
    %add3A_1358 = arith.addi %add3A_1352, %select_n3A_1357 : vector<16xi32>
    %add3A_1359 = arith.addi %add3A_1353, %select_n3A_1356 : vector<16xi32>
    %gather3A_1360 = tpu.vector_load_idx %arg10[%and3A_141] : memref<16xi32, #tpu.memory_space<vmem>>[vector<16xi32>], vector<16xi32>,
    %eq3A_1361 = arith.cmpi eq, %gather3A_1360, %get3A_1272 : vector<16xi32>
    %select_n3A_1362 = arith.select %eq3A_1361, %broadcast_in_dim3A_3, %broadcast_in_dim3A_1 : vector<16xi1>, vector<16xi32>
    %select_n3A_1363 = arith.select %ge3A_185, %select_n3A_1362, %broadcast_in_dim3A_1 : vector<16xi1>, vector<16xi32>
    %add3A_1364 = arith.addi %add3A_1358, %select_n3A_1363 : vector<16xi32>
    %add3A_1365 = arith.addi %add3A_1359, %select_n3A_1362 : vector<16xi32>
    %add3A_1366 = arith.addi %gather3A_1273, %add3A_1364 : vector<16xi32>
    %add3A_1367 = arith.addi %gather3A_1273, %add3A_1365 : vector<16xi32>
    tpu.vector_store_idx %arg11[%get3A_1272], %add3A_1367 : memref<16xi32, #tpu.memory_space<vmem>>[vector<16xi32>], vector<16xi32>,
    %swap3A_1368 = arith.constant 0 : index
    %swap3A_1369 = tpu.vector_load %arg7[%swap3A_1368] {strides = array<i32>} : memref<256xi32, #tpu.memory_space<vmem>>, vector<16xi32>,
    tpu.vector_store %arg7[%swap3A_1368], %add3A_1366 {strides = array<i32>} : memref<256xi32, #tpu.memory_space<vmem>>, vector<16xi32>,
    %swap3A_1370 = arith.constant 0 : i32
    %swap3A_1371 = arith.index_cast %swap3A_1370 : i32 to index
    %swap3A_1372 = arith.constant 0 : index
    %swap3A_1373 = tpu.vector_load %arg8[%swap3A_1371, %swap3A_1372] {strides = array<i32>} : memref<2x128xi32, #tpu.memory_space<vmem>>, vector<16xi32>,
    tpu.vector_store %arg8[%swap3A_1371, %swap3A_1372], %add3A_1366 {strides = array<i32>} : memref<2x128xi32, #tpu.memory_space<vmem>>, vector<16xi32>,
    %broadcast_in_dim3A_1374 = arith.constant 256 : i32
    %broadcast_in_dim3A_1375 = vector.broadcast %broadcast_in_dim3A_1374 : i32 to vector<16xi32>
    %mul3A_1376 = arith.muli %get3A_83, %broadcast_in_dim3A_1375 : vector<16xi32>
    %broadcast_in_dim3A_1377 = arith.constant 0 : i32
    %broadcast_in_dim3A_1378 = vector.broadcast %broadcast_in_dim3A_1377 : i32 to vector<16xi32>
    %add3A_1379 = arith.addi %mul3A_1376, %broadcast_in_dim3A_1378 : vector<16xi32>
    %add3A_1380 = arith.addi %add3A_1379, %iota3A : vector<16xi32>
    %shift_right_logical3A_1381 = arith.shrui %add3A_1380, %broadcast_in_dim3A_3 : vector<16xi32>
    %broadcast_in_dim3A_1382 = arith.constant 0 : i32
    %broadcast_in_dim3A_1383 = vector.broadcast %broadcast_in_dim3A_1382 : i32 to vector<16xi32>
    %add3A_1384 = arith.addi %shift_right_logical3A_1381, %broadcast_in_dim3A_1383 : vector<16xi32>
    %swap3A_1385 = arith.constant 0 : i32
    %swap3A_1386 = arith.index_cast %swap3A_1385 : i32 to index
    %swap3A_1387 = arith.constant 0 : index
    %swap3A_1388 = tpu.vector_load %arg9[%swap3A_1386, %swap3A_1387] {strides = array<i32>} : memref<2x128xi32, #tpu.memory_space<vmem>>, vector<16xi32>,
    tpu.vector_store %arg9[%swap3A_1386, %swap3A_1387], %add3A_1384 {strides = array<i32>} : memref<2x128xi32, #tpu.memory_space<vmem>>, vector<16xi32>,
    %get3A_1389 = arith.constant 16 : index
    %get3A_1390 = tpu.vector_load %arg6[%get3A_1389] {strides = array<i32>} : memref<256xi32, #tpu.memory_space<vmem>>, vector<16xi32>,
    %gather3A_1391 = tpu.vector_load_idx %arg11[%get3A_1390] : memref<16xi32, #tpu.memory_space<vmem>>[vector<16xi32>], vector<16xi32>,
    %swap3A_1392 = arith.constant 0 : index
    %swap3A_1393 = tpu.vector_load %arg10[%swap3A_1392] {strides = array<i32>} : memref<16xi32, #tpu.memory_space<vmem>>, vector<16xi32>,
    tpu.vector_store %arg10[%swap3A_1392], %get3A_1390 {strides = array<i32>} : memref<16xi32, #tpu.memory_space<vmem>>, vector<16xi32>,
    %gather3A_1394 = tpu.vector_load_idx %arg10[%and3A] : memref<16xi32, #tpu.memory_space<vmem>>[vector<16xi32>], vector<16xi32>,
    %eq3A_1395 = arith.cmpi eq, %gather3A_1394, %get3A_1390 : vector<16xi32>
    %select_n3A_1396 = arith.select %eq3A_1395, %broadcast_in_dim3A_3, %broadcast_in_dim3A_1 : vector<16xi1>, vector<16xi32>
    %select_n3A_1397 = arith.select %ge3A, %select_n3A_1396, %broadcast_in_dim3A_1 : vector<16xi1>, vector<16xi32>
    %add3A_1398 = arith.addi %broadcast_in_dim3A_1, %select_n3A_1397 : vector<16xi32>
    %add3A_1399 = arith.addi %broadcast_in_dim3A_3, %select_n3A_1396 : vector<16xi32>
    %gather3A_1400 = tpu.vector_load_idx %arg10[%and3A_89] : memref<16xi32, #tpu.memory_space<vmem>>[vector<16xi32>], vector<16xi32>,
    %eq3A_1401 = arith.cmpi eq, %gather3A_1400, %get3A_1390 : vector<16xi32>
    %select_n3A_1402 = arith.select %eq3A_1401, %broadcast_in_dim3A_3, %broadcast_in_dim3A_1 : vector<16xi1>, vector<16xi32>
    %select_n3A_1403 = arith.select %ge3A_146, %select_n3A_1402, %broadcast_in_dim3A_1 : vector<16xi1>, vector<16xi32>
    %add3A_1404 = arith.addi %add3A_1398, %select_n3A_1403 : vector<16xi32>
    %add3A_1405 = arith.addi %add3A_1399, %select_n3A_1402 : vector<16xi32>
    %gather3A_1406 = tpu.vector_load_idx %arg10[%and3A_93] : memref<16xi32, #tpu.memory_space<vmem>>[vector<16xi32>], vector<16xi32>,
    %eq3A_1407 = arith.cmpi eq, %gather3A_1406, %get3A_1390 : vector<16xi32>
    %select_n3A_1408 = arith.select %eq3A_1407, %broadcast_in_dim3A_3, %broadcast_in_dim3A_1 : vector<16xi1>, vector<16xi32>
    %select_n3A_1409 = arith.select %ge3A_149, %select_n3A_1408, %broadcast_in_dim3A_1 : vector<16xi1>, vector<16xi32>
    %add3A_1410 = arith.addi %add3A_1404, %select_n3A_1409 : vector<16xi32>
    %add3A_1411 = arith.addi %add3A_1405, %select_n3A_1408 : vector<16xi32>
    %gather3A_1412 = tpu.vector_load_idx %arg10[%and3A_97] : memref<16xi32, #tpu.memory_space<vmem>>[vector<16xi32>], vector<16xi32>,
    %eq3A_1413 = arith.cmpi eq, %gather3A_1412, %get3A_1390 : vector<16xi32>
    %select_n3A_1414 = arith.select %eq3A_1413, %broadcast_in_dim3A_3, %broadcast_in_dim3A_1 : vector<16xi1>, vector<16xi32>
    %select_n3A_1415 = arith.select %ge3A_152, %select_n3A_1414, %broadcast_in_dim3A_1 : vector<16xi1>, vector<16xi32>
    %add3A_1416 = arith.addi %add3A_1410, %select_n3A_1415 : vector<16xi32>
    %add3A_1417 = arith.addi %add3A_1411, %select_n3A_1414 : vector<16xi32>
    %gather3A_1418 = tpu.vector_load_idx %arg10[%and3A_101] : memref<16xi32, #tpu.memory_space<vmem>>[vector<16xi32>], vector<16xi32>,
    %eq3A_1419 = arith.cmpi eq, %gather3A_1418, %get3A_1390 : vector<16xi32>
    %select_n3A_1420 = arith.select %eq3A_1419, %broadcast_in_dim3A_3, %broadcast_in_dim3A_1 : vector<16xi1>, vector<16xi32>
    %select_n3A_1421 = arith.select %ge3A_155, %select_n3A_1420, %broadcast_in_dim3A_1 : vector<16xi1>, vector<16xi32>
    %add3A_1422 = arith.addi %add3A_1416, %select_n3A_1421 : vector<16xi32>
    %add3A_1423 = arith.addi %add3A_1417, %select_n3A_1420 : vector<16xi32>
    %gather3A_1424 = tpu.vector_load_idx %arg10[%and3A_105] : memref<16xi32, #tpu.memory_space<vmem>>[vector<16xi32>], vector<16xi32>,
    %eq3A_1425 = arith.cmpi eq, %gather3A_1424, %get3A_1390 : vector<16xi32>
    %select_n3A_1426 = arith.select %eq3A_1425, %broadcast_in_dim3A_3, %broadcast_in_dim3A_1 : vector<16xi1>, vector<16xi32>
    %select_n3A_1427 = arith.select %ge3A_158, %select_n3A_1426, %broadcast_in_dim3A_1 : vector<16xi1>, vector<16xi32>
    %add3A_1428 = arith.addi %add3A_1422, %select_n3A_1427 : vector<16xi32>
    %add3A_1429 = arith.addi %add3A_1423, %select_n3A_1426 : vector<16xi32>
    %gather3A_1430 = tpu.vector_load_idx %arg10[%and3A_109] : memref<16xi32, #tpu.memory_space<vmem>>[vector<16xi32>], vector<16xi32>,
    %eq3A_1431 = arith.cmpi eq, %gather3A_1430, %get3A_1390 : vector<16xi32>
    %select_n3A_1432 = arith.select %eq3A_1431, %broadcast_in_dim3A_3, %broadcast_in_dim3A_1 : vector<16xi1>, vector<16xi32>
    %select_n3A_1433 = arith.select %ge3A_161, %select_n3A_1432, %broadcast_in_dim3A_1 : vector<16xi1>, vector<16xi32>
    %add3A_1434 = arith.addi %add3A_1428, %select_n3A_1433 : vector<16xi32>
    %add3A_1435 = arith.addi %add3A_1429, %select_n3A_1432 : vector<16xi32>
    %gather3A_1436 = tpu.vector_load_idx %arg10[%and3A_113] : memref<16xi32, #tpu.memory_space<vmem>>[vector<16xi32>], vector<16xi32>,
    %eq3A_1437 = arith.cmpi eq, %gather3A_1436, %get3A_1390 : vector<16xi32>
    %select_n3A_1438 = arith.select %eq3A_1437, %broadcast_in_dim3A_3, %broadcast_in_dim3A_1 : vector<16xi1>, vector<16xi32>
    %select_n3A_1439 = arith.select %ge3A_164, %select_n3A_1438, %broadcast_in_dim3A_1 : vector<16xi1>, vector<16xi32>
    %add3A_1440 = arith.addi %add3A_1434, %select_n3A_1439 : vector<16xi32>
    %add3A_1441 = arith.addi %add3A_1435, %select_n3A_1438 : vector<16xi32>
    %gather3A_1442 = tpu.vector_load_idx %arg10[%and3A_117] : memref<16xi32, #tpu.memory_space<vmem>>[vector<16xi32>], vector<16xi32>,
    %eq3A_1443 = arith.cmpi eq, %gather3A_1442, %get3A_1390 : vector<16xi32>
    %select_n3A_1444 = arith.select %eq3A_1443, %broadcast_in_dim3A_3, %broadcast_in_dim3A_1 : vector<16xi1>, vector<16xi32>
    %select_n3A_1445 = arith.select %ge3A_167, %select_n3A_1444, %broadcast_in_dim3A_1 : vector<16xi1>, vector<16xi32>
    %add3A_1446 = arith.addi %add3A_1440, %select_n3A_1445 : vector<16xi32>
    %add3A_1447 = arith.addi %add3A_1441, %select_n3A_1444 : vector<16xi32>
    %gather3A_1448 = tpu.vector_load_idx %arg10[%and3A_121] : memref<16xi32, #tpu.memory_space<vmem>>[vector<16xi32>], vector<16xi32>,
    %eq3A_1449 = arith.cmpi eq, %gather3A_1448, %get3A_1390 : vector<16xi32>
    %select_n3A_1450 = arith.select %eq3A_1449, %broadcast_in_dim3A_3, %broadcast_in_dim3A_1 : vector<16xi1>, vector<16xi32>
    %select_n3A_1451 = arith.select %ge3A_170, %select_n3A_1450, %broadcast_in_dim3A_1 : vector<16xi1>, vector<16xi32>
    %add3A_1452 = arith.addi %add3A_1446, %select_n3A_1451 : vector<16xi32>
    %add3A_1453 = arith.addi %add3A_1447, %select_n3A_1450 : vector<16xi32>
    %gather3A_1454 = tpu.vector_load_idx %arg10[%and3A_125] : memref<16xi32, #tpu.memory_space<vmem>>[vector<16xi32>], vector<16xi32>,
    %eq3A_1455 = arith.cmpi eq, %gather3A_1454, %get3A_1390 : vector<16xi32>
    %select_n3A_1456 = arith.select %eq3A_1455, %broadcast_in_dim3A_3, %broadcast_in_dim3A_1 : vector<16xi1>, vector<16xi32>
    %select_n3A_1457 = arith.select %ge3A_173, %select_n3A_1456, %broadcast_in_dim3A_1 : vector<16xi1>, vector<16xi32>
    %add3A_1458 = arith.addi %add3A_1452, %select_n3A_1457 : vector<16xi32>
    %add3A_1459 = arith.addi %add3A_1453, %select_n3A_1456 : vector<16xi32>
    %gather3A_1460 = tpu.vector_load_idx %arg10[%and3A_129] : memref<16xi32, #tpu.memory_space<vmem>>[vector<16xi32>], vector<16xi32>,
    %eq3A_1461 = arith.cmpi eq, %gather3A_1460, %get3A_1390 : vector<16xi32>
    %select_n3A_1462 = arith.select %eq3A_1461, %broadcast_in_dim3A_3, %broadcast_in_dim3A_1 : vector<16xi1>, vector<16xi32>
    %select_n3A_1463 = arith.select %ge3A_176, %select_n3A_1462, %broadcast_in_dim3A_1 : vector<16xi1>, vector<16xi32>
    %add3A_1464 = arith.addi %add3A_1458, %select_n3A_1463 : vector<16xi32>
    %add3A_1465 = arith.addi %add3A_1459, %select_n3A_1462 : vector<16xi32>
    %gather3A_1466 = tpu.vector_load_idx %arg10[%and3A_133] : memref<16xi32, #tpu.memory_space<vmem>>[vector<16xi32>], vector<16xi32>,
    %eq3A_1467 = arith.cmpi eq, %gather3A_1466, %get3A_1390 : vector<16xi32>
    %select_n3A_1468 = arith.select %eq3A_1467, %broadcast_in_dim3A_3, %broadcast_in_dim3A_1 : vector<16xi1>, vector<16xi32>
    %select_n3A_1469 = arith.select %ge3A_179, %select_n3A_1468, %broadcast_in_dim3A_1 : vector<16xi1>, vector<16xi32>
    %add3A_1470 = arith.addi %add3A_1464, %select_n3A_1469 : vector<16xi32>
    %add3A_1471 = arith.addi %add3A_1465, %select_n3A_1468 : vector<16xi32>
    %gather3A_1472 = tpu.vector_load_idx %arg10[%and3A_137] : memref<16xi32, #tpu.memory_space<vmem>>[vector<16xi32>], vector<16xi32>,
    %eq3A_1473 = arith.cmpi eq, %gather3A_1472, %get3A_1390 : vector<16xi32>
    %select_n3A_1474 = arith.select %eq3A_1473, %broadcast_in_dim3A_3, %broadcast_in_dim3A_1 : vector<16xi1>, vector<16xi32>
    %select_n3A_1475 = arith.select %ge3A_182, %select_n3A_1474, %broadcast_in_dim3A_1 : vector<16xi1>, vector<16xi32>
    %add3A_1476 = arith.addi %add3A_1470, %select_n3A_1475 : vector<16xi32>
    %add3A_1477 = arith.addi %add3A_1471, %select_n3A_1474 : vector<16xi32>
    %gather3A_1478 = tpu.vector_load_idx %arg10[%and3A_141] : memref<16xi32, #tpu.memory_space<vmem>>[vector<16xi32>], vector<16xi32>,
    %eq3A_1479 = arith.cmpi eq, %gather3A_1478, %get3A_1390 : vector<16xi32>
    %select_n3A_1480 = arith.select %eq3A_1479, %broadcast_in_dim3A_3, %broadcast_in_dim3A_1 : vector<16xi1>, vector<16xi32>
    %select_n3A_1481 = arith.select %ge3A_185, %select_n3A_1480, %broadcast_in_dim3A_1 : vector<16xi1>, vector<16xi32>
    %add3A_1482 = arith.addi %add3A_1476, %select_n3A_1481 : vector<16xi32>
    %add3A_1483 = arith.addi %add3A_1477, %select_n3A_1480 : vector<16xi32>
    %add3A_1484 = arith.addi %gather3A_1391, %add3A_1482 : vector<16xi32>
    %add3A_1485 = arith.addi %gather3A_1391, %add3A_1483 : vector<16xi32>
    tpu.vector_store_idx %arg11[%get3A_1390], %add3A_1485 : memref<16xi32, #tpu.memory_space<vmem>>[vector<16xi32>], vector<16xi32>,
    %swap3A_1486 = arith.constant 16 : index
    %swap3A_1487 = tpu.vector_load %arg7[%swap3A_1486] {strides = array<i32>} : memref<256xi32, #tpu.memory_space<vmem>>, vector<16xi32>,
    tpu.vector_store %arg7[%swap3A_1486], %add3A_1484 {strides = array<i32>} : memref<256xi32, #tpu.memory_space<vmem>>, vector<16xi32>,
    %swap3A_1488 = arith.constant 0 : i32
    %swap3A_1489 = arith.index_cast %swap3A_1488 : i32 to index
    %swap3A_1490 = arith.constant 16 : index
    %swap3A_1491 = tpu.vector_load %arg8[%swap3A_1489, %swap3A_1490] {strides = array<i32>} : memref<2x128xi32, #tpu.memory_space<vmem>>, vector<16xi32>,
    tpu.vector_store %arg8[%swap3A_1489, %swap3A_1490], %add3A_1484 {strides = array<i32>} : memref<2x128xi32, #tpu.memory_space<vmem>>, vector<16xi32>,
    %broadcast_in_dim3A_1492 = arith.constant 256 : i32
    %broadcast_in_dim3A_1493 = vector.broadcast %broadcast_in_dim3A_1492 : i32 to vector<16xi32>
    %mul3A_1494 = arith.muli %get3A_83, %broadcast_in_dim3A_1493 : vector<16xi32>
    %broadcast_in_dim3A_1495 = arith.constant 16 : i32
    %broadcast_in_dim3A_1496 = vector.broadcast %broadcast_in_dim3A_1495 : i32 to vector<16xi32>
    %add3A_1497 = arith.addi %mul3A_1494, %broadcast_in_dim3A_1496 : vector<16xi32>
    %add3A_1498 = arith.addi %add3A_1497, %iota3A : vector<16xi32>
    %shift_right_logical3A_1499 = arith.shrui %add3A_1498, %broadcast_in_dim3A_3 : vector<16xi32>
    %broadcast_in_dim3A_1500 = arith.constant 0 : i32
    %broadcast_in_dim3A_1501 = vector.broadcast %broadcast_in_dim3A_1500 : i32 to vector<16xi32>
    %add3A_1502 = arith.addi %shift_right_logical3A_1499, %broadcast_in_dim3A_1501 : vector<16xi32>
    %swap3A_1503 = arith.constant 0 : i32
    %swap3A_1504 = arith.index_cast %swap3A_1503 : i32 to index
    %swap3A_1505 = arith.constant 16 : index
    %swap3A_1506 = tpu.vector_load %arg9[%swap3A_1504, %swap3A_1505] {strides = array<i32>} : memref<2x128xi32, #tpu.memory_space<vmem>>, vector<16xi32>,
    tpu.vector_store %arg9[%swap3A_1504, %swap3A_1505], %add3A_1502 {strides = array<i32>} : memref<2x128xi32, #tpu.memory_space<vmem>>, vector<16xi32>,
    %get3A_1507 = arith.constant 32 : index
    %get3A_1508 = tpu.vector_load %arg6[%get3A_1507] {strides = array<i32>} : memref<256xi32, #tpu.memory_space<vmem>>, vector<16xi32>,
    %gather3A_1509 = tpu.vector_load_idx %arg11[%get3A_1508] : memref<16xi32, #tpu.memory_space<vmem>>[vector<16xi32>], vector<16xi32>,
    %swap3A_1510 = arith.constant 0 : index
    %swap3A_1511 = tpu.vector_load %arg10[%swap3A_1510] {strides = array<i32>} : memref<16xi32, #tpu.memory_space<vmem>>, vector<16xi32>,
    tpu.vector_store %arg10[%swap3A_1510], %get3A_1508 {strides = array<i32>} : memref<16xi32, #tpu.memory_space<vmem>>, vector<16xi32>,
    %gather3A_1512 = tpu.vector_load_idx %arg10[%and3A] : memref<16xi32, #tpu.memory_space<vmem>>[vector<16xi32>], vector<16xi32>,
    %eq3A_1513 = arith.cmpi eq, %gather3A_1512, %get3A_1508 : vector<16xi32>
    %select_n3A_1514 = arith.select %eq3A_1513, %broadcast_in_dim3A_3, %broadcast_in_dim3A_1 : vector<16xi1>, vector<16xi32>
    %select_n3A_1515 = arith.select %ge3A, %select_n3A_1514, %broadcast_in_dim3A_1 : vector<16xi1>, vector<16xi32>
    %add3A_1516 = arith.addi %broadcast_in_dim3A_1, %select_n3A_1515 : vector<16xi32>
    %add3A_1517 = arith.addi %broadcast_in_dim3A_3, %select_n3A_1514 : vector<16xi32>
    %gather3A_1518 = tpu.vector_load_idx %arg10[%and3A_89] : memref<16xi32, #tpu.memory_space<vmem>>[vector<16xi32>], vector<16xi32>,
    %eq3A_1519 = arith.cmpi eq, %gather3A_1518, %get3A_1508 : vector<16xi32>
    %select_n3A_1520 = arith.select %eq3A_1519, %broadcast_in_dim3A_3, %broadcast_in_dim3A_1 : vector<16xi1>, vector<16xi32>
    %select_n3A_1521 = arith.select %ge3A_146, %select_n3A_1520, %broadcast_in_dim3A_1 : vector<16xi1>, vector<16xi32>
    %add3A_1522 = arith.addi %add3A_1516, %select_n3A_1521 : vector<16xi32>
    %add3A_1523 = arith.addi %add3A_1517, %select_n3A_1520 : vector<16xi32>
    %gather3A_1524 = tpu.vector_load_idx %arg10[%and3A_93] : memref<16xi32, #tpu.memory_space<vmem>>[vector<16xi32>], vector<16xi32>,
    %eq3A_1525 = arith.cmpi eq, %gather3A_1524, %get3A_1508 : vector<16xi32>
    %select_n3A_1526 = arith.select %eq3A_1525, %broadcast_in_dim3A_3, %broadcast_in_dim3A_1 : vector<16xi1>, vector<16xi32>
    %select_n3A_1527 = arith.select %ge3A_149, %select_n3A_1526, %broadcast_in_dim3A_1 : vector<16xi1>, vector<16xi32>
    %add3A_1528 = arith.addi %add3A_1522, %select_n3A_1527 : vector<16xi32>
    %add3A_1529 = arith.addi %add3A_1523, %select_n3A_1526 : vector<16xi32>
    %gather3A_1530 = tpu.vector_load_idx %arg10[%and3A_97] : memref<16xi32, #tpu.memory_space<vmem>>[vector<16xi32>], vector<16xi32>,
    %eq3A_1531 = arith.cmpi eq, %gather3A_1530, %get3A_1508 : vector<16xi32>
    %select_n3A_1532 = arith.select %eq3A_1531, %broadcast_in_dim3A_3, %broadcast_in_dim3A_1 : vector<16xi1>, vector<16xi32>
    %select_n3A_1533 = arith.select %ge3A_152, %select_n3A_1532, %broadcast_in_dim3A_1 : vector<16xi1>, vector<16xi32>
    %add3A_1534 = arith.addi %add3A_1528, %select_n3A_1533 : vector<16xi32>
    %add3A_1535 = arith.addi %add3A_1529, %select_n3A_1532 : vector<16xi32>
    %gather3A_1536 = tpu.vector_load_idx %arg10[%and3A_101] : memref<16xi32, #tpu.memory_space<vmem>>[vector<16xi32>], vector<16xi32>,
    %eq3A_1537 = arith.cmpi eq, %gather3A_1536, %get3A_1508 : vector<16xi32>
    %select_n3A_1538 = arith.select %eq3A_1537, %broadcast_in_dim3A_3, %broadcast_in_dim3A_1 : vector<16xi1>, vector<16xi32>
    %select_n3A_1539 = arith.select %ge3A_155, %select_n3A_1538, %broadcast_in_dim3A_1 : vector<16xi1>, vector<16xi32>
    %add3A_1540 = arith.addi %add3A_1534, %select_n3A_1539 : vector<16xi32>
    %add3A_1541 = arith.addi %add3A_1535, %select_n3A_1538 : vector<16xi32>
    %gather3A_1542 = tpu.vector_load_idx %arg10[%and3A_105] : memref<16xi32, #tpu.memory_space<vmem>>[vector<16xi32>], vector<16xi32>,
    %eq3A_1543 = arith.cmpi eq, %gather3A_1542, %get3A_1508 : vector<16xi32>
    %select_n3A_1544 = arith.select %eq3A_1543, %broadcast_in_dim3A_3, %broadcast_in_dim3A_1 : vector<16xi1>, vector<16xi32>
    %select_n3A_1545 = arith.select %ge3A_158, %select_n3A_1544, %broadcast_in_dim3A_1 : vector<16xi1>, vector<16xi32>
    %add3A_1546 = arith.addi %add3A_1540, %select_n3A_1545 : vector<16xi32>
    %add3A_1547 = arith.addi %add3A_1541, %select_n3A_1544 : vector<16xi32>
    %gather3A_1548 = tpu.vector_load_idx %arg10[%and3A_109] : memref<16xi32, #tpu.memory_space<vmem>>[vector<16xi32>], vector<16xi32>,
    %eq3A_1549 = arith.cmpi eq, %gather3A_1548, %get3A_1508 : vector<16xi32>
    %select_n3A_1550 = arith.select %eq3A_1549, %broadcast_in_dim3A_3, %broadcast_in_dim3A_1 : vector<16xi1>, vector<16xi32>
    %select_n3A_1551 = arith.select %ge3A_161, %select_n3A_1550, %broadcast_in_dim3A_1 : vector<16xi1>, vector<16xi32>
    %add3A_1552 = arith.addi %add3A_1546, %select_n3A_1551 : vector<16xi32>
    %add3A_1553 = arith.addi %add3A_1547, %select_n3A_1550 : vector<16xi32>
    %gather3A_1554 = tpu.vector_load_idx %arg10[%and3A_113] : memref<16xi32, #tpu.memory_space<vmem>>[vector<16xi32>], vector<16xi32>,
    %eq3A_1555 = arith.cmpi eq, %gather3A_1554, %get3A_1508 : vector<16xi32>
    %select_n3A_1556 = arith.select %eq3A_1555, %broadcast_in_dim3A_3, %broadcast_in_dim3A_1 : vector<16xi1>, vector<16xi32>
    %select_n3A_1557 = arith.select %ge3A_164, %select_n3A_1556, %broadcast_in_dim3A_1 : vector<16xi1>, vector<16xi32>
    %add3A_1558 = arith.addi %add3A_1552, %select_n3A_1557 : vector<16xi32>
    %add3A_1559 = arith.addi %add3A_1553, %select_n3A_1556 : vector<16xi32>
    %gather3A_1560 = tpu.vector_load_idx %arg10[%and3A_117] : memref<16xi32, #tpu.memory_space<vmem>>[vector<16xi32>], vector<16xi32>,
    %eq3A_1561 = arith.cmpi eq, %gather3A_1560, %get3A_1508 : vector<16xi32>
    %select_n3A_1562 = arith.select %eq3A_1561, %broadcast_in_dim3A_3, %broadcast_in_dim3A_1 : vector<16xi1>, vector<16xi32>
    %select_n3A_1563 = arith.select %ge3A_167, %select_n3A_1562, %broadcast_in_dim3A_1 : vector<16xi1>, vector<16xi32>
    %add3A_1564 = arith.addi %add3A_1558, %select_n3A_1563 : vector<16xi32>
    %add3A_1565 = arith.addi %add3A_1559, %select_n3A_1562 : vector<16xi32>
    %gather3A_1566 = tpu.vector_load_idx %arg10[%and3A_121] : memref<16xi32, #tpu.memory_space<vmem>>[vector<16xi32>], vector<16xi32>,
    %eq3A_1567 = arith.cmpi eq, %gather3A_1566, %get3A_1508 : vector<16xi32>
    %select_n3A_1568 = arith.select %eq3A_1567, %broadcast_in_dim3A_3, %broadcast_in_dim3A_1 : vector<16xi1>, vector<16xi32>
    %select_n3A_1569 = arith.select %ge3A_170, %select_n3A_1568, %broadcast_in_dim3A_1 : vector<16xi1>, vector<16xi32>
    %add3A_1570 = arith.addi %add3A_1564, %select_n3A_1569 : vector<16xi32>
    %add3A_1571 = arith.addi %add3A_1565, %select_n3A_1568 : vector<16xi32>
    %gather3A_1572 = tpu.vector_load_idx %arg10[%and3A_125] : memref<16xi32, #tpu.memory_space<vmem>>[vector<16xi32>], vector<16xi32>,
    %eq3A_1573 = arith.cmpi eq, %gather3A_1572, %get3A_1508 : vector<16xi32>
    %select_n3A_1574 = arith.select %eq3A_1573, %broadcast_in_dim3A_3, %broadcast_in_dim3A_1 : vector<16xi1>, vector<16xi32>
    %select_n3A_1575 = arith.select %ge3A_173, %select_n3A_1574, %broadcast_in_dim3A_1 : vector<16xi1>, vector<16xi32>
    %add3A_1576 = arith.addi %add3A_1570, %select_n3A_1575 : vector<16xi32>
    %add3A_1577 = arith.addi %add3A_1571, %select_n3A_1574 : vector<16xi32>
    %gather3A_1578 = tpu.vector_load_idx %arg10[%and3A_129] : memref<16xi32, #tpu.memory_space<vmem>>[vector<16xi32>], vector<16xi32>,
    %eq3A_1579 = arith.cmpi eq, %gather3A_1578, %get3A_1508 : vector<16xi32>
    %select_n3A_1580 = arith.select %eq3A_1579, %broadcast_in_dim3A_3, %broadcast_in_dim3A_1 : vector<16xi1>, vector<16xi32>
    %select_n3A_1581 = arith.select %ge3A_176, %select_n3A_1580, %broadcast_in_dim3A_1 : vector<16xi1>, vector<16xi32>
    %add3A_1582 = arith.addi %add3A_1576, %select_n3A_1581 : vector<16xi32>
    %add3A_1583 = arith.addi %add3A_1577, %select_n3A_1580 : vector<16xi32>
    %gather3A_1584 = tpu.vector_load_idx %arg10[%and3A_133] : memref<16xi32, #tpu.memory_space<vmem>>[vector<16xi32>], vector<16xi32>,
    %eq3A_1585 = arith.cmpi eq, %gather3A_1584, %get3A_1508 : vector<16xi32>
    %select_n3A_1586 = arith.select %eq3A_1585, %broadcast_in_dim3A_3, %broadcast_in_dim3A_1 : vector<16xi1>, vector<16xi32>
    %select_n3A_1587 = arith.select %ge3A_179, %select_n3A_1586, %broadcast_in_dim3A_1 : vector<16xi1>, vector<16xi32>
    %add3A_1588 = arith.addi %add3A_1582, %select_n3A_1587 : vector<16xi32>
    %add3A_1589 = arith.addi %add3A_1583, %select_n3A_1586 : vector<16xi32>
    %gather3A_1590 = tpu.vector_load_idx %arg10[%and3A_137] : memref<16xi32, #tpu.memory_space<vmem>>[vector<16xi32>], vector<16xi32>,
    %eq3A_1591 = arith.cmpi eq, %gather3A_1590, %get3A_1508 : vector<16xi32>
    %select_n3A_1592 = arith.select %eq3A_1591, %broadcast_in_dim3A_3, %broadcast_in_dim3A_1 : vector<16xi1>, vector<16xi32>
    %select_n3A_1593 = arith.select %ge3A_182, %select_n3A_1592, %broadcast_in_dim3A_1 : vector<16xi1>, vector<16xi32>
    %add3A_1594 = arith.addi %add3A_1588, %select_n3A_1593 : vector<16xi32>
    %add3A_1595 = arith.addi %add3A_1589, %select_n3A_1592 : vector<16xi32>
    %gather3A_1596 = tpu.vector_load_idx %arg10[%and3A_141] : memref<16xi32, #tpu.memory_space<vmem>>[vector<16xi32>], vector<16xi32>,
    %eq3A_1597 = arith.cmpi eq, %gather3A_1596, %get3A_1508 : vector<16xi32>
    %select_n3A_1598 = arith.select %eq3A_1597, %broadcast_in_dim3A_3, %broadcast_in_dim3A_1 : vector<16xi1>, vector<16xi32>
    %select_n3A_1599 = arith.select %ge3A_185, %select_n3A_1598, %broadcast_in_dim3A_1 : vector<16xi1>, vector<16xi32>
    %add3A_1600 = arith.addi %add3A_1594, %select_n3A_1599 : vector<16xi32>
    %add3A_1601 = arith.addi %add3A_1595, %select_n3A_1598 : vector<16xi32>
    %add3A_1602 = arith.addi %gather3A_1509, %add3A_1600 : vector<16xi32>
    %add3A_1603 = arith.addi %gather3A_1509, %add3A_1601 : vector<16xi32>
    tpu.vector_store_idx %arg11[%get3A_1508], %add3A_1603 : memref<16xi32, #tpu.memory_space<vmem>>[vector<16xi32>], vector<16xi32>,
    %swap3A_1604 = arith.constant 32 : index
    %swap3A_1605 = tpu.vector_load %arg7[%swap3A_1604] {strides = array<i32>} : memref<256xi32, #tpu.memory_space<vmem>>, vector<16xi32>,
    tpu.vector_store %arg7[%swap3A_1604], %add3A_1602 {strides = array<i32>} : memref<256xi32, #tpu.memory_space<vmem>>, vector<16xi32>,
    %swap3A_1606 = arith.constant 0 : i32
    %swap3A_1607 = arith.index_cast %swap3A_1606 : i32 to index
    %swap3A_1608 = arith.constant 32 : index
    %swap3A_1609 = tpu.vector_load %arg8[%swap3A_1607, %swap3A_1608] {strides = array<i32>} : memref<2x128xi32, #tpu.memory_space<vmem>>, vector<16xi32>,
    tpu.vector_store %arg8[%swap3A_1607, %swap3A_1608], %add3A_1602 {strides = array<i32>} : memref<2x128xi32, #tpu.memory_space<vmem>>, vector<16xi32>,
    %broadcast_in_dim3A_1610 = arith.constant 256 : i32
    %broadcast_in_dim3A_1611 = vector.broadcast %broadcast_in_dim3A_1610 : i32 to vector<16xi32>
    %mul3A_1612 = arith.muli %get3A_83, %broadcast_in_dim3A_1611 : vector<16xi32>
    %broadcast_in_dim3A_1613 = arith.constant 32 : i32
    %broadcast_in_dim3A_1614 = vector.broadcast %broadcast_in_dim3A_1613 : i32 to vector<16xi32>
    %add3A_1615 = arith.addi %mul3A_1612, %broadcast_in_dim3A_1614 : vector<16xi32>
    %add3A_1616 = arith.addi %add3A_1615, %iota3A : vector<16xi32>
    %shift_right_logical3A_1617 = arith.shrui %add3A_1616, %broadcast_in_dim3A_3 : vector<16xi32>
    %broadcast_in_dim3A_1618 = arith.constant 0 : i32
    %broadcast_in_dim3A_1619 = vector.broadcast %broadcast_in_dim3A_1618 : i32 to vector<16xi32>
    %add3A_1620 = arith.addi %shift_right_logical3A_1617, %broadcast_in_dim3A_1619 : vector<16xi32>
    %swap3A_1621 = arith.constant 0 : i32
    %swap3A_1622 = arith.index_cast %swap3A_1621 : i32 to index
    %swap3A_1623 = arith.constant 32 : index
    %swap3A_1624 = tpu.vector_load %arg9[%swap3A_1622, %swap3A_1623] {strides = array<i32>} : memref<2x128xi32, #tpu.memory_space<vmem>>, vector<16xi32>,
    tpu.vector_store %arg9[%swap3A_1622, %swap3A_1623], %add3A_1620 {strides = array<i32>} : memref<2x128xi32, #tpu.memory_space<vmem>>, vector<16xi32>,
    %get3A_1625 = arith.constant 48 : index
    %get3A_1626 = tpu.vector_load %arg6[%get3A_1625] {strides = array<i32>} : memref<256xi32, #tpu.memory_space<vmem>>, vector<16xi32>,
    %gather3A_1627 = tpu.vector_load_idx %arg11[%get3A_1626] : memref<16xi32, #tpu.memory_space<vmem>>[vector<16xi32>], vector<16xi32>,
    %swap3A_1628 = arith.constant 0 : index
    %swap3A_1629 = tpu.vector_load %arg10[%swap3A_1628] {strides = array<i32>} : memref<16xi32, #tpu.memory_space<vmem>>, vector<16xi32>,
    tpu.vector_store %arg10[%swap3A_1628], %get3A_1626 {strides = array<i32>} : memref<16xi32, #tpu.memory_space<vmem>>, vector<16xi32>,
    %gather3A_1630 = tpu.vector_load_idx %arg10[%and3A] : memref<16xi32, #tpu.memory_space<vmem>>[vector<16xi32>], vector<16xi32>,
    %eq3A_1631 = arith.cmpi eq, %gather3A_1630, %get3A_1626 : vector<16xi32>
    %select_n3A_1632 = arith.select %eq3A_1631, %broadcast_in_dim3A_3, %broadcast_in_dim3A_1 : vector<16xi1>, vector<16xi32>
    %select_n3A_1633 = arith.select %ge3A, %select_n3A_1632, %broadcast_in_dim3A_1 : vector<16xi1>, vector<16xi32>
    %add3A_1634 = arith.addi %broadcast_in_dim3A_1, %select_n3A_1633 : vector<16xi32>
    %add3A_1635 = arith.addi %broadcast_in_dim3A_3, %select_n3A_1632 : vector<16xi32>
    %gather3A_1636 = tpu.vector_load_idx %arg10[%and3A_89] : memref<16xi32, #tpu.memory_space<vmem>>[vector<16xi32>], vector<16xi32>,
    %eq3A_1637 = arith.cmpi eq, %gather3A_1636, %get3A_1626 : vector<16xi32>
    %select_n3A_1638 = arith.select %eq3A_1637, %broadcast_in_dim3A_3, %broadcast_in_dim3A_1 : vector<16xi1>, vector<16xi32>
    %select_n3A_1639 = arith.select %ge3A_146, %select_n3A_1638, %broadcast_in_dim3A_1 : vector<16xi1>, vector<16xi32>
    %add3A_1640 = arith.addi %add3A_1634, %select_n3A_1639 : vector<16xi32>
    %add3A_1641 = arith.addi %add3A_1635, %select_n3A_1638 : vector<16xi32>
    %gather3A_1642 = tpu.vector_load_idx %arg10[%and3A_93] : memref<16xi32, #tpu.memory_space<vmem>>[vector<16xi32>], vector<16xi32>,
    %eq3A_1643 = arith.cmpi eq, %gather3A_1642, %get3A_1626 : vector<16xi32>
    %select_n3A_1644 = arith.select %eq3A_1643, %broadcast_in_dim3A_3, %broadcast_in_dim3A_1 : vector<16xi1>, vector<16xi32>
    %select_n3A_1645 = arith.select %ge3A_149, %select_n3A_1644, %broadcast_in_dim3A_1 : vector<16xi1>, vector<16xi32>
    %add3A_1646 = arith.addi %add3A_1640, %select_n3A_1645 : vector<16xi32>
    %add3A_1647 = arith.addi %add3A_1641, %select_n3A_1644 : vector<16xi32>
    %gather3A_1648 = tpu.vector_load_idx %arg10[%and3A_97] : memref<16xi32, #tpu.memory_space<vmem>>[vector<16xi32>], vector<16xi32>,
    %eq3A_1649 = arith.cmpi eq, %gather3A_1648, %get3A_1626 : vector<16xi32>
    %select_n3A_1650 = arith.select %eq3A_1649, %broadcast_in_dim3A_3, %broadcast_in_dim3A_1 : vector<16xi1>, vector<16xi32>
    %select_n3A_1651 = arith.select %ge3A_152, %select_n3A_1650, %broadcast_in_dim3A_1 : vector<16xi1>, vector<16xi32>
    %add3A_1652 = arith.addi %add3A_1646, %select_n3A_1651 : vector<16xi32>
    %add3A_1653 = arith.addi %add3A_1647, %select_n3A_1650 : vector<16xi32>
    %gather3A_1654 = tpu.vector_load_idx %arg10[%and3A_101] : memref<16xi32, #tpu.memory_space<vmem>>[vector<16xi32>], vector<16xi32>,
    %eq3A_1655 = arith.cmpi eq, %gather3A_1654, %get3A_1626 : vector<16xi32>
    %select_n3A_1656 = arith.select %eq3A_1655, %broadcast_in_dim3A_3, %broadcast_in_dim3A_1 : vector<16xi1>, vector<16xi32>
    %select_n3A_1657 = arith.select %ge3A_155, %select_n3A_1656, %broadcast_in_dim3A_1 : vector<16xi1>, vector<16xi32>
    %add3A_1658 = arith.addi %add3A_1652, %select_n3A_1657 : vector<16xi32>
    %add3A_1659 = arith.addi %add3A_1653, %select_n3A_1656 : vector<16xi32>
    %gather3A_1660 = tpu.vector_load_idx %arg10[%and3A_105] : memref<16xi32, #tpu.memory_space<vmem>>[vector<16xi32>], vector<16xi32>,
    %eq3A_1661 = arith.cmpi eq, %gather3A_1660, %get3A_1626 : vector<16xi32>
    %select_n3A_1662 = arith.select %eq3A_1661, %broadcast_in_dim3A_3, %broadcast_in_dim3A_1 : vector<16xi1>, vector<16xi32>
    %select_n3A_1663 = arith.select %ge3A_158, %select_n3A_1662, %broadcast_in_dim3A_1 : vector<16xi1>, vector<16xi32>
    %add3A_1664 = arith.addi %add3A_1658, %select_n3A_1663 : vector<16xi32>
    %add3A_1665 = arith.addi %add3A_1659, %select_n3A_1662 : vector<16xi32>
    %gather3A_1666 = tpu.vector_load_idx %arg10[%and3A_109] : memref<16xi32, #tpu.memory_space<vmem>>[vector<16xi32>], vector<16xi32>,
    %eq3A_1667 = arith.cmpi eq, %gather3A_1666, %get3A_1626 : vector<16xi32>
    %select_n3A_1668 = arith.select %eq3A_1667, %broadcast_in_dim3A_3, %broadcast_in_dim3A_1 : vector<16xi1>, vector<16xi32>
    %select_n3A_1669 = arith.select %ge3A_161, %select_n3A_1668, %broadcast_in_dim3A_1 : vector<16xi1>, vector<16xi32>
    %add3A_1670 = arith.addi %add3A_1664, %select_n3A_1669 : vector<16xi32>
    %add3A_1671 = arith.addi %add3A_1665, %select_n3A_1668 : vector<16xi32>
    %gather3A_1672 = tpu.vector_load_idx %arg10[%and3A_113] : memref<16xi32, #tpu.memory_space<vmem>>[vector<16xi32>], vector<16xi32>,
    %eq3A_1673 = arith.cmpi eq, %gather3A_1672, %get3A_1626 : vector<16xi32>
    %select_n3A_1674 = arith.select %eq3A_1673, %broadcast_in_dim3A_3, %broadcast_in_dim3A_1 : vector<16xi1>, vector<16xi32>
    %select_n3A_1675 = arith.select %ge3A_164, %select_n3A_1674, %broadcast_in_dim3A_1 : vector<16xi1>, vector<16xi32>
    %add3A_1676 = arith.addi %add3A_1670, %select_n3A_1675 : vector<16xi32>
    %add3A_1677 = arith.addi %add3A_1671, %select_n3A_1674 : vector<16xi32>
    %gather3A_1678 = tpu.vector_load_idx %arg10[%and3A_117] : memref<16xi32, #tpu.memory_space<vmem>>[vector<16xi32>], vector<16xi32>,
    %eq3A_1679 = arith.cmpi eq, %gather3A_1678, %get3A_1626 : vector<16xi32>
    %select_n3A_1680 = arith.select %eq3A_1679, %broadcast_in_dim3A_3, %broadcast_in_dim3A_1 : vector<16xi1>, vector<16xi32>
    %select_n3A_1681 = arith.select %ge3A_167, %select_n3A_1680, %broadcast_in_dim3A_1 : vector<16xi1>, vector<16xi32>
    %add3A_1682 = arith.addi %add3A_1676, %select_n3A_1681 : vector<16xi32>
    %add3A_1683 = arith.addi %add3A_1677, %select_n3A_1680 : vector<16xi32>
    %gather3A_1684 = tpu.vector_load_idx %arg10[%and3A_121] : memref<16xi32, #tpu.memory_space<vmem>>[vector<16xi32>], vector<16xi32>,
    %eq3A_1685 = arith.cmpi eq, %gather3A_1684, %get3A_1626 : vector<16xi32>
    %select_n3A_1686 = arith.select %eq3A_1685, %broadcast_in_dim3A_3, %broadcast_in_dim3A_1 : vector<16xi1>, vector<16xi32>
    %select_n3A_1687 = arith.select %ge3A_170, %select_n3A_1686, %broadcast_in_dim3A_1 : vector<16xi1>, vector<16xi32>
    %add3A_1688 = arith.addi %add3A_1682, %select_n3A_1687 : vector<16xi32>
    %add3A_1689 = arith.addi %add3A_1683, %select_n3A_1686 : vector<16xi32>
    %gather3A_1690 = tpu.vector_load_idx %arg10[%and3A_125] : memref<16xi32, #tpu.memory_space<vmem>>[vector<16xi32>], vector<16xi32>,
    %eq3A_1691 = arith.cmpi eq, %gather3A_1690, %get3A_1626 : vector<16xi32>
    %select_n3A_1692 = arith.select %eq3A_1691, %broadcast_in_dim3A_3, %broadcast_in_dim3A_1 : vector<16xi1>, vector<16xi32>
    %select_n3A_1693 = arith.select %ge3A_173, %select_n3A_1692, %broadcast_in_dim3A_1 : vector<16xi1>, vector<16xi32>
    %add3A_1694 = arith.addi %add3A_1688, %select_n3A_1693 : vector<16xi32>
    %add3A_1695 = arith.addi %add3A_1689, %select_n3A_1692 : vector<16xi32>
    %gather3A_1696 = tpu.vector_load_idx %arg10[%and3A_129] : memref<16xi32, #tpu.memory_space<vmem>>[vector<16xi32>], vector<16xi32>,
    %eq3A_1697 = arith.cmpi eq, %gather3A_1696, %get3A_1626 : vector<16xi32>
    %select_n3A_1698 = arith.select %eq3A_1697, %broadcast_in_dim3A_3, %broadcast_in_dim3A_1 : vector<16xi1>, vector<16xi32>
    %select_n3A_1699 = arith.select %ge3A_176, %select_n3A_1698, %broadcast_in_dim3A_1 : vector<16xi1>, vector<16xi32>
    %add3A_1700 = arith.addi %add3A_1694, %select_n3A_1699 : vector<16xi32>
    %add3A_1701 = arith.addi %add3A_1695, %select_n3A_1698 : vector<16xi32>
    %gather3A_1702 = tpu.vector_load_idx %arg10[%and3A_133] : memref<16xi32, #tpu.memory_space<vmem>>[vector<16xi32>], vector<16xi32>,
    %eq3A_1703 = arith.cmpi eq, %gather3A_1702, %get3A_1626 : vector<16xi32>
    %select_n3A_1704 = arith.select %eq3A_1703, %broadcast_in_dim3A_3, %broadcast_in_dim3A_1 : vector<16xi1>, vector<16xi32>
    %select_n3A_1705 = arith.select %ge3A_179, %select_n3A_1704, %broadcast_in_dim3A_1 : vector<16xi1>, vector<16xi32>
    %add3A_1706 = arith.addi %add3A_1700, %select_n3A_1705 : vector<16xi32>
    %add3A_1707 = arith.addi %add3A_1701, %select_n3A_1704 : vector<16xi32>
    %gather3A_1708 = tpu.vector_load_idx %arg10[%and3A_137] : memref<16xi32, #tpu.memory_space<vmem>>[vector<16xi32>], vector<16xi32>,
    %eq3A_1709 = arith.cmpi eq, %gather3A_1708, %get3A_1626 : vector<16xi32>
    %select_n3A_1710 = arith.select %eq3A_1709, %broadcast_in_dim3A_3, %broadcast_in_dim3A_1 : vector<16xi1>, vector<16xi32>
    %select_n3A_1711 = arith.select %ge3A_182, %select_n3A_1710, %broadcast_in_dim3A_1 : vector<16xi1>, vector<16xi32>
    %add3A_1712 = arith.addi %add3A_1706, %select_n3A_1711 : vector<16xi32>
    %add3A_1713 = arith.addi %add3A_1707, %select_n3A_1710 : vector<16xi32>
    %gather3A_1714 = tpu.vector_load_idx %arg10[%and3A_141] : memref<16xi32, #tpu.memory_space<vmem>>[vector<16xi32>], vector<16xi32>,
    %eq3A_1715 = arith.cmpi eq, %gather3A_1714, %get3A_1626 : vector<16xi32>
    %select_n3A_1716 = arith.select %eq3A_1715, %broadcast_in_dim3A_3, %broadcast_in_dim3A_1 : vector<16xi1>, vector<16xi32>
    %select_n3A_1717 = arith.select %ge3A_185, %select_n3A_1716, %broadcast_in_dim3A_1 : vector<16xi1>, vector<16xi32>
    %add3A_1718 = arith.addi %add3A_1712, %select_n3A_1717 : vector<16xi32>
    %add3A_1719 = arith.addi %add3A_1713, %select_n3A_1716 : vector<16xi32>
    %add3A_1720 = arith.addi %gather3A_1627, %add3A_1718 : vector<16xi32>
    %add3A_1721 = arith.addi %gather3A_1627, %add3A_1719 : vector<16xi32>
    tpu.vector_store_idx %arg11[%get3A_1626], %add3A_1721 : memref<16xi32, #tpu.memory_space<vmem>>[vector<16xi32>], vector<16xi32>,
    %swap3A_1722 = arith.constant 48 : index
    %swap3A_1723 = tpu.vector_load %arg7[%swap3A_1722] {strides = array<i32>} : memref<256xi32, #tpu.memory_space<vmem>>, vector<16xi32>,
    tpu.vector_store %arg7[%swap3A_1722], %add3A_1720 {strides = array<i32>} : memref<256xi32, #tpu.memory_space<vmem>>, vector<16xi32>,
    %swap3A_1724 = arith.constant 0 : i32
    %swap3A_1725 = arith.index_cast %swap3A_1724 : i32 to index
    %swap3A_1726 = arith.constant 48 : index
    %swap3A_1727 = tpu.vector_load %arg8[%swap3A_1725, %swap3A_1726] {strides = array<i32>} : memref<2x128xi32, #tpu.memory_space<vmem>>, vector<16xi32>,
    tpu.vector_store %arg8[%swap3A_1725, %swap3A_1726], %add3A_1720 {strides = array<i32>} : memref<2x128xi32, #tpu.memory_space<vmem>>, vector<16xi32>,
    %broadcast_in_dim3A_1728 = arith.constant 256 : i32
    %broadcast_in_dim3A_1729 = vector.broadcast %broadcast_in_dim3A_1728 : i32 to vector<16xi32>
    %mul3A_1730 = arith.muli %get3A_83, %broadcast_in_dim3A_1729 : vector<16xi32>
    %broadcast_in_dim3A_1731 = arith.constant 48 : i32
    %broadcast_in_dim3A_1732 = vector.broadcast %broadcast_in_dim3A_1731 : i32 to vector<16xi32>
    %add3A_1733 = arith.addi %mul3A_1730, %broadcast_in_dim3A_1732 : vector<16xi32>
    %add3A_1734 = arith.addi %add3A_1733, %iota3A : vector<16xi32>
    %shift_right_logical3A_1735 = arith.shrui %add3A_1734, %broadcast_in_dim3A_3 : vector<16xi32>
    %broadcast_in_dim3A_1736 = arith.constant 0 : i32
    %broadcast_in_dim3A_1737 = vector.broadcast %broadcast_in_dim3A_1736 : i32 to vector<16xi32>
    %add3A_1738 = arith.addi %shift_right_logical3A_1735, %broadcast_in_dim3A_1737 : vector<16xi32>
    %swap3A_1739 = arith.constant 0 : i32
    %swap3A_1740 = arith.index_cast %swap3A_1739 : i32 to index
    %swap3A_1741 = arith.constant 48 : index
    %swap3A_1742 = tpu.vector_load %arg9[%swap3A_1740, %swap3A_1741] {strides = array<i32>} : memref<2x128xi32, #tpu.memory_space<vmem>>, vector<16xi32>,
    tpu.vector_store %arg9[%swap3A_1740, %swap3A_1741], %add3A_1738 {strides = array<i32>} : memref<2x128xi32, #tpu.memory_space<vmem>>, vector<16xi32>,
    %get3A_1743 = arith.constant 64 : index
    %get3A_1744 = tpu.vector_load %arg6[%get3A_1743] {strides = array<i32>} : memref<256xi32, #tpu.memory_space<vmem>>, vector<16xi32>,
    %gather3A_1745 = tpu.vector_load_idx %arg11[%get3A_1744] : memref<16xi32, #tpu.memory_space<vmem>>[vector<16xi32>], vector<16xi32>,
    %swap3A_1746 = arith.constant 0 : index
    %swap3A_1747 = tpu.vector_load %arg10[%swap3A_1746] {strides = array<i32>} : memref<16xi32, #tpu.memory_space<vmem>>, vector<16xi32>,
    tpu.vector_store %arg10[%swap3A_1746], %get3A_1744 {strides = array<i32>} : memref<16xi32, #tpu.memory_space<vmem>>, vector<16xi32>,
    %gather3A_1748 = tpu.vector_load_idx %arg10[%and3A] : memref<16xi32, #tpu.memory_space<vmem>>[vector<16xi32>], vector<16xi32>,
    %eq3A_1749 = arith.cmpi eq, %gather3A_1748, %get3A_1744 : vector<16xi32>
    %select_n3A_1750 = arith.select %eq3A_1749, %broadcast_in_dim3A_3, %broadcast_in_dim3A_1 : vector<16xi1>, vector<16xi32>
    %select_n3A_1751 = arith.select %ge3A, %select_n3A_1750, %broadcast_in_dim3A_1 : vector<16xi1>, vector<16xi32>
    %add3A_1752 = arith.addi %broadcast_in_dim3A_1, %select_n3A_1751 : vector<16xi32>
    %add3A_1753 = arith.addi %broadcast_in_dim3A_3, %select_n3A_1750 : vector<16xi32>
    %gather3A_1754 = tpu.vector_load_idx %arg10[%and3A_89] : memref<16xi32, #tpu.memory_space<vmem>>[vector<16xi32>], vector<16xi32>,
    %eq3A_1755 = arith.cmpi eq, %gather3A_1754, %get3A_1744 : vector<16xi32>
    %select_n3A_1756 = arith.select %eq3A_1755, %broadcast_in_dim3A_3, %broadcast_in_dim3A_1 : vector<16xi1>, vector<16xi32>
    %select_n3A_1757 = arith.select %ge3A_146, %select_n3A_1756, %broadcast_in_dim3A_1 : vector<16xi1>, vector<16xi32>
    %add3A_1758 = arith.addi %add3A_1752, %select_n3A_1757 : vector<16xi32>
    %add3A_1759 = arith.addi %add3A_1753, %select_n3A_1756 : vector<16xi32>
    %gather3A_1760 = tpu.vector_load_idx %arg10[%and3A_93] : memref<16xi32, #tpu.memory_space<vmem>>[vector<16xi32>], vector<16xi32>,
    %eq3A_1761 = arith.cmpi eq, %gather3A_1760, %get3A_1744 : vector<16xi32>
    %select_n3A_1762 = arith.select %eq3A_1761, %broadcast_in_dim3A_3, %broadcast_in_dim3A_1 : vector<16xi1>, vector<16xi32>
    %select_n3A_1763 = arith.select %ge3A_149, %select_n3A_1762, %broadcast_in_dim3A_1 : vector<16xi1>, vector<16xi32>
    %add3A_1764 = arith.addi %add3A_1758, %select_n3A_1763 : vector<16xi32>
    %add3A_1765 = arith.addi %add3A_1759, %select_n3A_1762 : vector<16xi32>
    %gather3A_1766 = tpu.vector_load_idx %arg10[%and3A_97] : memref<16xi32, #tpu.memory_space<vmem>>[vector<16xi32>], vector<16xi32>,
    %eq3A_1767 = arith.cmpi eq, %gather3A_1766, %get3A_1744 : vector<16xi32>
    %select_n3A_1768 = arith.select %eq3A_1767, %broadcast_in_dim3A_3, %broadcast_in_dim3A_1 : vector<16xi1>, vector<16xi32>
    %select_n3A_1769 = arith.select %ge3A_152, %select_n3A_1768, %broadcast_in_dim3A_1 : vector<16xi1>, vector<16xi32>
    %add3A_1770 = arith.addi %add3A_1764, %select_n3A_1769 : vector<16xi32>
    %add3A_1771 = arith.addi %add3A_1765, %select_n3A_1768 : vector<16xi32>
    %gather3A_1772 = tpu.vector_load_idx %arg10[%and3A_101] : memref<16xi32, #tpu.memory_space<vmem>>[vector<16xi32>], vector<16xi32>,
    %eq3A_1773 = arith.cmpi eq, %gather3A_1772, %get3A_1744 : vector<16xi32>
    %select_n3A_1774 = arith.select %eq3A_1773, %broadcast_in_dim3A_3, %broadcast_in_dim3A_1 : vector<16xi1>, vector<16xi32>
    %select_n3A_1775 = arith.select %ge3A_155, %select_n3A_1774, %broadcast_in_dim3A_1 : vector<16xi1>, vector<16xi32>
    %add3A_1776 = arith.addi %add3A_1770, %select_n3A_1775 : vector<16xi32>
    %add3A_1777 = arith.addi %add3A_1771, %select_n3A_1774 : vector<16xi32>
    %gather3A_1778 = tpu.vector_load_idx %arg10[%and3A_105] : memref<16xi32, #tpu.memory_space<vmem>>[vector<16xi32>], vector<16xi32>,
    %eq3A_1779 = arith.cmpi eq, %gather3A_1778, %get3A_1744 : vector<16xi32>
    %select_n3A_1780 = arith.select %eq3A_1779, %broadcast_in_dim3A_3, %broadcast_in_dim3A_1 : vector<16xi1>, vector<16xi32>
    %select_n3A_1781 = arith.select %ge3A_158, %select_n3A_1780, %broadcast_in_dim3A_1 : vector<16xi1>, vector<16xi32>
    %add3A_1782 = arith.addi %add3A_1776, %select_n3A_1781 : vector<16xi32>
    %add3A_1783 = arith.addi %add3A_1777, %select_n3A_1780 : vector<16xi32>
    %gather3A_1784 = tpu.vector_load_idx %arg10[%and3A_109] : memref<16xi32, #tpu.memory_space<vmem>>[vector<16xi32>], vector<16xi32>,
    %eq3A_1785 = arith.cmpi eq, %gather3A_1784, %get3A_1744 : vector<16xi32>
    %select_n3A_1786 = arith.select %eq3A_1785, %broadcast_in_dim3A_3, %broadcast_in_dim3A_1 : vector<16xi1>, vector<16xi32>
    %select_n3A_1787 = arith.select %ge3A_161, %select_n3A_1786, %broadcast_in_dim3A_1 : vector<16xi1>, vector<16xi32>
    %add3A_1788 = arith.addi %add3A_1782, %select_n3A_1787 : vector<16xi32>
    %add3A_1789 = arith.addi %add3A_1783, %select_n3A_1786 : vector<16xi32>
    %gather3A_1790 = tpu.vector_load_idx %arg10[%and3A_113] : memref<16xi32, #tpu.memory_space<vmem>>[vector<16xi32>], vector<16xi32>,
    %eq3A_1791 = arith.cmpi eq, %gather3A_1790, %get3A_1744 : vector<16xi32>
    %select_n3A_1792 = arith.select %eq3A_1791, %broadcast_in_dim3A_3, %broadcast_in_dim3A_1 : vector<16xi1>, vector<16xi32>
    %select_n3A_1793 = arith.select %ge3A_164, %select_n3A_1792, %broadcast_in_dim3A_1 : vector<16xi1>, vector<16xi32>
    %add3A_1794 = arith.addi %add3A_1788, %select_n3A_1793 : vector<16xi32>
    %add3A_1795 = arith.addi %add3A_1789, %select_n3A_1792 : vector<16xi32>
    %gather3A_1796 = tpu.vector_load_idx %arg10[%and3A_117] : memref<16xi32, #tpu.memory_space<vmem>>[vector<16xi32>], vector<16xi32>,
    %eq3A_1797 = arith.cmpi eq, %gather3A_1796, %get3A_1744 : vector<16xi32>
    %select_n3A_1798 = arith.select %eq3A_1797, %broadcast_in_dim3A_3, %broadcast_in_dim3A_1 : vector<16xi1>, vector<16xi32>
    %select_n3A_1799 = arith.select %ge3A_167, %select_n3A_1798, %broadcast_in_dim3A_1 : vector<16xi1>, vector<16xi32>
    %add3A_1800 = arith.addi %add3A_1794, %select_n3A_1799 : vector<16xi32>
    %add3A_1801 = arith.addi %add3A_1795, %select_n3A_1798 : vector<16xi32>
    %gather3A_1802 = tpu.vector_load_idx %arg10[%and3A_121] : memref<16xi32, #tpu.memory_space<vmem>>[vector<16xi32>], vector<16xi32>,
    %eq3A_1803 = arith.cmpi eq, %gather3A_1802, %get3A_1744 : vector<16xi32>
    %select_n3A_1804 = arith.select %eq3A_1803, %broadcast_in_dim3A_3, %broadcast_in_dim3A_1 : vector<16xi1>, vector<16xi32>
    %select_n3A_1805 = arith.select %ge3A_170, %select_n3A_1804, %broadcast_in_dim3A_1 : vector<16xi1>, vector<16xi32>
    %add3A_1806 = arith.addi %add3A_1800, %select_n3A_1805 : vector<16xi32>
    %add3A_1807 = arith.addi %add3A_1801, %select_n3A_1804 : vector<16xi32>
    %gather3A_1808 = tpu.vector_load_idx %arg10[%and3A_125] : memref<16xi32, #tpu.memory_space<vmem>>[vector<16xi32>], vector<16xi32>,
    %eq3A_1809 = arith.cmpi eq, %gather3A_1808, %get3A_1744 : vector<16xi32>
    %select_n3A_1810 = arith.select %eq3A_1809, %broadcast_in_dim3A_3, %broadcast_in_dim3A_1 : vector<16xi1>, vector<16xi32>
    %select_n3A_1811 = arith.select %ge3A_173, %select_n3A_1810, %broadcast_in_dim3A_1 : vector<16xi1>, vector<16xi32>
    %add3A_1812 = arith.addi %add3A_1806, %select_n3A_1811 : vector<16xi32>
    %add3A_1813 = arith.addi %add3A_1807, %select_n3A_1810 : vector<16xi32>
    %gather3A_1814 = tpu.vector_load_idx %arg10[%and3A_129] : memref<16xi32, #tpu.memory_space<vmem>>[vector<16xi32>], vector<16xi32>,
    %eq3A_1815 = arith.cmpi eq, %gather3A_1814, %get3A_1744 : vector<16xi32>
    %select_n3A_1816 = arith.select %eq3A_1815, %broadcast_in_dim3A_3, %broadcast_in_dim3A_1 : vector<16xi1>, vector<16xi32>
    %select_n3A_1817 = arith.select %ge3A_176, %select_n3A_1816, %broadcast_in_dim3A_1 : vector<16xi1>, vector<16xi32>
    %add3A_1818 = arith.addi %add3A_1812, %select_n3A_1817 : vector<16xi32>
    %add3A_1819 = arith.addi %add3A_1813, %select_n3A_1816 : vector<16xi32>
    %gather3A_1820 = tpu.vector_load_idx %arg10[%and3A_133] : memref<16xi32, #tpu.memory_space<vmem>>[vector<16xi32>], vector<16xi32>,
    %eq3A_1821 = arith.cmpi eq, %gather3A_1820, %get3A_1744 : vector<16xi32>
    %select_n3A_1822 = arith.select %eq3A_1821, %broadcast_in_dim3A_3, %broadcast_in_dim3A_1 : vector<16xi1>, vector<16xi32>
    %select_n3A_1823 = arith.select %ge3A_179, %select_n3A_1822, %broadcast_in_dim3A_1 : vector<16xi1>, vector<16xi32>
    %add3A_1824 = arith.addi %add3A_1818, %select_n3A_1823 : vector<16xi32>
    %add3A_1825 = arith.addi %add3A_1819, %select_n3A_1822 : vector<16xi32>
    %gather3A_1826 = tpu.vector_load_idx %arg10[%and3A_137] : memref<16xi32, #tpu.memory_space<vmem>>[vector<16xi32>], vector<16xi32>,
    %eq3A_1827 = arith.cmpi eq, %gather3A_1826, %get3A_1744 : vector<16xi32>
    %select_n3A_1828 = arith.select %eq3A_1827, %broadcast_in_dim3A_3, %broadcast_in_dim3A_1 : vector<16xi1>, vector<16xi32>
    %select_n3A_1829 = arith.select %ge3A_182, %select_n3A_1828, %broadcast_in_dim3A_1 : vector<16xi1>, vector<16xi32>
    %add3A_1830 = arith.addi %add3A_1824, %select_n3A_1829 : vector<16xi32>
    %add3A_1831 = arith.addi %add3A_1825, %select_n3A_1828 : vector<16xi32>
    %gather3A_1832 = tpu.vector_load_idx %arg10[%and3A_141] : memref<16xi32, #tpu.memory_space<vmem>>[vector<16xi32>], vector<16xi32>,
    %eq3A_1833 = arith.cmpi eq, %gather3A_1832, %get3A_1744 : vector<16xi32>
    %select_n3A_1834 = arith.select %eq3A_1833, %broadcast_in_dim3A_3, %broadcast_in_dim3A_1 : vector<16xi1>, vector<16xi32>
    %select_n3A_1835 = arith.select %ge3A_185, %select_n3A_1834, %broadcast_in_dim3A_1 : vector<16xi1>, vector<16xi32>
    %add3A_1836 = arith.addi %add3A_1830, %select_n3A_1835 : vector<16xi32>
    %add3A_1837 = arith.addi %add3A_1831, %select_n3A_1834 : vector<16xi32>
    %add3A_1838 = arith.addi %gather3A_1745, %add3A_1836 : vector<16xi32>
    %add3A_1839 = arith.addi %gather3A_1745, %add3A_1837 : vector<16xi32>
    tpu.vector_store_idx %arg11[%get3A_1744], %add3A_1839 : memref<16xi32, #tpu.memory_space<vmem>>[vector<16xi32>], vector<16xi32>,
    %swap3A_1840 = arith.constant 64 : index
    %swap3A_1841 = tpu.vector_load %arg7[%swap3A_1840] {strides = array<i32>} : memref<256xi32, #tpu.memory_space<vmem>>, vector<16xi32>,
    tpu.vector_store %arg7[%swap3A_1840], %add3A_1838 {strides = array<i32>} : memref<256xi32, #tpu.memory_space<vmem>>, vector<16xi32>,
    %swap3A_1842 = arith.constant 0 : i32
    %swap3A_1843 = arith.index_cast %swap3A_1842 : i32 to index
    %swap3A_1844 = arith.constant 64 : index
    %swap3A_1845 = tpu.vector_load %arg8[%swap3A_1843, %swap3A_1844] {strides = array<i32>} : memref<2x128xi32, #tpu.memory_space<vmem>>, vector<16xi32>,
    tpu.vector_store %arg8[%swap3A_1843, %swap3A_1844], %add3A_1838 {strides = array<i32>} : memref<2x128xi32, #tpu.memory_space<vmem>>, vector<16xi32>,
    %broadcast_in_dim3A_1846 = arith.constant 256 : i32
    %broadcast_in_dim3A_1847 = vector.broadcast %broadcast_in_dim3A_1846 : i32 to vector<16xi32>
    %mul3A_1848 = arith.muli %get3A_83, %broadcast_in_dim3A_1847 : vector<16xi32>
    %broadcast_in_dim3A_1849 = arith.constant 64 : i32
    %broadcast_in_dim3A_1850 = vector.broadcast %broadcast_in_dim3A_1849 : i32 to vector<16xi32>
    %add3A_1851 = arith.addi %mul3A_1848, %broadcast_in_dim3A_1850 : vector<16xi32>
    %add3A_1852 = arith.addi %add3A_1851, %iota3A : vector<16xi32>
    %shift_right_logical3A_1853 = arith.shrui %add3A_1852, %broadcast_in_dim3A_3 : vector<16xi32>
    %broadcast_in_dim3A_1854 = arith.constant 0 : i32
    %broadcast_in_dim3A_1855 = vector.broadcast %broadcast_in_dim3A_1854 : i32 to vector<16xi32>
    %add3A_1856 = arith.addi %shift_right_logical3A_1853, %broadcast_in_dim3A_1855 : vector<16xi32>
    %swap3A_1857 = arith.constant 0 : i32
    %swap3A_1858 = arith.index_cast %swap3A_1857 : i32 to index
    %swap3A_1859 = arith.constant 64 : index
    %swap3A_1860 = tpu.vector_load %arg9[%swap3A_1858, %swap3A_1859] {strides = array<i32>} : memref<2x128xi32, #tpu.memory_space<vmem>>, vector<16xi32>,
    tpu.vector_store %arg9[%swap3A_1858, %swap3A_1859], %add3A_1856 {strides = array<i32>} : memref<2x128xi32, #tpu.memory_space<vmem>>, vector<16xi32>,
    %get3A_1861 = arith.constant 80 : index
    %get3A_1862 = tpu.vector_load %arg6[%get3A_1861] {strides = array<i32>} : memref<256xi32, #tpu.memory_space<vmem>>, vector<16xi32>,
    %gather3A_1863 = tpu.vector_load_idx %arg11[%get3A_1862] : memref<16xi32, #tpu.memory_space<vmem>>[vector<16xi32>], vector<16xi32>,
    %swap3A_1864 = arith.constant 0 : index
    %swap3A_1865 = tpu.vector_load %arg10[%swap3A_1864] {strides = array<i32>} : memref<16xi32, #tpu.memory_space<vmem>>, vector<16xi32>,
    tpu.vector_store %arg10[%swap3A_1864], %get3A_1862 {strides = array<i32>} : memref<16xi32, #tpu.memory_space<vmem>>, vector<16xi32>,
    %gather3A_1866 = tpu.vector_load_idx %arg10[%and3A] : memref<16xi32, #tpu.memory_space<vmem>>[vector<16xi32>], vector<16xi32>,
    %eq3A_1867 = arith.cmpi eq, %gather3A_1866, %get3A_1862 : vector<16xi32>
    %select_n3A_1868 = arith.select %eq3A_1867, %broadcast_in_dim3A_3, %broadcast_in_dim3A_1 : vector<16xi1>, vector<16xi32>
    %select_n3A_1869 = arith.select %ge3A, %select_n3A_1868, %broadcast_in_dim3A_1 : vector<16xi1>, vector<16xi32>
    %add3A_1870 = arith.addi %broadcast_in_dim3A_1, %select_n3A_1869 : vector<16xi32>
    %add3A_1871 = arith.addi %broadcast_in_dim3A_3, %select_n3A_1868 : vector<16xi32>
    %gather3A_1872 = tpu.vector_load_idx %arg10[%and3A_89] : memref<16xi32, #tpu.memory_space<vmem>>[vector<16xi32>], vector<16xi32>,
    %eq3A_1873 = arith.cmpi eq, %gather3A_1872, %get3A_1862 : vector<16xi32>
    %select_n3A_1874 = arith.select %eq3A_1873, %broadcast_in_dim3A_3, %broadcast_in_dim3A_1 : vector<16xi1>, vector<16xi32>
    %select_n3A_1875 = arith.select %ge3A_146, %select_n3A_1874, %broadcast_in_dim3A_1 : vector<16xi1>, vector<16xi32>
    %add3A_1876 = arith.addi %add3A_1870, %select_n3A_1875 : vector<16xi32>
    %add3A_1877 = arith.addi %add3A_1871, %select_n3A_1874 : vector<16xi32>
    %gather3A_1878 = tpu.vector_load_idx %arg10[%and3A_93] : memref<16xi32, #tpu.memory_space<vmem>>[vector<16xi32>], vector<16xi32>,
    %eq3A_1879 = arith.cmpi eq, %gather3A_1878, %get3A_1862 : vector<16xi32>
    %select_n3A_1880 = arith.select %eq3A_1879, %broadcast_in_dim3A_3, %broadcast_in_dim3A_1 : vector<16xi1>, vector<16xi32>
    %select_n3A_1881 = arith.select %ge3A_149, %select_n3A_1880, %broadcast_in_dim3A_1 : vector<16xi1>, vector<16xi32>
    %add3A_1882 = arith.addi %add3A_1876, %select_n3A_1881 : vector<16xi32>
    %add3A_1883 = arith.addi %add3A_1877, %select_n3A_1880 : vector<16xi32>
    %gather3A_1884 = tpu.vector_load_idx %arg10[%and3A_97] : memref<16xi32, #tpu.memory_space<vmem>>[vector<16xi32>], vector<16xi32>,
    %eq3A_1885 = arith.cmpi eq, %gather3A_1884, %get3A_1862 : vector<16xi32>
    %select_n3A_1886 = arith.select %eq3A_1885, %broadcast_in_dim3A_3, %broadcast_in_dim3A_1 : vector<16xi1>, vector<16xi32>
    %select_n3A_1887 = arith.select %ge3A_152, %select_n3A_1886, %broadcast_in_dim3A_1 : vector<16xi1>, vector<16xi32>
    %add3A_1888 = arith.addi %add3A_1882, %select_n3A_1887 : vector<16xi32>
    %add3A_1889 = arith.addi %add3A_1883, %select_n3A_1886 : vector<16xi32>
    %gather3A_1890 = tpu.vector_load_idx %arg10[%and3A_101] : memref<16xi32, #tpu.memory_space<vmem>>[vector<16xi32>], vector<16xi32>,
    %eq3A_1891 = arith.cmpi eq, %gather3A_1890, %get3A_1862 : vector<16xi32>
    %select_n3A_1892 = arith.select %eq3A_1891, %broadcast_in_dim3A_3, %broadcast_in_dim3A_1 : vector<16xi1>, vector<16xi32>
    %select_n3A_1893 = arith.select %ge3A_155, %select_n3A_1892, %broadcast_in_dim3A_1 : vector<16xi1>, vector<16xi32>
    %add3A_1894 = arith.addi %add3A_1888, %select_n3A_1893 : vector<16xi32>
    %add3A_1895 = arith.addi %add3A_1889, %select_n3A_1892 : vector<16xi32>
    %gather3A_1896 = tpu.vector_load_idx %arg10[%and3A_105] : memref<16xi32, #tpu.memory_space<vmem>>[vector<16xi32>], vector<16xi32>,
    %eq3A_1897 = arith.cmpi eq, %gather3A_1896, %get3A_1862 : vector<16xi32>
    %select_n3A_1898 = arith.select %eq3A_1897, %broadcast_in_dim3A_3, %broadcast_in_dim3A_1 : vector<16xi1>, vector<16xi32>
    %select_n3A_1899 = arith.select %ge3A_158, %select_n3A_1898, %broadcast_in_dim3A_1 : vector<16xi1>, vector<16xi32>
    %add3A_1900 = arith.addi %add3A_1894, %select_n3A_1899 : vector<16xi32>
    %add3A_1901 = arith.addi %add3A_1895, %select_n3A_1898 : vector<16xi32>
    %gather3A_1902 = tpu.vector_load_idx %arg10[%and3A_109] : memref<16xi32, #tpu.memory_space<vmem>>[vector<16xi32>], vector<16xi32>,
    %eq3A_1903 = arith.cmpi eq, %gather3A_1902, %get3A_1862 : vector<16xi32>
    %select_n3A_1904 = arith.select %eq3A_1903, %broadcast_in_dim3A_3, %broadcast_in_dim3A_1 : vector<16xi1>, vector<16xi32>
    %select_n3A_1905 = arith.select %ge3A_161, %select_n3A_1904, %broadcast_in_dim3A_1 : vector<16xi1>, vector<16xi32>
    %add3A_1906 = arith.addi %add3A_1900, %select_n3A_1905 : vector<16xi32>
    %add3A_1907 = arith.addi %add3A_1901, %select_n3A_1904 : vector<16xi32>
    %gather3A_1908 = tpu.vector_load_idx %arg10[%and3A_113] : memref<16xi32, #tpu.memory_space<vmem>>[vector<16xi32>], vector<16xi32>,
    %eq3A_1909 = arith.cmpi eq, %gather3A_1908, %get3A_1862 : vector<16xi32>
    %select_n3A_1910 = arith.select %eq3A_1909, %broadcast_in_dim3A_3, %broadcast_in_dim3A_1 : vector<16xi1>, vector<16xi32>
    %select_n3A_1911 = arith.select %ge3A_164, %select_n3A_1910, %broadcast_in_dim3A_1 : vector<16xi1>, vector<16xi32>
    %add3A_1912 = arith.addi %add3A_1906, %select_n3A_1911 : vector<16xi32>
    %add3A_1913 = arith.addi %add3A_1907, %select_n3A_1910 : vector<16xi32>
    %gather3A_1914 = tpu.vector_load_idx %arg10[%and3A_117] : memref<16xi32, #tpu.memory_space<vmem>>[vector<16xi32>], vector<16xi32>,
    %eq3A_1915 = arith.cmpi eq, %gather3A_1914, %get3A_1862 : vector<16xi32>
    %select_n3A_1916 = arith.select %eq3A_1915, %broadcast_in_dim3A_3, %broadcast_in_dim3A_1 : vector<16xi1>, vector<16xi32>
    %select_n3A_1917 = arith.select %ge3A_167, %select_n3A_1916, %broadcast_in_dim3A_1 : vector<16xi1>, vector<16xi32>
    %add3A_1918 = arith.addi %add3A_1912, %select_n3A_1917 : vector<16xi32>
    %add3A_1919 = arith.addi %add3A_1913, %select_n3A_1916 : vector<16xi32>
    %gather3A_1920 = tpu.vector_load_idx %arg10[%and3A_121] : memref<16xi32, #tpu.memory_space<vmem>>[vector<16xi32>], vector<16xi32>,
    %eq3A_1921 = arith.cmpi eq, %gather3A_1920, %get3A_1862 : vector<16xi32>
    %select_n3A_1922 = arith.select %eq3A_1921, %broadcast_in_dim3A_3, %broadcast_in_dim3A_1 : vector<16xi1>, vector<16xi32>
    %select_n3A_1923 = arith.select %ge3A_170, %select_n3A_1922, %broadcast_in_dim3A_1 : vector<16xi1>, vector<16xi32>
    %add3A_1924 = arith.addi %add3A_1918, %select_n3A_1923 : vector<16xi32>
    %add3A_1925 = arith.addi %add3A_1919, %select_n3A_1922 : vector<16xi32>
    %gather3A_1926 = tpu.vector_load_idx %arg10[%and3A_125] : memref<16xi32, #tpu.memory_space<vmem>>[vector<16xi32>], vector<16xi32>,
    %eq3A_1927 = arith.cmpi eq, %gather3A_1926, %get3A_1862 : vector<16xi32>
    %select_n3A_1928 = arith.select %eq3A_1927, %broadcast_in_dim3A_3, %broadcast_in_dim3A_1 : vector<16xi1>, vector<16xi32>
    %select_n3A_1929 = arith.select %ge3A_173, %select_n3A_1928, %broadcast_in_dim3A_1 : vector<16xi1>, vector<16xi32>
    %add3A_1930 = arith.addi %add3A_1924, %select_n3A_1929 : vector<16xi32>
    %add3A_1931 = arith.addi %add3A_1925, %select_n3A_1928 : vector<16xi32>
    %gather3A_1932 = tpu.vector_load_idx %arg10[%and3A_129] : memref<16xi32, #tpu.memory_space<vmem>>[vector<16xi32>], vector<16xi32>,
    %eq3A_1933 = arith.cmpi eq, %gather3A_1932, %get3A_1862 : vector<16xi32>
    %select_n3A_1934 = arith.select %eq3A_1933, %broadcast_in_dim3A_3, %broadcast_in_dim3A_1 : vector<16xi1>, vector<16xi32>
    %select_n3A_1935 = arith.select %ge3A_176, %select_n3A_1934, %broadcast_in_dim3A_1 : vector<16xi1>, vector<16xi32>
    %add3A_1936 = arith.addi %add3A_1930, %select_n3A_1935 : vector<16xi32>
    %add3A_1937 = arith.addi %add3A_1931, %select_n3A_1934 : vector<16xi32>
    %gather3A_1938 = tpu.vector_load_idx %arg10[%and3A_133] : memref<16xi32, #tpu.memory_space<vmem>>[vector<16xi32>], vector<16xi32>,
    %eq3A_1939 = arith.cmpi eq, %gather3A_1938, %get3A_1862 : vector<16xi32>
    %select_n3A_1940 = arith.select %eq3A_1939, %broadcast_in_dim3A_3, %broadcast_in_dim3A_1 : vector<16xi1>, vector<16xi32>
    %select_n3A_1941 = arith.select %ge3A_179, %select_n3A_1940, %broadcast_in_dim3A_1 : vector<16xi1>, vector<16xi32>
    %add3A_1942 = arith.addi %add3A_1936, %select_n3A_1941 : vector<16xi32>
    %add3A_1943 = arith.addi %add3A_1937, %select_n3A_1940 : vector<16xi32>
    %gather3A_1944 = tpu.vector_load_idx %arg10[%and3A_137] : memref<16xi32, #tpu.memory_space<vmem>>[vector<16xi32>], vector<16xi32>,
    %eq3A_1945 = arith.cmpi eq, %gather3A_1944, %get3A_1862 : vector<16xi32>
    %select_n3A_1946 = arith.select %eq3A_1945, %broadcast_in_dim3A_3, %broadcast_in_dim3A_1 : vector<16xi1>, vector<16xi32>
    %select_n3A_1947 = arith.select %ge3A_182, %select_n3A_1946, %broadcast_in_dim3A_1 : vector<16xi1>, vector<16xi32>
    %add3A_1948 = arith.addi %add3A_1942, %select_n3A_1947 : vector<16xi32>
    %add3A_1949 = arith.addi %add3A_1943, %select_n3A_1946 : vector<16xi32>
    %gather3A_1950 = tpu.vector_load_idx %arg10[%and3A_141] : memref<16xi32, #tpu.memory_space<vmem>>[vector<16xi32>], vector<16xi32>,
    %eq3A_1951 = arith.cmpi eq, %gather3A_1950, %get3A_1862 : vector<16xi32>
    %select_n3A_1952 = arith.select %eq3A_1951, %broadcast_in_dim3A_3, %broadcast_in_dim3A_1 : vector<16xi1>, vector<16xi32>
    %select_n3A_1953 = arith.select %ge3A_185, %select_n3A_1952, %broadcast_in_dim3A_1 : vector<16xi1>, vector<16xi32>
    %add3A_1954 = arith.addi %add3A_1948, %select_n3A_1953 : vector<16xi32>
    %add3A_1955 = arith.addi %add3A_1949, %select_n3A_1952 : vector<16xi32>
    %add3A_1956 = arith.addi %gather3A_1863, %add3A_1954 : vector<16xi32>
    %add3A_1957 = arith.addi %gather3A_1863, %add3A_1955 : vector<16xi32>
    tpu.vector_store_idx %arg11[%get3A_1862], %add3A_1957 : memref<16xi32, #tpu.memory_space<vmem>>[vector<16xi32>], vector<16xi32>,
    %swap3A_1958 = arith.constant 80 : index
    %swap3A_1959 = tpu.vector_load %arg7[%swap3A_1958] {strides = array<i32>} : memref<256xi32, #tpu.memory_space<vmem>>, vector<16xi32>,
    tpu.vector_store %arg7[%swap3A_1958], %add3A_1956 {strides = array<i32>} : memref<256xi32, #tpu.memory_space<vmem>>, vector<16xi32>,
    %swap3A_1960 = arith.constant 0 : i32
    %swap3A_1961 = arith.index_cast %swap3A_1960 : i32 to index
    %swap3A_1962 = arith.constant 80 : index
    %swap3A_1963 = tpu.vector_load %arg8[%swap3A_1961, %swap3A_1962] {strides = array<i32>} : memref<2x128xi32, #tpu.memory_space<vmem>>, vector<16xi32>,
    tpu.vector_store %arg8[%swap3A_1961, %swap3A_1962], %add3A_1956 {strides = array<i32>} : memref<2x128xi32, #tpu.memory_space<vmem>>, vector<16xi32>,
    %broadcast_in_dim3A_1964 = arith.constant 256 : i32
    %broadcast_in_dim3A_1965 = vector.broadcast %broadcast_in_dim3A_1964 : i32 to vector<16xi32>
    %mul3A_1966 = arith.muli %get3A_83, %broadcast_in_dim3A_1965 : vector<16xi32>
    %broadcast_in_dim3A_1967 = arith.constant 80 : i32
    %broadcast_in_dim3A_1968 = vector.broadcast %broadcast_in_dim3A_1967 : i32 to vector<16xi32>
    %add3A_1969 = arith.addi %mul3A_1966, %broadcast_in_dim3A_1968 : vector<16xi32>
    %add3A_1970 = arith.addi %add3A_1969, %iota3A : vector<16xi32>
    %shift_right_logical3A_1971 = arith.shrui %add3A_1970, %broadcast_in_dim3A_3 : vector<16xi32>
    %broadcast_in_dim3A_1972 = arith.constant 0 : i32
    %broadcast_in_dim3A_1973 = vector.broadcast %broadcast_in_dim3A_1972 : i32 to vector<16xi32>
    %add3A_1974 = arith.addi %shift_right_logical3A_1971, %broadcast_in_dim3A_1973 : vector<16xi32>
    %swap3A_1975 = arith.constant 0 : i32
    %swap3A_1976 = arith.index_cast %swap3A_1975 : i32 to index
    %swap3A_1977 = arith.constant 80 : index
    %swap3A_1978 = tpu.vector_load %arg9[%swap3A_1976, %swap3A_1977] {strides = array<i32>} : memref<2x128xi32, #tpu.memory_space<vmem>>, vector<16xi32>,
    tpu.vector_store %arg9[%swap3A_1976, %swap3A_1977], %add3A_1974 {strides = array<i32>} : memref<2x128xi32, #tpu.memory_space<vmem>>, vector<16xi32>,
    %get3A_1979 = arith.constant 96 : index
    %get3A_1980 = tpu.vector_load %arg6[%get3A_1979] {strides = array<i32>} : memref<256xi32, #tpu.memory_space<vmem>>, vector<16xi32>,
    %gather3A_1981 = tpu.vector_load_idx %arg11[%get3A_1980] : memref<16xi32, #tpu.memory_space<vmem>>[vector<16xi32>], vector<16xi32>,
    %swap3A_1982 = arith.constant 0 : index
    %swap3A_1983 = tpu.vector_load %arg10[%swap3A_1982] {strides = array<i32>} : memref<16xi32, #tpu.memory_space<vmem>>, vector<16xi32>,
    tpu.vector_store %arg10[%swap3A_1982], %get3A_1980 {strides = array<i32>} : memref<16xi32, #tpu.memory_space<vmem>>, vector<16xi32>,
    %gather3A_1984 = tpu.vector_load_idx %arg10[%and3A] : memref<16xi32, #tpu.memory_space<vmem>>[vector<16xi32>], vector<16xi32>,
    %eq3A_1985 = arith.cmpi eq, %gather3A_1984, %get3A_1980 : vector<16xi32>
    %select_n3A_1986 = arith.select %eq3A_1985, %broadcast_in_dim3A_3, %broadcast_in_dim3A_1 : vector<16xi1>, vector<16xi32>
    %select_n3A_1987 = arith.select %ge3A, %select_n3A_1986, %broadcast_in_dim3A_1 : vector<16xi1>, vector<16xi32>
    %add3A_1988 = arith.addi %broadcast_in_dim3A_1, %select_n3A_1987 : vector<16xi32>
    %add3A_1989 = arith.addi %broadcast_in_dim3A_3, %select_n3A_1986 : vector<16xi32>
    %gather3A_1990 = tpu.vector_load_idx %arg10[%and3A_89] : memref<16xi32, #tpu.memory_space<vmem>>[vector<16xi32>], vector<16xi32>,
    %eq3A_1991 = arith.cmpi eq, %gather3A_1990, %get3A_1980 : vector<16xi32>
    %select_n3A_1992 = arith.select %eq3A_1991, %broadcast_in_dim3A_3, %broadcast_in_dim3A_1 : vector<16xi1>, vector<16xi32>
    %select_n3A_1993 = arith.select %ge3A_146, %select_n3A_1992, %broadcast_in_dim3A_1 : vector<16xi1>, vector<16xi32>
    %add3A_1994 = arith.addi %add3A_1988, %select_n3A_1993 : vector<16xi32>
    %add3A_1995 = arith.addi %add3A_1989, %select_n3A_1992 : vector<16xi32>
    %gather3A_1996 = tpu.vector_load_idx %arg10[%and3A_93] : memref<16xi32, #tpu.memory_space<vmem>>[vector<16xi32>], vector<16xi32>,
    %eq3A_1997 = arith.cmpi eq, %gather3A_1996, %get3A_1980 : vector<16xi32>
    %select_n3A_1998 = arith.select %eq3A_1997, %broadcast_in_dim3A_3, %broadcast_in_dim3A_1 : vector<16xi1>, vector<16xi32>
    %select_n3A_1999 = arith.select %ge3A_149, %select_n3A_1998, %broadcast_in_dim3A_1 : vector<16xi1>, vector<16xi32>
    %add3A_2000 = arith.addi %add3A_1994, %select_n3A_1999 : vector<16xi32>
    %add3A_2001 = arith.addi %add3A_1995, %select_n3A_1998 : vector<16xi32>
    %gather3A_2002 = tpu.vector_load_idx %arg10[%and3A_97] : memref<16xi32, #tpu.memory_space<vmem>>[vector<16xi32>], vector<16xi32>,
    %eq3A_2003 = arith.cmpi eq, %gather3A_2002, %get3A_1980 : vector<16xi32>
    %select_n3A_2004 = arith.select %eq3A_2003, %broadcast_in_dim3A_3, %broadcast_in_dim3A_1 : vector<16xi1>, vector<16xi32>
    %select_n3A_2005 = arith.select %ge3A_152, %select_n3A_2004, %broadcast_in_dim3A_1 : vector<16xi1>, vector<16xi32>
    %add3A_2006 = arith.addi %add3A_2000, %select_n3A_2005 : vector<16xi32>
    %add3A_2007 = arith.addi %add3A_2001, %select_n3A_2004 : vector<16xi32>
    %gather3A_2008 = tpu.vector_load_idx %arg10[%and3A_101] : memref<16xi32, #tpu.memory_space<vmem>>[vector<16xi32>], vector<16xi32>,
    %eq3A_2009 = arith.cmpi eq, %gather3A_2008, %get3A_1980 : vector<16xi32>
    %select_n3A_2010 = arith.select %eq3A_2009, %broadcast_in_dim3A_3, %broadcast_in_dim3A_1 : vector<16xi1>, vector<16xi32>
    %select_n3A_2011 = arith.select %ge3A_155, %select_n3A_2010, %broadcast_in_dim3A_1 : vector<16xi1>, vector<16xi32>
    %add3A_2012 = arith.addi %add3A_2006, %select_n3A_2011 : vector<16xi32>
    %add3A_2013 = arith.addi %add3A_2007, %select_n3A_2010 : vector<16xi32>
    %gather3A_2014 = tpu.vector_load_idx %arg10[%and3A_105] : memref<16xi32, #tpu.memory_space<vmem>>[vector<16xi32>], vector<16xi32>,
    %eq3A_2015 = arith.cmpi eq, %gather3A_2014, %get3A_1980 : vector<16xi32>
    %select_n3A_2016 = arith.select %eq3A_2015, %broadcast_in_dim3A_3, %broadcast_in_dim3A_1 : vector<16xi1>, vector<16xi32>
    %select_n3A_2017 = arith.select %ge3A_158, %select_n3A_2016, %broadcast_in_dim3A_1 : vector<16xi1>, vector<16xi32>
    %add3A_2018 = arith.addi %add3A_2012, %select_n3A_2017 : vector<16xi32>
    %add3A_2019 = arith.addi %add3A_2013, %select_n3A_2016 : vector<16xi32>
    %gather3A_2020 = tpu.vector_load_idx %arg10[%and3A_109] : memref<16xi32, #tpu.memory_space<vmem>>[vector<16xi32>], vector<16xi32>,
    %eq3A_2021 = arith.cmpi eq, %gather3A_2020, %get3A_1980 : vector<16xi32>
    %select_n3A_2022 = arith.select %eq3A_2021, %broadcast_in_dim3A_3, %broadcast_in_dim3A_1 : vector<16xi1>, vector<16xi32>
    %select_n3A_2023 = arith.select %ge3A_161, %select_n3A_2022, %broadcast_in_dim3A_1 : vector<16xi1>, vector<16xi32>
    %add3A_2024 = arith.addi %add3A_2018, %select_n3A_2023 : vector<16xi32>
    %add3A_2025 = arith.addi %add3A_2019, %select_n3A_2022 : vector<16xi32>
    %gather3A_2026 = tpu.vector_load_idx %arg10[%and3A_113] : memref<16xi32, #tpu.memory_space<vmem>>[vector<16xi32>], vector<16xi32>,
    %eq3A_2027 = arith.cmpi eq, %gather3A_2026, %get3A_1980 : vector<16xi32>
    %select_n3A_2028 = arith.select %eq3A_2027, %broadcast_in_dim3A_3, %broadcast_in_dim3A_1 : vector<16xi1>, vector<16xi32>
    %select_n3A_2029 = arith.select %ge3A_164, %select_n3A_2028, %broadcast_in_dim3A_1 : vector<16xi1>, vector<16xi32>
    %add3A_2030 = arith.addi %add3A_2024, %select_n3A_2029 : vector<16xi32>
    %add3A_2031 = arith.addi %add3A_2025, %select_n3A_2028 : vector<16xi32>
    %gather3A_2032 = tpu.vector_load_idx %arg10[%and3A_117] : memref<16xi32, #tpu.memory_space<vmem>>[vector<16xi32>], vector<16xi32>,
    %eq3A_2033 = arith.cmpi eq, %gather3A_2032, %get3A_1980 : vector<16xi32>
    %select_n3A_2034 = arith.select %eq3A_2033, %broadcast_in_dim3A_3, %broadcast_in_dim3A_1 : vector<16xi1>, vector<16xi32>
    %select_n3A_2035 = arith.select %ge3A_167, %select_n3A_2034, %broadcast_in_dim3A_1 : vector<16xi1>, vector<16xi32>
    %add3A_2036 = arith.addi %add3A_2030, %select_n3A_2035 : vector<16xi32>
    %add3A_2037 = arith.addi %add3A_2031, %select_n3A_2034 : vector<16xi32>
    %gather3A_2038 = tpu.vector_load_idx %arg10[%and3A_121] : memref<16xi32, #tpu.memory_space<vmem>>[vector<16xi32>], vector<16xi32>,
    %eq3A_2039 = arith.cmpi eq, %gather3A_2038, %get3A_1980 : vector<16xi32>
    %select_n3A_2040 = arith.select %eq3A_2039, %broadcast_in_dim3A_3, %broadcast_in_dim3A_1 : vector<16xi1>, vector<16xi32>
    %select_n3A_2041 = arith.select %ge3A_170, %select_n3A_2040, %broadcast_in_dim3A_1 : vector<16xi1>, vector<16xi32>
    %add3A_2042 = arith.addi %add3A_2036, %select_n3A_2041 : vector<16xi32>
    %add3A_2043 = arith.addi %add3A_2037, %select_n3A_2040 : vector<16xi32>
    %gather3A_2044 = tpu.vector_load_idx %arg10[%and3A_125] : memref<16xi32, #tpu.memory_space<vmem>>[vector<16xi32>], vector<16xi32>,
    %eq3A_2045 = arith.cmpi eq, %gather3A_2044, %get3A_1980 : vector<16xi32>
    %select_n3A_2046 = arith.select %eq3A_2045, %broadcast_in_dim3A_3, %broadcast_in_dim3A_1 : vector<16xi1>, vector<16xi32>
    %select_n3A_2047 = arith.select %ge3A_173, %select_n3A_2046, %broadcast_in_dim3A_1 : vector<16xi1>, vector<16xi32>
    %add3A_2048 = arith.addi %add3A_2042, %select_n3A_2047 : vector<16xi32>
    %add3A_2049 = arith.addi %add3A_2043, %select_n3A_2046 : vector<16xi32>
    %gather3A_2050 = tpu.vector_load_idx %arg10[%and3A_129] : memref<16xi32, #tpu.memory_space<vmem>>[vector<16xi32>], vector<16xi32>,
    %eq3A_2051 = arith.cmpi eq, %gather3A_2050, %get3A_1980 : vector<16xi32>
    %select_n3A_2052 = arith.select %eq3A_2051, %broadcast_in_dim3A_3, %broadcast_in_dim3A_1 : vector<16xi1>, vector<16xi32>
    %select_n3A_2053 = arith.select %ge3A_176, %select_n3A_2052, %broadcast_in_dim3A_1 : vector<16xi1>, vector<16xi32>
    %add3A_2054 = arith.addi %add3A_2048, %select_n3A_2053 : vector<16xi32>
    %add3A_2055 = arith.addi %add3A_2049, %select_n3A_2052 : vector<16xi32>
    %gather3A_2056 = tpu.vector_load_idx %arg10[%and3A_133] : memref<16xi32, #tpu.memory_space<vmem>>[vector<16xi32>], vector<16xi32>,
    %eq3A_2057 = arith.cmpi eq, %gather3A_2056, %get3A_1980 : vector<16xi32>
    %select_n3A_2058 = arith.select %eq3A_2057, %broadcast_in_dim3A_3, %broadcast_in_dim3A_1 : vector<16xi1>, vector<16xi32>
    %select_n3A_2059 = arith.select %ge3A_179, %select_n3A_2058, %broadcast_in_dim3A_1 : vector<16xi1>, vector<16xi32>
    %add3A_2060 = arith.addi %add3A_2054, %select_n3A_2059 : vector<16xi32>
    %add3A_2061 = arith.addi %add3A_2055, %select_n3A_2058 : vector<16xi32>
    %gather3A_2062 = tpu.vector_load_idx %arg10[%and3A_137] : memref<16xi32, #tpu.memory_space<vmem>>[vector<16xi32>], vector<16xi32>,
    %eq3A_2063 = arith.cmpi eq, %gather3A_2062, %get3A_1980 : vector<16xi32>
    %select_n3A_2064 = arith.select %eq3A_2063, %broadcast_in_dim3A_3, %broadcast_in_dim3A_1 : vector<16xi1>, vector<16xi32>
    %select_n3A_2065 = arith.select %ge3A_182, %select_n3A_2064, %broadcast_in_dim3A_1 : vector<16xi1>, vector<16xi32>
    %add3A_2066 = arith.addi %add3A_2060, %select_n3A_2065 : vector<16xi32>
    %add3A_2067 = arith.addi %add3A_2061, %select_n3A_2064 : vector<16xi32>
    %gather3A_2068 = tpu.vector_load_idx %arg10[%and3A_141] : memref<16xi32, #tpu.memory_space<vmem>>[vector<16xi32>], vector<16xi32>,
    %eq3A_2069 = arith.cmpi eq, %gather3A_2068, %get3A_1980 : vector<16xi32>
    %select_n3A_2070 = arith.select %eq3A_2069, %broadcast_in_dim3A_3, %broadcast_in_dim3A_1 : vector<16xi1>, vector<16xi32>
    %select_n3A_2071 = arith.select %ge3A_185, %select_n3A_2070, %broadcast_in_dim3A_1 : vector<16xi1>, vector<16xi32>
    %add3A_2072 = arith.addi %add3A_2066, %select_n3A_2071 : vector<16xi32>
    %add3A_2073 = arith.addi %add3A_2067, %select_n3A_2070 : vector<16xi32>
    %add3A_2074 = arith.addi %gather3A_1981, %add3A_2072 : vector<16xi32>
    %add3A_2075 = arith.addi %gather3A_1981, %add3A_2073 : vector<16xi32>
    tpu.vector_store_idx %arg11[%get3A_1980], %add3A_2075 : memref<16xi32, #tpu.memory_space<vmem>>[vector<16xi32>], vector<16xi32>,
    %swap3A_2076 = arith.constant 96 : index
    %swap3A_2077 = tpu.vector_load %arg7[%swap3A_2076] {strides = array<i32>} : memref<256xi32, #tpu.memory_space<vmem>>, vector<16xi32>,
    tpu.vector_store %arg7[%swap3A_2076], %add3A_2074 {strides = array<i32>} : memref<256xi32, #tpu.memory_space<vmem>>, vector<16xi32>,
    %swap3A_2078 = arith.constant 0 : i32
    %swap3A_2079 = arith.index_cast %swap3A_2078 : i32 to index
    %swap3A_2080 = arith.constant 96 : index
    %swap3A_2081 = tpu.vector_load %arg8[%swap3A_2079, %swap3A_2080] {strides = array<i32>} : memref<2x128xi32, #tpu.memory_space<vmem>>, vector<16xi32>,
    tpu.vector_store %arg8[%swap3A_2079, %swap3A_2080], %add3A_2074 {strides = array<i32>} : memref<2x128xi32, #tpu.memory_space<vmem>>, vector<16xi32>,
    %broadcast_in_dim3A_2082 = arith.constant 256 : i32
    %broadcast_in_dim3A_2083 = vector.broadcast %broadcast_in_dim3A_2082 : i32 to vector<16xi32>
    %mul3A_2084 = arith.muli %get3A_83, %broadcast_in_dim3A_2083 : vector<16xi32>
    %broadcast_in_dim3A_2085 = arith.constant 96 : i32
    %broadcast_in_dim3A_2086 = vector.broadcast %broadcast_in_dim3A_2085 : i32 to vector<16xi32>
    %add3A_2087 = arith.addi %mul3A_2084, %broadcast_in_dim3A_2086 : vector<16xi32>
    %add3A_2088 = arith.addi %add3A_2087, %iota3A : vector<16xi32>
    %shift_right_logical3A_2089 = arith.shrui %add3A_2088, %broadcast_in_dim3A_3 : vector<16xi32>
    %broadcast_in_dim3A_2090 = arith.constant 0 : i32
    %broadcast_in_dim3A_2091 = vector.broadcast %broadcast_in_dim3A_2090 : i32 to vector<16xi32>
    %add3A_2092 = arith.addi %shift_right_logical3A_2089, %broadcast_in_dim3A_2091 : vector<16xi32>
    %swap3A_2093 = arith.constant 0 : i32
    %swap3A_2094 = arith.index_cast %swap3A_2093 : i32 to index
    %swap3A_2095 = arith.constant 96 : index
    %swap3A_2096 = tpu.vector_load %arg9[%swap3A_2094, %swap3A_2095] {strides = array<i32>} : memref<2x128xi32, #tpu.memory_space<vmem>>, vector<16xi32>,
    tpu.vector_store %arg9[%swap3A_2094, %swap3A_2095], %add3A_2092 {strides = array<i32>} : memref<2x128xi32, #tpu.memory_space<vmem>>, vector<16xi32>,
    %get3A_2097 = arith.constant 112 : index
    %get3A_2098 = tpu.vector_load %arg6[%get3A_2097] {strides = array<i32>} : memref<256xi32, #tpu.memory_space<vmem>>, vector<16xi32>,
    %gather3A_2099 = tpu.vector_load_idx %arg11[%get3A_2098] : memref<16xi32, #tpu.memory_space<vmem>>[vector<16xi32>], vector<16xi32>,
    %swap3A_2100 = arith.constant 0 : index
    %swap3A_2101 = tpu.vector_load %arg10[%swap3A_2100] {strides = array<i32>} : memref<16xi32, #tpu.memory_space<vmem>>, vector<16xi32>,
    tpu.vector_store %arg10[%swap3A_2100], %get3A_2098 {strides = array<i32>} : memref<16xi32, #tpu.memory_space<vmem>>, vector<16xi32>,
    %gather3A_2102 = tpu.vector_load_idx %arg10[%and3A] : memref<16xi32, #tpu.memory_space<vmem>>[vector<16xi32>], vector<16xi32>,
    %eq3A_2103 = arith.cmpi eq, %gather3A_2102, %get3A_2098 : vector<16xi32>
    %select_n3A_2104 = arith.select %eq3A_2103, %broadcast_in_dim3A_3, %broadcast_in_dim3A_1 : vector<16xi1>, vector<16xi32>
    %select_n3A_2105 = arith.select %ge3A, %select_n3A_2104, %broadcast_in_dim3A_1 : vector<16xi1>, vector<16xi32>
    %add3A_2106 = arith.addi %broadcast_in_dim3A_1, %select_n3A_2105 : vector<16xi32>
    %add3A_2107 = arith.addi %broadcast_in_dim3A_3, %select_n3A_2104 : vector<16xi32>
    %gather3A_2108 = tpu.vector_load_idx %arg10[%and3A_89] : memref<16xi32, #tpu.memory_space<vmem>>[vector<16xi32>], vector<16xi32>,
    %eq3A_2109 = arith.cmpi eq, %gather3A_2108, %get3A_2098 : vector<16xi32>
    %select_n3A_2110 = arith.select %eq3A_2109, %broadcast_in_dim3A_3, %broadcast_in_dim3A_1 : vector<16xi1>, vector<16xi32>
    %select_n3A_2111 = arith.select %ge3A_146, %select_n3A_2110, %broadcast_in_dim3A_1 : vector<16xi1>, vector<16xi32>
    %add3A_2112 = arith.addi %add3A_2106, %select_n3A_2111 : vector<16xi32>
    %add3A_2113 = arith.addi %add3A_2107, %select_n3A_2110 : vector<16xi32>
    %gather3A_2114 = tpu.vector_load_idx %arg10[%and3A_93] : memref<16xi32, #tpu.memory_space<vmem>>[vector<16xi32>], vector<16xi32>,
    %eq3A_2115 = arith.cmpi eq, %gather3A_2114, %get3A_2098 : vector<16xi32>
    %select_n3A_2116 = arith.select %eq3A_2115, %broadcast_in_dim3A_3, %broadcast_in_dim3A_1 : vector<16xi1>, vector<16xi32>
    %select_n3A_2117 = arith.select %ge3A_149, %select_n3A_2116, %broadcast_in_dim3A_1 : vector<16xi1>, vector<16xi32>
    %add3A_2118 = arith.addi %add3A_2112, %select_n3A_2117 : vector<16xi32>
    %add3A_2119 = arith.addi %add3A_2113, %select_n3A_2116 : vector<16xi32>
    %gather3A_2120 = tpu.vector_load_idx %arg10[%and3A_97] : memref<16xi32, #tpu.memory_space<vmem>>[vector<16xi32>], vector<16xi32>,
    %eq3A_2121 = arith.cmpi eq, %gather3A_2120, %get3A_2098 : vector<16xi32>
    %select_n3A_2122 = arith.select %eq3A_2121, %broadcast_in_dim3A_3, %broadcast_in_dim3A_1 : vector<16xi1>, vector<16xi32>
    %select_n3A_2123 = arith.select %ge3A_152, %select_n3A_2122, %broadcast_in_dim3A_1 : vector<16xi1>, vector<16xi32>
    %add3A_2124 = arith.addi %add3A_2118, %select_n3A_2123 : vector<16xi32>
    %add3A_2125 = arith.addi %add3A_2119, %select_n3A_2122 : vector<16xi32>
    %gather3A_2126 = tpu.vector_load_idx %arg10[%and3A_101] : memref<16xi32, #tpu.memory_space<vmem>>[vector<16xi32>], vector<16xi32>,
    %eq3A_2127 = arith.cmpi eq, %gather3A_2126, %get3A_2098 : vector<16xi32>
    %select_n3A_2128 = arith.select %eq3A_2127, %broadcast_in_dim3A_3, %broadcast_in_dim3A_1 : vector<16xi1>, vector<16xi32>
    %select_n3A_2129 = arith.select %ge3A_155, %select_n3A_2128, %broadcast_in_dim3A_1 : vector<16xi1>, vector<16xi32>
    %add3A_2130 = arith.addi %add3A_2124, %select_n3A_2129 : vector<16xi32>
    %add3A_2131 = arith.addi %add3A_2125, %select_n3A_2128 : vector<16xi32>
    %gather3A_2132 = tpu.vector_load_idx %arg10[%and3A_105] : memref<16xi32, #tpu.memory_space<vmem>>[vector<16xi32>], vector<16xi32>,
    %eq3A_2133 = arith.cmpi eq, %gather3A_2132, %get3A_2098 : vector<16xi32>
    %select_n3A_2134 = arith.select %eq3A_2133, %broadcast_in_dim3A_3, %broadcast_in_dim3A_1 : vector<16xi1>, vector<16xi32>
    %select_n3A_2135 = arith.select %ge3A_158, %select_n3A_2134, %broadcast_in_dim3A_1 : vector<16xi1>, vector<16xi32>
    %add3A_2136 = arith.addi %add3A_2130, %select_n3A_2135 : vector<16xi32>
    %add3A_2137 = arith.addi %add3A_2131, %select_n3A_2134 : vector<16xi32>
    %gather3A_2138 = tpu.vector_load_idx %arg10[%and3A_109] : memref<16xi32, #tpu.memory_space<vmem>>[vector<16xi32>], vector<16xi32>,
    %eq3A_2139 = arith.cmpi eq, %gather3A_2138, %get3A_2098 : vector<16xi32>
    %select_n3A_2140 = arith.select %eq3A_2139, %broadcast_in_dim3A_3, %broadcast_in_dim3A_1 : vector<16xi1>, vector<16xi32>
    %select_n3A_2141 = arith.select %ge3A_161, %select_n3A_2140, %broadcast_in_dim3A_1 : vector<16xi1>, vector<16xi32>
    %add3A_2142 = arith.addi %add3A_2136, %select_n3A_2141 : vector<16xi32>
    %add3A_2143 = arith.addi %add3A_2137, %select_n3A_2140 : vector<16xi32>
    %gather3A_2144 = tpu.vector_load_idx %arg10[%and3A_113] : memref<16xi32, #tpu.memory_space<vmem>>[vector<16xi32>], vector<16xi32>,
    %eq3A_2145 = arith.cmpi eq, %gather3A_2144, %get3A_2098 : vector<16xi32>
    %select_n3A_2146 = arith.select %eq3A_2145, %broadcast_in_dim3A_3, %broadcast_in_dim3A_1 : vector<16xi1>, vector<16xi32>
    %select_n3A_2147 = arith.select %ge3A_164, %select_n3A_2146, %broadcast_in_dim3A_1 : vector<16xi1>, vector<16xi32>
    %add3A_2148 = arith.addi %add3A_2142, %select_n3A_2147 : vector<16xi32>
    %add3A_2149 = arith.addi %add3A_2143, %select_n3A_2146 : vector<16xi32>
    %gather3A_2150 = tpu.vector_load_idx %arg10[%and3A_117] : memref<16xi32, #tpu.memory_space<vmem>>[vector<16xi32>], vector<16xi32>,
    %eq3A_2151 = arith.cmpi eq, %gather3A_2150, %get3A_2098 : vector<16xi32>
    %select_n3A_2152 = arith.select %eq3A_2151, %broadcast_in_dim3A_3, %broadcast_in_dim3A_1 : vector<16xi1>, vector<16xi32>
    %select_n3A_2153 = arith.select %ge3A_167, %select_n3A_2152, %broadcast_in_dim3A_1 : vector<16xi1>, vector<16xi32>
    %add3A_2154 = arith.addi %add3A_2148, %select_n3A_2153 : vector<16xi32>
    %add3A_2155 = arith.addi %add3A_2149, %select_n3A_2152 : vector<16xi32>
    %gather3A_2156 = tpu.vector_load_idx %arg10[%and3A_121] : memref<16xi32, #tpu.memory_space<vmem>>[vector<16xi32>], vector<16xi32>,
    %eq3A_2157 = arith.cmpi eq, %gather3A_2156, %get3A_2098 : vector<16xi32>
    %select_n3A_2158 = arith.select %eq3A_2157, %broadcast_in_dim3A_3, %broadcast_in_dim3A_1 : vector<16xi1>, vector<16xi32>
    %select_n3A_2159 = arith.select %ge3A_170, %select_n3A_2158, %broadcast_in_dim3A_1 : vector<16xi1>, vector<16xi32>
    %add3A_2160 = arith.addi %add3A_2154, %select_n3A_2159 : vector<16xi32>
    %add3A_2161 = arith.addi %add3A_2155, %select_n3A_2158 : vector<16xi32>
    %gather3A_2162 = tpu.vector_load_idx %arg10[%and3A_125] : memref<16xi32, #tpu.memory_space<vmem>>[vector<16xi32>], vector<16xi32>,
    %eq3A_2163 = arith.cmpi eq, %gather3A_2162, %get3A_2098 : vector<16xi32>
    %select_n3A_2164 = arith.select %eq3A_2163, %broadcast_in_dim3A_3, %broadcast_in_dim3A_1 : vector<16xi1>, vector<16xi32>
    %select_n3A_2165 = arith.select %ge3A_173, %select_n3A_2164, %broadcast_in_dim3A_1 : vector<16xi1>, vector<16xi32>
    %add3A_2166 = arith.addi %add3A_2160, %select_n3A_2165 : vector<16xi32>
    %add3A_2167 = arith.addi %add3A_2161, %select_n3A_2164 : vector<16xi32>
    %gather3A_2168 = tpu.vector_load_idx %arg10[%and3A_129] : memref<16xi32, #tpu.memory_space<vmem>>[vector<16xi32>], vector<16xi32>,
    %eq3A_2169 = arith.cmpi eq, %gather3A_2168, %get3A_2098 : vector<16xi32>
    %select_n3A_2170 = arith.select %eq3A_2169, %broadcast_in_dim3A_3, %broadcast_in_dim3A_1 : vector<16xi1>, vector<16xi32>
    %select_n3A_2171 = arith.select %ge3A_176, %select_n3A_2170, %broadcast_in_dim3A_1 : vector<16xi1>, vector<16xi32>
    %add3A_2172 = arith.addi %add3A_2166, %select_n3A_2171 : vector<16xi32>
    %add3A_2173 = arith.addi %add3A_2167, %select_n3A_2170 : vector<16xi32>
    %gather3A_2174 = tpu.vector_load_idx %arg10[%and3A_133] : memref<16xi32, #tpu.memory_space<vmem>>[vector<16xi32>], vector<16xi32>,
    %eq3A_2175 = arith.cmpi eq, %gather3A_2174, %get3A_2098 : vector<16xi32>
    %select_n3A_2176 = arith.select %eq3A_2175, %broadcast_in_dim3A_3, %broadcast_in_dim3A_1 : vector<16xi1>, vector<16xi32>
    %select_n3A_2177 = arith.select %ge3A_179, %select_n3A_2176, %broadcast_in_dim3A_1 : vector<16xi1>, vector<16xi32>
    %add3A_2178 = arith.addi %add3A_2172, %select_n3A_2177 : vector<16xi32>
    %add3A_2179 = arith.addi %add3A_2173, %select_n3A_2176 : vector<16xi32>
    %gather3A_2180 = tpu.vector_load_idx %arg10[%and3A_137] : memref<16xi32, #tpu.memory_space<vmem>>[vector<16xi32>], vector<16xi32>,
    %eq3A_2181 = arith.cmpi eq, %gather3A_2180, %get3A_2098 : vector<16xi32>
    %select_n3A_2182 = arith.select %eq3A_2181, %broadcast_in_dim3A_3, %broadcast_in_dim3A_1 : vector<16xi1>, vector<16xi32>
    %select_n3A_2183 = arith.select %ge3A_182, %select_n3A_2182, %broadcast_in_dim3A_1 : vector<16xi1>, vector<16xi32>
    %add3A_2184 = arith.addi %add3A_2178, %select_n3A_2183 : vector<16xi32>
    %add3A_2185 = arith.addi %add3A_2179, %select_n3A_2182 : vector<16xi32>
    %gather3A_2186 = tpu.vector_load_idx %arg10[%and3A_141] : memref<16xi32, #tpu.memory_space<vmem>>[vector<16xi32>], vector<16xi32>,
    %eq3A_2187 = arith.cmpi eq, %gather3A_2186, %get3A_2098 : vector<16xi32>
    %select_n3A_2188 = arith.select %eq3A_2187, %broadcast_in_dim3A_3, %broadcast_in_dim3A_1 : vector<16xi1>, vector<16xi32>
    %select_n3A_2189 = arith.select %ge3A_185, %select_n3A_2188, %broadcast_in_dim3A_1 : vector<16xi1>, vector<16xi32>
    %add3A_2190 = arith.addi %add3A_2184, %select_n3A_2189 : vector<16xi32>
    %add3A_2191 = arith.addi %add3A_2185, %select_n3A_2188 : vector<16xi32>
    %add3A_2192 = arith.addi %gather3A_2099, %add3A_2190 : vector<16xi32>
    %add3A_2193 = arith.addi %gather3A_2099, %add3A_2191 : vector<16xi32>
    tpu.vector_store_idx %arg11[%get3A_2098], %add3A_2193 : memref<16xi32, #tpu.memory_space<vmem>>[vector<16xi32>], vector<16xi32>,
    %swap3A_2194 = arith.constant 112 : index
    %swap3A_2195 = tpu.vector_load %arg7[%swap3A_2194] {strides = array<i32>} : memref<256xi32, #tpu.memory_space<vmem>>, vector<16xi32>,
    tpu.vector_store %arg7[%swap3A_2194], %add3A_2192 {strides = array<i32>} : memref<256xi32, #tpu.memory_space<vmem>>, vector<16xi32>,
    %swap3A_2196 = arith.constant 0 : i32
    %swap3A_2197 = arith.index_cast %swap3A_2196 : i32 to index
    %swap3A_2198 = arith.constant 112 : index
    %swap3A_2199 = tpu.vector_load %arg8[%swap3A_2197, %swap3A_2198] {strides = array<i32>} : memref<2x128xi32, #tpu.memory_space<vmem>>, vector<16xi32>,
    tpu.vector_store %arg8[%swap3A_2197, %swap3A_2198], %add3A_2192 {strides = array<i32>} : memref<2x128xi32, #tpu.memory_space<vmem>>, vector<16xi32>,
    %broadcast_in_dim3A_2200 = arith.constant 256 : i32
    %broadcast_in_dim3A_2201 = vector.broadcast %broadcast_in_dim3A_2200 : i32 to vector<16xi32>
    %mul3A_2202 = arith.muli %get3A_83, %broadcast_in_dim3A_2201 : vector<16xi32>
    %broadcast_in_dim3A_2203 = arith.constant 112 : i32
    %broadcast_in_dim3A_2204 = vector.broadcast %broadcast_in_dim3A_2203 : i32 to vector<16xi32>
    %add3A_2205 = arith.addi %mul3A_2202, %broadcast_in_dim3A_2204 : vector<16xi32>
    %add3A_2206 = arith.addi %add3A_2205, %iota3A : vector<16xi32>
    %shift_right_logical3A_2207 = arith.shrui %add3A_2206, %broadcast_in_dim3A_3 : vector<16xi32>
    %broadcast_in_dim3A_2208 = arith.constant 0 : i32
    %broadcast_in_dim3A_2209 = vector.broadcast %broadcast_in_dim3A_2208 : i32 to vector<16xi32>
    %add3A_2210 = arith.addi %shift_right_logical3A_2207, %broadcast_in_dim3A_2209 : vector<16xi32>
    %swap3A_2211 = arith.constant 0 : i32
    %swap3A_2212 = arith.index_cast %swap3A_2211 : i32 to index
    %swap3A_2213 = arith.constant 112 : index
    %swap3A_2214 = tpu.vector_load %arg9[%swap3A_2212, %swap3A_2213] {strides = array<i32>} : memref<2x128xi32, #tpu.memory_space<vmem>>, vector<16xi32>,
    tpu.vector_store %arg9[%swap3A_2212, %swap3A_2213], %add3A_2210 {strides = array<i32>} : memref<2x128xi32, #tpu.memory_space<vmem>>, vector<16xi32>,
    %get3A_2215 = arith.constant 128 : index
    %get3A_2216 = tpu.vector_load %arg6[%get3A_2215] {strides = array<i32>} : memref<256xi32, #tpu.memory_space<vmem>>, vector<16xi32>,
    %gather3A_2217 = tpu.vector_load_idx %arg11[%get3A_2216] : memref<16xi32, #tpu.memory_space<vmem>>[vector<16xi32>], vector<16xi32>,
    %swap3A_2218 = arith.constant 0 : index
    %swap3A_2219 = tpu.vector_load %arg10[%swap3A_2218] {strides = array<i32>} : memref<16xi32, #tpu.memory_space<vmem>>, vector<16xi32>,
    tpu.vector_store %arg10[%swap3A_2218], %get3A_2216 {strides = array<i32>} : memref<16xi32, #tpu.memory_space<vmem>>, vector<16xi32>,
    %gather3A_2220 = tpu.vector_load_idx %arg10[%and3A] : memref<16xi32, #tpu.memory_space<vmem>>[vector<16xi32>], vector<16xi32>,
    %eq3A_2221 = arith.cmpi eq, %gather3A_2220, %get3A_2216 : vector<16xi32>
    %select_n3A_2222 = arith.select %eq3A_2221, %broadcast_in_dim3A_3, %broadcast_in_dim3A_1 : vector<16xi1>, vector<16xi32>
    %select_n3A_2223 = arith.select %ge3A, %select_n3A_2222, %broadcast_in_dim3A_1 : vector<16xi1>, vector<16xi32>
    %add3A_2224 = arith.addi %broadcast_in_dim3A_1, %select_n3A_2223 : vector<16xi32>
    %add3A_2225 = arith.addi %broadcast_in_dim3A_3, %select_n3A_2222 : vector<16xi32>
    %gather3A_2226 = tpu.vector_load_idx %arg10[%and3A_89] : memref<16xi32, #tpu.memory_space<vmem>>[vector<16xi32>], vector<16xi32>,
    %eq3A_2227 = arith.cmpi eq, %gather3A_2226, %get3A_2216 : vector<16xi32>
    %select_n3A_2228 = arith.select %eq3A_2227, %broadcast_in_dim3A_3, %broadcast_in_dim3A_1 : vector<16xi1>, vector<16xi32>
    %select_n3A_2229 = arith.select %ge3A_146, %select_n3A_2228, %broadcast_in_dim3A_1 : vector<16xi1>, vector<16xi32>
    %add3A_2230 = arith.addi %add3A_2224, %select_n3A_2229 : vector<16xi32>
    %add3A_2231 = arith.addi %add3A_2225, %select_n3A_2228 : vector<16xi32>
    %gather3A_2232 = tpu.vector_load_idx %arg10[%and3A_93] : memref<16xi32, #tpu.memory_space<vmem>>[vector<16xi32>], vector<16xi32>,
    %eq3A_2233 = arith.cmpi eq, %gather3A_2232, %get3A_2216 : vector<16xi32>
    %select_n3A_2234 = arith.select %eq3A_2233, %broadcast_in_dim3A_3, %broadcast_in_dim3A_1 : vector<16xi1>, vector<16xi32>
    %select_n3A_2235 = arith.select %ge3A_149, %select_n3A_2234, %broadcast_in_dim3A_1 : vector<16xi1>, vector<16xi32>
    %add3A_2236 = arith.addi %add3A_2230, %select_n3A_2235 : vector<16xi32>
    %add3A_2237 = arith.addi %add3A_2231, %select_n3A_2234 : vector<16xi32>
    %gather3A_2238 = tpu.vector_load_idx %arg10[%and3A_97] : memref<16xi32, #tpu.memory_space<vmem>>[vector<16xi32>], vector<16xi32>,
    %eq3A_2239 = arith.cmpi eq, %gather3A_2238, %get3A_2216 : vector<16xi32>
    %select_n3A_2240 = arith.select %eq3A_2239, %broadcast_in_dim3A_3, %broadcast_in_dim3A_1 : vector<16xi1>, vector<16xi32>
    %select_n3A_2241 = arith.select %ge3A_152, %select_n3A_2240, %broadcast_in_dim3A_1 : vector<16xi1>, vector<16xi32>
    %add3A_2242 = arith.addi %add3A_2236, %select_n3A_2241 : vector<16xi32>
    %add3A_2243 = arith.addi %add3A_2237, %select_n3A_2240 : vector<16xi32>
    %gather3A_2244 = tpu.vector_load_idx %arg10[%and3A_101] : memref<16xi32, #tpu.memory_space<vmem>>[vector<16xi32>], vector<16xi32>,
    %eq3A_2245 = arith.cmpi eq, %gather3A_2244, %get3A_2216 : vector<16xi32>
    %select_n3A_2246 = arith.select %eq3A_2245, %broadcast_in_dim3A_3, %broadcast_in_dim3A_1 : vector<16xi1>, vector<16xi32>
    %select_n3A_2247 = arith.select %ge3A_155, %select_n3A_2246, %broadcast_in_dim3A_1 : vector<16xi1>, vector<16xi32>
    %add3A_2248 = arith.addi %add3A_2242, %select_n3A_2247 : vector<16xi32>
    %add3A_2249 = arith.addi %add3A_2243, %select_n3A_2246 : vector<16xi32>
    %gather3A_2250 = tpu.vector_load_idx %arg10[%and3A_105] : memref<16xi32, #tpu.memory_space<vmem>>[vector<16xi32>], vector<16xi32>,
    %eq3A_2251 = arith.cmpi eq, %gather3A_2250, %get3A_2216 : vector<16xi32>
    %select_n3A_2252 = arith.select %eq3A_2251, %broadcast_in_dim3A_3, %broadcast_in_dim3A_1 : vector<16xi1>, vector<16xi32>
    %select_n3A_2253 = arith.select %ge3A_158, %select_n3A_2252, %broadcast_in_dim3A_1 : vector<16xi1>, vector<16xi32>
    %add3A_2254 = arith.addi %add3A_2248, %select_n3A_2253 : vector<16xi32>
    %add3A_2255 = arith.addi %add3A_2249, %select_n3A_2252 : vector<16xi32>
    %gather3A_2256 = tpu.vector_load_idx %arg10[%and3A_109] : memref<16xi32, #tpu.memory_space<vmem>>[vector<16xi32>], vector<16xi32>,
    %eq3A_2257 = arith.cmpi eq, %gather3A_2256, %get3A_2216 : vector<16xi32>
    %select_n3A_2258 = arith.select %eq3A_2257, %broadcast_in_dim3A_3, %broadcast_in_dim3A_1 : vector<16xi1>, vector<16xi32>
    %select_n3A_2259 = arith.select %ge3A_161, %select_n3A_2258, %broadcast_in_dim3A_1 : vector<16xi1>, vector<16xi32>
    %add3A_2260 = arith.addi %add3A_2254, %select_n3A_2259 : vector<16xi32>
    %add3A_2261 = arith.addi %add3A_2255, %select_n3A_2258 : vector<16xi32>
    %gather3A_2262 = tpu.vector_load_idx %arg10[%and3A_113] : memref<16xi32, #tpu.memory_space<vmem>>[vector<16xi32>], vector<16xi32>,
    %eq3A_2263 = arith.cmpi eq, %gather3A_2262, %get3A_2216 : vector<16xi32>
    %select_n3A_2264 = arith.select %eq3A_2263, %broadcast_in_dim3A_3, %broadcast_in_dim3A_1 : vector<16xi1>, vector<16xi32>
    %select_n3A_2265 = arith.select %ge3A_164, %select_n3A_2264, %broadcast_in_dim3A_1 : vector<16xi1>, vector<16xi32>
    %add3A_2266 = arith.addi %add3A_2260, %select_n3A_2265 : vector<16xi32>
    %add3A_2267 = arith.addi %add3A_2261, %select_n3A_2264 : vector<16xi32>
    %gather3A_2268 = tpu.vector_load_idx %arg10[%and3A_117] : memref<16xi32, #tpu.memory_space<vmem>>[vector<16xi32>], vector<16xi32>,
    %eq3A_2269 = arith.cmpi eq, %gather3A_2268, %get3A_2216 : vector<16xi32>
    %select_n3A_2270 = arith.select %eq3A_2269, %broadcast_in_dim3A_3, %broadcast_in_dim3A_1 : vector<16xi1>, vector<16xi32>
    %select_n3A_2271 = arith.select %ge3A_167, %select_n3A_2270, %broadcast_in_dim3A_1 : vector<16xi1>, vector<16xi32>
    %add3A_2272 = arith.addi %add3A_2266, %select_n3A_2271 : vector<16xi32>
    %add3A_2273 = arith.addi %add3A_2267, %select_n3A_2270 : vector<16xi32>
    %gather3A_2274 = tpu.vector_load_idx %arg10[%and3A_121] : memref<16xi32, #tpu.memory_space<vmem>>[vector<16xi32>], vector<16xi32>,
    %eq3A_2275 = arith.cmpi eq, %gather3A_2274, %get3A_2216 : vector<16xi32>
    %select_n3A_2276 = arith.select %eq3A_2275, %broadcast_in_dim3A_3, %broadcast_in_dim3A_1 : vector<16xi1>, vector<16xi32>
    %select_n3A_2277 = arith.select %ge3A_170, %select_n3A_2276, %broadcast_in_dim3A_1 : vector<16xi1>, vector<16xi32>
    %add3A_2278 = arith.addi %add3A_2272, %select_n3A_2277 : vector<16xi32>
    %add3A_2279 = arith.addi %add3A_2273, %select_n3A_2276 : vector<16xi32>
    %gather3A_2280 = tpu.vector_load_idx %arg10[%and3A_125] : memref<16xi32, #tpu.memory_space<vmem>>[vector<16xi32>], vector<16xi32>,
    %eq3A_2281 = arith.cmpi eq, %gather3A_2280, %get3A_2216 : vector<16xi32>
    %select_n3A_2282 = arith.select %eq3A_2281, %broadcast_in_dim3A_3, %broadcast_in_dim3A_1 : vector<16xi1>, vector<16xi32>
    %select_n3A_2283 = arith.select %ge3A_173, %select_n3A_2282, %broadcast_in_dim3A_1 : vector<16xi1>, vector<16xi32>
    %add3A_2284 = arith.addi %add3A_2278, %select_n3A_2283 : vector<16xi32>
    %add3A_2285 = arith.addi %add3A_2279, %select_n3A_2282 : vector<16xi32>
    %gather3A_2286 = tpu.vector_load_idx %arg10[%and3A_129] : memref<16xi32, #tpu.memory_space<vmem>>[vector<16xi32>], vector<16xi32>,
    %eq3A_2287 = arith.cmpi eq, %gather3A_2286, %get3A_2216 : vector<16xi32>
    %select_n3A_2288 = arith.select %eq3A_2287, %broadcast_in_dim3A_3, %broadcast_in_dim3A_1 : vector<16xi1>, vector<16xi32>
    %select_n3A_2289 = arith.select %ge3A_176, %select_n3A_2288, %broadcast_in_dim3A_1 : vector<16xi1>, vector<16xi32>
    %add3A_2290 = arith.addi %add3A_2284, %select_n3A_2289 : vector<16xi32>
    %add3A_2291 = arith.addi %add3A_2285, %select_n3A_2288 : vector<16xi32>
    %gather3A_2292 = tpu.vector_load_idx %arg10[%and3A_133] : memref<16xi32, #tpu.memory_space<vmem>>[vector<16xi32>], vector<16xi32>,
    %eq3A_2293 = arith.cmpi eq, %gather3A_2292, %get3A_2216 : vector<16xi32>
    %select_n3A_2294 = arith.select %eq3A_2293, %broadcast_in_dim3A_3, %broadcast_in_dim3A_1 : vector<16xi1>, vector<16xi32>
    %select_n3A_2295 = arith.select %ge3A_179, %select_n3A_2294, %broadcast_in_dim3A_1 : vector<16xi1>, vector<16xi32>
    %add3A_2296 = arith.addi %add3A_2290, %select_n3A_2295 : vector<16xi32>
    %add3A_2297 = arith.addi %add3A_2291, %select_n3A_2294 : vector<16xi32>
    %gather3A_2298 = tpu.vector_load_idx %arg10[%and3A_137] : memref<16xi32, #tpu.memory_space<vmem>>[vector<16xi32>], vector<16xi32>,
    %eq3A_2299 = arith.cmpi eq, %gather3A_2298, %get3A_2216 : vector<16xi32>
    %select_n3A_2300 = arith.select %eq3A_2299, %broadcast_in_dim3A_3, %broadcast_in_dim3A_1 : vector<16xi1>, vector<16xi32>
    %select_n3A_2301 = arith.select %ge3A_182, %select_n3A_2300, %broadcast_in_dim3A_1 : vector<16xi1>, vector<16xi32>
    %add3A_2302 = arith.addi %add3A_2296, %select_n3A_2301 : vector<16xi32>
    %add3A_2303 = arith.addi %add3A_2297, %select_n3A_2300 : vector<16xi32>
    %gather3A_2304 = tpu.vector_load_idx %arg10[%and3A_141] : memref<16xi32, #tpu.memory_space<vmem>>[vector<16xi32>], vector<16xi32>,
    %eq3A_2305 = arith.cmpi eq, %gather3A_2304, %get3A_2216 : vector<16xi32>
    %select_n3A_2306 = arith.select %eq3A_2305, %broadcast_in_dim3A_3, %broadcast_in_dim3A_1 : vector<16xi1>, vector<16xi32>
    %select_n3A_2307 = arith.select %ge3A_185, %select_n3A_2306, %broadcast_in_dim3A_1 : vector<16xi1>, vector<16xi32>
    %add3A_2308 = arith.addi %add3A_2302, %select_n3A_2307 : vector<16xi32>
    %add3A_2309 = arith.addi %add3A_2303, %select_n3A_2306 : vector<16xi32>
    %add3A_2310 = arith.addi %gather3A_2217, %add3A_2308 : vector<16xi32>
    %add3A_2311 = arith.addi %gather3A_2217, %add3A_2309 : vector<16xi32>
    tpu.vector_store_idx %arg11[%get3A_2216], %add3A_2311 : memref<16xi32, #tpu.memory_space<vmem>>[vector<16xi32>], vector<16xi32>,
    %swap3A_2312 = arith.constant 128 : index
    %swap3A_2313 = tpu.vector_load %arg7[%swap3A_2312] {strides = array<i32>} : memref<256xi32, #tpu.memory_space<vmem>>, vector<16xi32>,
    tpu.vector_store %arg7[%swap3A_2312], %add3A_2310 {strides = array<i32>} : memref<256xi32, #tpu.memory_space<vmem>>, vector<16xi32>,
    %swap3A_2314 = arith.constant 1 : i32
    %swap3A_2315 = arith.index_cast %swap3A_2314 : i32 to index
    %swap3A_2316 = arith.constant 0 : index
    %swap3A_2317 = tpu.vector_load %arg8[%swap3A_2315, %swap3A_2316] {strides = array<i32>} : memref<2x128xi32, #tpu.memory_space<vmem>>, vector<16xi32>,
    tpu.vector_store %arg8[%swap3A_2315, %swap3A_2316], %add3A_2310 {strides = array<i32>} : memref<2x128xi32, #tpu.memory_space<vmem>>, vector<16xi32>,
    %broadcast_in_dim3A_2318 = arith.constant 256 : i32
    %broadcast_in_dim3A_2319 = vector.broadcast %broadcast_in_dim3A_2318 : i32 to vector<16xi32>
    %mul3A_2320 = arith.muli %get3A_83, %broadcast_in_dim3A_2319 : vector<16xi32>
    %broadcast_in_dim3A_2321 = arith.constant 128 : i32
    %broadcast_in_dim3A_2322 = vector.broadcast %broadcast_in_dim3A_2321 : i32 to vector<16xi32>
    %add3A_2323 = arith.addi %mul3A_2320, %broadcast_in_dim3A_2322 : vector<16xi32>
    %add3A_2324 = arith.addi %add3A_2323, %iota3A : vector<16xi32>
    %shift_right_logical3A_2325 = arith.shrui %add3A_2324, %broadcast_in_dim3A_3 : vector<16xi32>
    %broadcast_in_dim3A_2326 = arith.constant 0 : i32
    %broadcast_in_dim3A_2327 = vector.broadcast %broadcast_in_dim3A_2326 : i32 to vector<16xi32>
    %add3A_2328 = arith.addi %shift_right_logical3A_2325, %broadcast_in_dim3A_2327 : vector<16xi32>
    %swap3A_2329 = arith.constant 1 : i32
    %swap3A_2330 = arith.index_cast %swap3A_2329 : i32 to index
    %swap3A_2331 = arith.constant 0 : index
    %swap3A_2332 = tpu.vector_load %arg9[%swap3A_2330, %swap3A_2331] {strides = array<i32>} : memref<2x128xi32, #tpu.memory_space<vmem>>, vector<16xi32>,
    tpu.vector_store %arg9[%swap3A_2330, %swap3A_2331], %add3A_2328 {strides = array<i32>} : memref<2x128xi32, #tpu.memory_space<vmem>>, vector<16xi32>,
    %get3A_2333 = arith.constant 144 : index
    %get3A_2334 = tpu.vector_load %arg6[%get3A_2333] {strides = array<i32>} : memref<256xi32, #tpu.memory_space<vmem>>, vector<16xi32>,
    %gather3A_2335 = tpu.vector_load_idx %arg11[%get3A_2334] : memref<16xi32, #tpu.memory_space<vmem>>[vector<16xi32>], vector<16xi32>,
    %swap3A_2336 = arith.constant 0 : index
    %swap3A_2337 = tpu.vector_load %arg10[%swap3A_2336] {strides = array<i32>} : memref<16xi32, #tpu.memory_space<vmem>>, vector<16xi32>,
    tpu.vector_store %arg10[%swap3A_2336], %get3A_2334 {strides = array<i32>} : memref<16xi32, #tpu.memory_space<vmem>>, vector<16xi32>,
    %gather3A_2338 = tpu.vector_load_idx %arg10[%and3A] : memref<16xi32, #tpu.memory_space<vmem>>[vector<16xi32>], vector<16xi32>,
    %eq3A_2339 = arith.cmpi eq, %gather3A_2338, %get3A_2334 : vector<16xi32>
    %select_n3A_2340 = arith.select %eq3A_2339, %broadcast_in_dim3A_3, %broadcast_in_dim3A_1 : vector<16xi1>, vector<16xi32>
    %select_n3A_2341 = arith.select %ge3A, %select_n3A_2340, %broadcast_in_dim3A_1 : vector<16xi1>, vector<16xi32>
    %add3A_2342 = arith.addi %broadcast_in_dim3A_1, %select_n3A_2341 : vector<16xi32>
    %add3A_2343 = arith.addi %broadcast_in_dim3A_3, %select_n3A_2340 : vector<16xi32>
    %gather3A_2344 = tpu.vector_load_idx %arg10[%and3A_89] : memref<16xi32, #tpu.memory_space<vmem>>[vector<16xi32>], vector<16xi32>,
    %eq3A_2345 = arith.cmpi eq, %gather3A_2344, %get3A_2334 : vector<16xi32>
    %select_n3A_2346 = arith.select %eq3A_2345, %broadcast_in_dim3A_3, %broadcast_in_dim3A_1 : vector<16xi1>, vector<16xi32>
    %select_n3A_2347 = arith.select %ge3A_146, %select_n3A_2346, %broadcast_in_dim3A_1 : vector<16xi1>, vector<16xi32>
    %add3A_2348 = arith.addi %add3A_2342, %select_n3A_2347 : vector<16xi32>
    %add3A_2349 = arith.addi %add3A_2343, %select_n3A_2346 : vector<16xi32>
    %gather3A_2350 = tpu.vector_load_idx %arg10[%and3A_93] : memref<16xi32, #tpu.memory_space<vmem>>[vector<16xi32>], vector<16xi32>,
    %eq3A_2351 = arith.cmpi eq, %gather3A_2350, %get3A_2334 : vector<16xi32>
    %select_n3A_2352 = arith.select %eq3A_2351, %broadcast_in_dim3A_3, %broadcast_in_dim3A_1 : vector<16xi1>, vector<16xi32>
    %select_n3A_2353 = arith.select %ge3A_149, %select_n3A_2352, %broadcast_in_dim3A_1 : vector<16xi1>, vector<16xi32>
    %add3A_2354 = arith.addi %add3A_2348, %select_n3A_2353 : vector<16xi32>
    %add3A_2355 = arith.addi %add3A_2349, %select_n3A_2352 : vector<16xi32>
    %gather3A_2356 = tpu.vector_load_idx %arg10[%and3A_97] : memref<16xi32, #tpu.memory_space<vmem>>[vector<16xi32>], vector<16xi32>,
    %eq3A_2357 = arith.cmpi eq, %gather3A_2356, %get3A_2334 : vector<16xi32>
    %select_n3A_2358 = arith.select %eq3A_2357, %broadcast_in_dim3A_3, %broadcast_in_dim3A_1 : vector<16xi1>, vector<16xi32>
    %select_n3A_2359 = arith.select %ge3A_152, %select_n3A_2358, %broadcast_in_dim3A_1 : vector<16xi1>, vector<16xi32>
    %add3A_2360 = arith.addi %add3A_2354, %select_n3A_2359 : vector<16xi32>
    %add3A_2361 = arith.addi %add3A_2355, %select_n3A_2358 : vector<16xi32>
    %gather3A_2362 = tpu.vector_load_idx %arg10[%and3A_101] : memref<16xi32, #tpu.memory_space<vmem>>[vector<16xi32>], vector<16xi32>,
    %eq3A_2363 = arith.cmpi eq, %gather3A_2362, %get3A_2334 : vector<16xi32>
    %select_n3A_2364 = arith.select %eq3A_2363, %broadcast_in_dim3A_3, %broadcast_in_dim3A_1 : vector<16xi1>, vector<16xi32>
    %select_n3A_2365 = arith.select %ge3A_155, %select_n3A_2364, %broadcast_in_dim3A_1 : vector<16xi1>, vector<16xi32>
    %add3A_2366 = arith.addi %add3A_2360, %select_n3A_2365 : vector<16xi32>
    %add3A_2367 = arith.addi %add3A_2361, %select_n3A_2364 : vector<16xi32>
    %gather3A_2368 = tpu.vector_load_idx %arg10[%and3A_105] : memref<16xi32, #tpu.memory_space<vmem>>[vector<16xi32>], vector<16xi32>,
    %eq3A_2369 = arith.cmpi eq, %gather3A_2368, %get3A_2334 : vector<16xi32>
    %select_n3A_2370 = arith.select %eq3A_2369, %broadcast_in_dim3A_3, %broadcast_in_dim3A_1 : vector<16xi1>, vector<16xi32>
    %select_n3A_2371 = arith.select %ge3A_158, %select_n3A_2370, %broadcast_in_dim3A_1 : vector<16xi1>, vector<16xi32>
    %add3A_2372 = arith.addi %add3A_2366, %select_n3A_2371 : vector<16xi32>
    %add3A_2373 = arith.addi %add3A_2367, %select_n3A_2370 : vector<16xi32>
    %gather3A_2374 = tpu.vector_load_idx %arg10[%and3A_109] : memref<16xi32, #tpu.memory_space<vmem>>[vector<16xi32>], vector<16xi32>,
    %eq3A_2375 = arith.cmpi eq, %gather3A_2374, %get3A_2334 : vector<16xi32>
    %select_n3A_2376 = arith.select %eq3A_2375, %broadcast_in_dim3A_3, %broadcast_in_dim3A_1 : vector<16xi1>, vector<16xi32>
    %select_n3A_2377 = arith.select %ge3A_161, %select_n3A_2376, %broadcast_in_dim3A_1 : vector<16xi1>, vector<16xi32>
    %add3A_2378 = arith.addi %add3A_2372, %select_n3A_2377 : vector<16xi32>
    %add3A_2379 = arith.addi %add3A_2373, %select_n3A_2376 : vector<16xi32>
    %gather3A_2380 = tpu.vector_load_idx %arg10[%and3A_113] : memref<16xi32, #tpu.memory_space<vmem>>[vector<16xi32>], vector<16xi32>,
    %eq3A_2381 = arith.cmpi eq, %gather3A_2380, %get3A_2334 : vector<16xi32>
    %select_n3A_2382 = arith.select %eq3A_2381, %broadcast_in_dim3A_3, %broadcast_in_dim3A_1 : vector<16xi1>, vector<16xi32>
    %select_n3A_2383 = arith.select %ge3A_164, %select_n3A_2382, %broadcast_in_dim3A_1 : vector<16xi1>, vector<16xi32>
    %add3A_2384 = arith.addi %add3A_2378, %select_n3A_2383 : vector<16xi32>
    %add3A_2385 = arith.addi %add3A_2379, %select_n3A_2382 : vector<16xi32>
    %gather3A_2386 = tpu.vector_load_idx %arg10[%and3A_117] : memref<16xi32, #tpu.memory_space<vmem>>[vector<16xi32>], vector<16xi32>,
    %eq3A_2387 = arith.cmpi eq, %gather3A_2386, %get3A_2334 : vector<16xi32>
    %select_n3A_2388 = arith.select %eq3A_2387, %broadcast_in_dim3A_3, %broadcast_in_dim3A_1 : vector<16xi1>, vector<16xi32>
    %select_n3A_2389 = arith.select %ge3A_167, %select_n3A_2388, %broadcast_in_dim3A_1 : vector<16xi1>, vector<16xi32>
    %add3A_2390 = arith.addi %add3A_2384, %select_n3A_2389 : vector<16xi32>
    %add3A_2391 = arith.addi %add3A_2385, %select_n3A_2388 : vector<16xi32>
    %gather3A_2392 = tpu.vector_load_idx %arg10[%and3A_121] : memref<16xi32, #tpu.memory_space<vmem>>[vector<16xi32>], vector<16xi32>,
    %eq3A_2393 = arith.cmpi eq, %gather3A_2392, %get3A_2334 : vector<16xi32>
    %select_n3A_2394 = arith.select %eq3A_2393, %broadcast_in_dim3A_3, %broadcast_in_dim3A_1 : vector<16xi1>, vector<16xi32>
    %select_n3A_2395 = arith.select %ge3A_170, %select_n3A_2394, %broadcast_in_dim3A_1 : vector<16xi1>, vector<16xi32>
    %add3A_2396 = arith.addi %add3A_2390, %select_n3A_2395 : vector<16xi32>
    %add3A_2397 = arith.addi %add3A_2391, %select_n3A_2394 : vector<16xi32>
    %gather3A_2398 = tpu.vector_load_idx %arg10[%and3A_125] : memref<16xi32, #tpu.memory_space<vmem>>[vector<16xi32>], vector<16xi32>,
    %eq3A_2399 = arith.cmpi eq, %gather3A_2398, %get3A_2334 : vector<16xi32>
    %select_n3A_2400 = arith.select %eq3A_2399, %broadcast_in_dim3A_3, %broadcast_in_dim3A_1 : vector<16xi1>, vector<16xi32>
    %select_n3A_2401 = arith.select %ge3A_173, %select_n3A_2400, %broadcast_in_dim3A_1 : vector<16xi1>, vector<16xi32>
    %add3A_2402 = arith.addi %add3A_2396, %select_n3A_2401 : vector<16xi32>
    %add3A_2403 = arith.addi %add3A_2397, %select_n3A_2400 : vector<16xi32>
    %gather3A_2404 = tpu.vector_load_idx %arg10[%and3A_129] : memref<16xi32, #tpu.memory_space<vmem>>[vector<16xi32>], vector<16xi32>,
    %eq3A_2405 = arith.cmpi eq, %gather3A_2404, %get3A_2334 : vector<16xi32>
    %select_n3A_2406 = arith.select %eq3A_2405, %broadcast_in_dim3A_3, %broadcast_in_dim3A_1 : vector<16xi1>, vector<16xi32>
    %select_n3A_2407 = arith.select %ge3A_176, %select_n3A_2406, %broadcast_in_dim3A_1 : vector<16xi1>, vector<16xi32>
    %add3A_2408 = arith.addi %add3A_2402, %select_n3A_2407 : vector<16xi32>
    %add3A_2409 = arith.addi %add3A_2403, %select_n3A_2406 : vector<16xi32>
    %gather3A_2410 = tpu.vector_load_idx %arg10[%and3A_133] : memref<16xi32, #tpu.memory_space<vmem>>[vector<16xi32>], vector<16xi32>,
    %eq3A_2411 = arith.cmpi eq, %gather3A_2410, %get3A_2334 : vector<16xi32>
    %select_n3A_2412 = arith.select %eq3A_2411, %broadcast_in_dim3A_3, %broadcast_in_dim3A_1 : vector<16xi1>, vector<16xi32>
    %select_n3A_2413 = arith.select %ge3A_179, %select_n3A_2412, %broadcast_in_dim3A_1 : vector<16xi1>, vector<16xi32>
    %add3A_2414 = arith.addi %add3A_2408, %select_n3A_2413 : vector<16xi32>
    %add3A_2415 = arith.addi %add3A_2409, %select_n3A_2412 : vector<16xi32>
    %gather3A_2416 = tpu.vector_load_idx %arg10[%and3A_137] : memref<16xi32, #tpu.memory_space<vmem>>[vector<16xi32>], vector<16xi32>,
    %eq3A_2417 = arith.cmpi eq, %gather3A_2416, %get3A_2334 : vector<16xi32>
    %select_n3A_2418 = arith.select %eq3A_2417, %broadcast_in_dim3A_3, %broadcast_in_dim3A_1 : vector<16xi1>, vector<16xi32>
    %select_n3A_2419 = arith.select %ge3A_182, %select_n3A_2418, %broadcast_in_dim3A_1 : vector<16xi1>, vector<16xi32>
    %add3A_2420 = arith.addi %add3A_2414, %select_n3A_2419 : vector<16xi32>
    %add3A_2421 = arith.addi %add3A_2415, %select_n3A_2418 : vector<16xi32>
    %gather3A_2422 = tpu.vector_load_idx %arg10[%and3A_141] : memref<16xi32, #tpu.memory_space<vmem>>[vector<16xi32>], vector<16xi32>,
    %eq3A_2423 = arith.cmpi eq, %gather3A_2422, %get3A_2334 : vector<16xi32>
    %select_n3A_2424 = arith.select %eq3A_2423, %broadcast_in_dim3A_3, %broadcast_in_dim3A_1 : vector<16xi1>, vector<16xi32>
    %select_n3A_2425 = arith.select %ge3A_185, %select_n3A_2424, %broadcast_in_dim3A_1 : vector<16xi1>, vector<16xi32>
    %add3A_2426 = arith.addi %add3A_2420, %select_n3A_2425 : vector<16xi32>
    %add3A_2427 = arith.addi %add3A_2421, %select_n3A_2424 : vector<16xi32>
    %add3A_2428 = arith.addi %gather3A_2335, %add3A_2426 : vector<16xi32>
    %add3A_2429 = arith.addi %gather3A_2335, %add3A_2427 : vector<16xi32>
    tpu.vector_store_idx %arg11[%get3A_2334], %add3A_2429 : memref<16xi32, #tpu.memory_space<vmem>>[vector<16xi32>], vector<16xi32>,
    %swap3A_2430 = arith.constant 144 : index
    %swap3A_2431 = tpu.vector_load %arg7[%swap3A_2430] {strides = array<i32>} : memref<256xi32, #tpu.memory_space<vmem>>, vector<16xi32>,
    tpu.vector_store %arg7[%swap3A_2430], %add3A_2428 {strides = array<i32>} : memref<256xi32, #tpu.memory_space<vmem>>, vector<16xi32>,
    %swap3A_2432 = arith.constant 1 : i32
    %swap3A_2433 = arith.index_cast %swap3A_2432 : i32 to index
    %swap3A_2434 = arith.constant 16 : index
    %swap3A_2435 = tpu.vector_load %arg8[%swap3A_2433, %swap3A_2434] {strides = array<i32>} : memref<2x128xi32, #tpu.memory_space<vmem>>, vector<16xi32>,
    tpu.vector_store %arg8[%swap3A_2433, %swap3A_2434], %add3A_2428 {strides = array<i32>} : memref<2x128xi32, #tpu.memory_space<vmem>>, vector<16xi32>,
    %broadcast_in_dim3A_2436 = arith.constant 256 : i32
    %broadcast_in_dim3A_2437 = vector.broadcast %broadcast_in_dim3A_2436 : i32 to vector<16xi32>
    %mul3A_2438 = arith.muli %get3A_83, %broadcast_in_dim3A_2437 : vector<16xi32>
    %broadcast_in_dim3A_2439 = arith.constant 144 : i32
    %broadcast_in_dim3A_2440 = vector.broadcast %broadcast_in_dim3A_2439 : i32 to vector<16xi32>
    %add3A_2441 = arith.addi %mul3A_2438, %broadcast_in_dim3A_2440 : vector<16xi32>
    %add3A_2442 = arith.addi %add3A_2441, %iota3A : vector<16xi32>
    %shift_right_logical3A_2443 = arith.shrui %add3A_2442, %broadcast_in_dim3A_3 : vector<16xi32>
    %broadcast_in_dim3A_2444 = arith.constant 0 : i32
    %broadcast_in_dim3A_2445 = vector.broadcast %broadcast_in_dim3A_2444 : i32 to vector<16xi32>
    %add3A_2446 = arith.addi %shift_right_logical3A_2443, %broadcast_in_dim3A_2445 : vector<16xi32>
    %swap3A_2447 = arith.constant 1 : i32
    %swap3A_2448 = arith.index_cast %swap3A_2447 : i32 to index
    %swap3A_2449 = arith.constant 16 : index
    %swap3A_2450 = tpu.vector_load %arg9[%swap3A_2448, %swap3A_2449] {strides = array<i32>} : memref<2x128xi32, #tpu.memory_space<vmem>>, vector<16xi32>,
    tpu.vector_store %arg9[%swap3A_2448, %swap3A_2449], %add3A_2446 {strides = array<i32>} : memref<2x128xi32, #tpu.memory_space<vmem>>, vector<16xi32>,
    %get3A_2451 = arith.constant 160 : index
    %get3A_2452 = tpu.vector_load %arg6[%get3A_2451] {strides = array<i32>} : memref<256xi32, #tpu.memory_space<vmem>>, vector<16xi32>,
    %gather3A_2453 = tpu.vector_load_idx %arg11[%get3A_2452] : memref<16xi32, #tpu.memory_space<vmem>>[vector<16xi32>], vector<16xi32>,
    %swap3A_2454 = arith.constant 0 : index
    %swap3A_2455 = tpu.vector_load %arg10[%swap3A_2454] {strides = array<i32>} : memref<16xi32, #tpu.memory_space<vmem>>, vector<16xi32>,
    tpu.vector_store %arg10[%swap3A_2454], %get3A_2452 {strides = array<i32>} : memref<16xi32, #tpu.memory_space<vmem>>, vector<16xi32>,
    %gather3A_2456 = tpu.vector_load_idx %arg10[%and3A] : memref<16xi32, #tpu.memory_space<vmem>>[vector<16xi32>], vector<16xi32>,
    %eq3A_2457 = arith.cmpi eq, %gather3A_2456, %get3A_2452 : vector<16xi32>
    %select_n3A_2458 = arith.select %eq3A_2457, %broadcast_in_dim3A_3, %broadcast_in_dim3A_1 : vector<16xi1>, vector<16xi32>
    %select_n3A_2459 = arith.select %ge3A, %select_n3A_2458, %broadcast_in_dim3A_1 : vector<16xi1>, vector<16xi32>
    %add3A_2460 = arith.addi %broadcast_in_dim3A_1, %select_n3A_2459 : vector<16xi32>
    %add3A_2461 = arith.addi %broadcast_in_dim3A_3, %select_n3A_2458 : vector<16xi32>
    %gather3A_2462 = tpu.vector_load_idx %arg10[%and3A_89] : memref<16xi32, #tpu.memory_space<vmem>>[vector<16xi32>], vector<16xi32>,
    %eq3A_2463 = arith.cmpi eq, %gather3A_2462, %get3A_2452 : vector<16xi32>
    %select_n3A_2464 = arith.select %eq3A_2463, %broadcast_in_dim3A_3, %broadcast_in_dim3A_1 : vector<16xi1>, vector<16xi32>
    %select_n3A_2465 = arith.select %ge3A_146, %select_n3A_2464, %broadcast_in_dim3A_1 : vector<16xi1>, vector<16xi32>
    %add3A_2466 = arith.addi %add3A_2460, %select_n3A_2465 : vector<16xi32>
    %add3A_2467 = arith.addi %add3A_2461, %select_n3A_2464 : vector<16xi32>
    %gather3A_2468 = tpu.vector_load_idx %arg10[%and3A_93] : memref<16xi32, #tpu.memory_space<vmem>>[vector<16xi32>], vector<16xi32>,
    %eq3A_2469 = arith.cmpi eq, %gather3A_2468, %get3A_2452 : vector<16xi32>
    %select_n3A_2470 = arith.select %eq3A_2469, %broadcast_in_dim3A_3, %broadcast_in_dim3A_1 : vector<16xi1>, vector<16xi32>
    %select_n3A_2471 = arith.select %ge3A_149, %select_n3A_2470, %broadcast_in_dim3A_1 : vector<16xi1>, vector<16xi32>
    %add3A_2472 = arith.addi %add3A_2466, %select_n3A_2471 : vector<16xi32>
    %add3A_2473 = arith.addi %add3A_2467, %select_n3A_2470 : vector<16xi32>
    %gather3A_2474 = tpu.vector_load_idx %arg10[%and3A_97] : memref<16xi32, #tpu.memory_space<vmem>>[vector<16xi32>], vector<16xi32>,
    %eq3A_2475 = arith.cmpi eq, %gather3A_2474, %get3A_2452 : vector<16xi32>
    %select_n3A_2476 = arith.select %eq3A_2475, %broadcast_in_dim3A_3, %broadcast_in_dim3A_1 : vector<16xi1>, vector<16xi32>
    %select_n3A_2477 = arith.select %ge3A_152, %select_n3A_2476, %broadcast_in_dim3A_1 : vector<16xi1>, vector<16xi32>
    %add3A_2478 = arith.addi %add3A_2472, %select_n3A_2477 : vector<16xi32>
    %add3A_2479 = arith.addi %add3A_2473, %select_n3A_2476 : vector<16xi32>
    %gather3A_2480 = tpu.vector_load_idx %arg10[%and3A_101] : memref<16xi32, #tpu.memory_space<vmem>>[vector<16xi32>], vector<16xi32>,
    %eq3A_2481 = arith.cmpi eq, %gather3A_2480, %get3A_2452 : vector<16xi32>
    %select_n3A_2482 = arith.select %eq3A_2481, %broadcast_in_dim3A_3, %broadcast_in_dim3A_1 : vector<16xi1>, vector<16xi32>
    %select_n3A_2483 = arith.select %ge3A_155, %select_n3A_2482, %broadcast_in_dim3A_1 : vector<16xi1>, vector<16xi32>
    %add3A_2484 = arith.addi %add3A_2478, %select_n3A_2483 : vector<16xi32>
    %add3A_2485 = arith.addi %add3A_2479, %select_n3A_2482 : vector<16xi32>
    %gather3A_2486 = tpu.vector_load_idx %arg10[%and3A_105] : memref<16xi32, #tpu.memory_space<vmem>>[vector<16xi32>], vector<16xi32>,
    %eq3A_2487 = arith.cmpi eq, %gather3A_2486, %get3A_2452 : vector<16xi32>
    %select_n3A_2488 = arith.select %eq3A_2487, %broadcast_in_dim3A_3, %broadcast_in_dim3A_1 : vector<16xi1>, vector<16xi32>
    %select_n3A_2489 = arith.select %ge3A_158, %select_n3A_2488, %broadcast_in_dim3A_1 : vector<16xi1>, vector<16xi32>
    %add3A_2490 = arith.addi %add3A_2484, %select_n3A_2489 : vector<16xi32>
    %add3A_2491 = arith.addi %add3A_2485, %select_n3A_2488 : vector<16xi32>
    %gather3A_2492 = tpu.vector_load_idx %arg10[%and3A_109] : memref<16xi32, #tpu.memory_space<vmem>>[vector<16xi32>], vector<16xi32>,
    %eq3A_2493 = arith.cmpi eq, %gather3A_2492, %get3A_2452 : vector<16xi32>
    %select_n3A_2494 = arith.select %eq3A_2493, %broadcast_in_dim3A_3, %broadcast_in_dim3A_1 : vector<16xi1>, vector<16xi32>
    %select_n3A_2495 = arith.select %ge3A_161, %select_n3A_2494, %broadcast_in_dim3A_1 : vector<16xi1>, vector<16xi32>
    %add3A_2496 = arith.addi %add3A_2490, %select_n3A_2495 : vector<16xi32>
    %add3A_2497 = arith.addi %add3A_2491, %select_n3A_2494 : vector<16xi32>
    %gather3A_2498 = tpu.vector_load_idx %arg10[%and3A_113] : memref<16xi32, #tpu.memory_space<vmem>>[vector<16xi32>], vector<16xi32>,
    %eq3A_2499 = arith.cmpi eq, %gather3A_2498, %get3A_2452 : vector<16xi32>
    %select_n3A_2500 = arith.select %eq3A_2499, %broadcast_in_dim3A_3, %broadcast_in_dim3A_1 : vector<16xi1>, vector<16xi32>
    %select_n3A_2501 = arith.select %ge3A_164, %select_n3A_2500, %broadcast_in_dim3A_1 : vector<16xi1>, vector<16xi32>
    %add3A_2502 = arith.addi %add3A_2496, %select_n3A_2501 : vector<16xi32>
    %add3A_2503 = arith.addi %add3A_2497, %select_n3A_2500 : vector<16xi32>
    %gather3A_2504 = tpu.vector_load_idx %arg10[%and3A_117] : memref<16xi32, #tpu.memory_space<vmem>>[vector<16xi32>], vector<16xi32>,
    %eq3A_2505 = arith.cmpi eq, %gather3A_2504, %get3A_2452 : vector<16xi32>
    %select_n3A_2506 = arith.select %eq3A_2505, %broadcast_in_dim3A_3, %broadcast_in_dim3A_1 : vector<16xi1>, vector<16xi32>
    %select_n3A_2507 = arith.select %ge3A_167, %select_n3A_2506, %broadcast_in_dim3A_1 : vector<16xi1>, vector<16xi32>
    %add3A_2508 = arith.addi %add3A_2502, %select_n3A_2507 : vector<16xi32>
    %add3A_2509 = arith.addi %add3A_2503, %select_n3A_2506 : vector<16xi32>
    %gather3A_2510 = tpu.vector_load_idx %arg10[%and3A_121] : memref<16xi32, #tpu.memory_space<vmem>>[vector<16xi32>], vector<16xi32>,
    %eq3A_2511 = arith.cmpi eq, %gather3A_2510, %get3A_2452 : vector<16xi32>
    %select_n3A_2512 = arith.select %eq3A_2511, %broadcast_in_dim3A_3, %broadcast_in_dim3A_1 : vector<16xi1>, vector<16xi32>
    %select_n3A_2513 = arith.select %ge3A_170, %select_n3A_2512, %broadcast_in_dim3A_1 : vector<16xi1>, vector<16xi32>
    %add3A_2514 = arith.addi %add3A_2508, %select_n3A_2513 : vector<16xi32>
    %add3A_2515 = arith.addi %add3A_2509, %select_n3A_2512 : vector<16xi32>
    %gather3A_2516 = tpu.vector_load_idx %arg10[%and3A_125] : memref<16xi32, #tpu.memory_space<vmem>>[vector<16xi32>], vector<16xi32>,
    %eq3A_2517 = arith.cmpi eq, %gather3A_2516, %get3A_2452 : vector<16xi32>
    %select_n3A_2518 = arith.select %eq3A_2517, %broadcast_in_dim3A_3, %broadcast_in_dim3A_1 : vector<16xi1>, vector<16xi32>
    %select_n3A_2519 = arith.select %ge3A_173, %select_n3A_2518, %broadcast_in_dim3A_1 : vector<16xi1>, vector<16xi32>
    %add3A_2520 = arith.addi %add3A_2514, %select_n3A_2519 : vector<16xi32>
    %add3A_2521 = arith.addi %add3A_2515, %select_n3A_2518 : vector<16xi32>
    %gather3A_2522 = tpu.vector_load_idx %arg10[%and3A_129] : memref<16xi32, #tpu.memory_space<vmem>>[vector<16xi32>], vector<16xi32>,
    %eq3A_2523 = arith.cmpi eq, %gather3A_2522, %get3A_2452 : vector<16xi32>
    %select_n3A_2524 = arith.select %eq3A_2523, %broadcast_in_dim3A_3, %broadcast_in_dim3A_1 : vector<16xi1>, vector<16xi32>
    %select_n3A_2525 = arith.select %ge3A_176, %select_n3A_2524, %broadcast_in_dim3A_1 : vector<16xi1>, vector<16xi32>
    %add3A_2526 = arith.addi %add3A_2520, %select_n3A_2525 : vector<16xi32>
    %add3A_2527 = arith.addi %add3A_2521, %select_n3A_2524 : vector<16xi32>
    %gather3A_2528 = tpu.vector_load_idx %arg10[%and3A_133] : memref<16xi32, #tpu.memory_space<vmem>>[vector<16xi32>], vector<16xi32>,
    %eq3A_2529 = arith.cmpi eq, %gather3A_2528, %get3A_2452 : vector<16xi32>
    %select_n3A_2530 = arith.select %eq3A_2529, %broadcast_in_dim3A_3, %broadcast_in_dim3A_1 : vector<16xi1>, vector<16xi32>
    %select_n3A_2531 = arith.select %ge3A_179, %select_n3A_2530, %broadcast_in_dim3A_1 : vector<16xi1>, vector<16xi32>
    %add3A_2532 = arith.addi %add3A_2526, %select_n3A_2531 : vector<16xi32>
    %add3A_2533 = arith.addi %add3A_2527, %select_n3A_2530 : vector<16xi32>
    %gather3A_2534 = tpu.vector_load_idx %arg10[%and3A_137] : memref<16xi32, #tpu.memory_space<vmem>>[vector<16xi32>], vector<16xi32>,
    %eq3A_2535 = arith.cmpi eq, %gather3A_2534, %get3A_2452 : vector<16xi32>
    %select_n3A_2536 = arith.select %eq3A_2535, %broadcast_in_dim3A_3, %broadcast_in_dim3A_1 : vector<16xi1>, vector<16xi32>
    %select_n3A_2537 = arith.select %ge3A_182, %select_n3A_2536, %broadcast_in_dim3A_1 : vector<16xi1>, vector<16xi32>
    %add3A_2538 = arith.addi %add3A_2532, %select_n3A_2537 : vector<16xi32>
    %add3A_2539 = arith.addi %add3A_2533, %select_n3A_2536 : vector<16xi32>
    %gather3A_2540 = tpu.vector_load_idx %arg10[%and3A_141] : memref<16xi32, #tpu.memory_space<vmem>>[vector<16xi32>], vector<16xi32>,
    %eq3A_2541 = arith.cmpi eq, %gather3A_2540, %get3A_2452 : vector<16xi32>
    %select_n3A_2542 = arith.select %eq3A_2541, %broadcast_in_dim3A_3, %broadcast_in_dim3A_1 : vector<16xi1>, vector<16xi32>
    %select_n3A_2543 = arith.select %ge3A_185, %select_n3A_2542, %broadcast_in_dim3A_1 : vector<16xi1>, vector<16xi32>
    %add3A_2544 = arith.addi %add3A_2538, %select_n3A_2543 : vector<16xi32>
    %add3A_2545 = arith.addi %add3A_2539, %select_n3A_2542 : vector<16xi32>
    %add3A_2546 = arith.addi %gather3A_2453, %add3A_2544 : vector<16xi32>
    %add3A_2547 = arith.addi %gather3A_2453, %add3A_2545 : vector<16xi32>
    tpu.vector_store_idx %arg11[%get3A_2452], %add3A_2547 : memref<16xi32, #tpu.memory_space<vmem>>[vector<16xi32>], vector<16xi32>,
    %swap3A_2548 = arith.constant 160 : index
    %swap3A_2549 = tpu.vector_load %arg7[%swap3A_2548] {strides = array<i32>} : memref<256xi32, #tpu.memory_space<vmem>>, vector<16xi32>,
    tpu.vector_store %arg7[%swap3A_2548], %add3A_2546 {strides = array<i32>} : memref<256xi32, #tpu.memory_space<vmem>>, vector<16xi32>,
    %swap3A_2550 = arith.constant 1 : i32
    %swap3A_2551 = arith.index_cast %swap3A_2550 : i32 to index
    %swap3A_2552 = arith.constant 32 : index
    %swap3A_2553 = tpu.vector_load %arg8[%swap3A_2551, %swap3A_2552] {strides = array<i32>} : memref<2x128xi32, #tpu.memory_space<vmem>>, vector<16xi32>,
    tpu.vector_store %arg8[%swap3A_2551, %swap3A_2552], %add3A_2546 {strides = array<i32>} : memref<2x128xi32, #tpu.memory_space<vmem>>, vector<16xi32>,
    %broadcast_in_dim3A_2554 = arith.constant 256 : i32
    %broadcast_in_dim3A_2555 = vector.broadcast %broadcast_in_dim3A_2554 : i32 to vector<16xi32>
    %mul3A_2556 = arith.muli %get3A_83, %broadcast_in_dim3A_2555 : vector<16xi32>
    %broadcast_in_dim3A_2557 = arith.constant 160 : i32
    %broadcast_in_dim3A_2558 = vector.broadcast %broadcast_in_dim3A_2557 : i32 to vector<16xi32>
    %add3A_2559 = arith.addi %mul3A_2556, %broadcast_in_dim3A_2558 : vector<16xi32>
    %add3A_2560 = arith.addi %add3A_2559, %iota3A : vector<16xi32>
    %shift_right_logical3A_2561 = arith.shrui %add3A_2560, %broadcast_in_dim3A_3 : vector<16xi32>
    %broadcast_in_dim3A_2562 = arith.constant 0 : i32
    %broadcast_in_dim3A_2563 = vector.broadcast %broadcast_in_dim3A_2562 : i32 to vector<16xi32>
    %add3A_2564 = arith.addi %shift_right_logical3A_2561, %broadcast_in_dim3A_2563 : vector<16xi32>
    %swap3A_2565 = arith.constant 1 : i32
    %swap3A_2566 = arith.index_cast %swap3A_2565 : i32 to index
    %swap3A_2567 = arith.constant 32 : index
    %swap3A_2568 = tpu.vector_load %arg9[%swap3A_2566, %swap3A_2567] {strides = array<i32>} : memref<2x128xi32, #tpu.memory_space<vmem>>, vector<16xi32>,
    tpu.vector_store %arg9[%swap3A_2566, %swap3A_2567], %add3A_2564 {strides = array<i32>} : memref<2x128xi32, #tpu.memory_space<vmem>>, vector<16xi32>,
    %get3A_2569 = arith.constant 176 : index
    %get3A_2570 = tpu.vector_load %arg6[%get3A_2569] {strides = array<i32>} : memref<256xi32, #tpu.memory_space<vmem>>, vector<16xi32>,
    %gather3A_2571 = tpu.vector_load_idx %arg11[%get3A_2570] : memref<16xi32, #tpu.memory_space<vmem>>[vector<16xi32>], vector<16xi32>,
    %swap3A_2572 = arith.constant 0 : index
    %swap3A_2573 = tpu.vector_load %arg10[%swap3A_2572] {strides = array<i32>} : memref<16xi32, #tpu.memory_space<vmem>>, vector<16xi32>,
    tpu.vector_store %arg10[%swap3A_2572], %get3A_2570 {strides = array<i32>} : memref<16xi32, #tpu.memory_space<vmem>>, vector<16xi32>,
    %gather3A_2574 = tpu.vector_load_idx %arg10[%and3A] : memref<16xi32, #tpu.memory_space<vmem>>[vector<16xi32>], vector<16xi32>,
    %eq3A_2575 = arith.cmpi eq, %gather3A_2574, %get3A_2570 : vector<16xi32>
    %select_n3A_2576 = arith.select %eq3A_2575, %broadcast_in_dim3A_3, %broadcast_in_dim3A_1 : vector<16xi1>, vector<16xi32>
    %select_n3A_2577 = arith.select %ge3A, %select_n3A_2576, %broadcast_in_dim3A_1 : vector<16xi1>, vector<16xi32>
    %add3A_2578 = arith.addi %broadcast_in_dim3A_1, %select_n3A_2577 : vector<16xi32>
    %add3A_2579 = arith.addi %broadcast_in_dim3A_3, %select_n3A_2576 : vector<16xi32>
    %gather3A_2580 = tpu.vector_load_idx %arg10[%and3A_89] : memref<16xi32, #tpu.memory_space<vmem>>[vector<16xi32>], vector<16xi32>,
    %eq3A_2581 = arith.cmpi eq, %gather3A_2580, %get3A_2570 : vector<16xi32>
    %select_n3A_2582 = arith.select %eq3A_2581, %broadcast_in_dim3A_3, %broadcast_in_dim3A_1 : vector<16xi1>, vector<16xi32>
    %select_n3A_2583 = arith.select %ge3A_146, %select_n3A_2582, %broadcast_in_dim3A_1 : vector<16xi1>, vector<16xi32>
    %add3A_2584 = arith.addi %add3A_2578, %select_n3A_2583 : vector<16xi32>
    %add3A_2585 = arith.addi %add3A_2579, %select_n3A_2582 : vector<16xi32>
    %gather3A_2586 = tpu.vector_load_idx %arg10[%and3A_93] : memref<16xi32, #tpu.memory_space<vmem>>[vector<16xi32>], vector<16xi32>,
    %eq3A_2587 = arith.cmpi eq, %gather3A_2586, %get3A_2570 : vector<16xi32>
    %select_n3A_2588 = arith.select %eq3A_2587, %broadcast_in_dim3A_3, %broadcast_in_dim3A_1 : vector<16xi1>, vector<16xi32>
    %select_n3A_2589 = arith.select %ge3A_149, %select_n3A_2588, %broadcast_in_dim3A_1 : vector<16xi1>, vector<16xi32>
    %add3A_2590 = arith.addi %add3A_2584, %select_n3A_2589 : vector<16xi32>
    %add3A_2591 = arith.addi %add3A_2585, %select_n3A_2588 : vector<16xi32>
    %gather3A_2592 = tpu.vector_load_idx %arg10[%and3A_97] : memref<16xi32, #tpu.memory_space<vmem>>[vector<16xi32>], vector<16xi32>,
    %eq3A_2593 = arith.cmpi eq, %gather3A_2592, %get3A_2570 : vector<16xi32>
    %select_n3A_2594 = arith.select %eq3A_2593, %broadcast_in_dim3A_3, %broadcast_in_dim3A_1 : vector<16xi1>, vector<16xi32>
    %select_n3A_2595 = arith.select %ge3A_152, %select_n3A_2594, %broadcast_in_dim3A_1 : vector<16xi1>, vector<16xi32>
    %add3A_2596 = arith.addi %add3A_2590, %select_n3A_2595 : vector<16xi32>
    %add3A_2597 = arith.addi %add3A_2591, %select_n3A_2594 : vector<16xi32>
    %gather3A_2598 = tpu.vector_load_idx %arg10[%and3A_101] : memref<16xi32, #tpu.memory_space<vmem>>[vector<16xi32>], vector<16xi32>,
    %eq3A_2599 = arith.cmpi eq, %gather3A_2598, %get3A_2570 : vector<16xi32>
    %select_n3A_2600 = arith.select %eq3A_2599, %broadcast_in_dim3A_3, %broadcast_in_dim3A_1 : vector<16xi1>, vector<16xi32>
    %select_n3A_2601 = arith.select %ge3A_155, %select_n3A_2600, %broadcast_in_dim3A_1 : vector<16xi1>, vector<16xi32>
    %add3A_2602 = arith.addi %add3A_2596, %select_n3A_2601 : vector<16xi32>
    %add3A_2603 = arith.addi %add3A_2597, %select_n3A_2600 : vector<16xi32>
    %gather3A_2604 = tpu.vector_load_idx %arg10[%and3A_105] : memref<16xi32, #tpu.memory_space<vmem>>[vector<16xi32>], vector<16xi32>,
    %eq3A_2605 = arith.cmpi eq, %gather3A_2604, %get3A_2570 : vector<16xi32>
    %select_n3A_2606 = arith.select %eq3A_2605, %broadcast_in_dim3A_3, %broadcast_in_dim3A_1 : vector<16xi1>, vector<16xi32>
    %select_n3A_2607 = arith.select %ge3A_158, %select_n3A_2606, %broadcast_in_dim3A_1 : vector<16xi1>, vector<16xi32>
    %add3A_2608 = arith.addi %add3A_2602, %select_n3A_2607 : vector<16xi32>
    %add3A_2609 = arith.addi %add3A_2603, %select_n3A_2606 : vector<16xi32>
    %gather3A_2610 = tpu.vector_load_idx %arg10[%and3A_109] : memref<16xi32, #tpu.memory_space<vmem>>[vector<16xi32>], vector<16xi32>,
    %eq3A_2611 = arith.cmpi eq, %gather3A_2610, %get3A_2570 : vector<16xi32>
    %select_n3A_2612 = arith.select %eq3A_2611, %broadcast_in_dim3A_3, %broadcast_in_dim3A_1 : vector<16xi1>, vector<16xi32>
    %select_n3A_2613 = arith.select %ge3A_161, %select_n3A_2612, %broadcast_in_dim3A_1 : vector<16xi1>, vector<16xi32>
    %add3A_2614 = arith.addi %add3A_2608, %select_n3A_2613 : vector<16xi32>
    %add3A_2615 = arith.addi %add3A_2609, %select_n3A_2612 : vector<16xi32>
    %gather3A_2616 = tpu.vector_load_idx %arg10[%and3A_113] : memref<16xi32, #tpu.memory_space<vmem>>[vector<16xi32>], vector<16xi32>,
    %eq3A_2617 = arith.cmpi eq, %gather3A_2616, %get3A_2570 : vector<16xi32>
    %select_n3A_2618 = arith.select %eq3A_2617, %broadcast_in_dim3A_3, %broadcast_in_dim3A_1 : vector<16xi1>, vector<16xi32>
    %select_n3A_2619 = arith.select %ge3A_164, %select_n3A_2618, %broadcast_in_dim3A_1 : vector<16xi1>, vector<16xi32>
    %add3A_2620 = arith.addi %add3A_2614, %select_n3A_2619 : vector<16xi32>
    %add3A_2621 = arith.addi %add3A_2615, %select_n3A_2618 : vector<16xi32>
    %gather3A_2622 = tpu.vector_load_idx %arg10[%and3A_117] : memref<16xi32, #tpu.memory_space<vmem>>[vector<16xi32>], vector<16xi32>,
    %eq3A_2623 = arith.cmpi eq, %gather3A_2622, %get3A_2570 : vector<16xi32>
    %select_n3A_2624 = arith.select %eq3A_2623, %broadcast_in_dim3A_3, %broadcast_in_dim3A_1 : vector<16xi1>, vector<16xi32>
    %select_n3A_2625 = arith.select %ge3A_167, %select_n3A_2624, %broadcast_in_dim3A_1 : vector<16xi1>, vector<16xi32>
    %add3A_2626 = arith.addi %add3A_2620, %select_n3A_2625 : vector<16xi32>
    %add3A_2627 = arith.addi %add3A_2621, %select_n3A_2624 : vector<16xi32>
    %gather3A_2628 = tpu.vector_load_idx %arg10[%and3A_121] : memref<16xi32, #tpu.memory_space<vmem>>[vector<16xi32>], vector<16xi32>,
    %eq3A_2629 = arith.cmpi eq, %gather3A_2628, %get3A_2570 : vector<16xi32>
    %select_n3A_2630 = arith.select %eq3A_2629, %broadcast_in_dim3A_3, %broadcast_in_dim3A_1 : vector<16xi1>, vector<16xi32>
    %select_n3A_2631 = arith.select %ge3A_170, %select_n3A_2630, %broadcast_in_dim3A_1 : vector<16xi1>, vector<16xi32>
    %add3A_2632 = arith.addi %add3A_2626, %select_n3A_2631 : vector<16xi32>
    %add3A_2633 = arith.addi %add3A_2627, %select_n3A_2630 : vector<16xi32>
    %gather3A_2634 = tpu.vector_load_idx %arg10[%and3A_125] : memref<16xi32, #tpu.memory_space<vmem>>[vector<16xi32>], vector<16xi32>,
    %eq3A_2635 = arith.cmpi eq, %gather3A_2634, %get3A_2570 : vector<16xi32>
    %select_n3A_2636 = arith.select %eq3A_2635, %broadcast_in_dim3A_3, %broadcast_in_dim3A_1 : vector<16xi1>, vector<16xi32>
    %select_n3A_2637 = arith.select %ge3A_173, %select_n3A_2636, %broadcast_in_dim3A_1 : vector<16xi1>, vector<16xi32>
    %add3A_2638 = arith.addi %add3A_2632, %select_n3A_2637 : vector<16xi32>
    %add3A_2639 = arith.addi %add3A_2633, %select_n3A_2636 : vector<16xi32>
    %gather3A_2640 = tpu.vector_load_idx %arg10[%and3A_129] : memref<16xi32, #tpu.memory_space<vmem>>[vector<16xi32>], vector<16xi32>,
    %eq3A_2641 = arith.cmpi eq, %gather3A_2640, %get3A_2570 : vector<16xi32>
    %select_n3A_2642 = arith.select %eq3A_2641, %broadcast_in_dim3A_3, %broadcast_in_dim3A_1 : vector<16xi1>, vector<16xi32>
    %select_n3A_2643 = arith.select %ge3A_176, %select_n3A_2642, %broadcast_in_dim3A_1 : vector<16xi1>, vector<16xi32>
    %add3A_2644 = arith.addi %add3A_2638, %select_n3A_2643 : vector<16xi32>
    %add3A_2645 = arith.addi %add3A_2639, %select_n3A_2642 : vector<16xi32>
    %gather3A_2646 = tpu.vector_load_idx %arg10[%and3A_133] : memref<16xi32, #tpu.memory_space<vmem>>[vector<16xi32>], vector<16xi32>,
    %eq3A_2647 = arith.cmpi eq, %gather3A_2646, %get3A_2570 : vector<16xi32>
    %select_n3A_2648 = arith.select %eq3A_2647, %broadcast_in_dim3A_3, %broadcast_in_dim3A_1 : vector<16xi1>, vector<16xi32>
    %select_n3A_2649 = arith.select %ge3A_179, %select_n3A_2648, %broadcast_in_dim3A_1 : vector<16xi1>, vector<16xi32>
    %add3A_2650 = arith.addi %add3A_2644, %select_n3A_2649 : vector<16xi32>
    %add3A_2651 = arith.addi %add3A_2645, %select_n3A_2648 : vector<16xi32>
    %gather3A_2652 = tpu.vector_load_idx %arg10[%and3A_137] : memref<16xi32, #tpu.memory_space<vmem>>[vector<16xi32>], vector<16xi32>,
    %eq3A_2653 = arith.cmpi eq, %gather3A_2652, %get3A_2570 : vector<16xi32>
    %select_n3A_2654 = arith.select %eq3A_2653, %broadcast_in_dim3A_3, %broadcast_in_dim3A_1 : vector<16xi1>, vector<16xi32>
    %select_n3A_2655 = arith.select %ge3A_182, %select_n3A_2654, %broadcast_in_dim3A_1 : vector<16xi1>, vector<16xi32>
    %add3A_2656 = arith.addi %add3A_2650, %select_n3A_2655 : vector<16xi32>
    %add3A_2657 = arith.addi %add3A_2651, %select_n3A_2654 : vector<16xi32>
    %gather3A_2658 = tpu.vector_load_idx %arg10[%and3A_141] : memref<16xi32, #tpu.memory_space<vmem>>[vector<16xi32>], vector<16xi32>,
    %eq3A_2659 = arith.cmpi eq, %gather3A_2658, %get3A_2570 : vector<16xi32>
    %select_n3A_2660 = arith.select %eq3A_2659, %broadcast_in_dim3A_3, %broadcast_in_dim3A_1 : vector<16xi1>, vector<16xi32>
    %select_n3A_2661 = arith.select %ge3A_185, %select_n3A_2660, %broadcast_in_dim3A_1 : vector<16xi1>, vector<16xi32>
    %add3A_2662 = arith.addi %add3A_2656, %select_n3A_2661 : vector<16xi32>
    %add3A_2663 = arith.addi %add3A_2657, %select_n3A_2660 : vector<16xi32>
    %add3A_2664 = arith.addi %gather3A_2571, %add3A_2662 : vector<16xi32>
    %add3A_2665 = arith.addi %gather3A_2571, %add3A_2663 : vector<16xi32>
    tpu.vector_store_idx %arg11[%get3A_2570], %add3A_2665 : memref<16xi32, #tpu.memory_space<vmem>>[vector<16xi32>], vector<16xi32>,
    %swap3A_2666 = arith.constant 176 : index
    %swap3A_2667 = tpu.vector_load %arg7[%swap3A_2666] {strides = array<i32>} : memref<256xi32, #tpu.memory_space<vmem>>, vector<16xi32>,
    tpu.vector_store %arg7[%swap3A_2666], %add3A_2664 {strides = array<i32>} : memref<256xi32, #tpu.memory_space<vmem>>, vector<16xi32>,
    %swap3A_2668 = arith.constant 1 : i32
    %swap3A_2669 = arith.index_cast %swap3A_2668 : i32 to index
    %swap3A_2670 = arith.constant 48 : index
    %swap3A_2671 = tpu.vector_load %arg8[%swap3A_2669, %swap3A_2670] {strides = array<i32>} : memref<2x128xi32, #tpu.memory_space<vmem>>, vector<16xi32>,
    tpu.vector_store %arg8[%swap3A_2669, %swap3A_2670], %add3A_2664 {strides = array<i32>} : memref<2x128xi32, #tpu.memory_space<vmem>>, vector<16xi32>,
    %broadcast_in_dim3A_2672 = arith.constant 256 : i32
    %broadcast_in_dim3A_2673 = vector.broadcast %broadcast_in_dim3A_2672 : i32 to vector<16xi32>
    %mul3A_2674 = arith.muli %get3A_83, %broadcast_in_dim3A_2673 : vector<16xi32>
    %broadcast_in_dim3A_2675 = arith.constant 176 : i32
    %broadcast_in_dim3A_2676 = vector.broadcast %broadcast_in_dim3A_2675 : i32 to vector<16xi32>
    %add3A_2677 = arith.addi %mul3A_2674, %broadcast_in_dim3A_2676 : vector<16xi32>
    %add3A_2678 = arith.addi %add3A_2677, %iota3A : vector<16xi32>
    %shift_right_logical3A_2679 = arith.shrui %add3A_2678, %broadcast_in_dim3A_3 : vector<16xi32>
    %broadcast_in_dim3A_2680 = arith.constant 0 : i32
    %broadcast_in_dim3A_2681 = vector.broadcast %broadcast_in_dim3A_2680 : i32 to vector<16xi32>
    %add3A_2682 = arith.addi %shift_right_logical3A_2679, %broadcast_in_dim3A_2681 : vector<16xi32>
    %swap3A_2683 = arith.constant 1 : i32
    %swap3A_2684 = arith.index_cast %swap3A_2683 : i32 to index
    %swap3A_2685 = arith.constant 48 : index
    %swap3A_2686 = tpu.vector_load %arg9[%swap3A_2684, %swap3A_2685] {strides = array<i32>} : memref<2x128xi32, #tpu.memory_space<vmem>>, vector<16xi32>,
    tpu.vector_store %arg9[%swap3A_2684, %swap3A_2685], %add3A_2682 {strides = array<i32>} : memref<2x128xi32, #tpu.memory_space<vmem>>, vector<16xi32>,
    %get3A_2687 = arith.constant 192 : index
    %get3A_2688 = tpu.vector_load %arg6[%get3A_2687] {strides = array<i32>} : memref<256xi32, #tpu.memory_space<vmem>>, vector<16xi32>,
    %gather3A_2689 = tpu.vector_load_idx %arg11[%get3A_2688] : memref<16xi32, #tpu.memory_space<vmem>>[vector<16xi32>], vector<16xi32>,
    %swap3A_2690 = arith.constant 0 : index
    %swap3A_2691 = tpu.vector_load %arg10[%swap3A_2690] {strides = array<i32>} : memref<16xi32, #tpu.memory_space<vmem>>, vector<16xi32>,
    tpu.vector_store %arg10[%swap3A_2690], %get3A_2688 {strides = array<i32>} : memref<16xi32, #tpu.memory_space<vmem>>, vector<16xi32>,
    %gather3A_2692 = tpu.vector_load_idx %arg10[%and3A] : memref<16xi32, #tpu.memory_space<vmem>>[vector<16xi32>], vector<16xi32>,
    %eq3A_2693 = arith.cmpi eq, %gather3A_2692, %get3A_2688 : vector<16xi32>
    %select_n3A_2694 = arith.select %eq3A_2693, %broadcast_in_dim3A_3, %broadcast_in_dim3A_1 : vector<16xi1>, vector<16xi32>
    %select_n3A_2695 = arith.select %ge3A, %select_n3A_2694, %broadcast_in_dim3A_1 : vector<16xi1>, vector<16xi32>
    %add3A_2696 = arith.addi %broadcast_in_dim3A_1, %select_n3A_2695 : vector<16xi32>
    %add3A_2697 = arith.addi %broadcast_in_dim3A_3, %select_n3A_2694 : vector<16xi32>
    %gather3A_2698 = tpu.vector_load_idx %arg10[%and3A_89] : memref<16xi32, #tpu.memory_space<vmem>>[vector<16xi32>], vector<16xi32>,
    %eq3A_2699 = arith.cmpi eq, %gather3A_2698, %get3A_2688 : vector<16xi32>
    %select_n3A_2700 = arith.select %eq3A_2699, %broadcast_in_dim3A_3, %broadcast_in_dim3A_1 : vector<16xi1>, vector<16xi32>
    %select_n3A_2701 = arith.select %ge3A_146, %select_n3A_2700, %broadcast_in_dim3A_1 : vector<16xi1>, vector<16xi32>
    %add3A_2702 = arith.addi %add3A_2696, %select_n3A_2701 : vector<16xi32>
    %add3A_2703 = arith.addi %add3A_2697, %select_n3A_2700 : vector<16xi32>
    %gather3A_2704 = tpu.vector_load_idx %arg10[%and3A_93] : memref<16xi32, #tpu.memory_space<vmem>>[vector<16xi32>], vector<16xi32>,
    %eq3A_2705 = arith.cmpi eq, %gather3A_2704, %get3A_2688 : vector<16xi32>
    %select_n3A_2706 = arith.select %eq3A_2705, %broadcast_in_dim3A_3, %broadcast_in_dim3A_1 : vector<16xi1>, vector<16xi32>
    %select_n3A_2707 = arith.select %ge3A_149, %select_n3A_2706, %broadcast_in_dim3A_1 : vector<16xi1>, vector<16xi32>
    %add3A_2708 = arith.addi %add3A_2702, %select_n3A_2707 : vector<16xi32>
    %add3A_2709 = arith.addi %add3A_2703, %select_n3A_2706 : vector<16xi32>
    %gather3A_2710 = tpu.vector_load_idx %arg10[%and3A_97] : memref<16xi32, #tpu.memory_space<vmem>>[vector<16xi32>], vector<16xi32>,
    %eq3A_2711 = arith.cmpi eq, %gather3A_2710, %get3A_2688 : vector<16xi32>
    %select_n3A_2712 = arith.select %eq3A_2711, %broadcast_in_dim3A_3, %broadcast_in_dim3A_1 : vector<16xi1>, vector<16xi32>
    %select_n3A_2713 = arith.select %ge3A_152, %select_n3A_2712, %broadcast_in_dim3A_1 : vector<16xi1>, vector<16xi32>
    %add3A_2714 = arith.addi %add3A_2708, %select_n3A_2713 : vector<16xi32>
    %add3A_2715 = arith.addi %add3A_2709, %select_n3A_2712 : vector<16xi32>
    %gather3A_2716 = tpu.vector_load_idx %arg10[%and3A_101] : memref<16xi32, #tpu.memory_space<vmem>>[vector<16xi32>], vector<16xi32>,
    %eq3A_2717 = arith.cmpi eq, %gather3A_2716, %get3A_2688 : vector<16xi32>
    %select_n3A_2718 = arith.select %eq3A_2717, %broadcast_in_dim3A_3, %broadcast_in_dim3A_1 : vector<16xi1>, vector<16xi32>
    %select_n3A_2719 = arith.select %ge3A_155, %select_n3A_2718, %broadcast_in_dim3A_1 : vector<16xi1>, vector<16xi32>
    %add3A_2720 = arith.addi %add3A_2714, %select_n3A_2719 : vector<16xi32>
    %add3A_2721 = arith.addi %add3A_2715, %select_n3A_2718 : vector<16xi32>
    %gather3A_2722 = tpu.vector_load_idx %arg10[%and3A_105] : memref<16xi32, #tpu.memory_space<vmem>>[vector<16xi32>], vector<16xi32>,
    %eq3A_2723 = arith.cmpi eq, %gather3A_2722, %get3A_2688 : vector<16xi32>
    %select_n3A_2724 = arith.select %eq3A_2723, %broadcast_in_dim3A_3, %broadcast_in_dim3A_1 : vector<16xi1>, vector<16xi32>
    %select_n3A_2725 = arith.select %ge3A_158, %select_n3A_2724, %broadcast_in_dim3A_1 : vector<16xi1>, vector<16xi32>
    %add3A_2726 = arith.addi %add3A_2720, %select_n3A_2725 : vector<16xi32>
    %add3A_2727 = arith.addi %add3A_2721, %select_n3A_2724 : vector<16xi32>
    %gather3A_2728 = tpu.vector_load_idx %arg10[%and3A_109] : memref<16xi32, #tpu.memory_space<vmem>>[vector<16xi32>], vector<16xi32>,
    %eq3A_2729 = arith.cmpi eq, %gather3A_2728, %get3A_2688 : vector<16xi32>
    %select_n3A_2730 = arith.select %eq3A_2729, %broadcast_in_dim3A_3, %broadcast_in_dim3A_1 : vector<16xi1>, vector<16xi32>
    %select_n3A_2731 = arith.select %ge3A_161, %select_n3A_2730, %broadcast_in_dim3A_1 : vector<16xi1>, vector<16xi32>
    %add3A_2732 = arith.addi %add3A_2726, %select_n3A_2731 : vector<16xi32>
    %add3A_2733 = arith.addi %add3A_2727, %select_n3A_2730 : vector<16xi32>
    %gather3A_2734 = tpu.vector_load_idx %arg10[%and3A_113] : memref<16xi32, #tpu.memory_space<vmem>>[vector<16xi32>], vector<16xi32>,
    %eq3A_2735 = arith.cmpi eq, %gather3A_2734, %get3A_2688 : vector<16xi32>
    %select_n3A_2736 = arith.select %eq3A_2735, %broadcast_in_dim3A_3, %broadcast_in_dim3A_1 : vector<16xi1>, vector<16xi32>
    %select_n3A_2737 = arith.select %ge3A_164, %select_n3A_2736, %broadcast_in_dim3A_1 : vector<16xi1>, vector<16xi32>
    %add3A_2738 = arith.addi %add3A_2732, %select_n3A_2737 : vector<16xi32>
    %add3A_2739 = arith.addi %add3A_2733, %select_n3A_2736 : vector<16xi32>
    %gather3A_2740 = tpu.vector_load_idx %arg10[%and3A_117] : memref<16xi32, #tpu.memory_space<vmem>>[vector<16xi32>], vector<16xi32>,
    %eq3A_2741 = arith.cmpi eq, %gather3A_2740, %get3A_2688 : vector<16xi32>
    %select_n3A_2742 = arith.select %eq3A_2741, %broadcast_in_dim3A_3, %broadcast_in_dim3A_1 : vector<16xi1>, vector<16xi32>
    %select_n3A_2743 = arith.select %ge3A_167, %select_n3A_2742, %broadcast_in_dim3A_1 : vector<16xi1>, vector<16xi32>
    %add3A_2744 = arith.addi %add3A_2738, %select_n3A_2743 : vector<16xi32>
    %add3A_2745 = arith.addi %add3A_2739, %select_n3A_2742 : vector<16xi32>
    %gather3A_2746 = tpu.vector_load_idx %arg10[%and3A_121] : memref<16xi32, #tpu.memory_space<vmem>>[vector<16xi32>], vector<16xi32>,
    %eq3A_2747 = arith.cmpi eq, %gather3A_2746, %get3A_2688 : vector<16xi32>
    %select_n3A_2748 = arith.select %eq3A_2747, %broadcast_in_dim3A_3, %broadcast_in_dim3A_1 : vector<16xi1>, vector<16xi32>
    %select_n3A_2749 = arith.select %ge3A_170, %select_n3A_2748, %broadcast_in_dim3A_1 : vector<16xi1>, vector<16xi32>
    %add3A_2750 = arith.addi %add3A_2744, %select_n3A_2749 : vector<16xi32>
    %add3A_2751 = arith.addi %add3A_2745, %select_n3A_2748 : vector<16xi32>
    %gather3A_2752 = tpu.vector_load_idx %arg10[%and3A_125] : memref<16xi32, #tpu.memory_space<vmem>>[vector<16xi32>], vector<16xi32>,
    %eq3A_2753 = arith.cmpi eq, %gather3A_2752, %get3A_2688 : vector<16xi32>
    %select_n3A_2754 = arith.select %eq3A_2753, %broadcast_in_dim3A_3, %broadcast_in_dim3A_1 : vector<16xi1>, vector<16xi32>
    %select_n3A_2755 = arith.select %ge3A_173, %select_n3A_2754, %broadcast_in_dim3A_1 : vector<16xi1>, vector<16xi32>
    %add3A_2756 = arith.addi %add3A_2750, %select_n3A_2755 : vector<16xi32>
    %add3A_2757 = arith.addi %add3A_2751, %select_n3A_2754 : vector<16xi32>
    %gather3A_2758 = tpu.vector_load_idx %arg10[%and3A_129] : memref<16xi32, #tpu.memory_space<vmem>>[vector<16xi32>], vector<16xi32>,
    %eq3A_2759 = arith.cmpi eq, %gather3A_2758, %get3A_2688 : vector<16xi32>
    %select_n3A_2760 = arith.select %eq3A_2759, %broadcast_in_dim3A_3, %broadcast_in_dim3A_1 : vector<16xi1>, vector<16xi32>
    %select_n3A_2761 = arith.select %ge3A_176, %select_n3A_2760, %broadcast_in_dim3A_1 : vector<16xi1>, vector<16xi32>
    %add3A_2762 = arith.addi %add3A_2756, %select_n3A_2761 : vector<16xi32>
    %add3A_2763 = arith.addi %add3A_2757, %select_n3A_2760 : vector<16xi32>
    %gather3A_2764 = tpu.vector_load_idx %arg10[%and3A_133] : memref<16xi32, #tpu.memory_space<vmem>>[vector<16xi32>], vector<16xi32>,
    %eq3A_2765 = arith.cmpi eq, %gather3A_2764, %get3A_2688 : vector<16xi32>
    %select_n3A_2766 = arith.select %eq3A_2765, %broadcast_in_dim3A_3, %broadcast_in_dim3A_1 : vector<16xi1>, vector<16xi32>
    %select_n3A_2767 = arith.select %ge3A_179, %select_n3A_2766, %broadcast_in_dim3A_1 : vector<16xi1>, vector<16xi32>
    %add3A_2768 = arith.addi %add3A_2762, %select_n3A_2767 : vector<16xi32>
    %add3A_2769 = arith.addi %add3A_2763, %select_n3A_2766 : vector<16xi32>
    %gather3A_2770 = tpu.vector_load_idx %arg10[%and3A_137] : memref<16xi32, #tpu.memory_space<vmem>>[vector<16xi32>], vector<16xi32>,
    %eq3A_2771 = arith.cmpi eq, %gather3A_2770, %get3A_2688 : vector<16xi32>
    %select_n3A_2772 = arith.select %eq3A_2771, %broadcast_in_dim3A_3, %broadcast_in_dim3A_1 : vector<16xi1>, vector<16xi32>
    %select_n3A_2773 = arith.select %ge3A_182, %select_n3A_2772, %broadcast_in_dim3A_1 : vector<16xi1>, vector<16xi32>
    %add3A_2774 = arith.addi %add3A_2768, %select_n3A_2773 : vector<16xi32>
    %add3A_2775 = arith.addi %add3A_2769, %select_n3A_2772 : vector<16xi32>
    %gather3A_2776 = tpu.vector_load_idx %arg10[%and3A_141] : memref<16xi32, #tpu.memory_space<vmem>>[vector<16xi32>], vector<16xi32>,
    %eq3A_2777 = arith.cmpi eq, %gather3A_2776, %get3A_2688 : vector<16xi32>
    %select_n3A_2778 = arith.select %eq3A_2777, %broadcast_in_dim3A_3, %broadcast_in_dim3A_1 : vector<16xi1>, vector<16xi32>
    %select_n3A_2779 = arith.select %ge3A_185, %select_n3A_2778, %broadcast_in_dim3A_1 : vector<16xi1>, vector<16xi32>
    %add3A_2780 = arith.addi %add3A_2774, %select_n3A_2779 : vector<16xi32>
    %add3A_2781 = arith.addi %add3A_2775, %select_n3A_2778 : vector<16xi32>
    %add3A_2782 = arith.addi %gather3A_2689, %add3A_2780 : vector<16xi32>
    %add3A_2783 = arith.addi %gather3A_2689, %add3A_2781 : vector<16xi32>
    tpu.vector_store_idx %arg11[%get3A_2688], %add3A_2783 : memref<16xi32, #tpu.memory_space<vmem>>[vector<16xi32>], vector<16xi32>,
    %swap3A_2784 = arith.constant 192 : index
    %swap3A_2785 = tpu.vector_load %arg7[%swap3A_2784] {strides = array<i32>} : memref<256xi32, #tpu.memory_space<vmem>>, vector<16xi32>,
    tpu.vector_store %arg7[%swap3A_2784], %add3A_2782 {strides = array<i32>} : memref<256xi32, #tpu.memory_space<vmem>>, vector<16xi32>,
    %swap3A_2786 = arith.constant 1 : i32
    %swap3A_2787 = arith.index_cast %swap3A_2786 : i32 to index
    %swap3A_2788 = arith.constant 64 : index
    %swap3A_2789 = tpu.vector_load %arg8[%swap3A_2787, %swap3A_2788] {strides = array<i32>} : memref<2x128xi32, #tpu.memory_space<vmem>>, vector<16xi32>,
    tpu.vector_store %arg8[%swap3A_2787, %swap3A_2788], %add3A_2782 {strides = array<i32>} : memref<2x128xi32, #tpu.memory_space<vmem>>, vector<16xi32>,
    %broadcast_in_dim3A_2790 = arith.constant 256 : i32
    %broadcast_in_dim3A_2791 = vector.broadcast %broadcast_in_dim3A_2790 : i32 to vector<16xi32>
    %mul3A_2792 = arith.muli %get3A_83, %broadcast_in_dim3A_2791 : vector<16xi32>
    %broadcast_in_dim3A_2793 = arith.constant 192 : i32
    %broadcast_in_dim3A_2794 = vector.broadcast %broadcast_in_dim3A_2793 : i32 to vector<16xi32>
    %add3A_2795 = arith.addi %mul3A_2792, %broadcast_in_dim3A_2794 : vector<16xi32>
    %add3A_2796 = arith.addi %add3A_2795, %iota3A : vector<16xi32>
    %shift_right_logical3A_2797 = arith.shrui %add3A_2796, %broadcast_in_dim3A_3 : vector<16xi32>
    %broadcast_in_dim3A_2798 = arith.constant 0 : i32
    %broadcast_in_dim3A_2799 = vector.broadcast %broadcast_in_dim3A_2798 : i32 to vector<16xi32>
    %add3A_2800 = arith.addi %shift_right_logical3A_2797, %broadcast_in_dim3A_2799 : vector<16xi32>
    %swap3A_2801 = arith.constant 1 : i32
    %swap3A_2802 = arith.index_cast %swap3A_2801 : i32 to index
    %swap3A_2803 = arith.constant 64 : index
    %swap3A_2804 = tpu.vector_load %arg9[%swap3A_2802, %swap3A_2803] {strides = array<i32>} : memref<2x128xi32, #tpu.memory_space<vmem>>, vector<16xi32>,
    tpu.vector_store %arg9[%swap3A_2802, %swap3A_2803], %add3A_2800 {strides = array<i32>} : memref<2x128xi32, #tpu.memory_space<vmem>>, vector<16xi32>,
    %get3A_2805 = arith.constant 208 : index
    %get3A_2806 = tpu.vector_load %arg6[%get3A_2805] {strides = array<i32>} : memref<256xi32, #tpu.memory_space<vmem>>, vector<16xi32>,
    %gather3A_2807 = tpu.vector_load_idx %arg11[%get3A_2806] : memref<16xi32, #tpu.memory_space<vmem>>[vector<16xi32>], vector<16xi32>,
    %swap3A_2808 = arith.constant 0 : index
    %swap3A_2809 = tpu.vector_load %arg10[%swap3A_2808] {strides = array<i32>} : memref<16xi32, #tpu.memory_space<vmem>>, vector<16xi32>,
    tpu.vector_store %arg10[%swap3A_2808], %get3A_2806 {strides = array<i32>} : memref<16xi32, #tpu.memory_space<vmem>>, vector<16xi32>,
    %gather3A_2810 = tpu.vector_load_idx %arg10[%and3A] : memref<16xi32, #tpu.memory_space<vmem>>[vector<16xi32>], vector<16xi32>,
    %eq3A_2811 = arith.cmpi eq, %gather3A_2810, %get3A_2806 : vector<16xi32>
    %select_n3A_2812 = arith.select %eq3A_2811, %broadcast_in_dim3A_3, %broadcast_in_dim3A_1 : vector<16xi1>, vector<16xi32>
    %select_n3A_2813 = arith.select %ge3A, %select_n3A_2812, %broadcast_in_dim3A_1 : vector<16xi1>, vector<16xi32>
    %add3A_2814 = arith.addi %broadcast_in_dim3A_1, %select_n3A_2813 : vector<16xi32>
    %add3A_2815 = arith.addi %broadcast_in_dim3A_3, %select_n3A_2812 : vector<16xi32>
    %gather3A_2816 = tpu.vector_load_idx %arg10[%and3A_89] : memref<16xi32, #tpu.memory_space<vmem>>[vector<16xi32>], vector<16xi32>,
    %eq3A_2817 = arith.cmpi eq, %gather3A_2816, %get3A_2806 : vector<16xi32>
    %select_n3A_2818 = arith.select %eq3A_2817, %broadcast_in_dim3A_3, %broadcast_in_dim3A_1 : vector<16xi1>, vector<16xi32>
    %select_n3A_2819 = arith.select %ge3A_146, %select_n3A_2818, %broadcast_in_dim3A_1 : vector<16xi1>, vector<16xi32>
    %add3A_2820 = arith.addi %add3A_2814, %select_n3A_2819 : vector<16xi32>
    %add3A_2821 = arith.addi %add3A_2815, %select_n3A_2818 : vector<16xi32>
    %gather3A_2822 = tpu.vector_load_idx %arg10[%and3A_93] : memref<16xi32, #tpu.memory_space<vmem>>[vector<16xi32>], vector<16xi32>,
    %eq3A_2823 = arith.cmpi eq, %gather3A_2822, %get3A_2806 : vector<16xi32>
    %select_n3A_2824 = arith.select %eq3A_2823, %broadcast_in_dim3A_3, %broadcast_in_dim3A_1 : vector<16xi1>, vector<16xi32>
    %select_n3A_2825 = arith.select %ge3A_149, %select_n3A_2824, %broadcast_in_dim3A_1 : vector<16xi1>, vector<16xi32>
    %add3A_2826 = arith.addi %add3A_2820, %select_n3A_2825 : vector<16xi32>
    %add3A_2827 = arith.addi %add3A_2821, %select_n3A_2824 : vector<16xi32>
    %gather3A_2828 = tpu.vector_load_idx %arg10[%and3A_97] : memref<16xi32, #tpu.memory_space<vmem>>[vector<16xi32>], vector<16xi32>,
    %eq3A_2829 = arith.cmpi eq, %gather3A_2828, %get3A_2806 : vector<16xi32>
    %select_n3A_2830 = arith.select %eq3A_2829, %broadcast_in_dim3A_3, %broadcast_in_dim3A_1 : vector<16xi1>, vector<16xi32>
    %select_n3A_2831 = arith.select %ge3A_152, %select_n3A_2830, %broadcast_in_dim3A_1 : vector<16xi1>, vector<16xi32>
    %add3A_2832 = arith.addi %add3A_2826, %select_n3A_2831 : vector<16xi32>
    %add3A_2833 = arith.addi %add3A_2827, %select_n3A_2830 : vector<16xi32>
    %gather3A_2834 = tpu.vector_load_idx %arg10[%and3A_101] : memref<16xi32, #tpu.memory_space<vmem>>[vector<16xi32>], vector<16xi32>,
    %eq3A_2835 = arith.cmpi eq, %gather3A_2834, %get3A_2806 : vector<16xi32>
    %select_n3A_2836 = arith.select %eq3A_2835, %broadcast_in_dim3A_3, %broadcast_in_dim3A_1 : vector<16xi1>, vector<16xi32>
    %select_n3A_2837 = arith.select %ge3A_155, %select_n3A_2836, %broadcast_in_dim3A_1 : vector<16xi1>, vector<16xi32>
    %add3A_2838 = arith.addi %add3A_2832, %select_n3A_2837 : vector<16xi32>
    %add3A_2839 = arith.addi %add3A_2833, %select_n3A_2836 : vector<16xi32>
    %gather3A_2840 = tpu.vector_load_idx %arg10[%and3A_105] : memref<16xi32, #tpu.memory_space<vmem>>[vector<16xi32>], vector<16xi32>,
    %eq3A_2841 = arith.cmpi eq, %gather3A_2840, %get3A_2806 : vector<16xi32>
    %select_n3A_2842 = arith.select %eq3A_2841, %broadcast_in_dim3A_3, %broadcast_in_dim3A_1 : vector<16xi1>, vector<16xi32>
    %select_n3A_2843 = arith.select %ge3A_158, %select_n3A_2842, %broadcast_in_dim3A_1 : vector<16xi1>, vector<16xi32>
    %add3A_2844 = arith.addi %add3A_2838, %select_n3A_2843 : vector<16xi32>
    %add3A_2845 = arith.addi %add3A_2839, %select_n3A_2842 : vector<16xi32>
    %gather3A_2846 = tpu.vector_load_idx %arg10[%and3A_109] : memref<16xi32, #tpu.memory_space<vmem>>[vector<16xi32>], vector<16xi32>,
    %eq3A_2847 = arith.cmpi eq, %gather3A_2846, %get3A_2806 : vector<16xi32>
    %select_n3A_2848 = arith.select %eq3A_2847, %broadcast_in_dim3A_3, %broadcast_in_dim3A_1 : vector<16xi1>, vector<16xi32>
    %select_n3A_2849 = arith.select %ge3A_161, %select_n3A_2848, %broadcast_in_dim3A_1 : vector<16xi1>, vector<16xi32>
    %add3A_2850 = arith.addi %add3A_2844, %select_n3A_2849 : vector<16xi32>
    %add3A_2851 = arith.addi %add3A_2845, %select_n3A_2848 : vector<16xi32>
    %gather3A_2852 = tpu.vector_load_idx %arg10[%and3A_113] : memref<16xi32, #tpu.memory_space<vmem>>[vector<16xi32>], vector<16xi32>,
    %eq3A_2853 = arith.cmpi eq, %gather3A_2852, %get3A_2806 : vector<16xi32>
    %select_n3A_2854 = arith.select %eq3A_2853, %broadcast_in_dim3A_3, %broadcast_in_dim3A_1 : vector<16xi1>, vector<16xi32>
    %select_n3A_2855 = arith.select %ge3A_164, %select_n3A_2854, %broadcast_in_dim3A_1 : vector<16xi1>, vector<16xi32>
    %add3A_2856 = arith.addi %add3A_2850, %select_n3A_2855 : vector<16xi32>
    %add3A_2857 = arith.addi %add3A_2851, %select_n3A_2854 : vector<16xi32>
    %gather3A_2858 = tpu.vector_load_idx %arg10[%and3A_117] : memref<16xi32, #tpu.memory_space<vmem>>[vector<16xi32>], vector<16xi32>,
    %eq3A_2859 = arith.cmpi eq, %gather3A_2858, %get3A_2806 : vector<16xi32>
    %select_n3A_2860 = arith.select %eq3A_2859, %broadcast_in_dim3A_3, %broadcast_in_dim3A_1 : vector<16xi1>, vector<16xi32>
    %select_n3A_2861 = arith.select %ge3A_167, %select_n3A_2860, %broadcast_in_dim3A_1 : vector<16xi1>, vector<16xi32>
    %add3A_2862 = arith.addi %add3A_2856, %select_n3A_2861 : vector<16xi32>
    %add3A_2863 = arith.addi %add3A_2857, %select_n3A_2860 : vector<16xi32>
    %gather3A_2864 = tpu.vector_load_idx %arg10[%and3A_121] : memref<16xi32, #tpu.memory_space<vmem>>[vector<16xi32>], vector<16xi32>,
    %eq3A_2865 = arith.cmpi eq, %gather3A_2864, %get3A_2806 : vector<16xi32>
    %select_n3A_2866 = arith.select %eq3A_2865, %broadcast_in_dim3A_3, %broadcast_in_dim3A_1 : vector<16xi1>, vector<16xi32>
    %select_n3A_2867 = arith.select %ge3A_170, %select_n3A_2866, %broadcast_in_dim3A_1 : vector<16xi1>, vector<16xi32>
    %add3A_2868 = arith.addi %add3A_2862, %select_n3A_2867 : vector<16xi32>
    %add3A_2869 = arith.addi %add3A_2863, %select_n3A_2866 : vector<16xi32>
    %gather3A_2870 = tpu.vector_load_idx %arg10[%and3A_125] : memref<16xi32, #tpu.memory_space<vmem>>[vector<16xi32>], vector<16xi32>,
    %eq3A_2871 = arith.cmpi eq, %gather3A_2870, %get3A_2806 : vector<16xi32>
    %select_n3A_2872 = arith.select %eq3A_2871, %broadcast_in_dim3A_3, %broadcast_in_dim3A_1 : vector<16xi1>, vector<16xi32>
    %select_n3A_2873 = arith.select %ge3A_173, %select_n3A_2872, %broadcast_in_dim3A_1 : vector<16xi1>, vector<16xi32>
    %add3A_2874 = arith.addi %add3A_2868, %select_n3A_2873 : vector<16xi32>
    %add3A_2875 = arith.addi %add3A_2869, %select_n3A_2872 : vector<16xi32>
    %gather3A_2876 = tpu.vector_load_idx %arg10[%and3A_129] : memref<16xi32, #tpu.memory_space<vmem>>[vector<16xi32>], vector<16xi32>,
    %eq3A_2877 = arith.cmpi eq, %gather3A_2876, %get3A_2806 : vector<16xi32>
    %select_n3A_2878 = arith.select %eq3A_2877, %broadcast_in_dim3A_3, %broadcast_in_dim3A_1 : vector<16xi1>, vector<16xi32>
    %select_n3A_2879 = arith.select %ge3A_176, %select_n3A_2878, %broadcast_in_dim3A_1 : vector<16xi1>, vector<16xi32>
    %add3A_2880 = arith.addi %add3A_2874, %select_n3A_2879 : vector<16xi32>
    %add3A_2881 = arith.addi %add3A_2875, %select_n3A_2878 : vector<16xi32>
    %gather3A_2882 = tpu.vector_load_idx %arg10[%and3A_133] : memref<16xi32, #tpu.memory_space<vmem>>[vector<16xi32>], vector<16xi32>,
    %eq3A_2883 = arith.cmpi eq, %gather3A_2882, %get3A_2806 : vector<16xi32>
    %select_n3A_2884 = arith.select %eq3A_2883, %broadcast_in_dim3A_3, %broadcast_in_dim3A_1 : vector<16xi1>, vector<16xi32>
    %select_n3A_2885 = arith.select %ge3A_179, %select_n3A_2884, %broadcast_in_dim3A_1 : vector<16xi1>, vector<16xi32>
    %add3A_2886 = arith.addi %add3A_2880, %select_n3A_2885 : vector<16xi32>
    %add3A_2887 = arith.addi %add3A_2881, %select_n3A_2884 : vector<16xi32>
    %gather3A_2888 = tpu.vector_load_idx %arg10[%and3A_137] : memref<16xi32, #tpu.memory_space<vmem>>[vector<16xi32>], vector<16xi32>,
    %eq3A_2889 = arith.cmpi eq, %gather3A_2888, %get3A_2806 : vector<16xi32>
    %select_n3A_2890 = arith.select %eq3A_2889, %broadcast_in_dim3A_3, %broadcast_in_dim3A_1 : vector<16xi1>, vector<16xi32>
    %select_n3A_2891 = arith.select %ge3A_182, %select_n3A_2890, %broadcast_in_dim3A_1 : vector<16xi1>, vector<16xi32>
    %add3A_2892 = arith.addi %add3A_2886, %select_n3A_2891 : vector<16xi32>
    %add3A_2893 = arith.addi %add3A_2887, %select_n3A_2890 : vector<16xi32>
    %gather3A_2894 = tpu.vector_load_idx %arg10[%and3A_141] : memref<16xi32, #tpu.memory_space<vmem>>[vector<16xi32>], vector<16xi32>,
    %eq3A_2895 = arith.cmpi eq, %gather3A_2894, %get3A_2806 : vector<16xi32>
    %select_n3A_2896 = arith.select %eq3A_2895, %broadcast_in_dim3A_3, %broadcast_in_dim3A_1 : vector<16xi1>, vector<16xi32>
    %select_n3A_2897 = arith.select %ge3A_185, %select_n3A_2896, %broadcast_in_dim3A_1 : vector<16xi1>, vector<16xi32>
    %add3A_2898 = arith.addi %add3A_2892, %select_n3A_2897 : vector<16xi32>
    %add3A_2899 = arith.addi %add3A_2893, %select_n3A_2896 : vector<16xi32>
    %add3A_2900 = arith.addi %gather3A_2807, %add3A_2898 : vector<16xi32>
    %add3A_2901 = arith.addi %gather3A_2807, %add3A_2899 : vector<16xi32>
    tpu.vector_store_idx %arg11[%get3A_2806], %add3A_2901 : memref<16xi32, #tpu.memory_space<vmem>>[vector<16xi32>], vector<16xi32>,
    %swap3A_2902 = arith.constant 208 : index
    %swap3A_2903 = tpu.vector_load %arg7[%swap3A_2902] {strides = array<i32>} : memref<256xi32, #tpu.memory_space<vmem>>, vector<16xi32>,
    tpu.vector_store %arg7[%swap3A_2902], %add3A_2900 {strides = array<i32>} : memref<256xi32, #tpu.memory_space<vmem>>, vector<16xi32>,
    %swap3A_2904 = arith.constant 1 : i32
    %swap3A_2905 = arith.index_cast %swap3A_2904 : i32 to index
    %swap3A_2906 = arith.constant 80 : index
    %swap3A_2907 = tpu.vector_load %arg8[%swap3A_2905, %swap3A_2906] {strides = array<i32>} : memref<2x128xi32, #tpu.memory_space<vmem>>, vector<16xi32>,
    tpu.vector_store %arg8[%swap3A_2905, %swap3A_2906], %add3A_2900 {strides = array<i32>} : memref<2x128xi32, #tpu.memory_space<vmem>>, vector<16xi32>,
    %broadcast_in_dim3A_2908 = arith.constant 256 : i32
    %broadcast_in_dim3A_2909 = vector.broadcast %broadcast_in_dim3A_2908 : i32 to vector<16xi32>
    %mul3A_2910 = arith.muli %get3A_83, %broadcast_in_dim3A_2909 : vector<16xi32>
    %broadcast_in_dim3A_2911 = arith.constant 208 : i32
    %broadcast_in_dim3A_2912 = vector.broadcast %broadcast_in_dim3A_2911 : i32 to vector<16xi32>
    %add3A_2913 = arith.addi %mul3A_2910, %broadcast_in_dim3A_2912 : vector<16xi32>
    %add3A_2914 = arith.addi %add3A_2913, %iota3A : vector<16xi32>
    %shift_right_logical3A_2915 = arith.shrui %add3A_2914, %broadcast_in_dim3A_3 : vector<16xi32>
    %broadcast_in_dim3A_2916 = arith.constant 0 : i32
    %broadcast_in_dim3A_2917 = vector.broadcast %broadcast_in_dim3A_2916 : i32 to vector<16xi32>
    %add3A_2918 = arith.addi %shift_right_logical3A_2915, %broadcast_in_dim3A_2917 : vector<16xi32>
    %swap3A_2919 = arith.constant 1 : i32
    %swap3A_2920 = arith.index_cast %swap3A_2919 : i32 to index
    %swap3A_2921 = arith.constant 80 : index
    %swap3A_2922 = tpu.vector_load %arg9[%swap3A_2920, %swap3A_2921] {strides = array<i32>} : memref<2x128xi32, #tpu.memory_space<vmem>>, vector<16xi32>,
    tpu.vector_store %arg9[%swap3A_2920, %swap3A_2921], %add3A_2918 {strides = array<i32>} : memref<2x128xi32, #tpu.memory_space<vmem>>, vector<16xi32>,
    %get3A_2923 = arith.constant 224 : index
    %get3A_2924 = tpu.vector_load %arg6[%get3A_2923] {strides = array<i32>} : memref<256xi32, #tpu.memory_space<vmem>>, vector<16xi32>,
    %gather3A_2925 = tpu.vector_load_idx %arg11[%get3A_2924] : memref<16xi32, #tpu.memory_space<vmem>>[vector<16xi32>], vector<16xi32>,
    %swap3A_2926 = arith.constant 0 : index
    %swap3A_2927 = tpu.vector_load %arg10[%swap3A_2926] {strides = array<i32>} : memref<16xi32, #tpu.memory_space<vmem>>, vector<16xi32>,
    tpu.vector_store %arg10[%swap3A_2926], %get3A_2924 {strides = array<i32>} : memref<16xi32, #tpu.memory_space<vmem>>, vector<16xi32>,
    %gather3A_2928 = tpu.vector_load_idx %arg10[%and3A] : memref<16xi32, #tpu.memory_space<vmem>>[vector<16xi32>], vector<16xi32>,
    %eq3A_2929 = arith.cmpi eq, %gather3A_2928, %get3A_2924 : vector<16xi32>
    %select_n3A_2930 = arith.select %eq3A_2929, %broadcast_in_dim3A_3, %broadcast_in_dim3A_1 : vector<16xi1>, vector<16xi32>
    %select_n3A_2931 = arith.select %ge3A, %select_n3A_2930, %broadcast_in_dim3A_1 : vector<16xi1>, vector<16xi32>
    %add3A_2932 = arith.addi %broadcast_in_dim3A_1, %select_n3A_2931 : vector<16xi32>
    %add3A_2933 = arith.addi %broadcast_in_dim3A_3, %select_n3A_2930 : vector<16xi32>
    %gather3A_2934 = tpu.vector_load_idx %arg10[%and3A_89] : memref<16xi32, #tpu.memory_space<vmem>>[vector<16xi32>], vector<16xi32>,
    %eq3A_2935 = arith.cmpi eq, %gather3A_2934, %get3A_2924 : vector<16xi32>
    %select_n3A_2936 = arith.select %eq3A_2935, %broadcast_in_dim3A_3, %broadcast_in_dim3A_1 : vector<16xi1>, vector<16xi32>
    %select_n3A_2937 = arith.select %ge3A_146, %select_n3A_2936, %broadcast_in_dim3A_1 : vector<16xi1>, vector<16xi32>
    %add3A_2938 = arith.addi %add3A_2932, %select_n3A_2937 : vector<16xi32>
    %add3A_2939 = arith.addi %add3A_2933, %select_n3A_2936 : vector<16xi32>
    %gather3A_2940 = tpu.vector_load_idx %arg10[%and3A_93] : memref<16xi32, #tpu.memory_space<vmem>>[vector<16xi32>], vector<16xi32>,
    %eq3A_2941 = arith.cmpi eq, %gather3A_2940, %get3A_2924 : vector<16xi32>
    %select_n3A_2942 = arith.select %eq3A_2941, %broadcast_in_dim3A_3, %broadcast_in_dim3A_1 : vector<16xi1>, vector<16xi32>
    %select_n3A_2943 = arith.select %ge3A_149, %select_n3A_2942, %broadcast_in_dim3A_1 : vector<16xi1>, vector<16xi32>
    %add3A_2944 = arith.addi %add3A_2938, %select_n3A_2943 : vector<16xi32>
    %add3A_2945 = arith.addi %add3A_2939, %select_n3A_2942 : vector<16xi32>
    %gather3A_2946 = tpu.vector_load_idx %arg10[%and3A_97] : memref<16xi32, #tpu.memory_space<vmem>>[vector<16xi32>], vector<16xi32>,
    %eq3A_2947 = arith.cmpi eq, %gather3A_2946, %get3A_2924 : vector<16xi32>
    %select_n3A_2948 = arith.select %eq3A_2947, %broadcast_in_dim3A_3, %broadcast_in_dim3A_1 : vector<16xi1>, vector<16xi32>
    %select_n3A_2949 = arith.select %ge3A_152, %select_n3A_2948, %broadcast_in_dim3A_1 : vector<16xi1>, vector<16xi32>
    %add3A_2950 = arith.addi %add3A_2944, %select_n3A_2949 : vector<16xi32>
    %add3A_2951 = arith.addi %add3A_2945, %select_n3A_2948 : vector<16xi32>
    %gather3A_2952 = tpu.vector_load_idx %arg10[%and3A_101] : memref<16xi32, #tpu.memory_space<vmem>>[vector<16xi32>], vector<16xi32>,
    %eq3A_2953 = arith.cmpi eq, %gather3A_2952, %get3A_2924 : vector<16xi32>
    %select_n3A_2954 = arith.select %eq3A_2953, %broadcast_in_dim3A_3, %broadcast_in_dim3A_1 : vector<16xi1>, vector<16xi32>
    %select_n3A_2955 = arith.select %ge3A_155, %select_n3A_2954, %broadcast_in_dim3A_1 : vector<16xi1>, vector<16xi32>
    %add3A_2956 = arith.addi %add3A_2950, %select_n3A_2955 : vector<16xi32>
    %add3A_2957 = arith.addi %add3A_2951, %select_n3A_2954 : vector<16xi32>
    %gather3A_2958 = tpu.vector_load_idx %arg10[%and3A_105] : memref<16xi32, #tpu.memory_space<vmem>>[vector<16xi32>], vector<16xi32>,
    %eq3A_2959 = arith.cmpi eq, %gather3A_2958, %get3A_2924 : vector<16xi32>
    %select_n3A_2960 = arith.select %eq3A_2959, %broadcast_in_dim3A_3, %broadcast_in_dim3A_1 : vector<16xi1>, vector<16xi32>
    %select_n3A_2961 = arith.select %ge3A_158, %select_n3A_2960, %broadcast_in_dim3A_1 : vector<16xi1>, vector<16xi32>
    %add3A_2962 = arith.addi %add3A_2956, %select_n3A_2961 : vector<16xi32>
    %add3A_2963 = arith.addi %add3A_2957, %select_n3A_2960 : vector<16xi32>
    %gather3A_2964 = tpu.vector_load_idx %arg10[%and3A_109] : memref<16xi32, #tpu.memory_space<vmem>>[vector<16xi32>], vector<16xi32>,
    %eq3A_2965 = arith.cmpi eq, %gather3A_2964, %get3A_2924 : vector<16xi32>
    %select_n3A_2966 = arith.select %eq3A_2965, %broadcast_in_dim3A_3, %broadcast_in_dim3A_1 : vector<16xi1>, vector<16xi32>
    %select_n3A_2967 = arith.select %ge3A_161, %select_n3A_2966, %broadcast_in_dim3A_1 : vector<16xi1>, vector<16xi32>
    %add3A_2968 = arith.addi %add3A_2962, %select_n3A_2967 : vector<16xi32>
    %add3A_2969 = arith.addi %add3A_2963, %select_n3A_2966 : vector<16xi32>
    %gather3A_2970 = tpu.vector_load_idx %arg10[%and3A_113] : memref<16xi32, #tpu.memory_space<vmem>>[vector<16xi32>], vector<16xi32>,
    %eq3A_2971 = arith.cmpi eq, %gather3A_2970, %get3A_2924 : vector<16xi32>
    %select_n3A_2972 = arith.select %eq3A_2971, %broadcast_in_dim3A_3, %broadcast_in_dim3A_1 : vector<16xi1>, vector<16xi32>
    %select_n3A_2973 = arith.select %ge3A_164, %select_n3A_2972, %broadcast_in_dim3A_1 : vector<16xi1>, vector<16xi32>
    %add3A_2974 = arith.addi %add3A_2968, %select_n3A_2973 : vector<16xi32>
    %add3A_2975 = arith.addi %add3A_2969, %select_n3A_2972 : vector<16xi32>
    %gather3A_2976 = tpu.vector_load_idx %arg10[%and3A_117] : memref<16xi32, #tpu.memory_space<vmem>>[vector<16xi32>], vector<16xi32>,
    %eq3A_2977 = arith.cmpi eq, %gather3A_2976, %get3A_2924 : vector<16xi32>
    %select_n3A_2978 = arith.select %eq3A_2977, %broadcast_in_dim3A_3, %broadcast_in_dim3A_1 : vector<16xi1>, vector<16xi32>
    %select_n3A_2979 = arith.select %ge3A_167, %select_n3A_2978, %broadcast_in_dim3A_1 : vector<16xi1>, vector<16xi32>
    %add3A_2980 = arith.addi %add3A_2974, %select_n3A_2979 : vector<16xi32>
    %add3A_2981 = arith.addi %add3A_2975, %select_n3A_2978 : vector<16xi32>
    %gather3A_2982 = tpu.vector_load_idx %arg10[%and3A_121] : memref<16xi32, #tpu.memory_space<vmem>>[vector<16xi32>], vector<16xi32>,
    %eq3A_2983 = arith.cmpi eq, %gather3A_2982, %get3A_2924 : vector<16xi32>
    %select_n3A_2984 = arith.select %eq3A_2983, %broadcast_in_dim3A_3, %broadcast_in_dim3A_1 : vector<16xi1>, vector<16xi32>
    %select_n3A_2985 = arith.select %ge3A_170, %select_n3A_2984, %broadcast_in_dim3A_1 : vector<16xi1>, vector<16xi32>
    %add3A_2986 = arith.addi %add3A_2980, %select_n3A_2985 : vector<16xi32>
    %add3A_2987 = arith.addi %add3A_2981, %select_n3A_2984 : vector<16xi32>
    %gather3A_2988 = tpu.vector_load_idx %arg10[%and3A_125] : memref<16xi32, #tpu.memory_space<vmem>>[vector<16xi32>], vector<16xi32>,
    %eq3A_2989 = arith.cmpi eq, %gather3A_2988, %get3A_2924 : vector<16xi32>
    %select_n3A_2990 = arith.select %eq3A_2989, %broadcast_in_dim3A_3, %broadcast_in_dim3A_1 : vector<16xi1>, vector<16xi32>
    %select_n3A_2991 = arith.select %ge3A_173, %select_n3A_2990, %broadcast_in_dim3A_1 : vector<16xi1>, vector<16xi32>
    %add3A_2992 = arith.addi %add3A_2986, %select_n3A_2991 : vector<16xi32>
    %add3A_2993 = arith.addi %add3A_2987, %select_n3A_2990 : vector<16xi32>
    %gather3A_2994 = tpu.vector_load_idx %arg10[%and3A_129] : memref<16xi32, #tpu.memory_space<vmem>>[vector<16xi32>], vector<16xi32>,
    %eq3A_2995 = arith.cmpi eq, %gather3A_2994, %get3A_2924 : vector<16xi32>
    %select_n3A_2996 = arith.select %eq3A_2995, %broadcast_in_dim3A_3, %broadcast_in_dim3A_1 : vector<16xi1>, vector<16xi32>
    %select_n3A_2997 = arith.select %ge3A_176, %select_n3A_2996, %broadcast_in_dim3A_1 : vector<16xi1>, vector<16xi32>
    %add3A_2998 = arith.addi %add3A_2992, %select_n3A_2997 : vector<16xi32>
    %add3A_2999 = arith.addi %add3A_2993, %select_n3A_2996 : vector<16xi32>
    %gather3A_3000 = tpu.vector_load_idx %arg10[%and3A_133] : memref<16xi32, #tpu.memory_space<vmem>>[vector<16xi32>], vector<16xi32>,
    %eq3A_3001 = arith.cmpi eq, %gather3A_3000, %get3A_2924 : vector<16xi32>
    %select_n3A_3002 = arith.select %eq3A_3001, %broadcast_in_dim3A_3, %broadcast_in_dim3A_1 : vector<16xi1>, vector<16xi32>
    %select_n3A_3003 = arith.select %ge3A_179, %select_n3A_3002, %broadcast_in_dim3A_1 : vector<16xi1>, vector<16xi32>
    %add3A_3004 = arith.addi %add3A_2998, %select_n3A_3003 : vector<16xi32>
    %add3A_3005 = arith.addi %add3A_2999, %select_n3A_3002 : vector<16xi32>
    %gather3A_3006 = tpu.vector_load_idx %arg10[%and3A_137] : memref<16xi32, #tpu.memory_space<vmem>>[vector<16xi32>], vector<16xi32>,
    %eq3A_3007 = arith.cmpi eq, %gather3A_3006, %get3A_2924 : vector<16xi32>
    %select_n3A_3008 = arith.select %eq3A_3007, %broadcast_in_dim3A_3, %broadcast_in_dim3A_1 : vector<16xi1>, vector<16xi32>
    %select_n3A_3009 = arith.select %ge3A_182, %select_n3A_3008, %broadcast_in_dim3A_1 : vector<16xi1>, vector<16xi32>
    %add3A_3010 = arith.addi %add3A_3004, %select_n3A_3009 : vector<16xi32>
    %add3A_3011 = arith.addi %add3A_3005, %select_n3A_3008 : vector<16xi32>
    %gather3A_3012 = tpu.vector_load_idx %arg10[%and3A_141] : memref<16xi32, #tpu.memory_space<vmem>>[vector<16xi32>], vector<16xi32>,
    %eq3A_3013 = arith.cmpi eq, %gather3A_3012, %get3A_2924 : vector<16xi32>
    %select_n3A_3014 = arith.select %eq3A_3013, %broadcast_in_dim3A_3, %broadcast_in_dim3A_1 : vector<16xi1>, vector<16xi32>
    %select_n3A_3015 = arith.select %ge3A_185, %select_n3A_3014, %broadcast_in_dim3A_1 : vector<16xi1>, vector<16xi32>
    %add3A_3016 = arith.addi %add3A_3010, %select_n3A_3015 : vector<16xi32>
    %add3A_3017 = arith.addi %add3A_3011, %select_n3A_3014 : vector<16xi32>
    %add3A_3018 = arith.addi %gather3A_2925, %add3A_3016 : vector<16xi32>
    %add3A_3019 = arith.addi %gather3A_2925, %add3A_3017 : vector<16xi32>
    tpu.vector_store_idx %arg11[%get3A_2924], %add3A_3019 : memref<16xi32, #tpu.memory_space<vmem>>[vector<16xi32>], vector<16xi32>,
    %swap3A_3020 = arith.constant 224 : index
    %swap3A_3021 = tpu.vector_load %arg7[%swap3A_3020] {strides = array<i32>} : memref<256xi32, #tpu.memory_space<vmem>>, vector<16xi32>,
    tpu.vector_store %arg7[%swap3A_3020], %add3A_3018 {strides = array<i32>} : memref<256xi32, #tpu.memory_space<vmem>>, vector<16xi32>,
    %swap3A_3022 = arith.constant 1 : i32
    %swap3A_3023 = arith.index_cast %swap3A_3022 : i32 to index
    %swap3A_3024 = arith.constant 96 : index
    %swap3A_3025 = tpu.vector_load %arg8[%swap3A_3023, %swap3A_3024] {strides = array<i32>} : memref<2x128xi32, #tpu.memory_space<vmem>>, vector<16xi32>,
    tpu.vector_store %arg8[%swap3A_3023, %swap3A_3024], %add3A_3018 {strides = array<i32>} : memref<2x128xi32, #tpu.memory_space<vmem>>, vector<16xi32>,
    %broadcast_in_dim3A_3026 = arith.constant 256 : i32
    %broadcast_in_dim3A_3027 = vector.broadcast %broadcast_in_dim3A_3026 : i32 to vector<16xi32>
    %mul3A_3028 = arith.muli %get3A_83, %broadcast_in_dim3A_3027 : vector<16xi32>
    %broadcast_in_dim3A_3029 = arith.constant 224 : i32
    %broadcast_in_dim3A_3030 = vector.broadcast %broadcast_in_dim3A_3029 : i32 to vector<16xi32>
    %add3A_3031 = arith.addi %mul3A_3028, %broadcast_in_dim3A_3030 : vector<16xi32>
    %add3A_3032 = arith.addi %add3A_3031, %iota3A : vector<16xi32>
    %shift_right_logical3A_3033 = arith.shrui %add3A_3032, %broadcast_in_dim3A_3 : vector<16xi32>
    %broadcast_in_dim3A_3034 = arith.constant 0 : i32
    %broadcast_in_dim3A_3035 = vector.broadcast %broadcast_in_dim3A_3034 : i32 to vector<16xi32>
    %add3A_3036 = arith.addi %shift_right_logical3A_3033, %broadcast_in_dim3A_3035 : vector<16xi32>
    %swap3A_3037 = arith.constant 1 : i32
    %swap3A_3038 = arith.index_cast %swap3A_3037 : i32 to index
    %swap3A_3039 = arith.constant 96 : index
    %swap3A_3040 = tpu.vector_load %arg9[%swap3A_3038, %swap3A_3039] {strides = array<i32>} : memref<2x128xi32, #tpu.memory_space<vmem>>, vector<16xi32>,
    tpu.vector_store %arg9[%swap3A_3038, %swap3A_3039], %add3A_3036 {strides = array<i32>} : memref<2x128xi32, #tpu.memory_space<vmem>>, vector<16xi32>,
    %get3A_3041 = arith.constant 240 : index
    %get3A_3042 = tpu.vector_load %arg6[%get3A_3041] {strides = array<i32>} : memref<256xi32, #tpu.memory_space<vmem>>, vector<16xi32>,
    %gather3A_3043 = tpu.vector_load_idx %arg11[%get3A_3042] : memref<16xi32, #tpu.memory_space<vmem>>[vector<16xi32>], vector<16xi32>,
    %swap3A_3044 = arith.constant 0 : index
    %swap3A_3045 = tpu.vector_load %arg10[%swap3A_3044] {strides = array<i32>} : memref<16xi32, #tpu.memory_space<vmem>>, vector<16xi32>,
    tpu.vector_store %arg10[%swap3A_3044], %get3A_3042 {strides = array<i32>} : memref<16xi32, #tpu.memory_space<vmem>>, vector<16xi32>,
    %gather3A_3046 = tpu.vector_load_idx %arg10[%and3A] : memref<16xi32, #tpu.memory_space<vmem>>[vector<16xi32>], vector<16xi32>,
    %eq3A_3047 = arith.cmpi eq, %gather3A_3046, %get3A_3042 : vector<16xi32>
    %select_n3A_3048 = arith.select %eq3A_3047, %broadcast_in_dim3A_3, %broadcast_in_dim3A_1 : vector<16xi1>, vector<16xi32>
    %select_n3A_3049 = arith.select %ge3A, %select_n3A_3048, %broadcast_in_dim3A_1 : vector<16xi1>, vector<16xi32>
    %add3A_3050 = arith.addi %broadcast_in_dim3A_1, %select_n3A_3049 : vector<16xi32>
    %add3A_3051 = arith.addi %broadcast_in_dim3A_3, %select_n3A_3048 : vector<16xi32>
    %gather3A_3052 = tpu.vector_load_idx %arg10[%and3A_89] : memref<16xi32, #tpu.memory_space<vmem>>[vector<16xi32>], vector<16xi32>,
    %eq3A_3053 = arith.cmpi eq, %gather3A_3052, %get3A_3042 : vector<16xi32>
    %select_n3A_3054 = arith.select %eq3A_3053, %broadcast_in_dim3A_3, %broadcast_in_dim3A_1 : vector<16xi1>, vector<16xi32>
    %select_n3A_3055 = arith.select %ge3A_146, %select_n3A_3054, %broadcast_in_dim3A_1 : vector<16xi1>, vector<16xi32>
    %add3A_3056 = arith.addi %add3A_3050, %select_n3A_3055 : vector<16xi32>
    %add3A_3057 = arith.addi %add3A_3051, %select_n3A_3054 : vector<16xi32>
    %gather3A_3058 = tpu.vector_load_idx %arg10[%and3A_93] : memref<16xi32, #tpu.memory_space<vmem>>[vector<16xi32>], vector<16xi32>,
    %eq3A_3059 = arith.cmpi eq, %gather3A_3058, %get3A_3042 : vector<16xi32>
    %select_n3A_3060 = arith.select %eq3A_3059, %broadcast_in_dim3A_3, %broadcast_in_dim3A_1 : vector<16xi1>, vector<16xi32>
    %select_n3A_3061 = arith.select %ge3A_149, %select_n3A_3060, %broadcast_in_dim3A_1 : vector<16xi1>, vector<16xi32>
    %add3A_3062 = arith.addi %add3A_3056, %select_n3A_3061 : vector<16xi32>
    %add3A_3063 = arith.addi %add3A_3057, %select_n3A_3060 : vector<16xi32>
    %gather3A_3064 = tpu.vector_load_idx %arg10[%and3A_97] : memref<16xi32, #tpu.memory_space<vmem>>[vector<16xi32>], vector<16xi32>,
    %eq3A_3065 = arith.cmpi eq, %gather3A_3064, %get3A_3042 : vector<16xi32>
    %select_n3A_3066 = arith.select %eq3A_3065, %broadcast_in_dim3A_3, %broadcast_in_dim3A_1 : vector<16xi1>, vector<16xi32>
    %select_n3A_3067 = arith.select %ge3A_152, %select_n3A_3066, %broadcast_in_dim3A_1 : vector<16xi1>, vector<16xi32>
    %add3A_3068 = arith.addi %add3A_3062, %select_n3A_3067 : vector<16xi32>
    %add3A_3069 = arith.addi %add3A_3063, %select_n3A_3066 : vector<16xi32>
    %gather3A_3070 = tpu.vector_load_idx %arg10[%and3A_101] : memref<16xi32, #tpu.memory_space<vmem>>[vector<16xi32>], vector<16xi32>,
    %eq3A_3071 = arith.cmpi eq, %gather3A_3070, %get3A_3042 : vector<16xi32>
    %select_n3A_3072 = arith.select %eq3A_3071, %broadcast_in_dim3A_3, %broadcast_in_dim3A_1 : vector<16xi1>, vector<16xi32>
    %select_n3A_3073 = arith.select %ge3A_155, %select_n3A_3072, %broadcast_in_dim3A_1 : vector<16xi1>, vector<16xi32>
    %add3A_3074 = arith.addi %add3A_3068, %select_n3A_3073 : vector<16xi32>
    %add3A_3075 = arith.addi %add3A_3069, %select_n3A_3072 : vector<16xi32>
    %gather3A_3076 = tpu.vector_load_idx %arg10[%and3A_105] : memref<16xi32, #tpu.memory_space<vmem>>[vector<16xi32>], vector<16xi32>,
    %eq3A_3077 = arith.cmpi eq, %gather3A_3076, %get3A_3042 : vector<16xi32>
    %select_n3A_3078 = arith.select %eq3A_3077, %broadcast_in_dim3A_3, %broadcast_in_dim3A_1 : vector<16xi1>, vector<16xi32>
    %select_n3A_3079 = arith.select %ge3A_158, %select_n3A_3078, %broadcast_in_dim3A_1 : vector<16xi1>, vector<16xi32>
    %add3A_3080 = arith.addi %add3A_3074, %select_n3A_3079 : vector<16xi32>
    %add3A_3081 = arith.addi %add3A_3075, %select_n3A_3078 : vector<16xi32>
    %gather3A_3082 = tpu.vector_load_idx %arg10[%and3A_109] : memref<16xi32, #tpu.memory_space<vmem>>[vector<16xi32>], vector<16xi32>,
    %eq3A_3083 = arith.cmpi eq, %gather3A_3082, %get3A_3042 : vector<16xi32>
    %select_n3A_3084 = arith.select %eq3A_3083, %broadcast_in_dim3A_3, %broadcast_in_dim3A_1 : vector<16xi1>, vector<16xi32>
    %select_n3A_3085 = arith.select %ge3A_161, %select_n3A_3084, %broadcast_in_dim3A_1 : vector<16xi1>, vector<16xi32>
    %add3A_3086 = arith.addi %add3A_3080, %select_n3A_3085 : vector<16xi32>
    %add3A_3087 = arith.addi %add3A_3081, %select_n3A_3084 : vector<16xi32>
    %gather3A_3088 = tpu.vector_load_idx %arg10[%and3A_113] : memref<16xi32, #tpu.memory_space<vmem>>[vector<16xi32>], vector<16xi32>,
    %eq3A_3089 = arith.cmpi eq, %gather3A_3088, %get3A_3042 : vector<16xi32>
    %select_n3A_3090 = arith.select %eq3A_3089, %broadcast_in_dim3A_3, %broadcast_in_dim3A_1 : vector<16xi1>, vector<16xi32>
    %select_n3A_3091 = arith.select %ge3A_164, %select_n3A_3090, %broadcast_in_dim3A_1 : vector<16xi1>, vector<16xi32>
    %add3A_3092 = arith.addi %add3A_3086, %select_n3A_3091 : vector<16xi32>
    %add3A_3093 = arith.addi %add3A_3087, %select_n3A_3090 : vector<16xi32>
    %gather3A_3094 = tpu.vector_load_idx %arg10[%and3A_117] : memref<16xi32, #tpu.memory_space<vmem>>[vector<16xi32>], vector<16xi32>,
    %eq3A_3095 = arith.cmpi eq, %gather3A_3094, %get3A_3042 : vector<16xi32>
    %select_n3A_3096 = arith.select %eq3A_3095, %broadcast_in_dim3A_3, %broadcast_in_dim3A_1 : vector<16xi1>, vector<16xi32>
    %select_n3A_3097 = arith.select %ge3A_167, %select_n3A_3096, %broadcast_in_dim3A_1 : vector<16xi1>, vector<16xi32>
    %add3A_3098 = arith.addi %add3A_3092, %select_n3A_3097 : vector<16xi32>
    %add3A_3099 = arith.addi %add3A_3093, %select_n3A_3096 : vector<16xi32>
    %gather3A_3100 = tpu.vector_load_idx %arg10[%and3A_121] : memref<16xi32, #tpu.memory_space<vmem>>[vector<16xi32>], vector<16xi32>,
    %eq3A_3101 = arith.cmpi eq, %gather3A_3100, %get3A_3042 : vector<16xi32>
    %select_n3A_3102 = arith.select %eq3A_3101, %broadcast_in_dim3A_3, %broadcast_in_dim3A_1 : vector<16xi1>, vector<16xi32>
    %select_n3A_3103 = arith.select %ge3A_170, %select_n3A_3102, %broadcast_in_dim3A_1 : vector<16xi1>, vector<16xi32>
    %add3A_3104 = arith.addi %add3A_3098, %select_n3A_3103 : vector<16xi32>
    %add3A_3105 = arith.addi %add3A_3099, %select_n3A_3102 : vector<16xi32>
    %gather3A_3106 = tpu.vector_load_idx %arg10[%and3A_125] : memref<16xi32, #tpu.memory_space<vmem>>[vector<16xi32>], vector<16xi32>,
    %eq3A_3107 = arith.cmpi eq, %gather3A_3106, %get3A_3042 : vector<16xi32>
    %select_n3A_3108 = arith.select %eq3A_3107, %broadcast_in_dim3A_3, %broadcast_in_dim3A_1 : vector<16xi1>, vector<16xi32>
    %select_n3A_3109 = arith.select %ge3A_173, %select_n3A_3108, %broadcast_in_dim3A_1 : vector<16xi1>, vector<16xi32>
    %add3A_3110 = arith.addi %add3A_3104, %select_n3A_3109 : vector<16xi32>
    %add3A_3111 = arith.addi %add3A_3105, %select_n3A_3108 : vector<16xi32>
    %gather3A_3112 = tpu.vector_load_idx %arg10[%and3A_129] : memref<16xi32, #tpu.memory_space<vmem>>[vector<16xi32>], vector<16xi32>,
    %eq3A_3113 = arith.cmpi eq, %gather3A_3112, %get3A_3042 : vector<16xi32>
    %select_n3A_3114 = arith.select %eq3A_3113, %broadcast_in_dim3A_3, %broadcast_in_dim3A_1 : vector<16xi1>, vector<16xi32>
    %select_n3A_3115 = arith.select %ge3A_176, %select_n3A_3114, %broadcast_in_dim3A_1 : vector<16xi1>, vector<16xi32>
    %add3A_3116 = arith.addi %add3A_3110, %select_n3A_3115 : vector<16xi32>
    %add3A_3117 = arith.addi %add3A_3111, %select_n3A_3114 : vector<16xi32>
    %gather3A_3118 = tpu.vector_load_idx %arg10[%and3A_133] : memref<16xi32, #tpu.memory_space<vmem>>[vector<16xi32>], vector<16xi32>,
    %eq3A_3119 = arith.cmpi eq, %gather3A_3118, %get3A_3042 : vector<16xi32>
    %select_n3A_3120 = arith.select %eq3A_3119, %broadcast_in_dim3A_3, %broadcast_in_dim3A_1 : vector<16xi1>, vector<16xi32>
    %select_n3A_3121 = arith.select %ge3A_179, %select_n3A_3120, %broadcast_in_dim3A_1 : vector<16xi1>, vector<16xi32>
    %add3A_3122 = arith.addi %add3A_3116, %select_n3A_3121 : vector<16xi32>
    %add3A_3123 = arith.addi %add3A_3117, %select_n3A_3120 : vector<16xi32>
    %gather3A_3124 = tpu.vector_load_idx %arg10[%and3A_137] : memref<16xi32, #tpu.memory_space<vmem>>[vector<16xi32>], vector<16xi32>,
    %eq3A_3125 = arith.cmpi eq, %gather3A_3124, %get3A_3042 : vector<16xi32>
    %select_n3A_3126 = arith.select %eq3A_3125, %broadcast_in_dim3A_3, %broadcast_in_dim3A_1 : vector<16xi1>, vector<16xi32>
    %select_n3A_3127 = arith.select %ge3A_182, %select_n3A_3126, %broadcast_in_dim3A_1 : vector<16xi1>, vector<16xi32>
    %add3A_3128 = arith.addi %add3A_3122, %select_n3A_3127 : vector<16xi32>
    %add3A_3129 = arith.addi %add3A_3123, %select_n3A_3126 : vector<16xi32>
    %gather3A_3130 = tpu.vector_load_idx %arg10[%and3A_141] : memref<16xi32, #tpu.memory_space<vmem>>[vector<16xi32>], vector<16xi32>,
    %eq3A_3131 = arith.cmpi eq, %gather3A_3130, %get3A_3042 : vector<16xi32>
    %select_n3A_3132 = arith.select %eq3A_3131, %broadcast_in_dim3A_3, %broadcast_in_dim3A_1 : vector<16xi1>, vector<16xi32>
    %select_n3A_3133 = arith.select %ge3A_185, %select_n3A_3132, %broadcast_in_dim3A_1 : vector<16xi1>, vector<16xi32>
    %add3A_3134 = arith.addi %add3A_3128, %select_n3A_3133 : vector<16xi32>
    %add3A_3135 = arith.addi %add3A_3129, %select_n3A_3132 : vector<16xi32>
    %add3A_3136 = arith.addi %gather3A_3043, %add3A_3134 : vector<16xi32>
    %add3A_3137 = arith.addi %gather3A_3043, %add3A_3135 : vector<16xi32>
    tpu.vector_store_idx %arg11[%get3A_3042], %add3A_3137 : memref<16xi32, #tpu.memory_space<vmem>>[vector<16xi32>], vector<16xi32>,
    %swap3A_3138 = arith.constant 240 : index
    %swap3A_3139 = tpu.vector_load %arg7[%swap3A_3138] {strides = array<i32>} : memref<256xi32, #tpu.memory_space<vmem>>, vector<16xi32>,
    tpu.vector_store %arg7[%swap3A_3138], %add3A_3136 {strides = array<i32>} : memref<256xi32, #tpu.memory_space<vmem>>, vector<16xi32>,
    %swap3A_3140 = arith.constant 1 : i32
    %swap3A_3141 = arith.index_cast %swap3A_3140 : i32 to index
    %swap3A_3142 = arith.constant 112 : index
    %swap3A_3143 = tpu.vector_load %arg8[%swap3A_3141, %swap3A_3142] {strides = array<i32>} : memref<2x128xi32, #tpu.memory_space<vmem>>, vector<16xi32>,
    tpu.vector_store %arg8[%swap3A_3141, %swap3A_3142], %add3A_3136 {strides = array<i32>} : memref<2x128xi32, #tpu.memory_space<vmem>>, vector<16xi32>,
    %broadcast_in_dim3A_3144 = arith.constant 256 : i32
    %broadcast_in_dim3A_3145 = vector.broadcast %broadcast_in_dim3A_3144 : i32 to vector<16xi32>
    %mul3A_3146 = arith.muli %get3A_83, %broadcast_in_dim3A_3145 : vector<16xi32>
    %broadcast_in_dim3A_3147 = arith.constant 240 : i32
    %broadcast_in_dim3A_3148 = vector.broadcast %broadcast_in_dim3A_3147 : i32 to vector<16xi32>
    %add3A_3149 = arith.addi %mul3A_3146, %broadcast_in_dim3A_3148 : vector<16xi32>
    %add3A_3150 = arith.addi %add3A_3149, %iota3A : vector<16xi32>
    %shift_right_logical3A_3151 = arith.shrui %add3A_3150, %broadcast_in_dim3A_3 : vector<16xi32>
    %broadcast_in_dim3A_3152 = arith.constant 0 : i32
    %broadcast_in_dim3A_3153 = vector.broadcast %broadcast_in_dim3A_3152 : i32 to vector<16xi32>
    %add3A_3154 = arith.addi %shift_right_logical3A_3151, %broadcast_in_dim3A_3153 : vector<16xi32>
    %swap3A_3155 = arith.constant 1 : i32
    %swap3A_3156 = arith.index_cast %swap3A_3155 : i32 to index
    %swap3A_3157 = arith.constant 112 : index
    %swap3A_3158 = tpu.vector_load %arg9[%swap3A_3156, %swap3A_3157] {strides = array<i32>} : memref<2x128xi32, #tpu.memory_space<vmem>>, vector<16xi32>,
    tpu.vector_store %arg9[%swap3A_3156, %swap3A_3157], %add3A_3154 {strides = array<i32>} : memref<2x128xi32, #tpu.memory_space<vmem>>, vector<16xi32>,
    "tpu.region"() ({
      %run_scoped3A_3171 = tpu.sem_alloc : memref<!tpu.dma_semaphore, #tpu.memory_space<semaphore_mem>>
      %dma_start3A = tpu.memref_slice %arg3[%mul3A_0] : memref<4096xi32, #tpu.memory_space<hbm>> -> memref<256xi32, #tpu.memory_space<hbm>>
      %dma_start3A_3172 = tpu.memref_slice %arg3[%mul3A_0] : memref<4096xi32, #tpu.memory_space<hbm>> -> memref<256xi32, #tpu.memory_space<hbm>>
      tpu.enqueue_dma source(%arg7 : memref<256xi32, #tpu.memory_space<vmem>>) target(%dma_start3A_3172 : memref<256xi32, #tpu.memory_space<hbm>>) target_semaphore(%run_scoped3A_3171 : memref<!tpu.dma_semaphore, #tpu.memory_space<semaphore_mem>>)
      %dma_wait3A = tpu.memref_slice %arg3[%mul3A_0] : memref<4096xi32, #tpu.memory_space<hbm>> -> memref<256xi32, #tpu.memory_space<hbm>>
      %dma_wait3A_3173 = tpu.memref_slice %arg3[%mul3A_0] : memref<4096xi32, #tpu.memory_space<hbm>> -> memref<256xi32, #tpu.memory_space<hbm>>
      tpu.wait_dma2 semaphore(%run_scoped3A_3171 : memref<!tpu.dma_semaphore, #tpu.memory_space<semaphore_mem>>) src(%arg7 : memref<256xi32, #tpu.memory_space<vmem>>) dst(%dma_wait3A_3173 : memref<256xi32, #tpu.memory_space<hbm>>)
      tpu.yield
    }) : () -> ()
    %mul3A_3159 = arith.constant 320 : i32
    %mul3A_3160 = arith.muli %arg1, %mul3A_3159 : i32
    "tpu.region"() ({
      %run_scoped3A_3171 = tpu.sem_alloc : memref<!tpu.dma_semaphore, #tpu.memory_space<semaphore_mem>>
      %dma_start3A = tpu.memref_slice %arg15[%mul3A_3160] : memref<5120xi32, #tpu.memory_space<vmem_shared>> -> memref<320xi32, #tpu.memory_space<vmem_shared>>
      %dma_start3A_3172 = tpu.memref_slice %arg15[%mul3A_3160] : memref<5120xi32, #tpu.memory_space<vmem_shared>> -> memref<320xi32, #tpu.memory_space<vmem_shared>>
      tpu.enqueue_dma source(%arg12 : memref<320xi32, #tpu.memory_space<vmem>>) target(%dma_start3A_3172 : memref<320xi32, #tpu.memory_space<vmem_shared>>) target_semaphore(%run_scoped3A_3171 : memref<!tpu.dma_semaphore, #tpu.memory_space<semaphore_mem>>)
      %dma_wait3A = tpu.memref_slice %arg15[%mul3A_3160] : memref<5120xi32, #tpu.memory_space<vmem_shared>> -> memref<320xi32, #tpu.memory_space<vmem_shared>>
      %dma_wait3A_3173 = tpu.memref_slice %arg15[%mul3A_3160] : memref<5120xi32, #tpu.memory_space<vmem_shared>> -> memref<320xi32, #tpu.memory_space<vmem_shared>>
      tpu.wait_dma2 semaphore(%run_scoped3A_3171 : memref<!tpu.dma_semaphore, #tpu.memory_space<semaphore_mem>>) src(%arg12 : memref<320xi32, #tpu.memory_space<vmem>>) dst(%dma_wait3A_3173 : memref<320xi32, #tpu.memory_space<vmem_shared>>)
      tpu.yield
    }) : () -> ()
    %barrier3A_3161 = arith.constant 0 : index
    tpu.barrier barrier_id(%barrier3A_3161)
    %run_scoped3A = arith.constant 0 : i32
    %run_scoped3A_3162 = arith.constant 0 : i32
    "tpu.region"() ({
      %run_scoped3A_3171 = tpu.sem_alloc : memref<!tpu.dma_semaphore, #tpu.memory_space<semaphore_mem>>
      %dma_start3A = arith.constant 0 : i32
      %dma_start3A_3172 = tpu.memref_slice %arg9[%run_scoped3A, %dma_start3A] : memref<2x128xi32, #tpu.memory_space<vmem>> -> memref<1x128xi32, #tpu.memory_space<vmem>>
      %dma_start3A_3173 = tpu.memref_squeeze %dma_start3A_3172 : memref<1x128xi32, #tpu.memory_space<vmem>> -> memref<128xi32, #tpu.memory_space<vmem>>
      %dma_start3A_3174 = arith.constant 0 : i32
      %dma_start3A_3175 = tpu.memref_slice %arg8[%run_scoped3A_3162, %dma_start3A_3174] : memref<2x128xi32, #tpu.memory_space<vmem>> -> memref<1x128xi32, #tpu.memory_space<vmem>>
      %dma_start3A_3176 = tpu.memref_squeeze %dma_start3A_3175 : memref<1x128xi32, #tpu.memory_space<vmem>> -> memref<128xi32, #tpu.memory_space<vmem>>
      %dma_start3A_3177 = arith.constant 0 : i32
      %dma_start3A_3178 = tpu.memref_slice %arg15[%dma_start3A_3177] : memref<5120xi32, #tpu.memory_space<vmem_shared>> -> memref<5120xi32, #tpu.memory_space<vmem_shared>>
      tpu.enqueue_indirect_dma source(%dma_start3A_3173 : memref<128xi32, #tpu.memory_space<vmem>>) target(%dma_start3A_3178 : memref<5120xi32, #tpu.memory_space<vmem_shared>>) offsets(%dma_start3A_3176 : memref<128xi32, #tpu.memory_space<vmem>>) semaphore(%run_scoped3A_3171 : memref<!tpu.dma_semaphore, #tpu.memory_space<semaphore_mem>>)
      %dma_wait3A = arith.constant 0 : i32
      %dma_wait3A_3179 = tpu.memref_slice %arg9[%run_scoped3A, %dma_wait3A] : memref<2x128xi32, #tpu.memory_space<vmem>> -> memref<1x128xi32, #tpu.memory_space<vmem>>
      %dma_wait3A_3180 = tpu.memref_squeeze %dma_wait3A_3179 : memref<1x128xi32, #tpu.memory_space<vmem>> -> memref<128xi32, #tpu.memory_space<vmem>>
      %dma_wait3A_3181 = arith.constant 0 : i32
      %dma_wait3A_3182 = tpu.memref_slice %arg8[%run_scoped3A_3162, %dma_wait3A_3181] : memref<2x128xi32, #tpu.memory_space<vmem>> -> memref<1x128xi32, #tpu.memory_space<vmem>>
      %dma_wait3A_3183 = tpu.memref_squeeze %dma_wait3A_3182 : memref<1x128xi32, #tpu.memory_space<vmem>> -> memref<128xi32, #tpu.memory_space<vmem>>
      %dma_wait3A_3184 = arith.constant 0 : i32
      %dma_wait3A_3185 = tpu.memref_slice %arg15[%dma_wait3A_3184] : memref<5120xi32, #tpu.memory_space<vmem_shared>> -> memref<5120xi32, #tpu.memory_space<vmem_shared>>
      tpu.wait_indirect_dma semaphore(%run_scoped3A_3171 : memref<!tpu.dma_semaphore, #tpu.memory_space<semaphore_mem>>) src(%dma_wait3A_3180 : memref<128xi32, #tpu.memory_space<vmem>>) dst(%dma_wait3A_3185 : memref<5120xi32, #tpu.memory_space<vmem_shared>>)
      tpu.yield
    }) : () -> ()
    %run_scoped3A_3163 = arith.constant 1 : i32
    %run_scoped3A_3164 = arith.constant 1 : i32
    "tpu.region"() ({
      %run_scoped3A_3171 = tpu.sem_alloc : memref<!tpu.dma_semaphore, #tpu.memory_space<semaphore_mem>>
      %dma_start3A = arith.constant 0 : i32
      %dma_start3A_3172 = tpu.memref_slice %arg9[%run_scoped3A_3163, %dma_start3A] : memref<2x128xi32, #tpu.memory_space<vmem>> -> memref<1x128xi32, #tpu.memory_space<vmem>>
      %dma_start3A_3173 = tpu.memref_squeeze %dma_start3A_3172 : memref<1x128xi32, #tpu.memory_space<vmem>> -> memref<128xi32, #tpu.memory_space<vmem>>
      %dma_start3A_3174 = arith.constant 0 : i32
      %dma_start3A_3175 = tpu.memref_slice %arg8[%run_scoped3A_3164, %dma_start3A_3174] : memref<2x128xi32, #tpu.memory_space<vmem>> -> memref<1x128xi32, #tpu.memory_space<vmem>>
      %dma_start3A_3176 = tpu.memref_squeeze %dma_start3A_3175 : memref<1x128xi32, #tpu.memory_space<vmem>> -> memref<128xi32, #tpu.memory_space<vmem>>
      %dma_start3A_3177 = arith.constant 0 : i32
      %dma_start3A_3178 = tpu.memref_slice %arg15[%dma_start3A_3177] : memref<5120xi32, #tpu.memory_space<vmem_shared>> -> memref<5120xi32, #tpu.memory_space<vmem_shared>>
      tpu.enqueue_indirect_dma source(%dma_start3A_3173 : memref<128xi32, #tpu.memory_space<vmem>>) target(%dma_start3A_3178 : memref<5120xi32, #tpu.memory_space<vmem_shared>>) offsets(%dma_start3A_3176 : memref<128xi32, #tpu.memory_space<vmem>>) semaphore(%run_scoped3A_3171 : memref<!tpu.dma_semaphore, #tpu.memory_space<semaphore_mem>>)
      %dma_wait3A = arith.constant 0 : i32
      %dma_wait3A_3179 = tpu.memref_slice %arg9[%run_scoped3A_3163, %dma_wait3A] : memref<2x128xi32, #tpu.memory_space<vmem>> -> memref<1x128xi32, #tpu.memory_space<vmem>>
      %dma_wait3A_3180 = tpu.memref_squeeze %dma_wait3A_3179 : memref<1x128xi32, #tpu.memory_space<vmem>> -> memref<128xi32, #tpu.memory_space<vmem>>
      %dma_wait3A_3181 = arith.constant 0 : i32
      %dma_wait3A_3182 = tpu.memref_slice %arg8[%run_scoped3A_3164, %dma_wait3A_3181] : memref<2x128xi32, #tpu.memory_space<vmem>> -> memref<1x128xi32, #tpu.memory_space<vmem>>
      %dma_wait3A_3183 = tpu.memref_squeeze %dma_wait3A_3182 : memref<1x128xi32, #tpu.memory_space<vmem>> -> memref<128xi32, #tpu.memory_space<vmem>>
      %dma_wait3A_3184 = arith.constant 0 : i32
      %dma_wait3A_3185 = tpu.memref_slice %arg15[%dma_wait3A_3184] : memref<5120xi32, #tpu.memory_space<vmem_shared>> -> memref<5120xi32, #tpu.memory_space<vmem_shared>>
      tpu.wait_indirect_dma semaphore(%run_scoped3A_3171 : memref<!tpu.dma_semaphore, #tpu.memory_space<semaphore_mem>>) src(%dma_wait3A_3180 : memref<128xi32, #tpu.memory_space<vmem>>) dst(%dma_wait3A_3185 : memref<5120xi32, #tpu.memory_space<vmem_shared>>)
      tpu.yield
    }) : () -> ()
    %barrier3A_3165 = arith.constant 0 : index
    tpu.barrier barrier_id(%barrier3A_3165)
    %eq3A_3166 = arith.constant 0 : i32
    %eq3A_3167 = arith.cmpi eq, %arg1, %eq3A_3166 : i32
    %convert_element_type3A_3168 = arith.extui %eq3A_3167 : i1 to i32
    %cond3A_3169 = arith.constant 0 : i32
    %cond3A_3170 = arith.cmpi ne, %convert_element_type3A_3168, %cond3A_3169 : i32
    scf.if %cond3A_3170 {
      "tpu.region"() ({
        %run_scoped3A_3173 = tpu.sem_alloc : memref<!tpu.dma_semaphore, #tpu.memory_space<semaphore_mem>>
        tpu.enqueue_dma source(%arg15 : memref<5120xi32, #tpu.memory_space<vmem_shared>>) target(%arg4 : memref<5120xi32, #tpu.memory_space<hbm>>) target_semaphore(%run_scoped3A_3173 : memref<!tpu.dma_semaphore, #tpu.memory_space<semaphore_mem>>)
        tpu.wait_dma2 semaphore(%run_scoped3A_3173 : memref<!tpu.dma_semaphore, #tpu.memory_space<semaphore_mem>>) src(%arg15 : memref<5120xi32, #tpu.memory_space<vmem_shared>>) dst(%arg4 : memref<5120xi32, #tpu.memory_space<hbm>>)
        tpu.yield
      }) : () -> ()
      %swap3A_3171 = arith.constant 0 : index
      %swap3A_3172 = tpu.vector_load %arg12[%swap3A_3171] {strides = array<i32>} : memref<320xi32, #tpu.memory_space<vmem>>, vector<16xi32>,
      tpu.vector_store %arg12[%swap3A_3171], %add3A_1263 {strides = array<i32>} : memref<320xi32, #tpu.memory_space<vmem>>, vector<16xi32>,
      "tpu.region"() ({
        %run_scoped3A_3173 = tpu.sem_alloc : memref<!tpu.dma_semaphore, #tpu.memory_space<semaphore_mem>>
        %dma_start3A = arith.constant 0 : i32
        %dma_start3A_3174 = tpu.memref_slice %arg12[%dma_start3A] : memref<320xi32, #tpu.memory_space<vmem>> -> memref<16xi32, #tpu.memory_space<vmem>>
        %dma_start3A_3175 = arith.constant 0 : i32
        %dma_start3A_3176 = tpu.memref_slice %arg12[%dma_start3A_3175] : memref<320xi32, #tpu.memory_space<vmem>> -> memref<16xi32, #tpu.memory_space<vmem>>
        tpu.enqueue_dma source(%dma_start3A_3176 : memref<16xi32, #tpu.memory_space<vmem>>) target(%arg5 : memref<16xi32, #tpu.memory_space<hbm>>) target_semaphore(%run_scoped3A_3173 : memref<!tpu.dma_semaphore, #tpu.memory_space<semaphore_mem>>)
        %dma_wait3A = arith.constant 0 : i32
        %dma_wait3A_3177 = tpu.memref_slice %arg12[%dma_wait3A] : memref<320xi32, #tpu.memory_space<vmem>> -> memref<16xi32, #tpu.memory_space<vmem>>
        %dma_wait3A_3178 = arith.constant 0 : i32
        %dma_wait3A_3179 = tpu.memref_slice %arg12[%dma_wait3A_3178] : memref<320xi32, #tpu.memory_space<vmem>> -> memref<16xi32, #tpu.memory_space<vmem>>
        tpu.wait_dma2 semaphore(%run_scoped3A_3173 : memref<!tpu.dma_semaphore, #tpu.memory_space<semaphore_mem>>) src(%dma_wait3A_3179 : memref<16xi32, #tpu.memory_space<vmem>>) dst(%arg5 : memref<16xi32, #tpu.memory_space<hbm>>)
        tpu.yield
      }) : () -> ()
    } else {
    }
    return
  }
}

module attributes {stable_mosaic.version = 14 : i64} {
  func.func @_router_body(%arg0: i32, %arg1: memref<256x1024xf32, #tpu.memory_space<vmem>>, %arg2: memref<1x1024xf32, #tpu.memory_space<vmem>>, %arg3: memref<8x1024xf32, #tpu.memory_space<vmem>>, %arg4: memref<256x1024xf32, #tpu.memory_space<vmem>>, %arg5: memref<256x1024xbf16, #tpu.memory_space<vmem>>, %arg6: memref<256x8xf32, #tpu.memory_space<vmem>>, %arg7: memref<256x2xf32, #tpu.memory_space<vmem>>, %arg8: memref<256x2xi32, #tpu.memory_space<vmem>>) attributes {dimension_semantics = [#tpu.dimension_semantics<arbitrary>], iteration_bounds = array<i64: 8>, scalar_prefetch = 0 : i64, scratch_operands = 0 : i64, tpu.core_type = #tpu.core_type<tc>, window_params = [{transform_indices = @transform_0, window_bounds = array<i64: 256, 1024>}, {pipeline_mode = #tpu.pipeline_mode<synchronous>, transform_indices = @transform_1, window_bounds = array<i64: 1, 1024>}, {pipeline_mode = #tpu.pipeline_mode<synchronous>, transform_indices = @transform_2, window_bounds = array<i64: 8, 1024>}, {transform_indices = @transform_3, window_bounds = array<i64: 256, 1024>}, {transform_indices = @transform_4, window_bounds = array<i64: 256, 1024>}, {transform_indices = @transform_5, window_bounds = array<i64: 256, 8>}, {transform_indices = @transform_6, window_bounds = array<i64: 256, 2>}, {transform_indices = @transform_7, window_bounds = array<i64: 256, 2>}]} {
    %get3A = arith.constant 0 : index
    %get3A_0 = arith.constant 0 : index
    %get3A_1 = vector.load %arg1[%get3A, %get3A_0] : memref<256x1024xf32, #tpu.memory_space<vmem>>, vector<256x1024xf32>
    %mul3A = arith.mulf %get3A_1, %get3A_1 : vector<256x1024xf32>
    %reduce_sum3A = arith.constant dense<0.000000e+00> : vector<256xf32>
    %reduce_sum3A_2 = vector.multi_reduction <add>, %mul3A, %reduce_sum3A [1] : vector<256x1024xf32> to vector<256xf32>
    %broadcast_in_dim3A = vector.shape_cast %reduce_sum3A_2 : vector<256xf32> to vector<256x1xf32>
    %div3A = arith.constant 1.024000e+03 : f32
    %div3A_3 = vector.broadcast %div3A : f32 to vector<256x1xf32>
    %div3A_4 = arith.divf %broadcast_in_dim3A, %div3A_3 : vector<256x1xf32>
    %get3A_5 = arith.constant 0 : index
    %get3A_6 = arith.constant 0 : index
    %get3A_7 = vector.load %arg2[%get3A_5, %get3A_6] : memref<1x1024xf32, #tpu.memory_space<vmem>>, vector<1x1024xf32>
    %add3A = arith.constant 9.99999997E-7 : f32
    %add3A_8 = vector.broadcast %add3A : f32 to vector<256x1xf32>
    %add3A_9 = arith.addf %div3A_4, %add3A_8 : vector<256x1xf32>
    %rsqrt3A = math.rsqrt %add3A_9 : vector<256x1xf32>
    %mul3A_10 = vector.broadcast %rsqrt3A : vector<256x1xf32> to vector<256x1024xf32>
    %mul3A_11 = arith.mulf %get3A_1, %mul3A_10 : vector<256x1024xf32>
    %mul3A_12 = vector.broadcast %get3A_7 : vector<1x1024xf32> to vector<256x1024xf32>
    %mul3A_13 = arith.mulf %mul3A_12, %mul3A_11 : vector<256x1024xf32>
    %swap3A = arith.constant 0 : index
    %swap3A_14 = arith.constant 0 : index
    %swap3A_15 = vector.load %arg4[%swap3A, %swap3A_14] : memref<256x1024xf32, #tpu.memory_space<vmem>>, vector<256x1024xf32>
    tpu.vector_store %arg4[%swap3A, %swap3A_14], %mul3A_13 {strides = array<i32>} : memref<256x1024xf32, #tpu.memory_space<vmem>>, vector<256x1024xf32>,
    %convert_element_type3A = arith.truncf %mul3A_13 : vector<256x1024xf32> to vector<256x1024xbf16>
    %swap3A_16 = arith.constant 0 : index
    %swap3A_17 = arith.constant 0 : index
    %swap3A_18 = vector.load %arg5[%swap3A_16, %swap3A_17] : memref<256x1024xbf16, #tpu.memory_space<vmem>>, vector<256x1024xbf16>
    tpu.vector_store %arg5[%swap3A_16, %swap3A_17], %convert_element_type3A {strides = array<i32>} : memref<256x1024xbf16, #tpu.memory_space<vmem>>, vector<256x1024xbf16>,
    %get3A_19 = arith.constant 0 : index
    %get3A_20 = arith.constant 0 : index
    %get3A_21 = vector.load %arg3[%get3A_19, %get3A_20] : memref<8x1024xf32, #tpu.memory_space<vmem>>, vector<8x1024xf32>
    %dot_general3A = arith.constant dense<0.000000e+00> : vector<256x8xf32>
    %dot_general3A_22 = tpu.matmul %mul3A_13, %get3A_21, %dot_general3A {dimension_numbers = #tpu.dot_dimension_numbers<[1], [1], [0], [0], [0, 0, 1, 0], [], []>, transpose_lhs_hint = false} : vector<256x1024xf32>, vector<8x1024xf32>, vector<256x8xf32> -> vector<256x8xf32>
    %reduce_max3A = arith.constant dense<0xFF800000> : vector<256xf32>
    %reduce_max3A_23 = vector.multi_reduction <maximumf>, %dot_general3A_22, %reduce_max3A [1] : vector<256x8xf32> to vector<256xf32>
    %broadcast_in_dim3A_24 = vector.shape_cast %reduce_max3A_23 : vector<256xf32> to vector<256x1xf32>
    %sub3A = vector.broadcast %broadcast_in_dim3A_24 : vector<256x1xf32> to vector<256x8xf32>
    %sub3A_25 = arith.subf %dot_general3A_22, %sub3A : vector<256x8xf32>
    %exp3A = math.exp %sub3A_25 : vector<256x8xf32>
    %reduce_sum3A_26 = arith.constant dense<0.000000e+00> : vector<256xf32>
    %reduce_sum3A_27 = vector.multi_reduction <add>, %exp3A, %reduce_sum3A_26 [1] : vector<256x8xf32> to vector<256xf32>
    %broadcast_in_dim3A_28 = vector.shape_cast %reduce_sum3A_27 : vector<256xf32> to vector<256x1xf32>
    %div3A_29 = vector.broadcast %broadcast_in_dim3A_28 : vector<256x1xf32> to vector<256x8xf32>
    %div3A_30 = arith.divf %exp3A, %div3A_29 : vector<256x8xf32>
    %swap3A_31 = arith.constant 0 : index
    %swap3A_32 = arith.constant 0 : index
    %swap3A_33 = vector.load %arg6[%swap3A_31, %swap3A_32] : memref<256x8xf32, #tpu.memory_space<vmem>>, vector<256x8xf32>
    tpu.vector_store %arg6[%swap3A_31, %swap3A_32], %div3A_30 {strides = array<i32>} : memref<256x8xf32, #tpu.memory_space<vmem>>, vector<256x8xf32>,
    %iota3A = tpu.iota {dimensions = array<i32: 1>} : vector<256x8xi32>
    %reduce_max3A_34 = arith.constant dense<0xFF800000> : vector<256xf32>
    %reduce_max3A_35 = vector.multi_reduction <maximumf>, %div3A_30, %reduce_max3A_34 [1] : vector<256x8xf32> to vector<256xf32>
    %broadcast_in_dim3A_36 = vector.shape_cast %reduce_max3A_35 : vector<256xf32> to vector<256x1xf32>
    %eq3A = vector.broadcast %broadcast_in_dim3A_36 : vector<256x1xf32> to vector<256x8xf32>
    %eq3A_37 = arith.cmpf oeq, %div3A_30, %eq3A : vector<256x8xf32>
    %jit3A = arith.constant 8 : i32
    %broadcast_in_dim3A_38 = vector.broadcast %jit3A : i32 to vector<256x8xi32>
    %select_n3A = arith.select %eq3A_37, %iota3A, %broadcast_in_dim3A_38 : vector<256x8xi1>, vector<256x8xi32>
    %reduce_min3A = arith.constant dense<2147483647> : vector<256xi32>
    %reduce_min3A_39 = vector.multi_reduction <minsi>, %select_n3A, %reduce_min3A [1] : vector<256x8xi32> to vector<256xi32>
    %broadcast_in_dim3A_40 = vector.shape_cast %reduce_min3A_39 : vector<256xi32> to vector<256x1xi32>
    %eq3A_41 = vector.broadcast %broadcast_in_dim3A_40 : vector<256x1xi32> to vector<256x8xi32>
    %eq3A_42 = arith.cmpi eq, %iota3A, %eq3A_41 : vector<256x8xi32>
    %jit3A_43 = arith.constant 0xFF800000 : f32
    %broadcast_in_dim3A_44 = vector.broadcast %jit3A_43 : f32 to vector<256x8xf32>
    %select_n3A_45 = arith.select %eq3A_42, %broadcast_in_dim3A_44, %div3A_30 : vector<256x8xi1>, vector<256x8xf32>
    %reduce_max3A_46 = arith.constant dense<0xFF800000> : vector<256xf32>
    %reduce_max3A_47 = vector.multi_reduction <maximumf>, %select_n3A_45, %reduce_max3A_46 [1] : vector<256x8xf32> to vector<256xf32>
    %broadcast_in_dim3A_48 = vector.shape_cast %reduce_max3A_47 : vector<256xf32> to vector<256x1xf32>
    %eq3A_49 = vector.broadcast %broadcast_in_dim3A_48 : vector<256x1xf32> to vector<256x8xf32>
    %eq3A_50 = arith.cmpf oeq, %select_n3A_45, %eq3A_49 : vector<256x8xf32>
    %jit3A_51 = arith.constant 8 : i32
    %broadcast_in_dim3A_52 = vector.broadcast %jit3A_51 : i32 to vector<256x8xi32>
    %select_n3A_53 = arith.select %eq3A_50, %iota3A, %broadcast_in_dim3A_52 : vector<256x8xi1>, vector<256x8xi32>
    %reduce_min3A_54 = arith.constant dense<2147483647> : vector<256xi32>
    %reduce_min3A_55 = vector.multi_reduction <minsi>, %select_n3A_53, %reduce_min3A_54 [1] : vector<256x8xi32> to vector<256xi32>
    %broadcast_in_dim3A_56 = vector.shape_cast %reduce_min3A_55 : vector<256xi32> to vector<256x1xi32>
    %concatenate3A = tpu.concatenate %broadcast_in_dim3A_36, %broadcast_in_dim3A_48 in 1 : vector<256x1xf32>, vector<256x1xf32> -> vector<256x2xf32>
    %swap3A_57 = arith.constant 0 : index
    %swap3A_58 = arith.constant 0 : index
    %swap3A_59 = vector.load %arg7[%swap3A_57, %swap3A_58] : memref<256x2xf32, #tpu.memory_space<vmem>>, vector<256x2xf32>
    tpu.vector_store %arg7[%swap3A_57, %swap3A_58], %concatenate3A {strides = array<i32>} : memref<256x2xf32, #tpu.memory_space<vmem>>, vector<256x2xf32>,
    %concatenate3A_60 = tpu.concatenate %broadcast_in_dim3A_40, %broadcast_in_dim3A_56 in 1 : vector<256x1xi32>, vector<256x1xi32> -> vector<256x2xi32>
    %swap3A_61 = arith.constant 0 : index
    %swap3A_62 = arith.constant 0 : index
    %swap3A_63 = vector.load %arg8[%swap3A_61, %swap3A_62] : memref<256x2xi32, #tpu.memory_space<vmem>>, vector<256x2xi32>
    tpu.vector_store %arg8[%swap3A_61, %swap3A_62], %concatenate3A_60 {strides = array<i32>} : memref<256x2xi32, #tpu.memory_space<vmem>>, vector<256x2xi32>,
    return
  }
  func.func @transform_0(%arg0: i32) -> (i32, i32) {
    %c0_i32 = arith.constant 0 : i32
    %c0_i32_0 = arith.constant 0 : i32
    return %arg0, %c0_i32 : i32, i32
  }
  func.func @transform_1(%arg0: i32) -> (i32, i32) {
    %c0_i32 = arith.constant 0 : i32
    %c0_i32_0 = arith.constant 0 : i32
    %c0_i32_1 = arith.constant 0 : i32
    return %c0_i32, %c0_i32_0 : i32, i32
  }
  func.func @transform_2(%arg0: i32) -> (i32, i32) {
    %c0_i32 = arith.constant 0 : i32
    %c0_i32_0 = arith.constant 0 : i32
    %c0_i32_1 = arith.constant 0 : i32
    return %c0_i32, %c0_i32_0 : i32, i32
  }
  func.func @transform_3(%arg0: i32) -> (i32, i32) {
    %c0_i32 = arith.constant 0 : i32
    %c0_i32_0 = arith.constant 0 : i32
    return %arg0, %c0_i32 : i32, i32
  }
  func.func @transform_4(%arg0: i32) -> (i32, i32) {
    %c0_i32 = arith.constant 0 : i32
    %c0_i32_0 = arith.constant 0 : i32
    return %arg0, %c0_i32 : i32, i32
  }
  func.func @transform_5(%arg0: i32) -> (i32, i32) {
    %c0_i32 = arith.constant 0 : i32
    %c0_i32_0 = arith.constant 0 : i32
    return %arg0, %c0_i32 : i32, i32
  }
  func.func @transform_6(%arg0: i32) -> (i32, i32) {
    %c0_i32 = arith.constant 0 : i32
    %c0_i32_0 = arith.constant 0 : i32
    return %arg0, %c0_i32 : i32, i32
  }
  func.func @transform_7(%arg0: i32) -> (i32, i32) {
    %c0_i32 = arith.constant 0 : i32
    %c0_i32_0 = arith.constant 0 : i32
    return %arg0, %c0_i32 : i32, i32
  }
}

module attributes {stable_mosaic.version = 14 : i64} {
  func.func @_grouped_body(%arg0: i32, %arg1: memref<16xi32, #tpu.memory_space<smem>>, %arg2: memref<128x1xi32, #tpu.memory_space<vmem>>, %arg3: memref<2048x1024xbf16, #tpu.memory_space<vmem>>, %arg4: memref<1x1024x2048xbf16, #tpu.memory_space<vmem>>, %arg5: memref<1x2048x1024xbf16, #tpu.memory_space<vmem>>, %arg6: memref<8x2048xf32, #tpu.memory_space<vmem>>, %arg7: memref<8x1024xf32, #tpu.memory_space<vmem>>, %arg8: memref<128x1024xbf16, #tpu.memory_space<vmem>>) attributes {dimension_semantics = [#tpu.dimension_semantics<arbitrary>], iteration_bounds = array<i64: 40>, scalar_prefetch = 1 : i64, scratch_operands = 0 : i64, tpu.core_type = #tpu.core_type<tc>, window_params = [{transform_indices = @transform_0, window_bounds = array<i64: 128, 1>}, {pipeline_mode = #tpu.pipeline_mode<synchronous>, transform_indices = @transform_1, window_bounds = array<i64: 2048, 1024>}, {transform_indices = @transform_2, window_bounds = array<i64: 1, 1024, 2048>}, {transform_indices = @transform_3, window_bounds = array<i64: 1, 2048, 1024>}, {pipeline_mode = #tpu.pipeline_mode<synchronous>, transform_indices = @transform_4, window_bounds = array<i64: 8, 2048>}, {pipeline_mode = #tpu.pipeline_mode<synchronous>, transform_indices = @transform_5, window_bounds = array<i64: 8, 1024>}, {transform_indices = @transform_6, window_bounds = array<i64: 128, 1024>}]} {
    %get3A = arith.constant 7 : index
    %get3A_0 = memref.load %arg1[%get3A] : memref<16xi32, #tpu.memory_space<smem>>
    %get3A_1 = arith.constant 0 : index
    %get3A_2 = memref.load %arg1[%get3A_1] : memref<16xi32, #tpu.memory_space<smem>>
    %ge3A = arith.cmpi sge, %arg0, %get3A_2 : i32
    %jit3A = arith.constant 1 : i32
    %jit3A_3 = arith.constant 0 : i32
    %select_n3A = arith.select %ge3A, %jit3A, %jit3A_3 : i32
    %add3A = arith.constant 0 : i32
    %add3A_4 = arith.addi %add3A, %select_n3A : i32
    %get3A_5 = arith.constant 1 : index
    %get3A_6 = memref.load %arg1[%get3A_5] : memref<16xi32, #tpu.memory_space<smem>>
    %ge3A_7 = arith.cmpi sge, %arg0, %get3A_6 : i32
    %jit3A_8 = arith.constant 1 : i32
    %jit3A_9 = arith.constant 0 : i32
    %select_n3A_10 = arith.select %ge3A_7, %jit3A_8, %jit3A_9 : i32
    %add3A_11 = arith.addi %add3A_4, %select_n3A_10 : i32
    %get3A_12 = arith.constant 2 : index
    %get3A_13 = memref.load %arg1[%get3A_12] : memref<16xi32, #tpu.memory_space<smem>>
    %ge3A_14 = arith.cmpi sge, %arg0, %get3A_13 : i32
    %jit3A_15 = arith.constant 1 : i32
    %jit3A_16 = arith.constant 0 : i32
    %select_n3A_17 = arith.select %ge3A_14, %jit3A_15, %jit3A_16 : i32
    %add3A_18 = arith.addi %add3A_11, %select_n3A_17 : i32
    %get3A_19 = arith.constant 3 : index
    %get3A_20 = memref.load %arg1[%get3A_19] : memref<16xi32, #tpu.memory_space<smem>>
    %ge3A_21 = arith.cmpi sge, %arg0, %get3A_20 : i32
    %jit3A_22 = arith.constant 1 : i32
    %jit3A_23 = arith.constant 0 : i32
    %select_n3A_24 = arith.select %ge3A_21, %jit3A_22, %jit3A_23 : i32
    %add3A_25 = arith.addi %add3A_18, %select_n3A_24 : i32
    %get3A_26 = arith.constant 4 : index
    %get3A_27 = memref.load %arg1[%get3A_26] : memref<16xi32, #tpu.memory_space<smem>>
    %ge3A_28 = arith.cmpi sge, %arg0, %get3A_27 : i32
    %jit3A_29 = arith.constant 1 : i32
    %jit3A_30 = arith.constant 0 : i32
    %select_n3A_31 = arith.select %ge3A_28, %jit3A_29, %jit3A_30 : i32
    %add3A_32 = arith.addi %add3A_25, %select_n3A_31 : i32
    %get3A_33 = arith.constant 5 : index
    %get3A_34 = memref.load %arg1[%get3A_33] : memref<16xi32, #tpu.memory_space<smem>>
    %ge3A_35 = arith.cmpi sge, %arg0, %get3A_34 : i32
    %jit3A_36 = arith.constant 1 : i32
    %jit3A_37 = arith.constant 0 : i32
    %select_n3A_38 = arith.select %ge3A_35, %jit3A_36, %jit3A_37 : i32
    %add3A_39 = arith.addi %add3A_32, %select_n3A_38 : i32
    %get3A_40 = arith.constant 6 : index
    %get3A_41 = memref.load %arg1[%get3A_40] : memref<16xi32, #tpu.memory_space<smem>>
    %ge3A_42 = arith.cmpi sge, %arg0, %get3A_41 : i32
    %jit3A_43 = arith.constant 1 : i32
    %jit3A_44 = arith.constant 0 : i32
    %select_n3A_45 = arith.select %ge3A_42, %jit3A_43, %jit3A_44 : i32
    %add3A_46 = arith.addi %add3A_39, %select_n3A_45 : i32
    %lt3A = arith.cmpi slt, %arg0, %get3A_0 : i32
    %convert_element_type3A = arith.extui %lt3A : i1 to i32
    %cond3A = arith.constant 0 : i32
    %cond3A_47 = arith.cmpi ne, %convert_element_type3A, %cond3A : i32
    scf.if %cond3A_47 {
      %get3A_48 = arith.constant 0 : index
      %get3A_49 = arith.constant 0 : index
      %get3A_50 = vector.load %arg2[%get3A_48, %get3A_49] : memref<128x1xi32, #tpu.memory_space<vmem>>, vector<128x1xi32>
      %iota3A = tpu.iota {dimensions = array<i32: 1>} : vector<128x2048xi32>
      %eq3A = vector.broadcast %get3A_50 : vector<128x1xi32> to vector<128x2048xi32>
      %eq3A_51 = arith.cmpi eq, %iota3A, %eq3A : vector<128x2048xi32>
      %convert_element_type3A_52 = arith.extui %eq3A_51 : vector<128x2048xi1> to vector<128x2048xi32>
      %convert_element_type3A_53 = arith.sitofp %convert_element_type3A_52 : vector<128x2048xi32> to vector<128x2048xf32>
      %convert_element_type3A_54 = arith.truncf %convert_element_type3A_53 : vector<128x2048xf32> to vector<128x2048xbf16>
      %get3A_55 = arith.constant 0 : index
      %get3A_56 = arith.constant 0 : index
      %get3A_57 = vector.load %arg3[%get3A_55, %get3A_56] : memref<2048x1024xbf16, #tpu.memory_space<vmem>>, vector<2048x1024xbf16>
      %dot_general3A = arith.constant dense<0.000000e+00> : vector<128x1024xf32>
      %dot_general3A_58 = tpu.matmul %convert_element_type3A_54, %get3A_57, %dot_general3A {dimension_numbers = #tpu.dot_dimension_numbers<[1], [0], [0], [1], [0, 0, 1, 1], [], []>, transpose_lhs_hint = false} : vector<128x2048xbf16>, vector<2048x1024xbf16>, vector<128x1024xf32> -> vector<128x1024xf32>
      %convert_element_type3A_59 = arith.truncf %dot_general3A_58 : vector<128x1024xf32> to vector<128x1024xbf16>
      %get3A_60 = arith.constant 0 : index
      %get3A_61 = arith.constant 0 : index
      %get3A_62 = arith.constant 0 : index
      %get3A_63 = vector.load %arg4[%get3A_60, %get3A_61, %get3A_62] : memref<1x1024x2048xbf16, #tpu.memory_space<vmem>>, vector<1x1024x2048xbf16>
      %get3A_64 = vector.shape_cast %get3A_63 : vector<1x1024x2048xbf16> to vector<1024x2048xbf16>
      %dot_general3A_65 = arith.constant dense<0.000000e+00> : vector<128x2048xf32>
      %dot_general3A_66 = tpu.matmul %convert_element_type3A_59, %get3A_64, %dot_general3A_65 {dimension_numbers = #tpu.dot_dimension_numbers<[1], [0], [0], [1], [0, 0, 1, 1], [], []>, transpose_lhs_hint = false} : vector<128x1024xbf16>, vector<1024x2048xbf16>, vector<128x2048xf32> -> vector<128x2048xf32>
      %get3A_67 = arith.index_cast %add3A_46 : i32 to index
      %get3A_68 = arith.constant 0 : index
      %get3A_69 = vector.load %arg6[%get3A_67, %get3A_68] : memref<8x2048xf32, #tpu.memory_space<vmem>>, vector<1x2048xf32>
      %add3A_70 = vector.broadcast %get3A_69 : vector<1x2048xf32> to vector<128x2048xf32>
      %add3A_71 = arith.addf %dot_general3A_66, %add3A_70 : vector<128x2048xf32>
      %convert_element_type3A_72 = arith.truncf %add3A_71 : vector<128x2048xf32> to vector<128x2048xbf16>
      %get3A_73 = arith.constant 0 : index
      %get3A_74 = arith.constant 0 : index
      %get3A_75 = arith.constant 0 : index
      %get3A_76 = vector.load %arg5[%get3A_73, %get3A_74, %get3A_75] : memref<1x2048x1024xbf16, #tpu.memory_space<vmem>>, vector<1x2048x1024xbf16>
      %get3A_77 = vector.shape_cast %get3A_76 : vector<1x2048x1024xbf16> to vector<2048x1024xbf16>
      %dot_general3A_78 = arith.constant dense<0.000000e+00> : vector<128x1024xf32>
      %dot_general3A_79 = tpu.matmul %convert_element_type3A_72, %get3A_77, %dot_general3A_78 {dimension_numbers = #tpu.dot_dimension_numbers<[1], [0], [0], [1], [0, 0, 1, 1], [], []>, transpose_lhs_hint = false} : vector<128x2048xbf16>, vector<2048x1024xbf16>, vector<128x1024xf32> -> vector<128x1024xf32>
      %get3A_80 = arith.index_cast %add3A_46 : i32 to index
      %get3A_81 = arith.constant 0 : index
      %get3A_82 = vector.load %arg7[%get3A_80, %get3A_81] : memref<8x1024xf32, #tpu.memory_space<vmem>>, vector<1x1024xf32>
      %add3A_83 = vector.broadcast %get3A_82 : vector<1x1024xf32> to vector<128x1024xf32>
      %add3A_84 = arith.addf %dot_general3A_79, %add3A_83 : vector<128x1024xf32>
      %mul3A = arith.constant 5.000000e-01 : f32
      %mul3A_85 = vector.broadcast %mul3A : f32 to vector<128x1024xf32>
      %mul3A_86 = arith.mulf %mul3A_85, %add3A_84 : vector<128x1024xf32>
      %mul3A_87 = arith.constant 0.707106769 : f32
      %mul3A_88 = vector.broadcast %mul3A_87 : f32 to vector<128x1024xf32>
      %mul3A_89 = arith.mulf %add3A_84, %mul3A_88 : vector<128x1024xf32>
      %erf3A = math.erf %mul3A_89 : vector<128x1024xf32>
      %add3A_90 = arith.constant 1.000000e+00 : f32
      %add3A_91 = vector.broadcast %add3A_90 : f32 to vector<128x1024xf32>
      %add3A_92 = arith.addf %add3A_91, %erf3A : vector<128x1024xf32>
      %mul3A_93 = arith.mulf %mul3A_86, %add3A_92 : vector<128x1024xf32>
      %convert_element_type3A_94 = arith.truncf %mul3A_93 : vector<128x1024xf32> to vector<128x1024xbf16>
      %swap3A = arith.constant 0 : index
      %swap3A_95 = arith.constant 0 : index
      %swap3A_96 = vector.load %arg8[%swap3A, %swap3A_95] : memref<128x1024xbf16, #tpu.memory_space<vmem>>, vector<128x1024xbf16>
      tpu.vector_store %arg8[%swap3A, %swap3A_95], %convert_element_type3A_94 {strides = array<i32>} : memref<128x1024xbf16, #tpu.memory_space<vmem>>, vector<128x1024xbf16>,
    } else {
    }
    return
  }
  func.func @transform_0(%arg0: i32, %arg1: memref<16xi32, #tpu.memory_space<smem>>) -> (i32, i32) {
    %c0_i32 = arith.constant 0 : i32
    %c0_i32_0 = arith.constant 0 : i32
    return %arg0, %c0_i32 : i32, i32
  }
  func.func @transform_1(%arg0: i32, %arg1: memref<16xi32, #tpu.memory_space<smem>>) -> (i32, i32) {
    %c0_i32 = arith.constant 0 : i32
    %c0_i32_0 = arith.constant 0 : i32
    %c0_i32_1 = arith.constant 0 : i32
    return %c0_i32, %c0_i32_0 : i32, i32
  }
  func.func @transform_2(%arg0: i32, %arg1: memref<16xi32, #tpu.memory_space<smem>>) -> (i32, i32, i32) {
    %get3A = arith.constant 0 : index
    %get3A_0 = memref.load %arg1[%get3A] : memref<16xi32, #tpu.memory_space<smem>>
    %ge3A = arith.cmpi sge, %arg0, %get3A_0 : i32
    %jit3A = arith.constant 1 : i32
    %jit3A_1 = arith.constant 0 : i32
    %select_n3A = arith.select %ge3A, %jit3A, %jit3A_1 : i32
    %add3A = arith.constant 0 : i32
    %add3A_2 = arith.addi %add3A, %select_n3A : i32
    %get3A_3 = arith.constant 1 : index
    %get3A_4 = memref.load %arg1[%get3A_3] : memref<16xi32, #tpu.memory_space<smem>>
    %ge3A_5 = arith.cmpi sge, %arg0, %get3A_4 : i32
    %jit3A_6 = arith.constant 1 : i32
    %jit3A_7 = arith.constant 0 : i32
    %select_n3A_8 = arith.select %ge3A_5, %jit3A_6, %jit3A_7 : i32
    %add3A_9 = arith.addi %add3A_2, %select_n3A_8 : i32
    %get3A_10 = arith.constant 2 : index
    %get3A_11 = memref.load %arg1[%get3A_10] : memref<16xi32, #tpu.memory_space<smem>>
    %ge3A_12 = arith.cmpi sge, %arg0, %get3A_11 : i32
    %jit3A_13 = arith.constant 1 : i32
    %jit3A_14 = arith.constant 0 : i32
    %select_n3A_15 = arith.select %ge3A_12, %jit3A_13, %jit3A_14 : i32
    %add3A_16 = arith.addi %add3A_9, %select_n3A_15 : i32
    %get3A_17 = arith.constant 3 : index
    %get3A_18 = memref.load %arg1[%get3A_17] : memref<16xi32, #tpu.memory_space<smem>>
    %ge3A_19 = arith.cmpi sge, %arg0, %get3A_18 : i32
    %jit3A_20 = arith.constant 1 : i32
    %jit3A_21 = arith.constant 0 : i32
    %select_n3A_22 = arith.select %ge3A_19, %jit3A_20, %jit3A_21 : i32
    %add3A_23 = arith.addi %add3A_16, %select_n3A_22 : i32
    %get3A_24 = arith.constant 4 : index
    %get3A_25 = memref.load %arg1[%get3A_24] : memref<16xi32, #tpu.memory_space<smem>>
    %ge3A_26 = arith.cmpi sge, %arg0, %get3A_25 : i32
    %jit3A_27 = arith.constant 1 : i32
    %jit3A_28 = arith.constant 0 : i32
    %select_n3A_29 = arith.select %ge3A_26, %jit3A_27, %jit3A_28 : i32
    %add3A_30 = arith.addi %add3A_23, %select_n3A_29 : i32
    %get3A_31 = arith.constant 5 : index
    %get3A_32 = memref.load %arg1[%get3A_31] : memref<16xi32, #tpu.memory_space<smem>>
    %ge3A_33 = arith.cmpi sge, %arg0, %get3A_32 : i32
    %jit3A_34 = arith.constant 1 : i32
    %jit3A_35 = arith.constant 0 : i32
    %select_n3A_36 = arith.select %ge3A_33, %jit3A_34, %jit3A_35 : i32
    %add3A_37 = arith.addi %add3A_30, %select_n3A_36 : i32
    %get3A_38 = arith.constant 6 : index
    %get3A_39 = memref.load %arg1[%get3A_38] : memref<16xi32, #tpu.memory_space<smem>>
    %ge3A_40 = arith.cmpi sge, %arg0, %get3A_39 : i32
    %jit3A_41 = arith.constant 1 : i32
    %jit3A_42 = arith.constant 0 : i32
    %select_n3A_43 = arith.select %ge3A_40, %jit3A_41, %jit3A_42 : i32
    %add3A_44 = arith.addi %add3A_37, %select_n3A_43 : i32
    %c0_i32 = arith.constant 0 : i32
    %c0_i32_45 = arith.constant 0 : i32
    %c0_i32_46 = arith.constant 0 : i32
    return %add3A_44, %c0_i32, %c0_i32_45 : i32, i32, i32
  }
  func.func @transform_3(%arg0: i32, %arg1: memref<16xi32, #tpu.memory_space<smem>>) -> (i32, i32, i32) {
    %get3A = arith.constant 0 : index
    %get3A_0 = memref.load %arg1[%get3A] : memref<16xi32, #tpu.memory_space<smem>>
    %ge3A = arith.cmpi sge, %arg0, %get3A_0 : i32
    %jit3A = arith.constant 1 : i32
    %jit3A_1 = arith.constant 0 : i32
    %select_n3A = arith.select %ge3A, %jit3A, %jit3A_1 : i32
    %add3A = arith.constant 0 : i32
    %add3A_2 = arith.addi %add3A, %select_n3A : i32
    %get3A_3 = arith.constant 1 : index
    %get3A_4 = memref.load %arg1[%get3A_3] : memref<16xi32, #tpu.memory_space<smem>>
    %ge3A_5 = arith.cmpi sge, %arg0, %get3A_4 : i32
    %jit3A_6 = arith.constant 1 : i32
    %jit3A_7 = arith.constant 0 : i32
    %select_n3A_8 = arith.select %ge3A_5, %jit3A_6, %jit3A_7 : i32
    %add3A_9 = arith.addi %add3A_2, %select_n3A_8 : i32
    %get3A_10 = arith.constant 2 : index
    %get3A_11 = memref.load %arg1[%get3A_10] : memref<16xi32, #tpu.memory_space<smem>>
    %ge3A_12 = arith.cmpi sge, %arg0, %get3A_11 : i32
    %jit3A_13 = arith.constant 1 : i32
    %jit3A_14 = arith.constant 0 : i32
    %select_n3A_15 = arith.select %ge3A_12, %jit3A_13, %jit3A_14 : i32
    %add3A_16 = arith.addi %add3A_9, %select_n3A_15 : i32
    %get3A_17 = arith.constant 3 : index
    %get3A_18 = memref.load %arg1[%get3A_17] : memref<16xi32, #tpu.memory_space<smem>>
    %ge3A_19 = arith.cmpi sge, %arg0, %get3A_18 : i32
    %jit3A_20 = arith.constant 1 : i32
    %jit3A_21 = arith.constant 0 : i32
    %select_n3A_22 = arith.select %ge3A_19, %jit3A_20, %jit3A_21 : i32
    %add3A_23 = arith.addi %add3A_16, %select_n3A_22 : i32
    %get3A_24 = arith.constant 4 : index
    %get3A_25 = memref.load %arg1[%get3A_24] : memref<16xi32, #tpu.memory_space<smem>>
    %ge3A_26 = arith.cmpi sge, %arg0, %get3A_25 : i32
    %jit3A_27 = arith.constant 1 : i32
    %jit3A_28 = arith.constant 0 : i32
    %select_n3A_29 = arith.select %ge3A_26, %jit3A_27, %jit3A_28 : i32
    %add3A_30 = arith.addi %add3A_23, %select_n3A_29 : i32
    %get3A_31 = arith.constant 5 : index
    %get3A_32 = memref.load %arg1[%get3A_31] : memref<16xi32, #tpu.memory_space<smem>>
    %ge3A_33 = arith.cmpi sge, %arg0, %get3A_32 : i32
    %jit3A_34 = arith.constant 1 : i32
    %jit3A_35 = arith.constant 0 : i32
    %select_n3A_36 = arith.select %ge3A_33, %jit3A_34, %jit3A_35 : i32
    %add3A_37 = arith.addi %add3A_30, %select_n3A_36 : i32
    %get3A_38 = arith.constant 6 : index
    %get3A_39 = memref.load %arg1[%get3A_38] : memref<16xi32, #tpu.memory_space<smem>>
    %ge3A_40 = arith.cmpi sge, %arg0, %get3A_39 : i32
    %jit3A_41 = arith.constant 1 : i32
    %jit3A_42 = arith.constant 0 : i32
    %select_n3A_43 = arith.select %ge3A_40, %jit3A_41, %jit3A_42 : i32
    %add3A_44 = arith.addi %add3A_37, %select_n3A_43 : i32
    %c0_i32 = arith.constant 0 : i32
    %c0_i32_45 = arith.constant 0 : i32
    %c0_i32_46 = arith.constant 0 : i32
    return %add3A_44, %c0_i32, %c0_i32_45 : i32, i32, i32
  }
  func.func @transform_4(%arg0: i32, %arg1: memref<16xi32, #tpu.memory_space<smem>>) -> (i32, i32) {
    %c0_i32 = arith.constant 0 : i32
    %c0_i32_0 = arith.constant 0 : i32
    %c0_i32_1 = arith.constant 0 : i32
    return %c0_i32, %c0_i32_0 : i32, i32
  }
  func.func @transform_5(%arg0: i32, %arg1: memref<16xi32, #tpu.memory_space<smem>>) -> (i32, i32) {
    %c0_i32 = arith.constant 0 : i32
    %c0_i32_0 = arith.constant 0 : i32
    %c0_i32_1 = arith.constant 0 : i32
    return %c0_i32, %c0_i32_0 : i32, i32
  }
  func.func @transform_6(%arg0: i32, %arg1: memref<16xi32, #tpu.memory_space<smem>>) -> (i32, i32) {
    %c0_i32 = arith.constant 0 : i32
    %c0_i32_0 = arith.constant 0 : i32
    return %arg0, %c0_i32 : i32, i32
  }
}

module attributes {stable_mosaic.version = 14 : i64} {
  func.func @_combine_body(%arg0: i32, %arg1: memref<256x1024xf32, #tpu.memory_space<vmem>>, %arg2: memref<256x1024xbf16, #tpu.memory_space<vmem>>, %arg3: memref<256x2xf32, #tpu.memory_space<vmem>>, %arg4: memref<256x2xi32, #tpu.memory_space<vmem>>, %arg5: memref<5120x1024xbf16, #tpu.memory_space<vmem>>, %arg6: memref<1x1024x2048xbf16, #tpu.memory_space<vmem>>, %arg7: memref<1x2048x1024xbf16, #tpu.memory_space<vmem>>, %arg8: memref<1x2048xf32, #tpu.memory_space<vmem>>, %arg9: memref<1x1024xf32, #tpu.memory_space<vmem>>, %arg10: memref<256x1024xf32, #tpu.memory_space<vmem>>) attributes {dimension_semantics = [#tpu.dimension_semantics<arbitrary>], iteration_bounds = array<i64: 8>, scalar_prefetch = 0 : i64, scratch_operands = 0 : i64, tpu.core_type = #tpu.core_type<tc>, window_params = [{transform_indices = @transform_0, window_bounds = array<i64: 256, 1024>}, {transform_indices = @transform_1, window_bounds = array<i64: 256, 1024>}, {transform_indices = @transform_2, window_bounds = array<i64: 256, 2>}, {transform_indices = @transform_3, window_bounds = array<i64: 256, 2>}, {pipeline_mode = #tpu.pipeline_mode<synchronous>, transform_indices = @transform_4, window_bounds = array<i64: 5120, 1024>}, {pipeline_mode = #tpu.pipeline_mode<synchronous>, transform_indices = @transform_5, window_bounds = array<i64: 1, 1024, 2048>}, {pipeline_mode = #tpu.pipeline_mode<synchronous>, transform_indices = @transform_6, window_bounds = array<i64: 1, 2048, 1024>}, {pipeline_mode = #tpu.pipeline_mode<synchronous>, transform_indices = @transform_7, window_bounds = array<i64: 1, 2048>}, {pipeline_mode = #tpu.pipeline_mode<synchronous>, transform_indices = @transform_8, window_bounds = array<i64: 1, 1024>}, {transform_indices = @transform_9, window_bounds = array<i64: 256, 1024>}]} {
    %get3A = arith.constant 0 : index
    %get3A_0 = arith.constant 0 : index
    %get3A_1 = vector.load %arg2[%get3A, %get3A_0] : memref<256x1024xbf16, #tpu.memory_space<vmem>>, vector<256x1024xbf16>
    %get3A_2 = arith.constant 0 : index
    %get3A_3 = arith.constant 0 : index
    %get3A_4 = arith.constant 0 : index
    %get3A_5 = vector.load %arg6[%get3A_2, %get3A_3, %get3A_4] : memref<1x1024x2048xbf16, #tpu.memory_space<vmem>>, vector<1x1024x2048xbf16>
    %get3A_6 = vector.shape_cast %get3A_5 : vector<1x1024x2048xbf16> to vector<1024x2048xbf16>
    %dot_general3A = arith.constant dense<0.000000e+00> : vector<256x2048xf32>
    %dot_general3A_7 = tpu.matmul %get3A_1, %get3A_6, %dot_general3A {dimension_numbers = #tpu.dot_dimension_numbers<[1], [0], [0], [1], [0, 0, 1, 1], [], []>, transpose_lhs_hint = false} : vector<256x1024xbf16>, vector<1024x2048xbf16>, vector<256x2048xf32> -> vector<256x2048xf32>
    %get3A_8 = arith.constant 0 : index
    %get3A_9 = arith.constant 0 : index
    %get3A_10 = vector.load %arg8[%get3A_8, %get3A_9] : memref<1x2048xf32, #tpu.memory_space<vmem>>, vector<1x2048xf32>
    %add3A = vector.broadcast %get3A_10 : vector<1x2048xf32> to vector<256x2048xf32>
    %add3A_11 = arith.addf %dot_general3A_7, %add3A : vector<256x2048xf32>
    %convert_element_type3A = arith.truncf %add3A_11 : vector<256x2048xf32> to vector<256x2048xbf16>
    %get3A_12 = arith.constant 0 : index
    %get3A_13 = arith.constant 0 : index
    %get3A_14 = arith.constant 0 : index
    %get3A_15 = vector.load %arg7[%get3A_12, %get3A_13, %get3A_14] : memref<1x2048x1024xbf16, #tpu.memory_space<vmem>>, vector<1x2048x1024xbf16>
    %get3A_16 = vector.shape_cast %get3A_15 : vector<1x2048x1024xbf16> to vector<2048x1024xbf16>
    %dot_general3A_17 = arith.constant dense<0.000000e+00> : vector<256x1024xf32>
    %dot_general3A_18 = tpu.matmul %convert_element_type3A, %get3A_16, %dot_general3A_17 {dimension_numbers = #tpu.dot_dimension_numbers<[1], [0], [0], [1], [0, 0, 1, 1], [], []>, transpose_lhs_hint = false} : vector<256x2048xbf16>, vector<2048x1024xbf16>, vector<256x1024xf32> -> vector<256x1024xf32>
    %get3A_19 = arith.constant 0 : index
    %get3A_20 = arith.constant 0 : index
    %get3A_21 = vector.load %arg9[%get3A_19, %get3A_20] : memref<1x1024xf32, #tpu.memory_space<vmem>>, vector<1x1024xf32>
    %add3A_22 = vector.broadcast %get3A_21 : vector<1x1024xf32> to vector<256x1024xf32>
    %add3A_23 = arith.addf %dot_general3A_18, %add3A_22 : vector<256x1024xf32>
    %mul3A = arith.constant 5.000000e-01 : f32
    %mul3A_24 = vector.broadcast %mul3A : f32 to vector<256x1024xf32>
    %mul3A_25 = arith.mulf %mul3A_24, %add3A_23 : vector<256x1024xf32>
    %mul3A_26 = arith.constant 0.707106769 : f32
    %mul3A_27 = vector.broadcast %mul3A_26 : f32 to vector<256x1024xf32>
    %mul3A_28 = arith.mulf %add3A_23, %mul3A_27 : vector<256x1024xf32>
    %erf3A = math.erf %mul3A_28 : vector<256x1024xf32>
    %add3A_29 = arith.constant 1.000000e+00 : f32
    %add3A_30 = vector.broadcast %add3A_29 : f32 to vector<256x1024xf32>
    %add3A_31 = arith.addf %add3A_30, %erf3A : vector<256x1024xf32>
    %mul3A_32 = arith.mulf %mul3A_25, %add3A_31 : vector<256x1024xf32>
    %get3A_33 = arith.constant 0 : index
    %get3A_34 = arith.constant 0 : index
    %get3A_35 = vector.load %arg3[%get3A_33, %get3A_34] : memref<256x2xf32, #tpu.memory_space<vmem>>, vector<256x1xf32>
    %get3A_36 = arith.constant 0 : index
    %get3A_37 = arith.constant 1 : index
    %get3A_38 = vector.load %arg3[%get3A_36, %get3A_37] : memref<256x2xf32, #tpu.memory_space<vmem>>, vector<256x1xf32>
    %get3A_39 = arith.constant 0 : index
    %get3A_40 = arith.constant 0 : index
    %get3A_41 = vector.load %arg4[%get3A_39, %get3A_40] : memref<256x2xi32, #tpu.memory_space<vmem>>, vector<256x1xi32>
    %get3A_42 = arith.constant 0 : index
    %get3A_43 = arith.constant 1 : index
    %get3A_44 = vector.load %arg4[%get3A_42, %get3A_43] : memref<256x2xi32, #tpu.memory_space<vmem>>, vector<256x1xi32>
    %iota3A = tpu.iota {dimensions = array<i32: 1>} : vector<256x5120xi32>
    %eq3A = vector.broadcast %get3A_41 : vector<256x1xi32> to vector<256x5120xi32>
    %eq3A_45 = arith.cmpi eq, %iota3A, %eq3A : vector<256x5120xi32>
    %jit3A = arith.constant 0.000000e+00 : f32
    %broadcast_in_dim3A = vector.shape_cast %get3A_35 : vector<256x1xf32> to vector<256x1xf32>
    %broadcast_in_dim3A_46 = vector.broadcast %broadcast_in_dim3A : vector<256x1xf32> to vector<256x5120xf32>
    %broadcast_in_dim3A_47 = vector.broadcast %jit3A : f32 to vector<256x5120xf32>
    %select_n3A = arith.select %eq3A_45, %broadcast_in_dim3A_46, %broadcast_in_dim3A_47 : vector<256x5120xi1>, vector<256x5120xf32>
    %eq3A_48 = vector.broadcast %get3A_44 : vector<256x1xi32> to vector<256x5120xi32>
    %eq3A_49 = arith.cmpi eq, %iota3A, %eq3A_48 : vector<256x5120xi32>
    %jit3A_50 = arith.constant 0.000000e+00 : f32
    %broadcast_in_dim3A_51 = vector.shape_cast %get3A_38 : vector<256x1xf32> to vector<256x1xf32>
    %broadcast_in_dim3A_52 = vector.broadcast %broadcast_in_dim3A_51 : vector<256x1xf32> to vector<256x5120xf32>
    %broadcast_in_dim3A_53 = vector.broadcast %jit3A_50 : f32 to vector<256x5120xf32>
    %select_n3A_54 = arith.select %eq3A_49, %broadcast_in_dim3A_52, %broadcast_in_dim3A_53 : vector<256x5120xi1>, vector<256x5120xf32>
    %add3A_55 = arith.addf %select_n3A, %select_n3A_54 : vector<256x5120xf32>
    %convert_element_type3A_56 = arith.truncf %add3A_55 : vector<256x5120xf32> to vector<256x5120xbf16>
    %get3A_57 = arith.constant 0 : index
    %get3A_58 = arith.constant 0 : index
    %get3A_59 = vector.load %arg5[%get3A_57, %get3A_58] : memref<5120x1024xbf16, #tpu.memory_space<vmem>>, vector<5120x1024xbf16>
    %dot_general3A_60 = arith.constant dense<0.000000e+00> : vector<256x1024xf32>
    %dot_general3A_61 = tpu.matmul %convert_element_type3A_56, %get3A_59, %dot_general3A_60 {dimension_numbers = #tpu.dot_dimension_numbers<[1], [0], [0], [1], [0, 0, 1, 1], [], []>, transpose_lhs_hint = false} : vector<256x5120xbf16>, vector<5120x1024xbf16>, vector<256x1024xf32> -> vector<256x1024xf32>
    %get3A_62 = arith.constant 0 : index
    %get3A_63 = arith.constant 0 : index
    %get3A_64 = vector.load %arg1[%get3A_62, %get3A_63] : memref<256x1024xf32, #tpu.memory_space<vmem>>, vector<256x1024xf32>
    %add3A_65 = arith.addf %get3A_64, %mul3A_32 : vector<256x1024xf32>
    %add3A_66 = arith.addf %add3A_65, %dot_general3A_61 : vector<256x1024xf32>
    %swap3A = arith.constant 0 : index
    %swap3A_67 = arith.constant 0 : index
    %swap3A_68 = vector.load %arg10[%swap3A, %swap3A_67] : memref<256x1024xf32, #tpu.memory_space<vmem>>, vector<256x1024xf32>
    tpu.vector_store %arg10[%swap3A, %swap3A_67], %add3A_66 {strides = array<i32>} : memref<256x1024xf32, #tpu.memory_space<vmem>>, vector<256x1024xf32>,
    return
  }
  func.func @transform_0(%arg0: i32) -> (i32, i32) {
    %c0_i32 = arith.constant 0 : i32
    %c0_i32_0 = arith.constant 0 : i32
    return %arg0, %c0_i32 : i32, i32
  }
  func.func @transform_1(%arg0: i32) -> (i32, i32) {
    %c0_i32 = arith.constant 0 : i32
    %c0_i32_0 = arith.constant 0 : i32
    return %arg0, %c0_i32 : i32, i32
  }
  func.func @transform_2(%arg0: i32) -> (i32, i32) {
    %c0_i32 = arith.constant 0 : i32
    %c0_i32_0 = arith.constant 0 : i32
    return %arg0, %c0_i32 : i32, i32
  }
  func.func @transform_3(%arg0: i32) -> (i32, i32) {
    %c0_i32 = arith.constant 0 : i32
    %c0_i32_0 = arith.constant 0 : i32
    return %arg0, %c0_i32 : i32, i32
  }
  func.func @transform_4(%arg0: i32) -> (i32, i32) {
    %c0_i32 = arith.constant 0 : i32
    %c0_i32_0 = arith.constant 0 : i32
    %c0_i32_1 = arith.constant 0 : i32
    return %c0_i32, %c0_i32_0 : i32, i32
  }
  func.func @transform_5(%arg0: i32) -> (i32, i32, i32) {
    %c0_i32 = arith.constant 0 : i32
    %c0_i32_0 = arith.constant 0 : i32
    %c0_i32_1 = arith.constant 0 : i32
    %c0_i32_2 = arith.constant 0 : i32
    return %c0_i32, %c0_i32_0, %c0_i32_1 : i32, i32, i32
  }
  func.func @transform_6(%arg0: i32) -> (i32, i32, i32) {
    %c0_i32 = arith.constant 0 : i32
    %c0_i32_0 = arith.constant 0 : i32
    %c0_i32_1 = arith.constant 0 : i32
    %c0_i32_2 = arith.constant 0 : i32
    return %c0_i32, %c0_i32_0, %c0_i32_1 : i32, i32, i32
  }
  func.func @transform_7(%arg0: i32) -> (i32, i32) {
    %c0_i32 = arith.constant 0 : i32
    %c0_i32_0 = arith.constant 0 : i32
    %c0_i32_1 = arith.constant 0 : i32
    return %c0_i32, %c0_i32_0 : i32, i32
  }
  func.func @transform_8(%arg0: i32) -> (i32, i32) {
    %c0_i32 = arith.constant 0 : i32
    %c0_i32_0 = arith.constant 0 : i32
    %c0_i32_1 = arith.constant 0 : i32
    return %c0_i32, %c0_i32_0 : i32, i32
  }
  func.func @transform_9(%arg0: i32) -> (i32, i32) {
    %c0_i32 = arith.constant 0 : i32
    %c0_i32_0 = arith.constant 0 : i32
    return %arg0, %c0_i32 : i32, i32
  }
}

</mosaic_0001>

<sc_bundles>
// kernel: kernel.6.cloned.1.call-start
scs
__scs_entry_jumppad:
0x0: {  	(pc) =	sbr.rel $0x88, $3  }
0x1: {  	(tag) =	ssettag $0x0;
	lr =	simm.s32 $0x1  }
0x2: {  	[smem:$0x3F96] =	sst lr;
	_ =	strace $0xD0000000  }
0x3: {  	_ = 	snop  }
0x4: {  	_ = 	snop  }
0x5: {  	_ = 	snop  }
0x6: {  	_ = 	snop  }
0x7: {  	_ = 	snop  }
__scs_overlays_trampoline_lowered:
0x8: {  	[smem:$0x3FA5] =	sst s0  }
0x9: {  	[smem:$0x3FA6] =	sst s1  }
0xa: {  	[smem:$0x3FA7] =	sst s2  }
0xb: {  	[smem:$0x3FA8] =	sst s3  }
0xc: {  	[smem:$0x3FA9] =	sst s4  }
0xd: {  	[smem:$0x3FAA] =	sst s5  }
0xe: {  	[smem:$0x3FAB] =	sst s6  }
0xf: {  	[smem:$0x3FAC] =	sst s7  }
0x10: {  	[smem:$0x3FAD] =	sst s8  }
0x11: {  	[smem:$0x3FAE] =	sst s9;
	s0 =	simm.s32 @!p0 $0x0  }
0x12: {  	s1 =	sld [smem:$0x3F94];
	s0 =	simm.s32 @p0 $0x1  }
0x13: {  	[smem:$0x3FAF] =	sst s0;
	s0 =	simm.s32 @!p1 $0x0  }
0x14: {  	s2 =	sld [smem:$0x3F93];
	s0 =	simm.s32 @p1 $0x1  }
0x15: {  	[smem:$0x3FB0] =	sst s0;
	s0 =	simm.s32 @!p2 $0x0  }
0x16: {  	s3 =	sld [smem:$0x3FDB];
	s0 =	simm.s32 @p2 $0x1  }
0x17: {  	s4 =	simm.s32 $0x1BF5;
	[smem:$0x3FB2] =	sst s0  }
0x18: {  	s0 =	sld [smem:$0x3F95];
	_ =	swait.ge [sflag:s4], $0x0  }
0x19: {  	s7 =	sld [smem:$0x3F96]  }
0x1a: {  	s8 =	sadd.s32 $0xFFFFE003, lr  }
0x1b: {  	s9 =	sadd.s32 $0xFFFFFEF7, lr;
	s5 =	simm.s32 $0xFFFFFFFF;
	p2 =	slt.u32 s8, $0xFFFFF086  }
0x1c: {  	p1 =	slt.u32 s9, $0xF7A;
	s5 =	simm.s32 @!p2 $0x0  }
0x1d: {  	s5 =	simm.s32 @p1 $0x1;
	p0 =	seq.s32 s7, s2  }
0x1e: {  	s7 =	smul.u32 @!p0 $0xF7A, s2;
	p2 =	seq.s32 @!p0 s5, $0x0  }
0x1f: {  	s9 =	smul.u32 $0xF7A, s1;
	s8 =	simm.s32 @!p0 $0x1BF5;
	p2 =	por !p2, p0  }
0x20: {  	[sflag:s8] =	ssyncset.s32 @!p0 $0xFFFFF086;
	s6 =	sadd.s32 @!p0 s3, s7;
	s7 =	simm.s32 @!p0 $0x108  }
0x21: {  	s3 =	sadd.s32 s3, s9;
	s6 =	sadd.s32 @!p0 $0x88, s6;
	s7 =	simm.s32 @p2 $0x1082  }
0x22: {  	[simem:s7], [sflag:s8] =	dma.local @!p0 [hbm:s6], $0xF7A  }
0x23: {  	s9 =	sor.u32 $0xD0000000, s2;
	s6 =	simm.s32 $0x108;
	_ =	swait.ge @!p0 [sflag:s8], $0x0  }
0x24: {  	s3 =	sadd.s32 $0x88, s3;
	s6 =	simm.s32 @!p1 $0x1082;
	[sflag:s4] =	ssyncset.s32 $0xFFFFF086  }
0x25: {  	[simem:s6], [sflag:s4] =	dma.local [hbm:s3], $0xF7A  }
0x26: {  	[smem:$0x3F96] =	sst s1;
	(tag) =	ssettag s2;
	_ =	strace s9  }
0x27: {  	s1 =	sld [smem:$0x3FA6]  }
0x28: {  	s2 =	sld [smem:$0x3FA7]  }
0x29: {  	s4 =	sld [smem:$0x3FA9]  }
0x2a: {  	p0 =	seq.s32 s5, $0x0;
	s5 =	sld [smem:$0x3FAA]  }
0x2b: {  	s6 =	sld [smem:$0x3FAB]  }
0x2c: {  	s7 =	sld [smem:$0x3FAC]  }
0x2d: {  	s3 =	simm.s32 $0x108;
	s8 =	sld [smem:$0x3FAD]  }
0x2e: {  	s3 =	simm.s32 @!p0 $0x1082;
	s9 =	sld [smem:$0x3FAE]  }
0x2f: {  	lr =	sadd.s32 s0, s3;
	s0 =	sld [smem:$0x3FA5]  }
0x30: {  	s3 =	sld [smem:$0x3FA8]  }
0x31: {  	[smem:$0x3FB1] =	sst s10  }
0x32: {  	s10 =	sld [smem:$0x3FAF];
	_ =	sdelay $0x3  }
0x33: {  	p0 =	seq.s32 s10, $0x1;
	s10 =	sld [smem:$0x3FB1];
	_ =	sdelay $0x3  }
0x34: {  	[smem:$0x3FB1] =	sst s10  }
0x35: {  	s10 =	sld [smem:$0x3FB0];
	_ =	sdelay $0x3  }
0x36: {  	p1 =	seq.s32 s10, $0x1;
	s10 =	sld [smem:$0x3FB1];
	_ =	sdelay $0x3  }
0x37: {  	[smem:$0x3FB1] =	sst s10  }
0x38: {  	s10 =	sld [smem:$0x3FB2]  }
0x39: {  	_ = 	snop;
	(pc) =	sbr.ind lr, $3  }
0x3a: {  	_ = 	snop  }
0x3b: {  	_ = 	snop  }
0x3c: {  	p2 =	seq.s32 s10, $0x1;
	s10 =	sld [smem:$0x3FB1]  }
0x3d: {  	_ =	shalt  }
0x3e: {  	_ =	shalt  }
0x3f: {  	_ =	shalt  }
0x40: {  	_ =	shalt  }
0x41: {  	_ =	shalt  }
0x42: {  	_ =	shalt  }
0x43: {  	_ =	shalt  }
0x44: {  	_ =	shalt  }
0x45: {  	_ =	shalt  }
0x46: {  	_ =	shalt  }
0x47: {  	_ =	shalt  }
0x48: {  	_ =	shalt  }
0x49: {  	_ =	shalt  }
0x4a: {  	_ =	shalt  }
0x4b: {  	_ =	shalt  }
0x4c: {  	_ =	shalt  }
0x4d: {  	_ =	shalt  }
0x4e: {  	_ =	shalt  }
0x4f: {  	_ =	shalt  }
0x50: {  	_ =	shalt  }
0x51: {  	_ =	shalt  }
0x52: {  	_ =	shalt  }
0x53: {  	_ =	shalt  }
0x54: {  	_ =	shalt  }
0x55: {  	_ =	shalt  }
0x56: {  	_ =	shalt  }
0x57: {  	_ =	shalt  }
0x58: {  	_ =	shalt  }
0x59: {  	_ =	shalt  }
0x5a: {  	_ =	shalt  }
0x5b: {  	_ =	shalt  }
0x5c: {  	_ =	shalt  }
0x5d: {  	_ =	shalt  }
0x5e: {  	_ =	shalt  }
0x5f: {  	_ =	shalt  }
0x60: {  	_ =	shalt  }
0x61: {  	_ =	shalt  }
0x62: {  	_ =	shalt  }
0x63: {  	_ =	shalt  }
0x64: {  	_ =	shalt  }
0x65: {  	_ =	shalt  }
0x66: {  	_ =	shalt  }
0x67: {  	_ =	shalt  }
0x68: {  	_ =	shalt  }
0x69: {  	_ =	shalt  }
0x6a: {  	_ =	shalt  }
0x6b: {  	_ =	shalt  }
0x6c: {  	_ =	shalt  }
0x6d: {  	_ =	shalt  }
0x6e: {  	_ =	shalt  }
0x6f: {  	_ =	shalt  }
0x70: {  	_ =	shalt  }
0x71: {  	_ =	shalt  }
0x72: {  	_ =	shalt  }
0x73: {  	_ =	shalt  }
0x74: {  	_ =	shalt  }
0x75: {  	_ =	shalt  }
0x76: {  	_ =	shalt  }
0x77: {  	_ =	shalt  }
0x78: {  	_ =	shalt  }
0x79: {  	_ =	shalt  }
0x7a: {  	_ =	shalt  }
0x7b: {  	_ =	shalt  }
0x7c: {  	_ =	shalt  }
0x7d: {  	_ =	shalt  }
0x7e: {  	_ =	shalt  }
0x7f: {  	_ =	shalt  }
0x80: {  	_ =	shalt  }
0x81: {  	_ =	shalt  }
0x82: {  	_ =	shalt  }
0x83: {  	_ =	shalt  }
0x84: {  	_ =	shalt  }
0x85: {  	_ =	shalt  }
0x86: {  	_ =	shalt  }
0x87: {  	_ =	shalt  }
.Lfunc_end0:
.L_simem_size_0:
called_computation_lowered:
.L_overlay_start_0:
0x88: {  	s0 =	sld [smem:$0x3FD9]  }
0x89: {  	s1 =	sld [smem:$0x3FFE];
	_ =	sdelay $0x3  }
0x8a: {  	s0 =	sadd.s32 s1, s0  }
0x8b: {  	[smem:$0x3FBD] =	sst s0  }
0x8c: {  	_ = 	snop  }
0x8d: {  	s0 =	sld [smem:$0x3FD0];
	_ =	sdelay $0x2  }
0x8e: {  	s13 =	simm.s32 $0xA;
	s2 =	simm.s32 $0x10  }
0x8f: {  	[smem:s2], [sflag:s13] =	dma.local [hbm:s0], $0x1  }
0x90: {  	_ =	swait.eq [sflag:s13], $0x1  }
0x91: {  	[sflag:s13] =	ssyncset.done $0x0  }
0x92: {  	[sflag:s13] =	ssyncadd.s32 $0xFFFFFFFF  }
0x93: {  	s14 =	sld [smem:$0x10];
	(tm) =	ssettm $0x1  }
0x94: {  	s15 =	sld [smem:$0x3FFB];
	_ =	sdelay $0x3  }
0x95: {  	_ =	strace s15  }
0x96: {  	s1 =	sld [smem:$0x3FFC];
	_ =	sdelay $0x3  }
0x97: {  	_ =	strace s1  }
0x98: {  	s1 =	sld [smem:$0x3FFD];
	_ =	sdelay $0x3  }
0x99: {  	_ =	strace s1  }
0x9a: {  	_ =	strace $0x8FFFFFFF  }
0x9b: {  	s16 =	sld [smem:$0x3FDB];
	_ =	sdelay $0x1  }
0x9c: {  	s17 =	simm.s32 $_scs_section_size  }
0x9d: {  	s3 =	simm.s32 $_size__tile_overlayer_lowered;
	s4 =	simm.s32 $_tile_overlayer_lowered  }
0x9e: {  	s20 =	simm.s32 $0x1BFF;
	s19 =	sshll.u32 s4, $0x1;
	s1 =	sadd.s32 s17, s16  }
0x9f: {  	s5 =	simm.s32 $0x0;
	s18 =	sshll.u32 s3, $0x1;
	s3 =	sadd.s32 s19, s1  }
0xa0: {  	[timem:s5], [sflag:s20] =	dma.local [hbm:s3], s18  }
0xa1: {  	_ =	swait.ge [sflag:s20], s18  }
0xa2: {  	s2 =	ssub.s32 $0x0, s18;
	[sflag:s20] =	ssyncset.done $0x0  }
0xa3: {  	[sflag:s20] =	ssyncadd.s32 s2;
	_ =	sdelay $0x1  }
0xa4: {  	s21 =	simm.s32 $0x1B8B  }
0xa5: {  	_ =	swait.ge [sflag:s21], $0x1  }
0xa6: {  	[sflag:s21] =	ssyncset.done $0x0  }
0xa7: {  	s23 =	simm.s32 $0x1B8E;
	s22 =	sld [smem:$0x3FFE];
	[sflag:s21] =	ssyncadd.s32 $0xFFFFFFFF  }
0xa8: {  	s24 =	simm.s32 $execute0_lowered;
	[smem:$0x3FD2] =	sst s23  }
0xa9: {  	s3 =	sshll.u32 s24, $0x1;
	_ =	strace $0x80000046;
	[dreg:$0x1] =	wrdreg $0xFFFFFFFF  }
0xaa: {  	s25 =	simm.s32 $_size_execute0_lowered;
	s1 =	sadd.s32 s1, s3;
	[dreg:$0x0] =	wrdreg $0x0  }
0xab: {  	s3 =	sshll.u32 s25, $0x1;
	[dreg:$0x2] =	wrdreg s1  }
0xac: {  	[dreg:$0x3] =	wrdreg s3  }
0xad: {  	[dreg:$0x4] =	wrdreg $0xC0  }
0xae: {  	_ =	task [dreg:s5], $0x5FFFF  }
0xaf: {  	[dreg:$0x1] =	wrdreg $0xFFFFFFFF  }
0xb0: {  	[dreg:$0x0] =	wrdreg $0x60  }
0xb1: {  	[dreg:$0x2] =	wrdreg s22  }
0xb2: {  	[dreg:$0x3] =	wrdreg s14  }
0xb3: {  	[dreg:$0x4] =	wrdreg $0xE800  }
0xb4: {  	[dreg:$0x5] =	wrdreg $0xE900  }
0xb5: {  	[dreg:$0x6] =	wrdreg $0x9  }
0xb6: {  	_ =	task.clear_ibuf [dreg:s5], $0x7FFFF;
	_ =	strace $0x90000046  }
0xb7: {  	s26 =	simm.s32 $0x9;
	_ =	strace $0x80000048  }
0xb8: {  	_ =	swait.ge [sflag:s26], $0x1  }
0xb9: {  	[sflag:s26] =	ssyncadd.s32 $0xFFFFFFFF  }
0xba: {  	_ =	strace $0x90000048  }
0xbb: {  	_ =	sfence  }
0xbc: {  	s28 =	sld [smem:$0x0];
	_ =	sdelay $0x1  }
0xbd: {  	s29 =	srdreg.scid  }
0xbe: {  	s30 =	sshll.u32 s29, $0xD;
	s31 =	sshrl.u32 s29, $0x2  }
0xbf: {  	s2 =	sand.u32 $0x4000, s30;
	s1 =	sand.u32 $0x1, s29;
	s0 =	sadd.s32 s31, s28  }
0xc0: {  	s1 =	sor.u32 s2, s1;
	s0 =	sshll.u32 s0, $0x11  }
0xc1: {  	s0 =	sor.u32 s0, s1  }
0xc2: {  	s0 =	sadd.s32 $0x8F2B, s0  }
0xc3: {  	[sflag:s0] =	ssyncadd.remote.s32 $0x1  }
0xc4: {  	_ =	sfence.sel $0xFFFF  }
0xc5: {  	[dreg:$0x0] =	wrdreg $0xFFFFFFFF;
	(pc) =	sbr.abs _section_cstart, $3  }
0xc6: {  	[dreg:$0x1] =	wrdreg $0xFFFFFFFF  }
0xc7: {  	_ =	task.clear_ibuf [dreg:s5], $0x2FFFF;
	_ =	strace $0x9FFFFFFF  }
0xc8: {  	(tm) =	ssettm $0x7FFFFFFF  }
0xc9: {  	_ =	shalt  }
tec
execute0_lowered:
.L_overlay_start_1:
0x0: {  	(tag) =	ssettag $0x1  }
0x1: {  	s3 =	rddreg [dreg:$0x0]  }
0x2: {  	s1 =	rddreg [dreg:$0x1]  }
0x3: {  	s9 =	rddreg [dreg:$0x2]  }
0x4: {  	s2 =	rddreg [dreg:$0x3]  }
0x5: {  	s4 =	stileid.u32;
	s0 =	rddreg [dreg:$0x4];
	s5 =	simm.s32 $0x0  }
0x6: {  	s10 =	simm.s32 $0x1;
	s6 =	sshll.u32 s4, $0x5;
	[smem:$0x7FF] =	sst s5  }
0x7: {  	s30 =	smul.u32 $0x500, s4;
	p0 =	sgt.s32 s4, $0x7;
	s6 =	sadd.s32 s6, s3  }
.Ltmp0:
0x8: {  	_ =	strace $0x80000047;
	s7 =	sadd.s32 $0x42C00, s6;
	(pc) =	sbr.rel @p0 .LBB2_4-.Ltmp0, $4  }
0x9: {  	[tilespmem:s5], [sflag:$0x1] =	stream.linear.gather [hbm4b:s7+s5], $0x100, $0x38;
	[tilespmem:$0xFD0] =	vst v63  }
0xa: {  	s29 =	sshll.u32 s4, $0x7;
	s3 =	sadd.s32 $0x43000, s3;
	_ =	swait.ge [sflag:s10], $0x100  }
0xb: {  	s8 =	sadd.s32 s29, s9;
	s31 =	sshrl.u32 s30, $0x2;
	[sflag:s10] =	ssyncset.done $0x0  }
0xc: {  	s6 =	sadd.s32 $0x42E00, s6;
	s5 =	sadd.s32 s31, s2;
	[sflag:s10] =	ssyncadd.s32 $0xFFFFFF00  }
0xd: {  	p0 =	sgt.s32 s4, $0x3  }
.Ltmp1:
0xe: {  	_ = 	snop;
	(pc) =	sbr.rel @p0 .LBB2_3-.Ltmp1, $1  }
0xf: {  	_ =	sdelay $0x3  }
0x10: {  	p0 =	sgt.s32 s4, $0x1  }
0x11: {  	p2 =	seq.s32 @p0 s4, $0x2  }
0x12: {  	vm4 =	vmxor vm4, vm4;
	v2 =	vimm.s32 $0x0;
	p1 =	por !p2, !p0  }
0x13: {  	p2 =	por p2, !p0;
	v0 =	vimm.s32 @!p1 $0x200;
	vm0 =	vmxor @!p1 vm0, vm0;
	vm1 =	vmmov @!p1 $0xffff  }
0x14: {  	v1 =	vimm.s32 @!p1 $0x2;
	vm2 =	vmmov @!p2 $0xffff;
	vm3 =	vmxor @!p2 vm3, vm3  }
0x15: {  	p2 =	seq.s32 @!p0 s4, $0x0;
	v1 =	vpsel p1, $0x3, v1;
	vm1 =	vmmov @p1 vm2;
	vm5 =	vmmov vm0  }
0x16: {  	vm0 =	vmmov @p1 vm3;
	v0 =	vpsel p1, $0x300, v0;
	vm5 =	vmmov @p1 vm2;
	p1 =	por p2, p0  }
0x17: {  	vm2 =	vmmov vm4;
	vm3 =	vmxor @!p1 vm3, vm3;
	vm6 =	vmmov @!p1 $0xffff;
	p1 =	por !p2, p0  }
0x18: {  	v3 =	vpsel p1, $0x1, v2;
	vm2 =	vmmov @p1 vm6;
	vm4 =	vmmov @p1 vm3  }
0x19: {  	v2 =	vpsel p1, $0x100, v2;
	v1 =	vpsel p0, v1, v3;
	vm2 =	vmmov @p0 vm1  }
0x1a: {  	vm7 =	vmmov vm4;
	vm6 =	vmmov vm4;
	vm3 =	vmmov vm4  }
0x1b: {  	v3 =	vimm.s32 $0x0;
	vm11 =	vmmov vm4;
	vm12 =	vmmov vm4  }
0x1c: {  	vm8 =	vmmov vm4;
	vm9 =	vmmov vm4;
	vm14 =	vmmov vm4  }
0x1d: {  	vm15 =	vmmov vm4;
	vm10 =	vmmov vm4;
	vm13 =	vmmov vm4  }
0x1e: {  	v0 =	vpsel p0, v0, v2;
	vm7 =	vmmov @p0 vm1;
	vm6 =	vmmov @p0 vm5  }
.Ltmp2:
0x1f: {  	vm3 =	vmmov @p0 vm0;
	vm11 =	vmmov @p0 vm0;
	vm12 =	vmmov @p0 vm0;
	(pc) =	sbr.rel .LBB2_7-.Ltmp2, $4  }
0x20: {  	vm8 =	vmmov @p0 vm0;
	vm9 =	vmmov @p0 vm0;
	vm14 =	vmmov @p0 vm0  }
0x21: {  	vm15 =	vmmov @p0 vm0;
	vm10 =	vmmov @p0 vm0;
	vm13 =	vmmov @p0 vm0  }
0x22: {  	vm5 =	vmmov vm4;
	v3 =	vsel vm7, $0xFFFFFFFF, v3;
	vm7 =	vmmov vm4  }
0x23: {  	vm5 =	vmmov @p0 vm0;
	vm4 =	vmmov @p0 vm0;
	[tilespmem:$0x1FFF0] =	vst v3;
	vm7 =	vmmov @p0 vm0  }
.LBB2_4:
0x24: {  	p0 =	sgt.s32 s4, $0xB  }
.Ltmp3:
0x25: {  	_ = 	snop;
	(pc) =	sbr.rel @p0 .LBB2_6-.Ltmp3, $1  }
0x26: {  	_ =	sdelay $0x3  }
0x27: {  	p0 =	sgt.s32 s4, $0x9  }
0x28: {  	p1 =	seq.s32 @p0 s4, $0xA  }
0x29: {  	p2 =	por !p1, !p0  }
0x2a: {  	v0 =	vimm.s32 @!p2 $0xA00  }
0x2b: {  	p1 =	por p1, !p0;
	vm0 =	vmxor @!p2 vm0, vm0;
	vm1 =	vmmov @!p2 $0xffff;
	v1 =	vimm.s32 @!p2 $0xA  }
0x2c: {  	p3 =	seq.s32 @!p0 s4, $0x8;
	vm2 =	vmxor @!p1 vm2, vm2;
	vm3 =	vmmov @!p1 $0xffff;
	vm5 =	vmmov vm0  }
0x2d: {  	p1 =	por !p3, p0;
	v1 =	vpsel p2, $0xB, v1;
	vm1 =	vmmov @p2 vm3;
	vm0 =	vmmov @p2 vm2  }
0x2e: {  	v0 =	vpsel p2, $0xB00, v0;
	v2 =	vimm.s32 @!p1 $0x800;
	vm4 =	vmxor @!p1 vm4, vm4  }
0x2f: {  	vm8 =	vmmov @!p1 $0xffff;
	v3 =	vimm.s32 @!p1 $0x8;
	vm5 =	vmmov @p2 vm3  }
0x30: {  	p2 =	por p3, p0;
	vm9 =	vmmov vm4;
	v3 =	vpsel p1, $0x9, v3;
	v2 =	vpsel p1, $0x900, v2  }
0x31: {  	vm2 =	vmmov @!p2 $0xffff;
	vm3 =	vmxor @!p2 vm3, vm3;
	v1 =	vpsel p0, v1, v3  }
0x32: {  	v3 =	vimm.s32 $0x0;
	v0 =	vpsel p0, v0, v2;
	vm8 =	vmmov @p1 vm2  }
0x33: {  	vm9 =	vmmov @p1 vm2;
	vm4 =	vmmov @p1 vm3;
	vm2 =	vmmov vm8  }
0x34: {  	vm7 =	vmmov vm8;
	vm6 =	vmmov vm8;
	vm3 =	vmmov vm8  }
0x35: {  	vm11 =	vmmov vm8;
	vm12 =	vmmov vm8;
	vm14 =	vmmov vm4  }
0x36: {  	vm9 =	vmmov @p0 vm1;
	vm15 =	vmmov vm4;
	vm10 =	vmmov vm4  }
0x37: {  	vm13 =	vmmov vm4;
	vm2 =	vmmov @p0 vm1;
	vm7 =	vmmov @p0 vm1  }
.Ltmp4:
0x38: {  	vm6 =	vmmov @p0 vm1;
	vm3 =	vmmov @p0 vm1;
	vm11 =	vmmov @p0 vm1;
	(pc) =	sbr.rel .LBB2_7-.Ltmp4, $4  }
0x39: {  	vm12 =	vmmov @p0 vm1;
	vm14 =	vmmov @p0 vm1;
	vm15 =	vmmov @p0 vm5  }
0x3a: {  	vm10 =	vmmov @p0 vm0;
	vm13 =	vmmov @p0 vm0;
	vm5 =	vmmov vm4  }
0x3b: {  	vm4 =	vmmov @p0 vm0;
	v3 =	vsel vm7, $0xFFFFFFFF, v3;
	vm7 =	vmmov vm8  }
0x3c: {  	vm8 =	vmmov @p0 vm1;
	vm5 =	vmmov @p0 vm0;
	[tilespmem:$0x1FFF0] =	vst v3;
	vm7 =	vmmov @p0 vm1  }
.LBB2_3:
0x3d: {  	p0 =	sgt.s32 s4, $0x5  }
0x3e: {  	p1 =	seq.s32 @p0 s4, $0x6  }
0x3f: {  	p2 =	por !p1, !p0  }
0x40: {  	v0 =	vimm.s32 @!p2 $0x600  }
0x41: {  	p1 =	por p1, !p0;
	vm0 =	vmxor @!p2 vm0, vm0;
	vm1 =	vmmov @!p2 $0xffff;
	v1 =	vimm.s32 @!p2 $0x6  }
0x42: {  	p3 =	seq.s32 @!p0 s4, $0x4;
	vm2 =	vmxor @!p1 vm2, vm2;
	vm3 =	vmmov @!p1 $0xffff;
	vm5 =	vmmov vm0  }
0x43: {  	p1 =	por !p3, p0;
	v1 =	vpsel p2, $0x7, v1;
	vm1 =	vmmov @p2 vm3;
	vm0 =	vmmov @p2 vm2  }
0x44: {  	v0 =	vpsel p2, $0x700, v0;
	v2 =	vimm.s32 @!p1 $0x400;
	vm4 =	vmxor @!p1 vm4, vm4  }
0x45: {  	v3 =	vimm.s32 @!p1 $0x4;
	vm5 =	vmmov @p2 vm3;
	vm3 =	vmmov @!p1 $0xffff  }
0x46: {  	p2 =	por p3, p0;
	vm7 =	vmmov vm4;
	v3 =	vpsel p1, $0x5, v3;
	v2 =	vpsel p1, $0x500, v2  }
0x47: {  	vm2 =	vmmov @!p2 $0xffff;
	vm6 =	vmxor @!p2 vm6, vm6;
	v1 =	vpsel p0, v1, v3  }
0x48: {  	v3 =	vimm.s32 $0x0;
	v0 =	vpsel p0, v0, v2;
	vm3 =	vmmov @p1 vm2  }
0x49: {  	vm7 =	vmmov @p1 vm2;
	vm4 =	vmmov @p1 vm6;
	vm2 =	vmmov vm3  }
0x4a: {  	vm8 =	vmmov vm3;
	vm6 =	vmmov vm3;
	vm3 =	vmmov @p0 vm1  }
0x4b: {  	vm11 =	vmmov vm4;
	vm12 =	vmmov vm4;
	vm7 =	vmmov @p0 vm1  }
0x4c: {  	vm9 =	vmmov vm4;
	vm14 =	vmmov vm4;
	vm15 =	vmmov vm4  }
0x4d: {  	vm10 =	vmmov vm4;
	vm13 =	vmmov vm4;
	vm2 =	vmmov @p0 vm1  }
.Ltmp5:
0x4e: {  	vm8 =	vmmov @p0 vm1;
	vm6 =	vmmov @p0 vm1;
	vm11 =	vmmov @p0 vm1;
	(pc) =	sbr.rel .LBB2_7-.Ltmp5, $4  }
0x4f: {  	vm12 =	vmmov @p0 vm5;
	vm9 =	vmmov @p0 vm0;
	vm14 =	vmmov @p0 vm0  }
0x50: {  	vm15 =	vmmov @p0 vm0;
	vm10 =	vmmov @p0 vm0;
	vm13 =	vmmov @p0 vm0  }
0x51: {  	vm5 =	vmmov vm4;
	v3 =	vsel vm8, $0xFFFFFFFF, v3;
	vm8 =	vmmov vm4  }
0x52: {  	vm5 =	vmmov @p0 vm0;
	vm4 =	vmmov @p0 vm0;
	[tilespmem:$0x1FFF0] =	vst v3;
	vm8 =	vmmov @p0 vm0  }
.LBB2_6:
0x53: {  	p0 =	sgt.s32 s4, $0xD  }
0x54: {  	p1 =	seq.s32 @p0 s4, $0xE  }
0x55: {  	v0 =	vimm.s32 $0x0;
	p3 =	seq.s32 @!p0 s4, $0xC;
	p2 =	por p1, !p0;
	p1 =	por !p1, !p0  }
0x56: {  	vm2 =	vmmov @!p2 $0xffff;
	p2 =	por !p3, p0;
	p3 =	por p3, p0;
	vm0 =	vmxor @!p1 vm0, vm0;
	vm1 =	vmmov @!p1 $0xffff  }
0x57: {  	v1 =	vimm.s32 @!p1 $0xE;
	vm10 =	vmmov @!p2 $0xffff;
	vm3 =	vmmov @!p3 $0xffff  }
0x58: {  	vm4 =	vmxor @!p2 vm4, vm4;
	vm5 =	vmxor @!p3 vm5, vm5;
	vm1 =	vmmov @p1 vm2  }
0x59: {  	vm0 =	vmmov @p1 vm2;
	v1 =	vpsel p1, $0xF, v1;
	v2 =	vimm.s32 @!p2 $0xC00  }
0x5a: {  	v3 =	vimm.s32 @!p2 $0xC;
	vm10 =	vmmov @p2 vm3;
	vm13 =	vmmov vm4  }
0x5b: {  	vm4 =	vmmov @p2 vm5;
	v3 =	vpsel p2, $0xD, v3;
	v2 =	vpsel p2, $0xD00, v2  }
0x5c: {  	vm2 =	vmmov vm10;
	vm13 =	vmmov @p2 vm3;
	vm5 =	vmmov vm10  }
0x5d: {  	vm6 =	vmmov vm10;
	vm3 =	vmmov vm10;
	vm7 =	vmmov vm10  }
0x5e: {  	vm11 =	vmmov vm10;
	vm12 =	vmmov vm10;
	vm8 =	vmmov vm10  }
0x5f: {  	vm9 =	vmmov vm10;
	vm14 =	vmmov vm10;
	vm15 =	vmmov vm10  }
0x60: {  	vm10 =	vmmov @p0 vm1;
	v1 =	vpsel p0, v1, v3;
	vm2 =	vmmov @p0 vm1  }
0x61: {  	vm5 =	vmmov @p0 vm1;
	vm6 =	vmmov @p0 vm1;
	vm3 =	vmmov @p0 vm1  }
0x62: {  	vm7 =	vmmov @p0 vm1;
	vm11 =	vmmov @p0 vm1;
	vm12 =	vmmov @p0 vm1  }
0x63: {  	vm8 =	vmmov @p0 vm1;
	vm9 =	vmmov @p0 vm1;
	v0 =	vsel vm5, $0xFFFFFFFF, v0  }
0x64: {  	vm14 =	vmmov @p0 vm1;
	vm15 =	vmmov @p0 vm1;
	[tilespmem:$0x1FFF0] =	vst v0;
	v0 =	vimm.s32 @!p1 $0xE00  }
0x65: {  	vm13 =	vmmov @p0 vm1;
	vm5 =	vmmov vm4;
	v0 =	vpsel p1, $0xF00, v0  }
0x66: {  	vm4 =	vmmov @p0 vm0;
	vm5 =	vmmov @p0 vm1;
	v0 =	vpsel p0, v0, v2  }
.LBB2_7:
0x67: {  	v22 =	vld [tilespmem:$0x0]  }
0x68: {  	v23 =	vld [tilespmem:$0x10]  }
0x69: {  	v18 =	vld [tilespmem:$0x20]  }
0x6a: {  	v14 =	vld [tilespmem:$0x30];
	v12 =	vimm.s32 $0xEDCBA987;
	v13 =	vimm.s32 $0x6543210F  }
0x6b: {  	v11 =	vld [tilespmem:$0x90];
	v12 =	vunpack.c.l.s4.s8 v12;
	v13 =	vunpack.c.l.s4.s8 v13  }
0x6c: {  	[tilespmem:$0x400] =	vst v1;
	v10 =	vld [tilespmem:$0x40];
	v1 =	vimm.s32 $0x0;
	v37 =	vimm.s32 $0xDCBA9876  }
0x6d: {  	v15 =	vld [tilespmem:$0xA0];
	v21 =	vimm.s32 $0x543210FE;
	v12 =	vunpack.c.0.s8.s32 v12;
	v13 =	vunpack.c.0.s8.s32 v13  }
0x6e: {  	v7 =	vld [tilespmem:$0x50];
	v21 =	vunpack.c.l.s4.s8 v21;
	vm0 =	veq.s32 v22, $0x0;
	vm1 =	veq.s32 v23, $0x0  }
0x6f: {  	v6 =	vld [tilespmem:$0x60];
	v34 =	vcombine.low v13, v12;
	v2 =	vsel vm0, $0x1, v1;
	v3 =	vsel vm1, $0x1, v1  }
0x70: {  	vm0 =	veq.s32 v18, $0x0;
	vm1 =	veq.s32 v11, $0x0;
	v2 =	vadd.s32 v2, v3  }
0x71: {  	v8 =	vld [tilespmem:$0x70];
	v59 =	vsel vm0, $0x1, v1;
	vm0 =	veq.s32 v14, $0x0;
	v30 =	vsel vm1, $0x1, v1  }
0x72: {  	v9 =	vld [tilespmem:$0x80];
	vm1 =	veq.s32 v15, $0x0;
	v60 =	vsel vm0, $0x1, v1;
	vm0 =	veq.s32 v10, $0x0  }
0x73: {  	v2 =	vadd.s32 v59, v2;
	v61 =	vsel vm0, $0x1, v1;
	vm0 =	veq.s32 v7, $0x0  }
0x74: {  	v19 =	vld [tilespmem:$0xC0];
	v2 =	vadd.s32 v60, v2;
	v62 =	vsel vm0, $0x1, v1;
	vm0 =	veq.s32 v6, $0x0  }
0x75: {  	v24 =	vld [tilespmem:$0xB0];
	v2 =	vadd.s32 v61, v2;
	v4 =	vsel vm0, $0x1, v1;
	vm0 =	veq.s32 v22, $0x1  }
0x76: {  	v25 =	vld [tilespmem:$0xD0];
	v2 =	vadd.s32 v62, v2;
	v63 =	vsel vm0, $0x1, v1;
	vm0 =	veq.s32 v8, $0x0  }
0x77: {  	v26 =	vld [tilespmem:$0xE0];
	v2 =	vadd.s32 v4, v2;
	v29 =	vsel vm0, $0x1, v1;
	vm0 =	veq.s32 v9, $0x0  }
0x78: {  	v32 =	vsel vm1, $0x1, v1;
	v5 =	vsel vm0, $0x1, v1;
	v2 =	vadd.s32 v29, v2  }
0x79: {  	vm1 =	veq.s32 v19, $0x0;
	vm0 =	veq.s32 v23, $0x1;
	v2 =	vadd.s32 v5, v2  }
0x7a: {  	v27 =	vld [tilespmem:$0xF0];
	v31 =	vsel vm0, $0x1, v1;
	vm0 =	veq.s32 v24, $0x0;
	v2 =	vadd.s32 v30, v2  }
0x7b: {  	v33 =	vsel vm1, $0x1, v1;
	v16 =	vsel vm0, $0x1, v1;
	v2 =	vadd.s32 v32, v2  }
0x7c: {  	vm1 =	veq.s32 v26, $0x0;
	vm0 =	veq.s32 v25, $0x0;
	v2 =	vadd.s32 v16, v2  }
0x7d: {  	v36 =	vsel vm1, $0x1, v1;
	v17 =	vsel vm0, $0x1, v1;
	v2 =	vadd.s32 v33, v2  }
0x7e: {  	vm0 =	veq.s32 v18, $0x1;
	v35 =	vadd.s32 v17, v2;
	v2 =	vand.u32 $0xF, v34  }
0x7f: {  	v4 =	vunpack.c.l.s4.s8 v37;
	v20 =	vsel vm0, $0x1, v1;
	vm0 =	veq.s32 v27, $0x0  }
0x80: {  	v39 =	vsel vm0, $0x1, v1;
	v38 =	vadd.s32 v36, v35  }
0x81: {  	s7 =	simm.s32 $0x400;
	v16 =	vunpack.c.0.s8.s32 v4;
	v17 =	vunpack.c.0.s8.s32 v21;
	v5 =	vadd.s32 v39, v38  }
0x82: {  	v42 =	vimm.s32 $0xBA987654;
	v29 =	vimm.s32 $0x3210FEDC;
	[tilespmem:$0x400] =	vst v5  }
0x83: {  	v3 =	vadd.s32 v63, v31;
	vm0 =	veq.s32 v14, $0x1;
	v21 =	vcombine.low v17, v16;
	v41 =	vld.idx.msk [tilespmem:v2+s7+$0x0], $0xffff  }
0x84: {  	v29 =	vunpack.c.l.s4.s8 v29;
	v3 =	vadd.s32 v20, v3;
	v40 =	vsel vm0, $0x1, v1  }
0x85: {  	vm0 =	veq.s32 v10, $0x1;
	v4 =	vadd.s32 v40, v3;
	v3 =	vand.u32 $0xF, v21  }
0x86: {  	v28 =	vsel vm0, $0x1, v1;
	vm0 =	veq.s32 v7, $0x1;
	v21 =	vunpack.c.l.s4.s8 v42  }
0x87: {  	v4 =	vadd.s32 v28, v4;
	v43 =	vsel vm0, $0x1, v1  }
0x88: {  	v20 =	vunpack.c.0.s8.s32 v21;
	v21 =	vunpack.c.0.s8.s32 v29;
	v5 =	vadd.s32 v41, v5  }
0x89: {  	v47 =	vimm.s32 $0xFEDCBA98;
	vm0 =	veq.s32 v6, $0x1;
	v4 =	vadd.s32 v43, v4;
	[tilespmem:$0x400] =	vst v5  }
0x8a: {  	v44 =	vsel vm0, $0x1, v1;
	vm0 =	veq.s32 v8, $0x1;
	v30 =	vcombine.low v21, v20;
	v46 =	vld.idx.msk [tilespmem:v3+s7+$0x0], $0xffff  }
0x8b: {  	v32 =	vimm.s32 $0x76543210;
	v4 =	vadd.s32 v44, v4;
	v45 =	vsel vm0, $0x1, v1  }
0x8c: {  	vm0 =	veq.s32 v9, $0x1;
	v28 =	vadd.s32 v45, v4;
	v4 =	vand.u32 $0xF, v30  }
0x8d: {  	v31 =	vsel vm0, $0x1, v1;
	vm0 =	veq.s32 v11, $0x1;
	v30 =	vunpack.c.l.s4.s8 v47  }
0x8e: {  	v32 =	vunpack.c.l.s4.s8 v32;
	v28 =	vadd.s32 v31, v28;
	v48 =	vsel vm0, $0x1, v1  }
0x8f: {  	vm0 =	veq.s32 v15, $0x1;
	v49 =	vunpack.c.0.s8.s32 v30;
	v29 =	vadd.s32 v46, v5  }
0x90: {  	v51 =	vunpack.c.0.s8.s32 v32;
	v28 =	vadd.s32 v48, v28;
	v50 =	vsel vm0, $0x1, v1;
	[tilespmem:$0x400] =	vst v29  }
0x91: {  	vm0 =	veq.s32 v24, $0x1;
	v28 =	vadd.s32 v50, v28;
	v5 =	vand.u32 $0xF, v49;
	v52 =	vld.idx.msk [tilespmem:v4+s7+$0x0], $0xffff  }
0x92: {  	v53 =	vsel vm0, $0x1, v1;
	vm0 =	veq.s32 v19, $0x1;
	v5 =	vcombine.low v5, v51  }
0x93: {  	v28 =	vadd.s32 v53, v28;
	v54 =	vsel vm0, $0x1, v1;
	vm0 =	veq.s32 v25, $0x1  }
0x94: {  	v28 =	vadd.s32 v54, v28;
	v55 =	vsel vm0, $0x1, v1;
	vm0 =	veq.s32 v26, $0x1  }
0x95: {  	v31 =	vadd.s32 v55, v28;
	v56 =	vsel vm0, $0x1, v1;
	vm0 =	veq.s32 v27, $0x1  }
0x96: {  	v57 =	vadd.s32 v56, v31;
	v58 =	vsel vm0, $0x1, v1;
	v28 =	vadd.s32 v29, v52  }
0x97: {  	v30 =	vadd.s32 v58, v57;
	[tilespmem:$0x400] =	vst v28  }
0x98: {  	v29 =	vld.idx.msk [tilespmem:v5+s7+$0x0], $0xffff;
	[tilespmem:$0x400] =	vst v30  }
0x99: {  	v59 =	vld.idx.msk [tilespmem:v2+s7+$0x0], $0xffff;
	_ =	sdelay $0x1  }
0x9a: {  	vm1 =	veq.s32 v23, $0x2;
	vm0 =	veq.s32 v22, $0x2  }
0x9b: {  	v33 =	vsel vm1, $0x1, v1;
	v60 =	vsel vm0, $0x1, v1  }
0x9c: {  	vm0 =	veq.s32 v18, $0x2;
	v32 =	vadd.s32 v60, v33  }
0x9d: {  	v61 =	vsel vm0, $0x1, v1;
	vm0 =	veq.s32 v14, $0x2;
	v30 =	vadd.s32 v30, v59  }
0x9e: {  	v62 =	vadd.s32 v61, v32;
	v63 =	vsel vm0, $0x1, v1;
	vm0 =	veq.s32 v10, $0x2;
	[tilespmem:$0x400] =	vst v30  }
0x9f: {  	v31 =	vadd.s32 v63, v62;
	v36 =	vsel vm0, $0x1, v1;
	vm0 =	veq.s32 v7, $0x2;
	v37 =	vld.idx.msk [tilespmem:v3+s7+$0x0], $0xffff  }
0xa0: {  	v31 =	vadd.s32 v36, v31;
	v38 =	vsel vm0, $0x1, v1;
	vm0 =	veq.s32 v6, $0x2  }
0xa1: {  	v31 =	vadd.s32 v38, v31;
	v39 =	vsel vm0, $0x1, v1;
	vm0 =	veq.s32 v8, $0x2  }
0xa2: {  	v31 =	vadd.s32 v39, v31;
	v40 =	vsel vm0, $0x1, v1  }
0xa3: {  	vm0 =	veq.s32 v9, $0x2;
	v31 =	vadd.s32 v40, v31  }
0xa4: {  	v41 =	vsel vm0, $0x1, v1;
	vm0 =	veq.s32 v11, $0x2;
	v30 =	vadd.s32 v30, v37  }
0xa5: {  	v31 =	vadd.s32 v41, v31;
	v42 =	vsel vm0, $0x1, v1;
	vm0 =	veq.s32 v15, $0x2;
	[tilespmem:$0x400] =	vst v30  }
0xa6: {  	v31 =	vadd.s32 v42, v31;
	v43 =	vsel vm0, $0x1, v1;
	vm0 =	veq.s32 v24, $0x2;
	v44 =	vld.idx.msk [tilespmem:v4+s7+$0x0], $0xffff  }
0xa7: {  	v31 =	vadd.s32 v43, v31;
	v45 =	vsel vm0, $0x1, v1;
	vm0 =	veq.s32 v19, $0x2  }
0xa8: {  	v31 =	vadd.s32 v45, v31;
	v46 =	vsel vm0, $0x1, v1;
	vm0 =	veq.s32 v25, $0x2  }
0xa9: {  	v31 =	vadd.s32 v46, v31;
	v47 =	vsel vm0, $0x1, v1;
	vm0 =	veq.s32 v26, $0x2  }
0xaa: {  	v31 =	vadd.s32 v47, v31;
	v48 =	vsel vm0, $0x1, v1;
	vm0 =	veq.s32 v27, $0x2  }
0xab: {  	v31 =	vadd.s32 v48, v31;
	v49 =	vsel vm0, $0x1, v1;
	v30 =	vadd.s32 v30, v44  }
0xac: {  	v32 =	vadd.s32 v49, v31;
	[tilespmem:$0x400] =	vst v30  }
0xad: {  	v31 =	vld.idx.msk [tilespmem:v5+s7+$0x0], $0xffff;
	[tilespmem:$0x400] =	vst v32  }
0xae: {  	v50 =	vld.idx.msk [tilespmem:v2+s7+$0x0], $0xffff;
	_ =	sdelay $0x1  }
0xaf: {  	vm1 =	veq.s32 v23, $0x3;
	vm0 =	veq.s32 v22, $0x3  }
0xb0: {  	v35 =	vsel vm1, $0x1, v1;
	v34 =	vsel vm0, $0x1, v1  }
0xb1: {  	vm0 =	veq.s32 v18, $0x3;
	v34 =	vadd.s32 v34, v35  }
0xb2: {  	v51 =	vsel vm0, $0x1, v1;
	vm0 =	veq.s32 v14, $0x3;
	v32 =	vadd.s32 v32, v50  }
0xb3: {  	v52 =	vadd.s32 v51, v34;
	v53 =	vsel vm0, $0x1, v1;
	vm0 =	veq.s32 v10, $0x3;
	[tilespmem:$0x400] =	vst v32  }
0xb4: {  	v33 =	vadd.s32 v53, v52;
	v54 =	vsel vm0, $0x1, v1;
	vm0 =	veq.s32 v7, $0x3;
	v55 =	vld.idx.msk [tilespmem:v3+s7+$0x0], $0xffff  }
0xb5: {  	v33 =	vadd.s32 v54, v33;
	v56 =	vsel vm0, $0x1, v1;
	vm0 =	veq.s32 v6, $0x3  }
0xb6: {  	v33 =	vadd.s32 v56, v33;
	v57 =	vsel vm0, $0x1, v1;
	vm0 =	veq.s32 v8, $0x3  }
0xb7: {  	v33 =	vadd.s32 v57, v33;
	v58 =	vsel vm0, $0x1, v1  }
0xb8: {  	vm0 =	veq.s32 v9, $0x3;
	v33 =	vadd.s32 v58, v33  }
0xb9: {  	v59 =	vsel vm0, $0x1, v1;
	vm0 =	veq.s32 v11, $0x3;
	v32 =	vadd.s32 v32, v55  }
0xba: {  	v33 =	vadd.s32 v59, v33;
	v60 =	vsel vm0, $0x1, v1;
	vm0 =	veq.s32 v15, $0x3;
	[tilespmem:$0x400] =	vst v32  }
0xbb: {  	v33 =	vadd.s32 v60, v33;
	v61 =	vsel vm0, $0x1, v1;
	vm0 =	veq.s32 v24, $0x3;
	v62 =	vld.idx.msk [tilespmem:v4+s7+$0x0], $0xffff  }
0xbc: {  	v33 =	vadd.s32 v61, v33;
	v63 =	vsel vm0, $0x1, v1;
	vm0 =	veq.s32 v19, $0x3  }
0xbd: {  	v33 =	vadd.s32 v63, v33;
	v36 =	vsel vm0, $0x1, v1;
	vm0 =	veq.s32 v25, $0x3  }
0xbe: {  	v33 =	vadd.s32 v36, v33;
	v37 =	vsel vm0, $0x1, v1;
	vm0 =	veq.s32 v26, $0x3  }
0xbf: {  	v33 =	vadd.s32 v37, v33;
	v38 =	vsel vm0, $0x1, v1;
	vm0 =	veq.s32 v27, $0x3  }
0xc0: {  	v33 =	vadd.s32 v38, v33;
	v39 =	vsel vm0, $0x1, v1;
	v32 =	vadd.s32 v32, v62  }
0xc1: {  	v34 =	vadd.s32 v39, v33;
	[tilespmem:$0x400] =	vst v32  }
0xc2: {  	v33 =	vld.idx.msk [tilespmem:v5+s7+$0x0], $0xffff;
	[tilespmem:$0x400] =	vst v34  }
0xc3: {  	v40 =	vld.idx.msk [tilespmem:v2+s7+$0x0], $0xffff;
	_ =	sdelay $0x1  }
0xc4: {  	vm1 =	veq.s32 v23, $0x4;
	vm0 =	veq.s32 v22, $0x4  }
0xc5: {  	v37 =	vsel vm1, $0x1, v1;
	v36 =	vsel vm0, $0x1, v1  }
0xc6: {  	vm0 =	veq.s32 v18, $0x4;
	v36 =	vadd.s32 v36, v37  }
0xc7: {  	v41 =	vsel vm0, $0x1, v1;
	vm0 =	veq.s32 v14, $0x4;
	v34 =	vadd.s32 v34, v40  }
0xc8: {  	v42 =	vadd.s32 v41, v36;
	v43 =	vsel vm0, $0x1, v1;
	vm0 =	veq.s32 v10, $0x4;
	[tilespmem:$0x400] =	vst v34  }
0xc9: {  	v35 =	vadd.s32 v43, v42;
	v44 =	vsel vm0, $0x1, v1;
	vm0 =	veq.s32 v7, $0x4;
	v45 =	vld.idx.msk [tilespmem:v3+s7+$0x0], $0xffff  }
0xca: {  	v35 =	vadd.s32 v44, v35;
	v46 =	vsel vm0, $0x1, v1;
	vm0 =	veq.s32 v6, $0x4  }
0xcb: {  	v35 =	vadd.s32 v46, v35;
	v47 =	vsel vm0, $0x1, v1;
	vm0 =	veq.s32 v8, $0x4  }
0xcc: {  	v35 =	vadd.s32 v47, v35;
	v48 =	vsel vm0, $0x1, v1  }
0xcd: {  	vm0 =	veq.s32 v9, $0x4;
	v35 =	vadd.s32 v48, v35  }
0xce: {  	v49 =	vsel vm0, $0x1, v1;
	vm0 =	veq.s32 v11, $0x4;
	v34 =	vadd.s32 v34, v45  }
0xcf: {  	v35 =	vadd.s32 v49, v35;
	v50 =	vsel vm0, $0x1, v1;
	vm0 =	veq.s32 v15, $0x4;
	[tilespmem:$0x400] =	vst v34  }
0xd0: {  	v35 =	vadd.s32 v50, v35;
	v51 =	vsel vm0, $0x1, v1;
	vm0 =	veq.s32 v24, $0x4;
	v52 =	vld.idx.msk [tilespmem:v4+s7+$0x0], $0xffff  }
0xd1: {  	v35 =	vadd.s32 v51, v35;
	v53 =	vsel vm0, $0x1, v1;
	vm0 =	veq.s32 v19, $0x4  }
0xd2: {  	v35 =	vadd.s32 v53, v35;
	v54 =	vsel vm0, $0x1, v1;
	vm0 =	veq.s32 v25, $0x4  }
0xd3: {  	v35 =	vadd.s32 v54, v35;
	v55 =	vsel vm0, $0x1, v1;
	vm0 =	veq.s32 v26, $0x4  }
0xd4: {  	v35 =	vadd.s32 v55, v35;
	v56 =	vsel vm0, $0x1, v1;
	vm0 =	veq.s32 v27, $0x4  }
0xd5: {  	v35 =	vadd.s32 v56, v35;
	v57 =	vsel vm0, $0x1, v1;
	v34 =	vadd.s32 v34, v52  }
0xd6: {  	v36 =	vadd.s32 v57, v35;
	[tilespmem:$0x400] =	vst v34  }
0xd7: {  	v35 =	vld.idx.msk [tilespmem:v5+s7+$0x0], $0xffff;
	[tilespmem:$0x400] =	vst v36  }
0xd8: {  	v58 =	vld.idx.msk [tilespmem:v2+s7+$0x0], $0xffff;
	_ =	sdelay $0x1  }
0xd9: {  	vm1 =	veq.s32 v23, $0x5;
	vm0 =	veq.s32 v22, $0x5  }
0xda: {  	v39 =	vsel vm1, $0x1, v1;
	v38 =	vsel vm0, $0x1, v1  }
0xdb: {  	vm0 =	veq.s32 v18, $0x5;
	v38 =	vadd.s32 v38, v39  }
0xdc: {  	v59 =	vsel vm0, $0x1, v1;
	vm0 =	veq.s32 v14, $0x5;
	v36 =	vadd.s32 v36, v58  }
0xdd: {  	v60 =	vadd.s32 v59, v38;
	v61 =	vsel vm0, $0x1, v1;
	vm0 =	veq.s32 v10, $0x5;
	[tilespmem:$0x400] =	vst v36  }
0xde: {  	v37 =	vadd.s32 v61, v60;
	v62 =	vsel vm0, $0x1, v1;
	vm0 =	veq.s32 v7, $0x5;
	v63 =	vld.idx.msk [tilespmem:v3+s7+$0x0], $0xffff  }
0xdf: {  	v37 =	vadd.s32 v62, v37;
	v41 =	vsel vm0, $0x1, v1;
	vm0 =	veq.s32 v6, $0x5  }
0xe0: {  	v37 =	vadd.s32 v41, v37;
	v42 =	vsel vm0, $0x1, v1;
	vm0 =	veq.s32 v8, $0x5  }
0xe1: {  	v37 =	vadd.s32 v42, v37;
	v43 =	vsel vm0, $0x1, v1  }
0xe2: {  	vm0 =	veq.s32 v9, $0x5;
	v37 =	vadd.s32 v43, v37  }
0xe3: {  	v44 =	vsel vm0, $0x1, v1;
	vm0 =	veq.s32 v11, $0x5;
	v36 =	vadd.s32 v36, v63  }
0xe4: {  	v37 =	vadd.s32 v44, v37;
	v45 =	vsel vm0, $0x1, v1;
	vm0 =	veq.s32 v15, $0x5;
	[tilespmem:$0x400] =	vst v36  }
0xe5: {  	v37 =	vadd.s32 v45, v37;
	v46 =	vsel vm0, $0x1, v1;
	vm0 =	veq.s32 v24, $0x5;
	v47 =	vld.idx.msk [tilespmem:v4+s7+$0x0], $0xffff  }
0xe6: {  	v37 =	vadd.s32 v46, v37;
	v48 =	vsel vm0, $0x1, v1;
	vm0 =	veq.s32 v19, $0x5  }
0xe7: {  	v37 =	vadd.s32 v48, v37;
	v49 =	vsel vm0, $0x1, v1;
	vm0 =	veq.s32 v25, $0x5  }
0xe8: {  	v37 =	vadd.s32 v49, v37;
	v50 =	vsel vm0, $0x1, v1;
	vm0 =	veq.s32 v26, $0x5  }
0xe9: {  	v37 =	vadd.s32 v50, v37;
	v51 =	vsel vm0, $0x1, v1;
	vm0 =	veq.s32 v27, $0x5  }
0xea: {  	v37 =	vadd.s32 v51, v37;
	v52 =	vsel vm0, $0x1, v1;
	v36 =	vadd.s32 v36, v47  }
0xeb: {  	v38 =	vadd.s32 v52, v37;
	[tilespmem:$0x400] =	vst v36  }
0xec: {  	v37 =	vld.idx.msk [tilespmem:v5+s7+$0x0], $0xffff;
	[tilespmem:$0x400] =	vst v38  }
0xed: {  	v53 =	vld.idx.msk [tilespmem:v2+s7+$0x0], $0xffff;
	_ =	sdelay $0x1  }
0xee: {  	vm1 =	veq.s32 v23, $0x6;
	vm0 =	veq.s32 v22, $0x6  }
0xef: {  	v41 =	vsel vm1, $0x1, v1;
	v40 =	vsel vm0, $0x1, v1  }
0xf0: {  	vm0 =	veq.s32 v18, $0x6;
	v40 =	vadd.s32 v40, v41  }
0xf1: {  	v54 =	vsel vm0, $0x1, v1;
	vm0 =	veq.s32 v14, $0x6;
	v38 =	vadd.s32 v38, v53  }
0xf2: {  	v55 =	vadd.s32 v54, v40;
	v56 =	vsel vm0, $0x1, v1;
	vm0 =	veq.s32 v10, $0x6;
	[tilespmem:$0x400] =	vst v38  }
0xf3: {  	v39 =	vadd.s32 v56, v55;
	v57 =	vsel vm0, $0x1, v1;
	vm0 =	veq.s32 v7, $0x6;
	v58 =	vld.idx.msk [tilespmem:v3+s7+$0x0], $0xffff  }
0xf4: {  	v39 =	vadd.s32 v57, v39;
	v59 =	vsel vm0, $0x1, v1;
	vm0 =	veq.s32 v6, $0x6  }
0xf5: {  	v39 =	vadd.s32 v59, v39;
	v60 =	vsel vm0, $0x1, v1;
	vm0 =	veq.s32 v8, $0x6  }
0xf6: {  	v39 =	vadd.s32 v60, v39;
	v61 =	vsel vm0, $0x1, v1  }
0xf7: {  	vm0 =	veq.s32 v9, $0x6;
	v39 =	vadd.s32 v61, v39  }
0xf8: {  	v62 =	vsel vm0, $0x1, v1;
	vm0 =	veq.s32 v11, $0x6;
	v38 =	vadd.s32 v38, v58  }
0xf9: {  	v39 =	vadd.s32 v62, v39;
	v63 =	vsel vm0, $0x1, v1;
	vm0 =	veq.s32 v15, $0x6;
	[tilespmem:$0x400] =	vst v38  }
0xfa: {  	v39 =	vadd.s32 v63, v39;
	v44 =	vsel vm0, $0x1, v1;
	vm0 =	veq.s32 v24, $0x6;
	v45 =	vld.idx.msk [tilespmem:v4+s7+$0x0], $0xffff  }
0xfb: {  	v39 =	vadd.s32 v44, v39;
	v46 =	vsel vm0, $0x1, v1;
	vm0 =	veq.s32 v19, $0x6  }
0xfc: {  	v39 =	vadd.s32 v46, v39;
	v47 =	vsel vm0, $0x1, v1;
	vm0 =	veq.s32 v25, $0x6  }
0xfd: {  	v39 =	vadd.s32 v47, v39;
	v48 =	vsel vm0, $0x1, v1;
	vm0 =	veq.s32 v26, $0x6  }
0xfe: {  	v39 =	vadd.s32 v48, v39;
	v49 =	vsel vm0, $0x1, v1;
	vm0 =	veq.s32 v27, $0x6  }
0xff: {  	v39 =	vadd.s32 v49, v39;
	v50 =	vsel vm0, $0x1, v1;
	v38 =	vadd.s32 v38, v45  }
0x100: {  	v39 =	vadd.s32 v50, v39;
	[tilespmem:$0x400] =	vst v38  }
0x101: {  	v51 =	vld.idx.msk [tilespmem:v5+s7+$0x0], $0xffff;
	[tilespmem:$0x400] =	vst v39  }
0x102: {  	v52 =	vld.idx.msk [tilespmem:v2+s7+$0x0], $0xffff;
	_ =	sdelay $0x1  }
0x103: {  	vm1 =	veq.s32 v23, $0x7;
	vm0 =	veq.s32 v22, $0x7  }
0x104: {  	v23 =	vsel vm1, $0x1, v1;
	v22 =	vsel vm0, $0x1, v1  }
0x105: {  	vm0 =	veq.s32 v18, $0x7;
	v22 =	vadd.s32 v22, v23  }
0x106: {  	v18 =	vsel vm0, $0x1, v1;
	vm0 =	veq.s32 v14, $0x7;
	v53 =	vadd.s32 v39, v52  }
0x107: {  	v18 =	vadd.s32 v18, v22;
	v54 =	vsel vm0, $0x1, v1;
	vm0 =	veq.s32 v10, $0x7;
	[tilespmem:$0x400] =	vst v53  }
0x108: {  	v55 =	vadd.s32 v54, v18;
	v56 =	vsel vm0, $0x1, v1;
	vm0 =	veq.s32 v7, $0x7;
	v57 =	vld.idx.msk [tilespmem:v3+s7+$0x0], $0xffff  }
0x109: {  	v10 =	vadd.s32 v56, v55;
	v58 =	vsel vm0, $0x1, v1;
	vm0 =	veq.s32 v6, $0x7  }
0x10a: {  	v59 =	vadd.s32 v58, v10;
	v60 =	vsel vm0, $0x1, v1;
	vm0 =	veq.s32 v8, $0x7  }
0x10b: {  	v6 =	vadd.s32 v60, v59;
	v8 =	vsel vm0, $0x1, v1  }
0x10c: {  	vm0 =	veq.s32 v9, $0x7;
	v6 =	vadd.s32 v8, v6  }
0x10d: {  	v61 =	vsel vm0, $0x1, v1;
	vm0 =	veq.s32 v11, $0x7;
	v7 =	vadd.s32 v53, v57  }
0x10e: {  	v6 =	vadd.s32 v61, v6;
	v62 =	vsel vm0, $0x1, v1;
	vm0 =	veq.s32 v15, $0x7;
	[tilespmem:$0x400] =	vst v7  }
0x10f: {  	v6 =	vadd.s32 v62, v6;
	v63 =	vsel vm0, $0x1, v1;
	vm0 =	veq.s32 v24, $0x7;
	v14 =	vld.idx.msk [tilespmem:v4+s7+$0x0], $0xffff  }
0x110: {  	v6 =	vadd.s32 v63, v6;
	v15 =	vsel vm0, $0x1, v1;
	vm0 =	veq.s32 v19, $0x7  }
0x111: {  	v6 =	vadd.s32 v15, v6;
	v18 =	vsel vm0, $0x1, v1;
	vm0 =	veq.s32 v25, $0x7  }
0x112: {  	v6 =	vadd.s32 v18, v6;
	v19 =	vsel vm0, $0x1, v1;
	vm0 =	veq.s32 v26, $0x7  }
0x113: {  	v6 =	vadd.s32 v19, v6;
	v22 =	vsel vm0, $0x1, v1;
	vm0 =	veq.s32 v27, $0x7  }
0x114: {  	v6 =	vadd.s32 v22, v6;
	v23 =	vsel vm0, $0x1, v1;
	v7 =	vadd.s32 v7, v14  }
0x115: {  	v6 =	vadd.s32 v23, v6;
	[tilespmem:$0x400] =	vst v7  }
0x116: {  	v24 =	vld.idx.msk [tilespmem:v5+s7+$0x0], $0xffff;
	[tilespmem:$0x400] =	vst v6  }
0x117: {  	v25 =	vld.idx.msk [tilespmem:v2+s7+$0x0], $0xffff;
	_ =	sdelay $0x4  }
0x118: {  	v6 =	vadd.s32 v6, v25  }
0x119: {  	[tilespmem:$0x400] =	vst v6  }
0x11a: {  	v26 =	vld.idx.msk [tilespmem:v3+s7+$0x0], $0xffff;
	_ =	sdelay $0x4  }
0x11b: {  	v6 =	vadd.s32 v6, v26  }
0x11c: {  	[tilespmem:$0x400] =	vst v6  }
0x11d: {  	v27 =	vld.idx.msk [tilespmem:v4+s7+$0x0], $0xffff;
	_ =	sdelay $0x2  }
0x11e: {  	v29 =	vadd.s32 v28, v29;
	vm1 =	vcmask $0x308;
	vm0 =	vmmov $0x1  }
0x11f: {  	v41 =	vadd.s32 v32, v33;
	v43 =	vadd.s32 v34, v35;
	v10 =	vnsel vm0, $0x0, v29  }
0x120: {  	vm0 =	vcmask $0x70C;
	v39 =	vadd.s32 v30, v31;
	v6 =	vadd.s32 v6, v27  }
0x121: {  	v42 =	vsel vm0, $0x0, v41;
	vm0 =	vcmask $0xB10;
	v11 =	vsel vm1, $0x0, v39;
	[tilespmem:$0x400] =	vst v6  }
0x122: {  	v46 =	vadd.s32 v36, v37;
	v44 =	vsel vm0, $0x0, v43;
	v10 =	vadd.s32 v10, v11;
	v45 =	vld.idx.msk [tilespmem:v5+s7+$0x0], $0xffff  }
0x123: {  	vm0 =	vcmask $0xF14;
	v47 =	vadd.s32 v38, v51;
	v9 =	vadd.s32 v42, v10  }
0x124: {  	v10 =	vsel vm0, $0x0, v46;
	vm0 =	vcmask $0x1318;
	v9 =	vadd.s32 v44, v9  }
0x125: {  	v48 =	vsel vm0, $0x0, v47;
	v9 =	vadd.s32 v10, v9  }
0x126: {  	vm0 =	vcmask $0x171C;
	v9 =	vadd.s32 v48, v9;
	v7 =	vadd.s32 v7, v24  }
0x127: {  	v7 =	vsel vm0, $0x0, v7;
	vm0 =	vcmask $0x1B20;
	v6 =	vadd.s32 v6, v45  }
0x128: {  	v7 =	vadd.s32 v7, v9;
	v6 =	vsel vm0, $0x0, v6  }
0x129: {  	v6 =	vadd.s32 v6, v7  }
0x12a: {  	s21 =	simm.s32 $0x1;
	[tilespmem:$0x400] =	vst v6  }
0x12b: {  	[spmem:s8] =	stream.linear.scatter [tilespmem:s7], [sflag:$0x1], $0x80, $0x38;
	[tilespmem:$0xFD0] =	vst v63  }
0x12c: {  	_ =	swait.ge [sflag:s21], $0x80  }
0x12d: {  	[sflag:s21] =	ssyncset.done $0x0  }
0x12e: {  	[sflag:s21] =	ssyncadd.s32 $0xFFFFFF80  }
0x12f: {  	[tilespmem:$0x500] =	vst v1  }
0x130: {  	[tilespmem:$0x510] =	vst v1  }
0x131: {  	[tilespmem:$0x520] =	vst v1  }
0x132: {  	[tilespmem:$0x530] =	vst v1  }
0x133: {  	[tilespmem:$0x540] =	vst v1  }
0x134: {  	[tilespmem:$0x550] =	vst v1  }
0x135: {  	[tilespmem:$0x560] =	vst v1  }
0x136: {  	[tilespmem:$0x570] =	vst v1  }
0x137: {  	[tilespmem:$0x580] =	vst v1  }
0x138: {  	[tilespmem:$0x590] =	vst v1  }
0x139: {  	[tilespmem:$0x5A0] =	vst v1  }
0x13a: {  	[tilespmem:$0x5B0] =	vst v1  }
0x13b: {  	[tilespmem:$0x5C0] =	vst v1  }
0x13c: {  	[tilespmem:$0x5D0] =	vst v1  }
0x13d: {  	[tilespmem:$0x5E0] =	vst v1  }
0x13e: {  	[tilespmem:$0x5F0] =	vst v1  }
0x13f: {  	[tilespmem:$0x600] =	vst v1  }
0x140: {  	[tilespmem:$0x610] =	vst v1  }
0x141: {  	[tilespmem:$0x620] =	vst v1  }
0x142: {  	[tilespmem:$0x630] =	vst v1  }
0x143: {  	s10 =	simm.s32 $0x680;
	[bflag:$0x0] =	sbarrier.arrive $0xFFFF  }
0x144: {  	[tilespmem:s10], [sflag:$0x1] =	stream.linear.gather [spmem:s9], $0x800, $0x38;
	[tilespmem:$0xFD0] =	vst v63  }
0x145: {  	_ =	swait.ge [sflag:s21], $0x800  }
0x146: {  	[sflag:s21] =	ssyncset.done $0x0  }
0x147: {  	[sflag:s21] =	ssyncadd.s32 $0xFFFFF800  }
0x148: {  	v49 =	vld [tilespmem:$0x680]  }
0x149: {  	v50 =	vld [tilespmem:$0x700]  }
0x14a: {  	v51 =	vld [tilespmem:$0x780]  }
0x14b: {  	v52 =	vld [tilespmem:$0x800]  }
0x14c: {  	v53 =	vld [tilespmem:$0x880]  }
0x14d: {  	v54 =	vld [tilespmem:$0x900]  }
0x14e: {  	v55 =	vld [tilespmem:$0x980];
	v56 =	vadd.s32 v50, v49  }
0x14f: {  	v57 =	vld [tilespmem:$0xA00];
	v6 =	vadd.s32 v51, v56  }
0x150: {  	v58 =	vld [tilespmem:$0xA80];
	v6 =	vadd.s32 v52, v6  }
0x151: {  	v59 =	vld [tilespmem:$0xB00];
	v6 =	vadd.s32 v53, v6  }
0x152: {  	v60 =	vld [tilespmem:$0xB80];
	v6 =	vadd.s32 v54, v6  }
0x153: {  	v61 =	vld [tilespmem:$0xC00];
	v6 =	vadd.s32 v55, v6  }
0x154: {  	v62 =	vld [tilespmem:$0xC80];
	v6 =	vadd.s32 v57, v6  }
0x155: {  	v63 =	vld [tilespmem:$0xD00];
	v6 =	vadd.s32 v58, v6  }
0x156: {  	v33 =	vld [tilespmem:$0xD80];
	v6 =	vadd.s32 v59, v6  }
0x157: {  	v34 =	vld [tilespmem:$0xE00];
	v6 =	vadd.s32 v60, v6  }
0x158: {  	v6 =	vadd.s32 v61, v6  }
0x159: {  	v6 =	vadd.s32 v62, v6  }
0x15a: {  	v6 =	vadd.s32 v63, v6  }
0x15b: {  	v6 =	vadd.s32 v33, v6  }
0x15c: {  	v6 =	vadd.s32 v34, v6  }
0x15d: {  	v6 =	vadd.s32 $0x7F, v6  }
0x15e: {  	v35 =	vshrl.u32 v6, $0x7  }
0x15f: {  	[tilespmem:$0x400] =	vst v35  }
0x160: {  	v36 =	vld.idx.msk [tilespmem:v2+s7+$0x0], $0xffff;
	_ =	sdelay $0x2  }
0x161: {  	v6 =	vlaneseq.u32  }
0x162: {  	vm0 =	veq.s32 v6, $0x0  }
0x163: {  	v29 =	vsel vm0, $0x0, v36  }
0x164: {  	v29 =	vadd.s32 v29, v35  }
0x165: {  	[tilespmem:$0x400] =	vst v29  }
0x166: {  	v37 =	vld.idx.msk [tilespmem:v3+s7+$0x0], $0xffff;
	_ =	sdelay $0x1  }
0x167: {  	v38 =	vld [tilespmem:$0x1FFF0];
	_ =	sdelay $0x1  }
0x168: {  	vm1 =	vmmov $0x3  }
0x169: {  	v30 =	vsel vm1, $0x0, v37  }
0x16a: {  	v29 =	vadd.s32 v29, v30  }
0x16b: {  	v7 =	vnsel vm2, $0x0, v49;
	vm2 =	vnez.u8 v38;
	[tilespmem:$0x400] =	vst v29  }
0x16c: {  	v40 =	vnsel vm6, $0x0, v51;
	v41 =	vnsel vm3, $0x0, v52;
	v42 =	vnsel vm7, $0x0, v53;
	v39 =	vld.idx.msk [tilespmem:v4+s7+$0x0], $0xffff  }
0x16d: {  	v43 =	vnsel vm11, $0x0, v54;
	v44 =	vnsel vm12, $0x0, v55;
	v8 =	vnsel vm2, $0x0, v50  }
0x16e: {  	v46 =	vnsel vm8, $0x0, v57;
	v47 =	vnsel vm9, $0x0, v58;
	v7 =	vadd.s32 v7, v8  }
0x16f: {  	v48 =	vnsel vm14, $0x0, v59;
	vm3 =	vmmov $0xff;
	v7 =	vadd.s32 v40, v7  }
0x170: {  	vm2 =	vmmov $0xf;
	v50 =	vnsel vm15, $0x0, v60;
	v7 =	vadd.s32 v41, v7  }
0x171: {  	v51 =	vnsel vm10, $0x0, v61;
	v7 =	vadd.s32 v42, v7;
	v45 =	vsel vm2, $0x0, v39  }
0x172: {  	v52 =	vnsel vm13, $0x0, v62;
	v7 =	vadd.s32 v43, v7;
	v9 =	vadd.s32 v29, v45  }
0x173: {  	v53 =	vnsel vm5, $0x0, v63;
	v40 =	vimm.s32 $0x210FEDCB;
	v7 =	vadd.s32 v44, v7;
	[tilespmem:$0x400] =	vst v9  }
0x174: {  	v10 =	vunpack.c.l.s4.s8 v40;
	v41 =	vimm.s32 $0x98765432;
	v7 =	vadd.s32 v46, v7;
	v49 =	vld.idx.msk [tilespmem:v5+s7+$0x0], $0xffff  }
0x175: {  	v42 =	vimm.s32 $0x10FEDCBA;
	v11 =	vunpack.c.l.s4.s8 v41;
	v7 =	vadd.s32 v47, v7  }
0x176: {  	v55 =	vnsel vm4, $0x0, v33;
	v14 =	vunpack.c.l.s4.s8 v42;
	v7 =	vadd.s32 v48, v7  }
0x177: {  	v22 =	vld [tilespmem:$0x0];
	v27 =	vunpack.c.0.s8.s32 v11;
	v44 =	vimm.s32 $0x87654321;
	v7 =	vadd.s32 v50, v7  }
0x178: {  	v48 =	vunpack.c.l.s4.s8 v44;
	v7 =	vadd.s32 v51, v7;
	v45 =	vimm.s32 $0xFEDCBA9  }
0x179: {  	v7 =	vadd.s32 v52, v7;
	v11 =	vunpack.c.l.s4.s8 v45;
	v54 =	vsel vm3, $0x0, v49  }
0x17a: {  	v28 =	vunpack.c.0.s8.s32 v14;
	v8 =	vadd.s32 v53, v7;
	v7 =	vadd.s32 v9, v54  }
0x17b: {  	v30 =	vunpack.c.0.s8.s32 v48;
	v31 =	vunpack.c.0.s8.s32 v11;
	v57 =	vsub.s32 v7, v35  }
0x17c: {  	v47 =	vcombine.low v28, v27;
	v8 =	vadd.s32 v55, v8;
	v59 =	vshll.u32 v57, $0x7  }
0x17d: {  	v12 =	vcombine.low v12, v13;
	v18 =	vcombine.low v31, v30;
	v8 =	vadd.s32 v59, v8  }
0x17e: {  	s22 =	simm.s32 $0x480;
	v56 =	vimm.s32 $0xCBA98765;
	v25 =	vunpack.c.0.s8.s32 v10;
	v10 =	vand.u32 $0xF, v47;
	[tilespmem:$0x480] =	vst v8  }
0x17f: {  	v58 =	vimm.s32 $0x43210FED;
	v14 =	vand.u32 $0xF, v18;
	v9 =	vunpack.c.l.s4.s8 v56;
	v26 =	vld.idx.msk [tilespmem:v22+s22+$0x0], $0xffff;
	[tilespmem:$0x400] =	vst v22  }
0x180: {  	v15 =	vand.u32 $0xF, v12;
	v60 =	vunpack.c.l.s4.s8 v58;
	v62 =	vimm.s32 $0xA9876543;
	v46 =	vld.idx.msk [tilespmem:v2+s7+$0x0], $0xffff  }
0x181: {  	v58 =	vcombine.low v16, v17;
	v61 =	vunpack.c.0.s8.s32 v9;
	v9 =	vunpack.c.l.s4.s8 v62;
	v49 =	vld.idx.msk [tilespmem:v3+s7+$0x0], $0xffff  }
0x182: {  	vm6 =	vmmov $0x3f;
	vm5 =	vmmov $0x1f;
	v63 =	vunpack.c.0.s8.s32 v60;
	v51 =	vld.idx.msk [tilespmem:v4+s7+$0x0], $0xffff  }
0x183: {  	v17 =	vcombine.low v20, v21;
	v18 =	vand.u32 $0xF, v58;
	v24 =	vunpack.c.0.s8.s32 v9;
	v54 =	vld.idx.msk [tilespmem:v10+s7+$0x0], $0xffff  }
0x184: {  	v40 =	vimm.s32 $0x0;
	vm4 =	vmmov $0x7;
	v43 =	vcombine.low v63, v61;
	v59 =	vld.idx.msk [tilespmem:v14+s7+$0x0], $0xffff  }
0x185: {  	v17 =	vand.u32 $0xF, v17;
	v61 =	vcombine.low v61, v63;
	v9 =	vcombine.low v25, v24;
	v60 =	vld.idx.msk [tilespmem:v5+s7+$0x0], $0xffff  }
0x186: {  	vm0 =	veq.s32 v6, $0x0;
	v11 =	vimm.s32 $0x1;
	v45 =	vcombine.low v24, v25  }
0x187: {  	v8 =	vand.u32 $0xF, v43;
	v19 =	vand.u32 $0xF, v61;
	v9 =	vand.u32 $0xF, v9  }
0x188: {  	v47 =	vld.idx.msk [tilespmem:v18+s7+$0x0], $0xffff;
	v16 =	vand.u32 $0xF, v45;
	vm8 =	veq.s32 v46, v22;
	vm9 =	veq.s32 v49, v22  }
0x189: {  	vm11 =	veq.s32 v51, v22;
	vm13 =	veq.s32 v54, v22;
	vm14 =	veq.s32 v59, v22  }
0x18a: {  	v63 =	vld.idx.msk [tilespmem:v15+s7+$0x0], $0xffff;
	vm15 =	veq.s32 v60, v22;
	v49 =	vcombine.low v27, v28;
	v52 =	vsel vm8, $0x1, v1  }
0x18b: {  	v55 =	vsel vm8, $0x2, v11;
	v56 =	vsel vm9, $0x1, v1;
	v38 =	vsel vm11, $0x1, v1  }
0x18c: {  	v50 =	vld.idx.msk [tilespmem:v8+s7+$0x0], $0xffff;
	v34 =	vsel vm13, $0x1, v1;
	v46 =	vsel vm14, $0x1, v1;
	v48 =	vsel vm15, $0x1, v1  }
0x18d: {  	vm8 =	vmmov $0x1ff;
	vm13 =	veq.s32 v47, v22;
	vm11 =	vmmov $0x7ff;
	v53 =	vld.idx.msk [tilespmem:v9+s7+$0x0], $0xffff  }
0x18e: {  	v33 =	vsel vm0, $0x0, v52;
	v36 =	vsel vm1, $0x0, v56;
	v20 =	vsel vm2, $0x0, v38  }
0x18f: {  	v44 =	vsel vm6, $0x0, v34;
	v51 =	vsel vm3, $0x0, v48;
	vm0 =	veq.s32 v63, v22  }
0x190: {  	v52 =	vld.idx.msk [tilespmem:v19+s7+$0x0], $0xffff;
	v13 =	vand.u32 $0xF, v49;
	v29 =	vadd.s32 v26, v55;
	v58 =	vsel vm13, $0x1, v1  }
0x191: {  	v55 =	vld.idx.msk [tilespmem:v17+s7+$0x0], $0xffff;
	vm13 =	vmmov $0x3ff;
	v54 =	vsel vm0, $0x1, v1;
	v29 =	vadd.s32 v56, v29  }
0x192: {  	v59 =	vld.idx.msk [tilespmem:v16+s7+$0x0], $0xffff;
	vm10 =	veq.s32 v50, v22;
	vm12 =	veq.s32 v53, v22;
	v53 =	vcombine.low v30, v31  }
0x193: {  	v60 =	vsel vm13, $0x0, v58;
	v26 =	vadd.s32 v26, v33;
	v57 =	vsel vm10, $0x1, v1  }
0x194: {  	v26 =	vadd.s32 v36, v26;
	v56 =	vadd.s32 v57, v29;
	v12 =	vand.u32 $0xF, v53  }
0x195: {  	v32 =	vsel vm4, $0x0, v57;
	v62 =	vsel vm12, $0x1, v1;
	v25 =	vadd.s32 v38, v56  }
0x196: {  	v57 =	vsel vm8, $0x0, v54;
	vm14 =	veq.s32 v52, v22;
	v23 =	vadd.s32 v62, v25  }
0x197: {  	vm15 =	veq.s32 v55, v22;
	vm0 =	veq.s32 v59, v22;
	v23 =	vadd.s32 v34, v23  }
0x198: {  	vm12 =	vmmov $0x7f;
	v21 =	vsel vm5, $0x0, v62;
	v62 =	vld.idx.msk [tilespmem:v13+s7+$0x0], $0xffff;
	v23 =	vadd.s32 v46, v23  }
0x199: {  	v61 =	vsel vm14, $0x1, v1;
	v26 =	vadd.s32 v32, v26;
	v23 =	vadd.s32 v48, v23;
	v33 =	vld.idx.msk [tilespmem:v12+s7+$0x0], $0xffff  }
0x19a: {  	v63 =	vsel vm15, $0x1, v1;
	v20 =	vadd.s32 v20, v26;
	v23 =	vadd.s32 v54, v23  }
0x19b: {  	v50 =	vsel vm12, $0x0, v46;
	v20 =	vadd.s32 v21, v20;
	v23 =	vadd.s32 v58, v23  }
0x19c: {  	v34 =	vsel vm0, $0x1, v1;
	v20 =	vadd.s32 v44, v20;
	v35 =	vadd.s32 v61, v23  }
0x19d: {  	v20 =	vadd.s32 v50, v20;
	vm7 =	veq.s32 v62, v22;
	v21 =	vadd.s32 v63, v35  }
0x19e: {  	v36 =	vsel vm7, $0x1, v1;
	v21 =	vadd.s32 v34, v21;
	vm14 =	veq.s32 v33, v22  }
0x19f: {  	v20 =	vadd.s32 v51, v20;
	v21 =	vadd.s32 v36, v21;
	v37 =	vsel vm14, $0x1, v1  }
0x1a0: {  	vm10 =	vmmov $0xfff;
	v20 =	vadd.s32 v57, v20;
	v21 =	vadd.s32 v37, v21  }
0x1a1: {  	v38 =	vsel vm11, $0x0, v61;
	v20 =	vadd.s32 v60, v20;
	[tilespmem:v22+s22+$0x0] =	vst.idx.msk $0xffff, v21;
	v22 =	vsel vm10, $0xFFFFFFFF, v40  }
0x1a2: {  	vm9 =	vmmov $0x1fff;
	v39 =	vsel vm10, $0x0, v63;
	v20 =	vadd.s32 v38, v20;
	[tilespmem:$0x1FF30] =	vst v22;
	v22 =	vld [tilespmem:$0x10]  }
0x1a3: {  	vm15 =	vmmov $0x3fff;
	v41 =	vsel vm9, $0x0, v34;
	v20 =	vadd.s32 v39, v20  }
0x1a4: {  	vm7 =	vmmov $0x7fff;
	v44 =	vsel vm15, $0x0, v36;
	v20 =	vadd.s32 v41, v20  }
0x1a5: {  	v20 =	vadd.s32 v44, v20;
	v45 =	vsel vm7, $0x0, v37  }
0x1a6: {  	v20 =	vadd.s32 v45, v20  }
0x1a7: {  	v47 =	vor.u32 v6, v0;
	[tilespmem:$0x100] =	vst v20  }
0x1a8: {  	v48 =	vshrl.u32 v47, $0x1;
	[tilespmem:$0x200] =	vst v20  }
0x1a9: {  	[tilespmem:$0x300] =	vst v48  }
0x1aa: {  	v20 =	vld.idx.msk [tilespmem:v22+s22+$0x0], $0xffff;
	[tilespmem:$0x400] =	vst v22  }
0x1ab: {  	v49 =	vld.idx.msk [tilespmem:v2+s7+$0x0], $0xffff  }
0x1ac: {  	v50 =	vld.idx.msk [tilespmem:v3+s7+$0x0], $0xffff  }
0x1ad: {  	v51 =	vld.idx.msk [tilespmem:v8+s7+$0x0], $0xffff  }
0x1ae: {  	v52 =	vld.idx.msk [tilespmem:v4+s7+$0x0], $0xffff  }
0x1af: {  	v42 =	vimm.s32 $0x0;
	v54 =	vld.idx.msk [tilespmem:v10+s7+$0x0], $0xffff  }
0x1b0: {  	v43 =	vimm.s32 $0x0;
	v25 =	vsel vm9, $0xFFFFFFFF, v42;
	v46 =	vimm.s32 $0x0;
	v53 =	vld.idx.msk [tilespmem:v9+s7+$0x0], $0xffff  }
0x1b1: {  	[tilespmem:$0x1FF40] =	vst v25;
	v25 =	vsel vm15, $0xFFFFFFFF, v43;
	v24 =	vsel vm7, $0xFFFFFFFF, v46;
	v60 =	vld.idx.msk [tilespmem:v5+s7+$0x0], $0xffff;
	vm0 =	veq.s32 v49, v22  }
0x1b2: {  	v63 =	vld.idx.msk [tilespmem:v15+s7+$0x0], $0xffff;
	vm15 =	veq.s32 v50, v22;
	vm14 =	veq.s32 v51, v22;
	v55 =	vsel vm0, $0x1, v1  }
0x1b3: {  	v56 =	vsel vm0, $0x2, v11;
	v58 =	vsel vm15, $0x1, v1;
	v59 =	vsel vm14, $0x1, v1  }
0x1b4: {  	v57 =	vld.idx.msk [tilespmem:v14+s7+$0x0], $0xffff;
	vm0 =	veq.s32 v52, v22;
	vm14 =	veq.s32 v6, $0x0;
	vm15 =	veq.s32 v54, v22  }
0x1b5: {  	v48 =	vld.idx.msk [tilespmem:v19+s7+$0x0], $0xffff;
	v27 =	vsel vm14, $0x0, v55;
	v61 =	vsel vm0, $0x1, v1;
	vm14 =	veq.s32 v53, v22  }
0x1b6: {  	v26 =	vsel vm1, $0x0, v58;
	v32 =	vsel vm4, $0x0, v59;
	v44 =	vsel vm15, $0x1, v1  }
0x1b7: {  	vm0 =	veq.s32 v60, v22;
	v50 =	vadd.s32 v20, v56;
	vm15 =	veq.s32 v63, v22  }
0x1b8: {  	v62 =	vsel vm14, $0x1, v1;
	v33 =	vsel vm2, $0x0, v61;
	v47 =	vsel vm6, $0x0, v44  }
0x1b9: {  	[tilespmem:$0x1FFA0] =	vst v24;
	vm14 =	veq.s32 v57, v22;
	v52 =	vsel vm0, $0x1, v1;
	v24 =	vadd.s32 v58, v50  }
0x1ba: {  	v45 =	vld.idx.msk [tilespmem:v18+s7+$0x0], $0xffff;
	v56 =	vsel vm15, $0x1, v1;
	vm15 =	veq.s32 v48, v22;
	v20 =	vadd.s32 v20, v27  }
0x1bb: {  	v46 =	vsel vm5, $0x0, v62;
	v49 =	vsel vm14, $0x1, v1;
	v55 =	vadd.s32 v59, v24  }
0x1bc: {  	v53 =	vld.idx.msk [tilespmem:v17+s7+$0x0], $0xffff;
	vm14 =	vmmov vm12;
	v54 =	vsel vm3, $0x0, v52;
	v21 =	vadd.s32 v61, v55  }
0x1bd: {  	v57 =	vld.idx.msk [tilespmem:v16+s7+$0x0], $0xffff;
	v59 =	vsel vm8, $0x0, v56;
	v60 =	vsel vm15, $0x1, v1;
	v21 =	vadd.s32 v62, v21  }
0x1be: {  	v63 =	vld.idx.msk [tilespmem:v12+s7+$0x0], $0xffff;
	v20 =	vadd.s32 v26, v20;
	v51 =	vsel vm12, $0x0, v49;
	v21 =	vadd.s32 v44, v21  }
0x1bf: {  	vm12 =	veq.s32 v45, v22;
	v61 =	vld.idx.msk [tilespmem:v13+s7+$0x0], $0xffff;
	v20 =	vadd.s32 v32, v20;
	v21 =	vadd.s32 v49, v21  }
0x1c0: {  	v58 =	vsel vm12, $0x1, v1;
	v20 =	vadd.s32 v33, v20;
	v21 =	vadd.s32 v52, v21  }
0x1c1: {  	vm12 =	veq.s32 v53, v22;
	v20 =	vadd.s32 v46, v20;
	v21 =	vadd.s32 v56, v21  }
0x1c2: {  	v62 =	vsel vm12, $0x1, v1;
	vm15 =	veq.s32 v57, v22;
	v21 =	vadd.s32 v58, v21  }
0x1c3: {  	v20 =	vadd.s32 v47, v20;
	v32 =	vsel vm15, $0x1, v1;
	v21 =	vadd.s32 v60, v21  }
0x1c4: {  	[tilespmem:$0x1FF70] =	vst v25;
	vm15 =	veq.s32 v63, v22;
	vm12 =	veq.s32 v61, v22;
	v21 =	vadd.s32 v62, v21  }
0x1c5: {  	v43 =	vld [tilespmem:$0x1FF70];
	v20 =	vadd.s32 v51, v20;
	v36 =	vsel vm12, $0x1, v1;
	v21 =	vadd.s32 v32, v21  }
0x1c6: {  	v38 =	vsel vm15, $0x1, v1;
	v20 =	vadd.s32 v54, v20;
	v21 =	vadd.s32 v36, v21  }
0x1c7: {  	v39 =	vsel vm13, $0x0, v58;
	v20 =	vadd.s32 v59, v20;
	v21 =	vadd.s32 v38, v21  }
0x1c8: {  	v40 =	vsel vm11, $0x0, v60;
	v20 =	vadd.s32 v39, v20;
	[tilespmem:v22+s22+$0x0] =	vst.idx.msk $0xffff, v21  }
0x1c9: {  	v41 =	vsel vm10, $0x0, v62;
	v20 =	vadd.s32 v40, v20;
	v22 =	vld [tilespmem:$0x20]  }
0x1ca: {  	vm10 =	vnez.u8 v43;
	v42 =	vsel vm9, $0x0, v32;
	v20 =	vadd.s32 v41, v20  }
0x1cb: {  	v20 =	vadd.s32 v42, v20;
	v21 =	vsel vm10, $0x0, v36  }
0x1cc: {  	v44 =	vsel vm7, $0x0, v38;
	v20 =	vadd.s32 v21, v20  }
0x1cd: {  	v45 =	vor.u32 $0x10, v6;
	v20 =	vadd.s32 v44, v20  }
0x1ce: {  	v21 =	vor.u32 v45, v0;
	[tilespmem:$0x110] =	vst v20  }
0x1cf: {  	v46 =	vshrl.u32 v21, $0x1;
	[tilespmem:$0x210] =	vst v20  }
0x1d0: {  	[tilespmem:$0x310] =	vst v46  }
0x1d1: {  	v20 =	vld.idx.msk [tilespmem:v22+s22+$0x0], $0xffff;
	[tilespmem:$0x400] =	vst v22  }
0x1d2: {  	v47 =	vld.idx.msk [tilespmem:v2+s7+$0x0], $0xffff  }
0x1d3: {  	v48 =	vld.idx.msk [tilespmem:v3+s7+$0x0], $0xffff  }
0x1d4: {  	v49 =	vld.idx.msk [tilespmem:v8+s7+$0x0], $0xffff  }
0x1d5: {  	v51 =	vld.idx.msk [tilespmem:v9+s7+$0x0], $0xffff  }
0x1d6: {  	v50 =	vld.idx.msk [tilespmem:v4+s7+$0x0], $0xffff  }
0x1d7: {  	vm12 =	vmmov vm13;
	vm13 =	vmmov vm11;
	v40 =	vimm.s32 $0x0;
	v52 =	vld.idx.msk [tilespmem:v10+s7+$0x0], $0xffff  }
0x1d8: {  	v23 =	vsel vm13, $0xFFFFFFFF, v40;
	v63 =	vld.idx.msk [tilespmem:v18+s7+$0x0], $0xffff  }
0x1d9: {  	vm9 =	veq.s32 v47, v22;
	vm11 =	veq.s32 v48, v22;
	vm7 =	veq.s32 v49, v22  }
0x1da: {  	v55 =	vld.idx.msk [tilespmem:v14+s7+$0x0], $0xffff;
	vm15 =	veq.s32 v51, v22;
	v49 =	vimm.s32 $0x0;
	v53 =	vsel vm9, $0x1, v1  }
0x1db: {  	v58 =	vld.idx.msk [tilespmem:v5+s7+$0x0], $0xffff;
	v54 =	vsel vm9, $0x2, v11;
	v56 =	vsel vm11, $0x1, v1;
	v57 =	vsel vm7, $0x1, v1  }
0x1dc: {  	vm9 =	veq.s32 v50, v22;
	vm11 =	veq.s32 v6, $0x0;
	v60 =	vsel vm15, $0x1, v1  }
0x1dd: {  	vm7 =	veq.s32 v52, v22;
	v28 =	vsel vm14, $0xFFFFFFFF, v49;
	vm15 =	veq.s32 v63, v22  }
0x1de: {  	v46 =	vld.idx.msk [tilespmem:v19+s7+$0x0], $0xffff;
	v27 =	vsel vm11, $0x0, v53;
	v59 =	vsel vm9, $0x1, v1;
	v26 =	vsel vm1, $0x0, v56  }
0x1df: {  	v32 =	vsel vm4, $0x0, v57;
	v62 =	vsel vm7, $0x1, v1;
	v44 =	vsel vm5, $0x0, v60  }
0x1e0: {  	v61 =	vld.idx.msk [tilespmem:v15+s7+$0x0], $0xffff;
	vm9 =	veq.s32 v55, v22;
	vm11 =	veq.s32 v58, v22;
	v48 =	vadd.s32 v20, v54  }
0x1e1: {  	vm7 =	vmmov vm14;
	v33 =	vsel vm2, $0x0, v59;
	v45 =	vsel vm6, $0x0, v62  }
0x1e2: {  	v47 =	vsel vm9, $0x1, v1;
	v51 =	vsel vm11, $0x1, v1;
	v24 =	vadd.s32 v56, v48  }
0x1e3: {  	vm11 =	vmmov vm3;
	vm9 =	veq.s32 v46, v22;
	v20 =	vadd.s32 v20, v27  }
0x1e4: {  	v50 =	vsel vm14, $0x0, v47;
	v53 =	vsel vm3, $0x0, v51;
	v54 =	vadd.s32 v57, v24  }
0x1e5: {  	v52 =	vld.idx.msk [tilespmem:v17+s7+$0x0], $0xffff;
	vm14 =	veq.s32 v61, v22;
	v57 =	vsel vm15, $0x1, v1;
	v21 =	vadd.s32 v59, v54  }
0x1e6: {  	v63 =	vld.idx.msk [tilespmem:v12+s7+$0x0], $0xffff;
	v20 =	vadd.s32 v26, v20;
	v55 =	vsel vm14, $0x1, v1;
	v21 =	vadd.s32 v60, v21  }
0x1e7: {  	v56 =	vld.idx.msk [tilespmem:v16+s7+$0x0], $0xffff;
	vm14 =	vmmov vm8;
	v59 =	vimm.s32 $0x0;
	v21 =	vadd.s32 v62, v21  }
0x1e8: {  	v61 =	vld.idx.msk [tilespmem:v13+s7+$0x0], $0xffff;
	v20 =	vadd.s32 v32, v20;
	v58 =	vsel vm8, $0x0, v55;
	v21 =	vadd.s32 v47, v21  }
0x1e9: {  	v31 =	vsel vm8, $0xFFFFFFFF, v59;
	v60 =	vsel vm9, $0x1, v1;
	v21 =	vadd.s32 v51, v21  }
0x1ea: {  	vm9 =	veq.s32 v52, v22;
	v20 =	vadd.s32 v33, v20;
	v21 =	vadd.s32 v55, v21  }
0x1eb: {  	v62 =	vsel vm9, $0x1, v1;
	v20 =	vadd.s32 v44, v20;
	v21 =	vadd.s32 v57, v21  }
0x1ec: {  	vm9 =	veq.s32 v63, v22;
	vm15 =	veq.s32 v56, v22;
	v21 =	vadd.s32 v60, v21  }
0x1ed: {  	v42 =	vld [tilespmem:$0x1FF30];
	v32 =	vsel vm15, $0x1, v1;
	vm8 =	veq.s32 v61, v22;
	v21 =	vadd.s32 v62, v21  }
0x1ee: {  	v43 =	vld [tilespmem:$0x1FF40];
	v20 =	vadd.s32 v45, v20;
	v36 =	vsel vm8, $0x1, v1;
	v21 =	vadd.s32 v32, v21  }
0x1ef: {  	v37 =	vsel vm9, $0x1, v1;
	v20 =	vadd.s32 v50, v20;
	v21 =	vadd.s32 v36, v21  }
0x1f0: {  	v46 =	vor.u32 $0x20, v6;
	v45 =	vld [tilespmem:$0x1FFA0];
	v20 =	vadd.s32 v53, v20;
	v21 =	vadd.s32 v37, v21  }
0x1f1: {  	v39 =	vsel vm12, $0x0, v57;
	v41 =	vsel vm13, $0x0, v60;
	v20 =	vadd.s32 v58, v20;
	[tilespmem:v22+s22+$0x0] =	vst.idx.msk $0xffff, v21  }
0x1f2: {  	vm9 =	vmmov vm13;
	vm13 =	vnez.u8 v42;
	v20 =	vadd.s32 v39, v20;
	v22 =	vld [tilespmem:$0x30]  }
0x1f3: {  	vm3 =	vnez.u8 v43;
	v20 =	vadd.s32 v41, v20;
	v21 =	vsel vm13, $0x0, v62  }
0x1f4: {  	[tilespmem:$0x1FFE0] =	vst v23;
	v23 =	vsel vm3, $0x0, v32;
	v44 =	vsel vm10, $0x0, v36;
	v20 =	vadd.s32 v21, v20  }
0x1f5: {  	vm8 =	vnez.u8 v45;
	v21 =	vor.u32 v46, v0;
	v20 =	vadd.s32 v23, v20  }
0x1f6: {  	v23 =	vsel vm8, $0x0, v37;
	v47 =	vshrl.u32 v21, $0x1;
	v20 =	vadd.s32 v44, v20  }
0x1f7: {  	[tilespmem:$0x320] =	vst v47;
	v20 =	vadd.s32 v23, v20  }
0x1f8: {  	[tilespmem:$0x120] =	vst v20  }
0x1f9: {  	[tilespmem:$0x220] =	vst v20  }
0x1fa: {  	v20 =	vld.idx.msk [tilespmem:v22+s22+$0x0], $0xffff;
	[tilespmem:$0x400] =	vst v22  }
0x1fb: {  	v48 =	vld.idx.msk [tilespmem:v2+s7+$0x0], $0xffff  }
0x1fc: {  	v49 =	vld.idx.msk [tilespmem:v3+s7+$0x0], $0xffff  }
0x1fd: {  	v50 =	vld.idx.msk [tilespmem:v8+s7+$0x0], $0xffff  }
0x1fe: {  	v51 =	vld.idx.msk [tilespmem:v4+s7+$0x0], $0xffff  }
0x1ff: {  	v38 =	vimm.s32 $0x0  }
0x200: {  	v25 =	vsel vm12, $0xFFFFFFFF, v38;
	v61 =	vimm.s32 $0x0;
	v52 =	vld.idx.msk [tilespmem:v9+s7+$0x0], $0xffff;
	vm15 =	veq.s32 v48, v22  }
0x201: {  	[tilespmem:$0x1FF50] =	vst v31;
	v31 =	vsel vm1, $0xFFFFFFFF, v61;
	vm0 =	veq.s32 v49, v22;
	v54 =	vsel vm15, $0x1, v1  }
0x202: {  	v53 =	vld.idx.msk [tilespmem:v10+s7+$0x0], $0xffff;
	v55 =	vsel vm15, $0x2, v11;
	vm15 =	veq.s32 v50, v22;
	v57 =	vsel vm0, $0x1, v1  }
0x203: {  	v56 =	vld.idx.msk [tilespmem:v14+s7+$0x0], $0xffff;
	vm0 =	veq.s32 v51, v22;
	v58 =	vsel vm15, $0x1, v1;
	vm15 =	veq.s32 v6, $0x0  }
0x204: {  	v60 =	vsel vm0, $0x1, v1;
	v26 =	vsel vm1, $0x0, v57;
	v50 =	vadd.s32 v20, v55  }
0x205: {  	v59 =	vld.idx.msk [tilespmem:v5+s7+$0x0], $0xffff;
	v27 =	vsel vm15, $0x0, v54;
	vm15 =	veq.s32 v52, v22;
	v32 =	vsel vm4, $0x0, v58  }
0x206: {  	v63 =	vld.idx.msk [tilespmem:v15+s7+$0x0], $0xffff;
	v33 =	vsel vm2, $0x0, v60;
	v24 =	vadd.s32 v57, v50;
	v62 =	vsel vm15, $0x1, v1  }
0x207: {  	v45 =	vld.idx.msk [tilespmem:v18+s7+$0x0], $0xffff;
	vm15 =	veq.s32 v53, v22;
	v55 =	vadd.s32 v58, v24;
	v20 =	vadd.s32 v20, v27  }
0x208: {  	v44 =	vsel vm15, $0x1, v1;
	v46 =	vsel vm5, $0x0, v62;
	vm15 =	veq.s32 v56, v22  }
0x209: {  	v48 =	vld.idx.msk [tilespmem:v19+s7+$0x0], $0xffff;
	v21 =	vadd.s32 v60, v55;
	v20 =	vadd.s32 v26, v20;
	v47 =	vsel vm6, $0x0, v44  }
0x20a: {  	v61 =	vld.idx.msk [tilespmem:v13+s7+$0x0], $0xffff;
	v49 =	vsel vm15, $0x1, v1;
	vm15 =	veq.s32 v59, v22;
	v21 =	vadd.s32 v62, v21  }
0x20b: {  	v53 =	vld.idx.msk [tilespmem:v17+s7+$0x0], $0xffff;
	v20 =	vadd.s32 v32, v20;
	v51 =	vsel vm7, $0x0, v49;
	v52 =	vsel vm15, $0x1, v1  }
0x20c: {  	v57 =	vld.idx.msk [tilespmem:v16+s7+$0x0], $0xffff;
	vm7 =	veq.s32 v63, v22;
	vm15 =	veq.s32 v45, v22;
	v21 =	vadd.s32 v44, v21  }
0x20d: {  	v20 =	vadd.s32 v33, v20;
	v54 =	vsel vm11, $0x0, v52;
	v56 =	vsel vm7, $0x1, v1  }
0x20e: {  	v58 =	vsel vm15, $0x1, v1;
	vm7 =	veq.s32 v48, v22;
	v21 =	vadd.s32 v49, v21  }
0x20f: {  	v63 =	vld.idx.msk [tilespmem:v12+s7+$0x0], $0xffff;
	v20 =	vadd.s32 v46, v20;
	v59 =	vsel vm14, $0x0, v56;
	v21 =	vadd.s32 v52, v21  }
0x210: {  	v60 =	vsel vm7, $0x1, v1;
	vm15 =	veq.s32 v53, v22;
	v21 =	vadd.s32 v56, v21  }
0x211: {  	vm7 =	veq.s32 v57, v22;
	vm14 =	veq.s32 v61, v22;
	v21 =	vadd.s32 v58, v21  }
0x212: {  	v20 =	vadd.s32 v47, v20;
	v62 =	vsel vm15, $0x1, v1;
	v21 =	vadd.s32 v60, v21  }
0x213: {  	v38 =	vsel vm7, $0x1, v1;
	v39 =	vsel vm14, $0x1, v1;
	v21 =	vadd.s32 v62, v21  }
0x214: {  	v20 =	vadd.s32 v51, v20;
	vm15 =	veq.s32 v63, v22;
	v21 =	vadd.s32 v38, v21  }
0x215: {  	v20 =	vadd.s32 v54, v20;
	v40 =	vsel vm15, $0x1, v1;
	v21 =	vadd.s32 v39, v21  }
0x216: {  	v41 =	vsel vm12, $0x0, v58;
	v20 =	vadd.s32 v59, v20;
	v21 =	vadd.s32 v40, v21  }
0x217: {  	v42 =	vsel vm9, $0x0, v60;
	v20 =	vadd.s32 v41, v20;
	[tilespmem:v22+s22+$0x0] =	vst.idx.msk $0xffff, v21  }
0x218: {  	v43 =	vsel vm13, $0x0, v62;
	v20 =	vadd.s32 v42, v20;
	v22 =	vld [tilespmem:$0x40]  }
0x219: {  	v44 =	vsel vm3, $0x0, v38;
	v20 =	vadd.s32 v43, v20  }
0x21a: {  	v45 =	vsel vm10, $0x0, v39;
	v20 =	vadd.s32 v44, v20  }
0x21b: {  	v46 =	vsel vm8, $0x0, v40;
	v20 =	vadd.s32 v45, v20  }
0x21c: {  	v47 =	vor.u32 $0x30, v6;
	v20 =	vadd.s32 v46, v20  }
0x21d: {  	v21 =	vor.u32 v47, v0;
	[tilespmem:$0x130] =	vst v20  }
0x21e: {  	v48 =	vshrl.u32 v21, $0x1;
	[tilespmem:$0x230] =	vst v20  }
0x21f: {  	[tilespmem:$0x330] =	vst v48  }
0x220: {  	v20 =	vld.idx.msk [tilespmem:v22+s22+$0x0], $0xffff;
	[tilespmem:$0x400] =	vst v22  }
0x221: {  	v49 =	vld.idx.msk [tilespmem:v2+s7+$0x0], $0xffff  }
0x222: {  	v50 =	vld.idx.msk [tilespmem:v3+s7+$0x0], $0xffff  }
0x223: {  	v51 =	vld.idx.msk [tilespmem:v8+s7+$0x0], $0xffff  }
0x224: {  	v53 =	vld.idx.msk [tilespmem:v9+s7+$0x0], $0xffff  }
0x225: {  	[tilespmem:$0x1FFD0] =	vst v25;
	v54 =	vld.idx.msk [tilespmem:v10+s7+$0x0], $0xffff  }
0x226: {  	v39 =	vld [tilespmem:$0x1FFD0]  }
0x227: {  	v52 =	vld.idx.msk [tilespmem:v4+s7+$0x0], $0xffff  }
0x228: {  	vm12 =	vmmov vm13;
	vm9 =	vmmov vm8;
	vm13 =	vmmov vm3;
	v48 =	vld.idx.msk [tilespmem:v19+s7+$0x0], $0xffff  }
0x229: {  	vm7 =	veq.s32 v49, v22;
	vm8 =	veq.s32 v50, v22;
	vm3 =	veq.s32 v51, v22  }
0x22a: {  	vm14 =	veq.s32 v53, v22;
	vm15 =	veq.s32 v54, v22;
	v55 =	vsel vm7, $0x1, v1  }
0x22b: {  	v57 =	vld.idx.msk [tilespmem:v14+s7+$0x0], $0xffff;
	v56 =	vsel vm7, $0x2, v11;
	v58 =	vsel vm8, $0x1, v1;
	v59 =	vsel vm3, $0x1, v1  }
0x22c: {  	v60 =	vld.idx.msk [tilespmem:v5+s7+$0x0], $0xffff;
	vm7 =	veq.s32 v52, v22;
	vm8 =	veq.s32 v6, $0x0;
	v62 =	vsel vm14, $0x1, v1  }
0x22d: {  	v63 =	vld.idx.msk [tilespmem:v15+s7+$0x0], $0xffff;
	v44 =	vsel vm15, $0x1, v1;
	vm15 =	veq.s32 v48, v22;
	vm3 =	vnez.u8 v39  }
0x22e: {  	v45 =	vld.idx.msk [tilespmem:v18+s7+$0x0], $0xffff;
	v27 =	vsel vm8, $0x0, v55;
	v61 =	vsel vm7, $0x1, v1;
	v26 =	vsel vm1, $0x0, v58  }
0x22f: {  	v32 =	vsel vm4, $0x0, v59;
	vm7 =	vmmov vm4;
	v46 =	vsel vm5, $0x0, v62  }
0x230: {  	[tilespmem:$0x1FF80] =	vst v28;
	v47 =	vsel vm6, $0x0, v44;
	vm4 =	vmmov vm6;
	vm6 =	veq.s32 v57, v22  }
0x231: {  	v51 =	vld [tilespmem:$0x1FF80];
	vm8 =	veq.s32 v60, v22;
	v50 =	vadd.s32 v20, v56;
	v60 =	vsel vm15, $0x1, v1  }
0x232: {  	v53 =	vld.idx.msk [tilespmem:v17+s7+$0x0], $0xffff;
	v33 =	vsel vm2, $0x0, v61;
	v49 =	vsel vm6, $0x1, v1;
	v52 =	vsel vm8, $0x1, v1  }
0x233: {  	v24 =	vadd.s32 v58, v50;
	vm6 =	veq.s32 v63, v22;
	vm8 =	veq.s32 v45, v22  }
0x234: {  	v20 =	vadd.s32 v20, v27;
	v54 =	vsel vm11, $0x0, v52;
	v55 =	vadd.s32 v59, v24  }
0x235: {  	v57 =	vld.idx.msk [tilespmem:v16+s7+$0x0], $0xffff;
	v56 =	vsel vm6, $0x1, v1;
	v58 =	vsel vm8, $0x1, v1;
	v21 =	vadd.s32 v61, v55  }
0x236: {  	v63 =	vld.idx.msk [tilespmem:v12+s7+$0x0], $0xffff;
	v20 =	vadd.s32 v26, v20;
	vm14 =	vnez.u8 v51;
	v21 =	vadd.s32 v62, v21  }
0x237: {  	v59 =	vld [tilespmem:$0x1FF50];
	vm6 =	veq.s32 v53, v22;
	v20 =	vadd.s32 v32, v20;
	v21 =	vadd.s32 v44, v21  }
0x238: {  	v61 =	vld.idx.msk [tilespmem:v13+s7+$0x0], $0xffff;
	v25 =	vsel vm3, $0x0, v58;
	v28 =	vsel vm14, $0x0, v49;
	v21 =	vadd.s32 v49, v21  }
0x239: {  	v62 =	vsel vm6, $0x1, v1;
	v20 =	vadd.s32 v33, v20;
	v21 =	vadd.s32 v52, v21  }
0x23a: {  	vm15 =	veq.s32 v57, v22;
	v20 =	vadd.s32 v46, v20;
	v21 =	vadd.s32 v56, v21  }
0x23b: {  	v40 =	vld [tilespmem:$0x1FFE0];
	v32 =	vsel vm15, $0x1, v1;
	v20 =	vadd.s32 v47, v20;
	v21 =	vadd.s32 v58, v21  }
0x23c: {  	vm15 =	veq.s32 v63, v22;
	vm8 =	vnez.u8 v59;
	v21 =	vadd.s32 v60, v21  }
0x23d: {  	v20 =	vadd.s32 v28, v20;
	vm6 =	veq.s32 v61, v22;
	v21 =	vadd.s32 v62, v21  }
0x23e: {  	v38 =	vsel vm15, $0x1, v1;
	v36 =	vsel vm6, $0x1, v1;
	v21 =	vadd.s32 v32, v21  }
0x23f: {  	v23 =	vsel vm8, $0x0, v56;
	v20 =	vadd.s32 v54, v20;
	v21 =	vadd.s32 v36, v21  }
0x240: {  	v20 =	vadd.s32 v23, v20;
	vm6 =	vnez.u8 v40;
	v21 =	vadd.s32 v38, v21  }
0x241: {  	v23 =	vsel vm6, $0x0, v60;
	v20 =	vadd.s32 v25, v20;
	[tilespmem:v22+s22+$0x0] =	vst.idx.msk $0xffff, v21  }
0x242: {  	v41 =	vsel vm12, $0x0, v62;
	v20 =	vadd.s32 v23, v20;
	v22 =	vld [tilespmem:$0x50]  }
0x243: {  	v42 =	vsel vm13, $0x0, v32;
	v20 =	vadd.s32 v41, v20  }
0x244: {  	v43 =	vsel vm10, $0x0, v36;
	v20 =	vadd.s32 v42, v20  }
0x245: {  	v44 =	vsel vm9, $0x0, v38;
	v20 =	vadd.s32 v43, v20  }
0x246: {  	v45 =	vor.u32 $0x40, v6;
	v20 =	vadd.s32 v44, v20  }
0x247: {  	v21 =	vor.u32 v45, v0;
	[tilespmem:$0x140] =	vst v20  }
0x248: {  	[tilespmem:$0x240] =	vst v20;
	v46 =	vshrl.u32 v21, $0x1  }
0x249: {  	v42 =	vld [tilespmem:$0x1FFE0];
	[tilespmem:$0x340] =	vst v46  }
0x24a: {  	v20 =	vld.idx.msk [tilespmem:v22+s22+$0x0], $0xffff;
	[tilespmem:$0x400] =	vst v22  }
0x24b: {  	v47 =	vld.idx.msk [tilespmem:v2+s7+$0x0], $0xffff  }
0x24c: {  	v48 =	vld.idx.msk [tilespmem:v3+s7+$0x0], $0xffff  }
0x24d: {  	v49 =	vld.idx.msk [tilespmem:v8+s7+$0x0], $0xffff  }
0x24e: {  	v50 =	vld.idx.msk [tilespmem:v4+s7+$0x0], $0xffff  }
0x24f: {  	[tilespmem:$0x1FF60] =	vst v31;
	v51 =	vld.idx.msk [tilespmem:v9+s7+$0x0], $0xffff  }
0x250: {  	v60 =	vld [tilespmem:$0x1FF60]  }
0x251: {  	vm6 =	vmmov vm13;
	vm13 =	veq.s32 v6, $0x0;
	v52 =	vld.idx.msk [tilespmem:v10+s7+$0x0], $0xffff;
	vm15 =	veq.s32 v47, v22  }
0x252: {  	v55 =	vld.idx.msk [tilespmem:v14+s7+$0x0], $0xffff;
	vm10 =	veq.s32 v48, v22;
	vm1 =	veq.s32 v49, v22;
	v53 =	vsel vm15, $0x1, v1  }
0x253: {  	v54 =	vsel vm15, $0x2, v11;
	v56 =	vsel vm10, $0x1, v1;
	v57 =	vsel vm1, $0x1, v1  }
0x254: {  	v58 =	vld.idx.msk [tilespmem:v5+s7+$0x0], $0xffff;
	vm10 =	veq.s32 v50, v22;
	vm15 =	veq.s32 v51, v22;
	vm1 =	vnez.u8 v42  }
0x255: {  	v44 =	vld.idx.msk [tilespmem:v18+s7+$0x0], $0xffff;
	v27 =	vsel vm13, $0x0, v53;
	v59 =	vsel vm10, $0x1, v1;
	vm10 =	vnez.u8 v60  }
0x256: {  	v61 =	vsel vm15, $0x1, v1;
	vm13 =	veq.s32 v52, v22;
	v32 =	vsel vm7, $0x0, v57  }
0x257: {  	v62 =	vld.idx.msk [tilespmem:v15+s7+$0x0], $0xffff;
	vm15 =	veq.s32 v55, v22;
	v49 =	vadd.s32 v20, v54;
	v26 =	vsel vm10, $0x0, v56  }
0x258: {  	v33 =	vsel vm2, $0x0, v59;
	v63 =	vsel vm13, $0x1, v1;
	v45 =	vsel vm5, $0x0, v61  }
0x259: {  	v47 =	vld.idx.msk [tilespmem:v19+s7+$0x0], $0xffff;
	v48 =	vsel vm15, $0x1, v1;
	vm13 =	veq.s32 v58, v22;
	v24 =	vadd.s32 v56, v49  }
0x25a: {  	vm15 =	veq.s32 v44, v22;
	v20 =	vadd.s32 v20, v27;
	v46 =	vsel vm4, $0x0, v63  }
0x25b: {  	v50 =	vsel vm14, $0x0, v48;
	v51 =	vsel vm13, $0x1, v1;
	v55 =	vadd.s32 v57, v24  }
0x25c: {  	v52 =	vld.idx.msk [tilespmem:v17+s7+$0x0], $0xffff;
	vm14 =	veq.s32 v62, v22;
	v58 =	vsel vm15, $0x1, v1;
	v21 =	vadd.s32 v59, v55  }
0x25d: {  	v20 =	vadd.s32 v26, v20;
	v54 =	vsel vm11, $0x0, v51;
	v21 =	vadd.s32 v61, v21  }
0x25e: {  	v57 =	vld.idx.msk [tilespmem:v16+s7+$0x0], $0xffff;
	v56 =	vsel vm14, $0x1, v1;
	vm13 =	veq.s32 v47, v22;
	v21 =	vadd.s32 v63, v21  }
0x25f: {  	v20 =	vadd.s32 v32, v20;
	v59 =	vsel vm8, $0x0, v56;
	v61 =	vld.idx.msk [tilespmem:v13+s7+$0x0], $0xffff;
	v21 =	vadd.s32 v48, v21  }
0x260: {  	v60 =	vsel vm13, $0x1, v1;
	v20 =	vadd.s32 v33, v20;
	v63 =	vld.idx.msk [tilespmem:v12+s7+$0x0], $0xffff;
	v21 =	vadd.s32 v51, v21  }
0x261: {  	vm14 =	veq.s32 v52, v22;
	v20 =	vadd.s32 v45, v20;
	v21 =	vadd.s32 v56, v21  }
0x262: {  	v62 =	vsel vm14, $0x1, v1;
	v20 =	vadd.s32 v46, v20;
	v21 =	vadd.s32 v58, v21  }
0x263: {  	vm15 =	veq.s32 v57, v22;
	v20 =	vadd.s32 v50, v20;
	v21 =	vadd.s32 v60, v21  }
0x264: {  	v38 =	vsel vm15, $0x1, v1;
	vm13 =	veq.s32 v61, v22;
	v21 =	vadd.s32 v62, v21  }
0x265: {  	v45 =	vld [tilespmem:$0x1FF70];
	v39 =	vsel vm13, $0x1, v1;
	vm14 =	veq.s32 v63, v22;
	v21 =	vadd.s32 v38, v21  }
0x266: {  	v20 =	vadd.s32 v54, v20;
	v40 =	vsel vm14, $0x1, v1;
	v21 =	vadd.s32 v39, v21  }
0x267: {  	v41 =	vsel vm3, $0x0, v58;
	v20 =	vadd.s32 v59, v20;
	v21 =	vadd.s32 v40, v21  }
0x268: {  	v23 =	vsel vm1, $0x0, v60;
	v20 =	vadd.s32 v41, v20;
	[tilespmem:v22+s22+$0x0] =	vst.idx.msk $0xffff, v21  }
0x269: {  	v43 =	vsel vm12, $0x0, v62;
	v44 =	vsel vm6, $0x0, v38;
	v20 =	vadd.s32 v23, v20;
	v22 =	vld [tilespmem:$0x60]  }
0x26a: {  	vm13 =	vmmov vm12;
	vm12 =	vnez.u8 v45;
	v20 =	vadd.s32 v43, v20  }
0x26b: {  	v20 =	vadd.s32 v44, v20;
	v21 =	vsel vm12, $0x0, v39  }
0x26c: {  	v46 =	vsel vm9, $0x0, v40;
	v20 =	vadd.s32 v21, v20  }
0x26d: {  	v47 =	vor.u32 $0x50, v6;
	v20 =	vadd.s32 v46, v20  }
0x26e: {  	v21 =	vor.u32 v47, v0;
	[tilespmem:$0x150] =	vst v20  }
0x26f: {  	v48 =	vshrl.u32 v21, $0x1;
	[tilespmem:$0x250] =	vst v20  }
0x270: {  	[tilespmem:$0x350] =	vst v48  }
0x271: {  	v20 =	vld.idx.msk [tilespmem:v22+s22+$0x0], $0xffff;
	[tilespmem:$0x400] =	vst v22  }
0x272: {  	v49 =	vld.idx.msk [tilespmem:v2+s7+$0x0], $0xffff  }
0x273: {  	v50 =	vld.idx.msk [tilespmem:v3+s7+$0x0], $0xffff  }
0x274: {  	v51 =	vld.idx.msk [tilespmem:v8+s7+$0x0], $0xffff;
	_ =	sdelay $0x1  }
0x275: {  	v53 =	vimm.s32 $0x0;
	v52 =	vld.idx.msk [tilespmem:v4+s7+$0x0], $0xffff  }
0x276: {  	v25 =	vsel vm11, $0xFFFFFFFF, v53;
	v43 =	vimm.s32 $0x0;
	v53 =	vld.idx.msk [tilespmem:v9+s7+$0x0], $0xffff  }
0x277: {  	vm14 =	veq.s32 v6, $0x0;
	v33 =	vsel vm2, $0xFFFFFFFF, v43;
	v54 =	vld.idx.msk [tilespmem:v10+s7+$0x0], $0xffff;
	vm15 =	veq.s32 v49, v22  }
0x278: {  	vm0 =	veq.s32 v50, v22;
	vm3 =	veq.s32 v51, v22;
	v55 =	vsel vm15, $0x1, v1  }
0x279: {  	v60 =	vld.idx.msk [tilespmem:v5+s7+$0x0], $0xffff;
	v56 =	vsel vm15, $0x2, v11;
	v58 =	vsel vm0, $0x1, v1;
	v59 =	vsel vm3, $0x1, v1  }
0x27a: {  	v45 =	vld.idx.msk [tilespmem:v18+s7+$0x0], $0xffff;
	vm15 =	veq.s32 v52, v22;
	vm3 =	vmmov vm10;
	v27 =	vsel vm14, $0x0, v55  }
0x27b: {  	v57 =	vld.idx.msk [tilespmem:v14+s7+$0x0], $0xffff;
	v61 =	vsel vm15, $0x1, v1;
	vm15 =	veq.s32 v53, v22;
	v26 =	vsel vm10, $0x0, v58  }
0x27c: {  	vm10 =	veq.s32 v54, v22;
	v32 =	vsel vm7, $0x0, v59;
	vm14 =	vmmov vm2  }
0x27d: {  	[tilespmem:$0x1FFB0] =	vst v33;
	v48 =	vld.idx.msk [tilespmem:v19+s7+$0x0], $0xffff;
	v50 =	vadd.s32 v20, v56;
	v62 =	vsel vm15, $0x1, v1;
	v33 =	vsel vm2, $0x0, v61  }
0x27e: {  	v51 =	vld [tilespmem:$0x1FF80];
	v44 =	vsel vm10, $0x1, v1;
	vm2 =	vmmov vm5;
	vm10 =	veq.s32 v60, v22  }
0x27f: {  	v63 =	vld.idx.msk [tilespmem:v15+s7+$0x0], $0xffff;
	v24 =	vadd.s32 v58, v50;
	vm15 =	veq.s32 v45, v22;
	v20 =	vadd.s32 v20, v27  }
0x280: {  	v46 =	vsel vm5, $0x0, v62;
	v47 =	vsel vm4, $0x0, v44;
	vm5 =	veq.s32 v57, v22  }
0x281: {  	v52 =	vsel vm10, $0x1, v1;
	v55 =	vadd.s32 v59, v24;
	v58 =	vsel vm15, $0x1, v1  }
0x282: {  	v53 =	vld.idx.msk [tilespmem:v17+s7+$0x0], $0xffff;
	vm10 =	veq.s32 v48, v22;
	v20 =	vadd.s32 v26, v20;
	v49 =	vsel vm5, $0x1, v1  }
0x283: {  	vm5 =	vnez.u8 v51;
	v54 =	vsel vm11, $0x0, v52;
	v21 =	vadd.s32 v61, v55  }
0x284: {  	v57 =	vld.idx.msk [tilespmem:v16+s7+$0x0], $0xffff;
	vm11 =	veq.s32 v63, v22;
	v60 =	vsel vm10, $0x1, v1;
	v21 =	vadd.s32 v62, v21  }
0x285: {  	v61 =	vld.idx.msk [tilespmem:v13+s7+$0x0], $0xffff;
	v20 =	vadd.s32 v32, v20;
	v28 =	vsel vm5, $0x0, v49;
	v21 =	vadd.s32 v44, v21  }
0x286: {  	v63 =	vld.idx.msk [tilespmem:v12+s7+$0x0], $0xffff;
	v56 =	vsel vm11, $0x1, v1;
	v20 =	vadd.s32 v33, v20;
	v21 =	vadd.s32 v49, v21  }
0x287: {  	v59 =	vsel vm8, $0x0, v56;
	vm11 =	veq.s32 v53, v22;
	v21 =	vadd.s32 v52, v21  }
0x288: {  	v41 =	vld [tilespmem:$0x1FFD0];
	v20 =	vadd.s32 v46, v20;
	v62 =	vsel vm11, $0x1, v1;
	v21 =	vadd.s32 v56, v21  }
0x289: {  	v20 =	vadd.s32 v47, v20;
	vm15 =	veq.s32 v57, v22;
	v21 =	vadd.s32 v58, v21  }
0x28a: {  	v20 =	vadd.s32 v28, v20;
	v38 =	vsel vm15, $0x1, v1;
	v21 =	vadd.s32 v60, v21  }
0x28b: {  	vm10 =	veq.s32 v61, v22;
	vm11 =	veq.s32 v63, v22;
	v21 =	vadd.s32 v62, v21  }
0x28c: {  	v20 =	vadd.s32 v54, v20;
	v39 =	vsel vm10, $0x1, v1;
	v21 =	vadd.s32 v38, v21  }
0x28d: {  	v40 =	vsel vm11, $0x1, v1;
	vm11 =	vnez.u8 v41;
	v21 =	vadd.s32 v39, v21  }
0x28e: {  	[tilespmem:$0x1FF90] =	vst v25;
	v20 =	vadd.s32 v59, v20;
	v25 =	vsel vm11, $0x0, v58;
	v21 =	vadd.s32 v40, v21  }
0x28f: {  	v42 =	vsel vm1, $0x0, v60;
	v20 =	vadd.s32 v25, v20;
	[tilespmem:v22+s22+$0x0] =	vst.idx.msk $0xffff, v21  }
0x290: {  	v43 =	vsel vm13, $0x0, v62;
	v20 =	vadd.s32 v42, v20;
	v22 =	vld [tilespmem:$0x70]  }
0x291: {  	v44 =	vsel vm6, $0x0, v38;
	v20 =	vadd.s32 v43, v20  }
0x292: {  	v45 =	vsel vm12, $0x0, v39;
	v20 =	vadd.s32 v44, v20  }
0x293: {  	v46 =	vsel vm9, $0x0, v40;
	v20 =	vadd.s32 v45, v20  }
0x294: {  	v47 =	vor.u32 $0x60, v6;
	v20 =	vadd.s32 v46, v20  }
0x295: {  	v21 =	vor.u32 v47, v0;
	[tilespmem:$0x160] =	vst v20  }
0x296: {  	v48 =	vshrl.u32 v21, $0x1;
	[tilespmem:$0x260] =	vst v20  }
0x297: {  	[tilespmem:$0x360] =	vst v48  }
0x298: {  	v20 =	vld.idx.msk [tilespmem:v22+s22+$0x0], $0xffff;
	[tilespmem:$0x400] =	vst v22  }
0x299: {  	v49 =	vld.idx.msk [tilespmem:v2+s7+$0x0], $0xffff  }
0x29a: {  	v50 =	vld.idx.msk [tilespmem:v3+s7+$0x0], $0xffff  }
0x29b: {  	v51 =	vld.idx.msk [tilespmem:v8+s7+$0x0], $0xffff  }
0x29c: {  	v52 =	vld.idx.msk [tilespmem:v4+s7+$0x0], $0xffff;
	_ =	sdelay $0x1  }
0x29d: {  	v53 =	vld.idx.msk [tilespmem:v9+s7+$0x0], $0xffff  }
0x29e: {  	vm1 =	vmmov vm9;
	v57 =	vld.idx.msk [tilespmem:v14+s7+$0x0], $0xffff  }
0x29f: {  	vm10 =	vmmov vm12;
	v54 =	vld.idx.msk [tilespmem:v10+s7+$0x0], $0xffff;
	vm15 =	veq.s32 v49, v22;
	vm0 =	veq.s32 v50, v22  }
0x2a0: {  	v60 =	vld.idx.msk [tilespmem:v5+s7+$0x0], $0xffff;
	vm9 =	veq.s32 v51, v22;
	vm12 =	veq.s32 v52, v22;
	v55 =	vsel vm15, $0x1, v1  }
0x2a1: {  	v63 =	vld.idx.msk [tilespmem:v15+s7+$0x0], $0xffff;
	v56 =	vsel vm15, $0x2, v11;
	v58 =	vsel vm0, $0x1, v1;
	v59 =	vsel vm9, $0x1, v1  }
0x2a2: {  	vm15 =	veq.s32 v6, $0x0;
	v61 =	vsel vm12, $0x1, v1;
	vm12 =	veq.s32 v53, v22  }
0x2a3: {  	v45 =	vld.idx.msk [tilespmem:v18+s7+$0x0], $0xffff;
	vm9 =	veq.s32 v57, v22;
	v27 =	vsel vm15, $0x0, v55;
	v26 =	vsel vm3, $0x0, v58  }
0x2a4: {  	v48 =	vld.idx.msk [tilespmem:v19+s7+$0x0], $0xffff;
	v62 =	vsel vm12, $0x1, v1;
	vm15 =	veq.s32 v54, v22;
	v32 =	vsel vm7, $0x0, v59  }
0x2a5: {  	v33 =	vsel vm14, $0x0, v61;
	v49 =	vsel vm9, $0x1, v1;
	vm12 =	veq.s32 v60, v22  }
0x2a6: {  	v50 =	vadd.s32 v20, v56;
	vm14 =	veq.s32 v63, v22;
	v44 =	vsel vm15, $0x1, v1  }
0x2a7: {  	v46 =	vsel vm2, $0x0, v62;
	v51 =	vsel vm5, $0x0, v49;
	v52 =	vsel vm12, $0x1, v1  }
0x2a8: {  	v53 =	vld.idx.msk [tilespmem:v17+s7+$0x0], $0xffff;
	v24 =	vadd.s32 v58, v50;
	v56 =	vsel vm14, $0x1, v1;
	vm15 =	veq.s32 v45, v22  }
0x2a9: {  	v57 =	vld.idx.msk [tilespmem:v16+s7+$0x0], $0xffff;
	vm12 =	veq.s32 v48, v22;
	v20 =	vadd.s32 v20, v27;
	v55 =	vadd.s32 v59, v24  }
0x2aa: {  	v54 =	vld [tilespmem:$0x1FF90];
	v47 =	vsel vm4, $0x0, v44;
	v58 =	vsel vm15, $0x1, v1;
	v21 =	vadd.s32 v61, v55  }
0x2ab: {  	v59 =	vsel vm8, $0x0, v56;
	v20 =	vadd.s32 v26, v20;
	v21 =	vadd.s32 v62, v21  }
0x2ac: {  	v63 =	vld.idx.msk [tilespmem:v12+s7+$0x0], $0xffff;
	v60 =	vsel vm12, $0x1, v1;
	v20 =	vadd.s32 v32, v20;
	v21 =	vadd.s32 v44, v21  }
0x2ad: {  	v61 =	vld.idx.msk [tilespmem:v13+s7+$0x0], $0xffff;
	v41 =	vsel vm11, $0x0, v58;
	vm14 =	veq.s32 v53, v22;
	v21 =	vadd.s32 v49, v21  }
0x2ae: {  	vm15 =	veq.s32 v57, v22;
	v20 =	vadd.s32 v33, v20;
	v21 =	vadd.s32 v52, v21  }
0x2af: {  	vm9 =	vnez.u8 v54;
	v62 =	vsel vm14, $0x1, v1;
	v21 =	vadd.s32 v56, v21  }
0x2b0: {  	v42 =	vld [tilespmem:$0x1FFE0];
	v38 =	vsel vm15, $0x1, v1;
	v20 =	vadd.s32 v46, v20;
	v21 =	vadd.s32 v58, v21  }
0x2b1: {  	vm14 =	veq.s32 v63, v22;
	v25 =	vsel vm9, $0x0, v52;
	v21 =	vadd.s32 v60, v21  }
0x2b2: {  	v20 =	vadd.s32 v47, v20;
	vm12 =	veq.s32 v61, v22;
	v21 =	vadd.s32 v62, v21  }
0x2b3: {  	v20 =	vadd.s32 v51, v20;
	v39 =	vsel vm12, $0x1, v1;
	v21 =	vadd.s32 v38, v21  }
0x2b4: {  	v40 =	vsel vm14, $0x1, v1;
	v20 =	vadd.s32 v25, v20;
	v21 =	vadd.s32 v39, v21  }
0x2b5: {  	vm14 =	vnez.u8 v42;
	v20 =	vadd.s32 v59, v20;
	v21 =	vadd.s32 v40, v21  }
0x2b6: {  	v23 =	vsel vm14, $0x0, v60;
	v20 =	vadd.s32 v41, v20;
	[tilespmem:v22+s22+$0x0] =	vst.idx.msk $0xffff, v21  }
0x2b7: {  	v43 =	vsel vm13, $0x0, v62;
	v20 =	vadd.s32 v23, v20;
	v22 =	vld [tilespmem:$0x80]  }
0x2b8: {  	v44 =	vsel vm6, $0x0, v38;
	v20 =	vadd.s32 v43, v20  }
0x2b9: {  	v45 =	vsel vm10, $0x0, v39;
	v20 =	vadd.s32 v44, v20  }
0x2ba: {  	v46 =	vsel vm1, $0x0, v40;
	v20 =	vadd.s32 v45, v20  }
0x2bb: {  	v47 =	vor.u32 $0x70, v6;
	v20 =	vadd.s32 v46, v20  }
0x2bc: {  	v21 =	vor.u32 v47, v0;
	[tilespmem:$0x170] =	vst v20  }
0x2bd: {  	[tilespmem:$0x270] =	vst v20;
	v48 =	vshrl.u32 v21, $0x1  }
0x2be: {  	[tilespmem:$0x370] =	vst v48  }
0x2bf: {  	v20 =	vld.idx.msk [tilespmem:v22+s22+$0x0], $0xffff;
	[tilespmem:$0x400] =	vst v22  }
0x2c0: {  	v49 =	vld.idx.msk [tilespmem:v2+s7+$0x0], $0xffff  }
0x2c1: {  	v50 =	vld.idx.msk [tilespmem:v3+s7+$0x0], $0xffff  }
0x2c2: {  	v51 =	vld.idx.msk [tilespmem:v8+s7+$0x0], $0xffff  }
0x2c3: {  	v43 =	vld [tilespmem:$0x1FFB0]  }
0x2c4: {  	v52 =	vld.idx.msk [tilespmem:v4+s7+$0x0], $0xffff  }
0x2c5: {  	v53 =	vld.idx.msk [tilespmem:v9+s7+$0x0], $0xffff  }
0x2c6: {  	vm12 =	vmmov vm11;
	v54 =	vld.idx.msk [tilespmem:v10+s7+$0x0], $0xffff;
	vm15 =	veq.s32 v49, v22;
	vm11 =	veq.s32 v50, v22  }
0x2c7: {  	v57 =	vld.idx.msk [tilespmem:v14+s7+$0x0], $0xffff;
	vm1 =	veq.s32 v51, v22;
	v55 =	vsel vm15, $0x1, v1;
	v56 =	vsel vm15, $0x2, v11  }
0x2c8: {  	v60 =	vld.idx.msk [tilespmem:v5+s7+$0x0], $0xffff;
	v58 =	vsel vm11, $0x1, v1;
	v59 =	vsel vm1, $0x1, v1;
	vm15 =	veq.s32 v6, $0x0  }
0x2c9: {  	vm11 =	veq.s32 v52, v22;
	vm1 =	vnez.u8 v43;
	v27 =	vsel vm15, $0x0, v55  }
0x2ca: {  	v61 =	vsel vm11, $0x1, v1;
	vm11 =	veq.s32 v53, v22;
	v26 =	vsel vm3, $0x0, v58  }
0x2cb: {  	v45 =	vld.idx.msk [tilespmem:v18+s7+$0x0], $0xffff;
	vm15 =	veq.s32 v54, v22;
	v32 =	vsel vm7, $0x0, v59;
	v50 =	vadd.s32 v20, v56  }
0x2cc: {  	v62 =	vsel vm11, $0x1, v1;
	v33 =	vsel vm1, $0x0, v61;
	v44 =	vsel vm15, $0x1, v1  }
0x2cd: {  	v63 =	vld.idx.msk [tilespmem:v15+s7+$0x0], $0xffff;
	vm11 =	veq.s32 v57, v22;
	vm15 =	veq.s32 v60, v22;
	v24 =	vadd.s32 v58, v50  }
0x2ce: {  	v20 =	vadd.s32 v20, v27;
	v46 =	vsel vm2, $0x0, v62;
	v47 =	vsel vm4, $0x0, v44  }
0x2cf: {  	v48 =	vld.idx.msk [tilespmem:v19+s7+$0x0], $0xffff;
	v49 =	vsel vm11, $0x1, v1;
	v52 =	vsel vm15, $0x1, v1;
	vm11 =	vmmov vm9  }
0x2d0: {  	v55 =	vadd.s32 v59, v24;
	vm15 =	veq.s32 v45, v22;
	v20 =	vadd.s32 v26, v20  }
0x2d1: {  	v53 =	vld.idx.msk [tilespmem:v17+s7+$0x0], $0xffff;
	v51 =	vsel vm5, $0x0, v49;
	v54 =	vsel vm9, $0x0, v52;
	v21 =	vadd.s32 v61, v55  }
0x2d2: {  	v57 =	vld.idx.msk [tilespmem:v16+s7+$0x0], $0xffff;
	vm9 =	veq.s32 v63, v22;
	v58 =	vsel vm15, $0x1, v1;
	v21 =	vadd.s32 v62, v21  }
0x2d3: {  	v20 =	vadd.s32 v32, v20;
	v56 =	vsel vm9, $0x1, v1;
	v21 =	vadd.s32 v44, v21  }
0x2d4: {  	v61 =	vld.idx.msk [tilespmem:v13+s7+$0x0], $0xffff;
	vm9 =	veq.s32 v48, v22;
	v20 =	vadd.s32 v33, v20;
	v21 =	vadd.s32 v49, v21  }
0x2d5: {  	v63 =	vld.idx.msk [tilespmem:v12+s7+$0x0], $0xffff;
	v59 =	vsel vm8, $0x0, v56;
	v60 =	vsel vm9, $0x1, v1;
	v21 =	vadd.s32 v52, v21  }
0x2d6: {  	vm15 =	veq.s32 v53, v22;
	v20 =	vadd.s32 v46, v20;
	v21 =	vadd.s32 v56, v21  }
0x2d7: {  	v62 =	vsel vm15, $0x1, v1;
	vm9 =	veq.s32 v57, v22;
	v21 =	vadd.s32 v58, v21  }
0x2d8: {  	v20 =	vadd.s32 v47, v20;
	v38 =	vsel vm9, $0x1, v1;
	v21 =	vadd.s32 v60, v21  }
0x2d9: {  	v20 =	vadd.s32 v51, v20;
	vm15 =	veq.s32 v61, v22;
	v21 =	vadd.s32 v62, v21  }
0x2da: {  	vm9 =	veq.s32 v63, v22;
	v39 =	vsel vm15, $0x1, v1;
	v21 =	vadd.s32 v38, v21  }
0x2db: {  	v46 =	vld [tilespmem:$0x1FFA0];
	v20 =	vadd.s32 v54, v20;
	v40 =	vsel vm9, $0x1, v1;
	v21 =	vadd.s32 v39, v21  }
0x2dc: {  	v41 =	vsel vm12, $0x0, v58;
	v20 =	vadd.s32 v59, v20;
	v21 =	vadd.s32 v40, v21  }
0x2dd: {  	v42 =	vsel vm14, $0x0, v60;
	v20 =	vadd.s32 v41, v20;
	[tilespmem:v22+s22+$0x0] =	vst.idx.msk $0xffff, v21  }
0x2de: {  	v43 =	vsel vm13, $0x0, v62;
	v20 =	vadd.s32 v42, v20;
	v22 =	vld [tilespmem:$0x90]  }
0x2df: {  	v44 =	vsel vm6, $0x0, v38;
	v20 =	vadd.s32 v43, v20  }
0x2e0: {  	v45 =	vsel vm10, $0x0, v39;
	vm9 =	vnez.u8 v46;
	v20 =	vadd.s32 v44, v20  }
0x2e1: {  	v23 =	vsel vm9, $0x0, v40;
	v20 =	vadd.s32 v45, v20  }
0x2e2: {  	v47 =	vor.u32 $0x80, v6;
	v20 =	vadd.s32 v23, v20  }
0x2e3: {  	v21 =	vor.u32 v47, v0;
	[tilespmem:$0x180] =	vst v20  }
0x2e4: {  	[tilespmem:$0x280] =	vst v20;
	v48 =	vshrl.u32 v21, $0x1  }
0x2e5: {  	[tilespmem:$0x380] =	vst v48  }
0x2e6: {  	v20 =	vld.idx.msk [tilespmem:v22+s22+$0x0], $0xffff;
	[tilespmem:$0x400] =	vst v22  }
0x2e7: {  	v49 =	vld.idx.msk [tilespmem:v2+s7+$0x0], $0xffff  }
0x2e8: {  	v50 =	vld.idx.msk [tilespmem:v3+s7+$0x0], $0xffff  }
0x2e9: {  	v51 =	vld.idx.msk [tilespmem:v8+s7+$0x0], $0xffff  }
0x2ea: {  	v52 =	vld.idx.msk [tilespmem:v4+s7+$0x0], $0xffff;
	_ =	sdelay $0x1  }
0x2eb: {  	v53 =	vld.idx.msk [tilespmem:v9+s7+$0x0], $0xffff;
	vm15 =	veq.s32 v49, v22  }
0x2ec: {  	vm0 =	veq.s32 v50, v22;
	v55 =	vsel vm15, $0x1, v1  }
0x2ed: {  	v54 =	vld.idx.msk [tilespmem:v10+s7+$0x0], $0xffff;
	v56 =	vsel vm15, $0x2, v11;
	vm15 =	veq.s32 v51, v22;
	v58 =	vsel vm0, $0x1, v1  }
0x2ee: {  	v57 =	vld.idx.msk [tilespmem:v14+s7+$0x0], $0xffff;
	vm0 =	veq.s32 v52, v22;
	v59 =	vsel vm15, $0x1, v1;
	vm15 =	veq.s32 v6, $0x0  }
0x2ef: {  	v61 =	vsel vm0, $0x1, v1;
	v26 =	vsel vm3, $0x0, v58;
	v50 =	vadd.s32 v20, v56  }
0x2f0: {  	v60 =	vld.idx.msk [tilespmem:v5+s7+$0x0], $0xffff;
	v27 =	vsel vm15, $0x0, v55;
	vm15 =	veq.s32 v53, v22;
	v32 =	vsel vm7, $0x0, v59  }
0x2f1: {  	v33 =	vsel vm1, $0x0, v61;
	v24 =	vadd.s32 v58, v50;
	v62 =	vsel vm15, $0x1, v1  }
0x2f2: {  	v63 =	vld.idx.msk [tilespmem:v15+s7+$0x0], $0xffff;
	vm15 =	veq.s32 v54, v22;
	v55 =	vadd.s32 v59, v24;
	v20 =	vadd.s32 v20, v27  }
0x2f3: {  	v45 =	vld.idx.msk [tilespmem:v18+s7+$0x0], $0xffff;
	v44 =	vsel vm15, $0x1, v1;
	v46 =	vsel vm2, $0x0, v62;
	vm15 =	veq.s32 v57, v22  }
0x2f4: {  	v21 =	vadd.s32 v61, v55;
	v20 =	vadd.s32 v26, v20;
	v47 =	vsel vm4, $0x0, v44  }
0x2f5: {  	v48 =	vld.idx.msk [tilespmem:v19+s7+$0x0], $0xffff;
	v49 =	vsel vm15, $0x1, v1;
	vm15 =	veq.s32 v60, v22;
	v21 =	vadd.s32 v62, v21  }
0x2f6: {  	v20 =	vadd.s32 v32, v20;
	v51 =	vsel vm5, $0x0, v49;
	v52 =	vsel vm15, $0x1, v1  }
0x2f7: {  	v53 =	vld.idx.msk [tilespmem:v17+s7+$0x0], $0xffff;
	vm15 =	veq.s32 v63, v22;
	v21 =	vadd.s32 v44, v21;
	v20 =	vadd.s32 v33, v20  }
0x2f8: {  	v57 =	vld.idx.msk [tilespmem:v16+s7+$0x0], $0xffff;
	v54 =	vsel vm11, $0x0, v52;
	v56 =	vsel vm15, $0x1, v1;
	vm15 =	veq.s32 v45, v22  }
0x2f9: {  	v61 =	vld.idx.msk [tilespmem:v13+s7+$0x0], $0xffff;
	v21 =	vadd.s32 v49, v21;
	v20 =	vadd.s32 v46, v20;
	v58 =	vsel vm15, $0x1, v1  }
0x2fa: {  	v63 =	vld.idx.msk [tilespmem:v12+s7+$0x0], $0xffff;
	vm15 =	veq.s32 v48, v22;
	v59 =	vsel vm8, $0x0, v56;
	v21 =	vadd.s32 v52, v21  }
0x2fb: {  	v20 =	vadd.s32 v47, v20;
	v60 =	vsel vm15, $0x1, v1;
	v21 =	vadd.s32 v56, v21  }
0x2fc: {  	vm15 =	veq.s32 v53, v22;
	v20 =	vadd.s32 v51, v20;
	v21 =	vadd.s32 v58, v21  }
0x2fd: {  	v62 =	vsel vm15, $0x1, v1;
	vm15 =	veq.s32 v57, v22;
	v21 =	vadd.s32 v60, v21  }
0x2fe: {  	v32 =	vsel vm15, $0x1, v1;
	vm15 =	veq.s32 v61, v22;
	v21 =	vadd.s32 v62, v21  }
0x2ff: {  	v38 =	vsel vm15, $0x1, v1;
	vm15 =	veq.s32 v63, v22;
	v21 =	vadd.s32 v32, v21  }
0x300: {  	v20 =	vadd.s32 v54, v20;
	v39 =	vsel vm15, $0x1, v1;
	v21 =	vadd.s32 v38, v21  }
0x301: {  	v40 =	vsel vm12, $0x0, v58;
	v20 =	vadd.s32 v59, v20;
	v21 =	vadd.s32 v39, v21  }
0x302: {  	v41 =	vsel vm14, $0x0, v60;
	v20 =	vadd.s32 v40, v20;
	[tilespmem:v22+s22+$0x0] =	vst.idx.msk $0xffff, v21  }
0x303: {  	v42 =	vsel vm13, $0x0, v62;
	v20 =	vadd.s32 v41, v20;
	v22 =	vld [tilespmem:$0xA0]  }
0x304: {  	v43 =	vsel vm6, $0x0, v32;
	v20 =	vadd.s32 v42, v20  }
0x305: {  	v44 =	vsel vm10, $0x0, v38;
	v20 =	vadd.s32 v43, v20  }
0x306: {  	v45 =	vsel vm9, $0x0, v39;
	v20 =	vadd.s32 v44, v20  }
0x307: {  	v46 =	vor.u32 $0x90, v6;
	v20 =	vadd.s32 v45, v20  }
0x308: {  	v21 =	vor.u32 v46, v0;
	[tilespmem:$0x190] =	vst v20  }
0x309: {  	v47 =	vshrl.u32 v21, $0x1;
	[tilespmem:$0x290] =	vst v20  }
0x30a: {  	[tilespmem:$0x390] =	vst v47  }
0x30b: {  	v20 =	vld.idx.msk [tilespmem:v22+s22+$0x0], $0xffff;
	[tilespmem:$0x400] =	vst v22  }
0x30c: {  	v48 =	vld.idx.msk [tilespmem:v2+s7+$0x0], $0xffff  }
0x30d: {  	v49 =	vld.idx.msk [tilespmem:v3+s7+$0x0], $0xffff  }
0x30e: {  	v50 =	vld.idx.msk [tilespmem:v8+s7+$0x0], $0xffff  }
0x30f: {  	v51 =	vld.idx.msk [tilespmem:v4+s7+$0x0], $0xffff;
	_ =	sdelay $0x1  }
0x310: {  	v52 =	vld.idx.msk [tilespmem:v9+s7+$0x0], $0xffff;
	vm15 =	veq.s32 v48, v22  }
0x311: {  	vm0 =	veq.s32 v49, v22;
	v54 =	vsel vm15, $0x1, v1  }
0x312: {  	v53 =	vld.idx.msk [tilespmem:v10+s7+$0x0], $0xffff;
	v55 =	vsel vm15, $0x2, v11;
	vm15 =	veq.s32 v50, v22;
	v57 =	vsel vm0, $0x1, v1  }
0x313: {  	v56 =	vld.idx.msk [tilespmem:v14+s7+$0x0], $0xffff;
	vm0 =	veq.s32 v51, v22;
	v58 =	vsel vm15, $0x1, v1;
	vm15 =	veq.s32 v6, $0x0  }
0x314: {  	v60 =	vsel vm0, $0x1, v1;
	v26 =	vsel vm3, $0x0, v57;
	v50 =	vadd.s32 v20, v55  }
0x315: {  	v59 =	vld.idx.msk [tilespmem:v5+s7+$0x0], $0xffff;
	v27 =	vsel vm15, $0x0, v54;
	vm15 =	veq.s32 v52, v22;
	v32 =	vsel vm7, $0x0, v58  }
0x316: {  	v33 =	vsel vm1, $0x0, v60;
	v24 =	vadd.s32 v57, v50;
	v61 =	vsel vm15, $0x1, v1  }
0x317: {  	v62 =	vld.idx.msk [tilespmem:v15+s7+$0x0], $0xffff;
	vm15 =	veq.s32 v53, v22;
	v55 =	vadd.s32 v58, v24;
	v20 =	vadd.s32 v20, v27  }
0x318: {  	v44 =	vld.idx.msk [tilespmem:v18+s7+$0x0], $0xffff;
	v63 =	vsel vm15, $0x1, v1;
	v46 =	vsel vm2, $0x0, v61;
	vm15 =	veq.s32 v56, v22  }
0x319: {  	v21 =	vadd.s32 v60, v55;
	v20 =	vadd.s32 v26, v20;
	v47 =	vsel vm4, $0x0, v63  }
0x31a: {  	v48 =	vld.idx.msk [tilespmem:v19+s7+$0x0], $0xffff;
	v49 =	vsel vm15, $0x1, v1;
	vm15 =	veq.s32 v59, v22;
	v21 =	vadd.s32 v61, v21  }
0x31b: {  	v20 =	vadd.s32 v32, v20;
	v51 =	vsel vm5, $0x0, v49;
	v52 =	vsel vm15, $0x1, v1  }
0x31c: {  	v53 =	vld.idx.msk [tilespmem:v17+s7+$0x0], $0xffff;
	vm15 =	veq.s32 v62, v22;
	v21 =	vadd.s32 v63, v21;
	v20 =	vadd.s32 v33, v20  }
0x31d: {  	v57 =	vld.idx.msk [tilespmem:v16+s7+$0x0], $0xffff;
	v54 =	vsel vm11, $0x0, v52;
	v56 =	vsel vm15, $0x1, v1;
	vm15 =	veq.s32 v44, v22  }
0x31e: {  	v61 =	vld.idx.msk [tilespmem:v13+s7+$0x0], $0xffff;
	v21 =	vadd.s32 v49, v21;
	v20 =	vadd.s32 v46, v20;
	v58 =	vsel vm15, $0x1, v1  }
0x31f: {  	v63 =	vld.idx.msk [tilespmem:v12+s7+$0x0], $0xffff;
	vm15 =	veq.s32 v48, v22;
	v59 =	vsel vm8, $0x0, v56;
	v21 =	vadd.s32 v52, v21  }
0x320: {  	v20 =	vadd.s32 v47, v20;
	v60 =	vsel vm15, $0x1, v1;
	v21 =	vadd.s32 v56, v21  }
0x321: {  	vm15 =	veq.s32 v53, v22;
	v20 =	vadd.s32 v51, v20;
	v21 =	vadd.s32 v58, v21  }
0x322: {  	v62 =	vsel vm15, $0x1, v1;
	vm15 =	veq.s32 v57, v22;
	v21 =	vadd.s32 v60, v21  }
0x323: {  	v38 =	vsel vm15, $0x1, v1;
	vm15 =	veq.s32 v61, v22;
	v21 =	vadd.s32 v62, v21  }
0x324: {  	v39 =	vsel vm15, $0x1, v1;
	vm15 =	veq.s32 v63, v22;
	v21 =	vadd.s32 v38, v21  }
0x325: {  	v20 =	vadd.s32 v54, v20;
	v40 =	vsel vm15, $0x1, v1;
	v21 =	vadd.s32 v39, v21  }
0x326: {  	v41 =	vsel vm12, $0x0, v58;
	v20 =	vadd.s32 v59, v20;
	v21 =	vadd.s32 v40, v21  }
0x327: {  	v42 =	vsel vm14, $0x0, v60;
	v20 =	vadd.s32 v41, v20;
	[tilespmem:v22+s22+$0x0] =	vst.idx.msk $0xffff, v21  }
0x328: {  	v43 =	vsel vm13, $0x0, v62;
	v20 =	vadd.s32 v42, v20;
	v22 =	vld [tilespmem:$0xB0]  }
0x329: {  	v45 =	vimm.s32 $0x0;
	v44 =	vsel vm6, $0x0, v38;
	v20 =	vadd.s32 v43, v20  }
0x32a: {  	v36 =	vsel vm2, $0xFFFFFFFF, v45;
	v45 =	vsel vm10, $0x0, v39;
	v20 =	vadd.s32 v44, v20  }
0x32b: {  	v46 =	vsel vm9, $0x0, v40;
	v20 =	vadd.s32 v45, v20  }
0x32c: {  	v47 =	vor.u32 $0xA0, v6;
	v20 =	vadd.s32 v46, v20  }
0x32d: {  	v21 =	vor.u32 v47, v0;
	[tilespmem:$0x1A0] =	vst v20  }
0x32e: {  	v48 =	vshrl.u32 v21, $0x1;
	[tilespmem:$0x2A0] =	vst v20  }
0x32f: {  	[tilespmem:$0x3A0] =	vst v48  }
0x330: {  	v20 =	vld.idx.msk [tilespmem:v22+s22+$0x0], $0xffff;
	[tilespmem:$0x400] =	vst v22  }
0x331: {  	v49 =	vld.idx.msk [tilespmem:v2+s7+$0x0], $0xffff  }
0x332: {  	v50 =	vld.idx.msk [tilespmem:v3+s7+$0x0], $0xffff  }
0x333: {  	v51 =	vld.idx.msk [tilespmem:v8+s7+$0x0], $0xffff  }
0x334: {  	v52 =	vld.idx.msk [tilespmem:v4+s7+$0x0], $0xffff  }
0x335: {  	v53 =	vld.idx.msk [tilespmem:v9+s7+$0x0], $0xffff  }
0x336: {  	vm1 =	vmmov vm12;
	v43 =	vld [tilespmem:$0x1FFB0]  }
0x337: {  	vm12 =	vmmov vm13;
	vm13 =	vmmov vm6;
	v54 =	vld.idx.msk [tilespmem:v10+s7+$0x0], $0xffff;
	vm15 =	veq.s32 v49, v22  }
0x338: {  	vm0 =	veq.s32 v50, v22;
	vm6 =	veq.s32 v51, v22;
	v55 =	vsel vm15, $0x1, v1  }
0x339: {  	v57 =	vld.idx.msk [tilespmem:v14+s7+$0x0], $0xffff;
	v56 =	vsel vm15, $0x2, v11;
	v58 =	vsel vm0, $0x1, v1;
	v59 =	vsel vm6, $0x1, v1  }
0x33a: {  	vm0 =	veq.s32 v52, v22;
	vm15 =	veq.s32 v6, $0x0;
	vm6 =	veq.s32 v53, v22  }
0x33b: {  	v60 =	vld.idx.msk [tilespmem:v5+s7+$0x0], $0xffff;
	v27 =	vsel vm15, $0x0, v55;
	v61 =	vsel vm0, $0x1, v1;
	v26 =	vsel vm3, $0x0, v58  }
0x33c: {  	v62 =	vsel vm6, $0x1, v1;
	vm15 =	veq.s32 v54, v22;
	vm6 =	vnez.u8 v43  }
0x33d: {  	v63 =	vld.idx.msk [tilespmem:v15+s7+$0x0], $0xffff;
	v32 =	vsel vm7, $0x0, v59;
	v50 =	vadd.s32 v20, v56;
	v33 =	vsel vm6, $0x0, v61  }
0x33e: {  	v44 =	vsel vm15, $0x1, v1;
	v46 =	vsel vm2, $0x0, v62;
	vm15 =	veq.s32 v57, v22  }
0x33f: {  	v45 =	vld.idx.msk [tilespmem:v18+s7+$0x0], $0xffff;
	v24 =	vadd.s32 v58, v50;
	v20 =	vadd.s32 v20, v27;
	v47 =	vsel vm4, $0x0, v44  }
0x340: {  	v48 =	vld.idx.msk [tilespmem:v19+s7+$0x0], $0xffff;
	v49 =	vsel vm15, $0x1, v1;
	vm15 =	veq.s32 v60, v22;
	v55 =	vadd.s32 v59, v24  }
0x341: {  	v20 =	vadd.s32 v26, v20;
	v51 =	vsel vm5, $0x0, v49;
	v52 =	vsel vm15, $0x1, v1  }
0x342: {  	v53 =	vld.idx.msk [tilespmem:v17+s7+$0x0], $0xffff;
	vm15 =	veq.s32 v63, v22;
	v21 =	vadd.s32 v61, v55;
	v20 =	vadd.s32 v32, v20  }
0x343: {  	v54 =	vsel vm11, $0x0, v52;
	v56 =	vsel vm15, $0x1, v1;
	v21 =	vadd.s32 v62, v21  }
0x344: {  	v57 =	vld.idx.msk [tilespmem:v16+s7+$0x0], $0xffff;
	vm15 =	veq.s32 v45, v22;
	v20 =	vadd.s32 v33, v20;
	v21 =	vadd.s32 v44, v21  }
0x345: {  	v61 =	vld.idx.msk [tilespmem:v13+s7+$0x0], $0xffff;
	v58 =	vsel vm15, $0x1, v1;
	vm15 =	veq.s32 v48, v22;
	v21 =	vadd.s32 v49, v21  }
0x346: {  	v63 =	vld.idx.msk [tilespmem:v12+s7+$0x0], $0xffff;
	v59 =	vsel vm8, $0x0, v56;
	v20 =	vadd.s32 v46, v20;
	v21 =	vadd.s32 v52, v21  }
0x347: {  	v60 =	vsel vm15, $0x1, v1;
	vm15 =	veq.s32 v53, v22;
	v21 =	vadd.s32 v56, v21  }
0x348: {  	v20 =	vadd.s32 v47, v20;
	v62 =	vsel vm15, $0x1, v1;
	v21 =	vadd.s32 v58, v21  }
0x349: {  	vm15 =	veq.s32 v57, v22;
	v20 =	vadd.s32 v51, v20;
	v21 =	vadd.s32 v60, v21  }
0x34a: {  	v38 =	vsel vm15, $0x1, v1;
	vm15 =	veq.s32 v61, v22;
	v21 =	vadd.s32 v62, v21  }
0x34b: {  	v39 =	vsel vm15, $0x1, v1;
	vm15 =	veq.s32 v63, v22;
	v21 =	vadd.s32 v38, v21  }
0x34c: {  	v20 =	vadd.s32 v54, v20;
	v40 =	vsel vm15, $0x1, v1;
	v21 =	vadd.s32 v39, v21  }
0x34d: {  	v41 =	vsel vm1, $0x0, v58;
	v20 =	vadd.s32 v59, v20;
	v21 =	vadd.s32 v40, v21  }
0x34e: {  	v42 =	vsel vm14, $0x0, v60;
	v20 =	vadd.s32 v41, v20;
	[tilespmem:v22+s22+$0x0] =	vst.idx.msk $0xffff, v21  }
0x34f: {  	v43 =	vsel vm12, $0x0, v62;
	v20 =	vadd.s32 v42, v20;
	v22 =	vld [tilespmem:$0xC0]  }
0x350: {  	v44 =	vsel vm13, $0x0, v38;
	v20 =	vadd.s32 v43, v20  }
0x351: {  	v45 =	vsel vm10, $0x0, v39;
	v20 =	vadd.s32 v44, v20  }
0x352: {  	v46 =	vsel vm9, $0x0, v40;
	v20 =	vadd.s32 v45, v20  }
0x353: {  	v47 =	vor.u32 $0xB0, v6;
	v20 =	vadd.s32 v46, v20  }
0x354: {  	v21 =	vor.u32 v47, v0;
	[tilespmem:$0x1B0] =	vst v20  }
0x355: {  	[tilespmem:$0x2B0] =	vst v20;
	v48 =	vshrl.u32 v21, $0x1  }
0x356: {  	[tilespmem:$0x3B0] =	vst v48  }
0x357: {  	v20 =	vld.idx.msk [tilespmem:v22+s22+$0x0], $0xffff;
	[tilespmem:$0x400] =	vst v22  }
0x358: {  	v49 =	vld.idx.msk [tilespmem:v2+s7+$0x0], $0xffff  }
0x359: {  	v50 =	vld.idx.msk [tilespmem:v3+s7+$0x0], $0xffff  }
0x35a: {  	[tilespmem:$0x1FFC0] =	vst v36;
	v51 =	vld.idx.msk [tilespmem:v8+s7+$0x0], $0xffff  }
0x35b: {  	v46 =	vld [tilespmem:$0x1FFC0]  }
0x35c: {  	v52 =	vld.idx.msk [tilespmem:v4+s7+$0x0], $0xffff  }
0x35d: {  	v53 =	vld.idx.msk [tilespmem:v9+s7+$0x0], $0xffff  }
0x35e: {  	vm15 =	veq.s32 v49, v22  }
0x35f: {  	v54 =	vld.idx.msk [tilespmem:v10+s7+$0x0], $0xffff;
	vm0 =	veq.s32 v50, v22;
	vm2 =	veq.s32 v51, v22;
	v55 =	vsel vm15, $0x1, v1  }
0x360: {  	v56 =	vsel vm15, $0x2, v11;
	v58 =	vsel vm0, $0x1, v1;
	v59 =	vsel vm2, $0x1, v1  }
0x361: {  	v57 =	vld.idx.msk [tilespmem:v14+s7+$0x0], $0xffff;
	vm0 =	veq.s32 v52, v22;
	vm15 =	veq.s32 v6, $0x0;
	vm2 =	vnez.u8 v46  }
0x362: {  	v27 =	vsel vm15, $0x0, v55;
	v61 =	vsel vm0, $0x1, v1;
	vm15 =	veq.s32 v53, v22  }
0x363: {  	v60 =	vld.idx.msk [tilespmem:v5+s7+$0x0], $0xffff;
	v26 =	vsel vm3, $0x0, v58;
	v32 =	vsel vm7, $0x0, v59;
	v50 =	vadd.s32 v20, v56  }
0x364: {  	v63 =	vld.idx.msk [tilespmem:v15+s7+$0x0], $0xffff;
	v62 =	vsel vm15, $0x1, v1;
	vm15 =	veq.s32 v54, v22;
	v33 =	vsel vm6, $0x0, v61  }
0x365: {  	v24 =	vadd.s32 v58, v50;
	v20 =	vadd.s32 v20, v27;
	v44 =	vsel vm15, $0x1, v1  }
0x366: {  	v45 =	vld.idx.msk [tilespmem:v18+s7+$0x0], $0xffff;
	v36 =	vsel vm2, $0x0, v62;
	vm15 =	veq.s32 v57, v22;
	v55 =	vadd.s32 v59, v24  }
0x367: {  	v20 =	vadd.s32 v26, v20;
	v47 =	vsel vm4, $0x0, v44;
	v49 =	vsel vm15, $0x1, v1  }
0x368: {  	v48 =	vld.idx.msk [tilespmem:v19+s7+$0x0], $0xffff;
	vm15 =	veq.s32 v60, v22;
	v21 =	vadd.s32 v61, v55;
	v20 =	vadd.s32 v32, v20  }
0x369: {  	v51 =	vsel vm5, $0x0, v49;
	v52 =	vsel vm15, $0x1, v1;
	vm15 =	veq.s32 v63, v22  }
0x36a: {  	v53 =	vld.idx.msk [tilespmem:v17+s7+$0x0], $0xffff;
	v21 =	vadd.s32 v62, v21;
	v20 =	vadd.s32 v33, v20;
	v54 =	vsel vm11, $0x0, v52  }
0x36b: {  	v57 =	vld.idx.msk [tilespmem:v16+s7+$0x0], $0xffff;
	v56 =	vsel vm15, $0x1, v1;
	vm15 =	veq.s32 v45, v22;
	v21 =	vadd.s32 v44, v21  }
0x36c: {  	v61 =	vld.idx.msk [tilespmem:v13+s7+$0x0], $0xffff;
	v20 =	vadd.s32 v36, v20;
	v58 =	vsel vm15, $0x1, v1;
	v21 =	vadd.s32 v49, v21  }
0x36d: {  	v63 =	vld.idx.msk [tilespmem:v12+s7+$0x0], $0xffff;
	vm15 =	veq.s32 v48, v22;
	v59 =	vsel vm8, $0x0, v56;
	v21 =	vadd.s32 v52, v21  }
0x36e: {  	v20 =	vadd.s32 v47, v20;
	v60 =	vsel vm15, $0x1, v1;
	v21 =	vadd.s32 v56, v21  }
0x36f: {  	vm15 =	veq.s32 v53, v22;
	v20 =	vadd.s32 v51, v20;
	v21 =	vadd.s32 v58, v21  }
0x370: {  	v62 =	vsel vm15, $0x1, v1;
	vm15 =	veq.s32 v57, v22;
	v21 =	vadd.s32 v60, v21  }
0x371: {  	v38 =	vsel vm15, $0x1, v1;
	vm15 =	veq.s32 v61, v22;
	v21 =	vadd.s32 v62, v21  }
0x372: {  	v39 =	vsel vm15, $0x1, v1;
	vm15 =	veq.s32 v63, v22;
	v21 =	vadd.s32 v38, v21  }
0x373: {  	v20 =	vadd.s32 v54, v20;
	v40 =	vsel vm15, $0x1, v1;
	v21 =	vadd.s32 v39, v21  }
0x374: {  	v41 =	vsel vm1, $0x0, v58;
	v20 =	vadd.s32 v59, v20;
	v21 =	vadd.s32 v40, v21  }
0x375: {  	v42 =	vsel vm14, $0x0, v60;
	v20 =	vadd.s32 v41, v20;
	[tilespmem:v22+s22+$0x0] =	vst.idx.msk $0xffff, v21  }
0x376: {  	v43 =	vsel vm12, $0x0, v62;
	v20 =	vadd.s32 v42, v20;
	v22 =	vld [tilespmem:$0xD0]  }
0x377: {  	v44 =	vsel vm13, $0x0, v38;
	v20 =	vadd.s32 v43, v20  }
0x378: {  	v45 =	vsel vm10, $0x0, v39;
	v20 =	vadd.s32 v44, v20  }
0x379: {  	v46 =	vsel vm9, $0x0, v40;
	v20 =	vadd.s32 v45, v20  }
0x37a: {  	v47 =	vor.u32 $0xC0, v6;
	v20 =	vadd.s32 v46, v20  }
0x37b: {  	v21 =	vor.u32 v47, v0;
	[tilespmem:$0x1C0] =	vst v20  }
0x37c: {  	[tilespmem:$0x2C0] =	vst v20;
	v48 =	vshrl.u32 v21, $0x1  }
0x37d: {  	[tilespmem:$0x3C0] =	vst v48  }
0x37e: {  	v20 =	vld.idx.msk [tilespmem:v22+s22+$0x0], $0xffff;
	[tilespmem:$0x400] =	vst v22  }
0x37f: {  	v49 =	vld.idx.msk [tilespmem:v2+s7+$0x0], $0xffff  }
0x380: {  	v50 =	vld.idx.msk [tilespmem:v3+s7+$0x0], $0xffff  }
0x381: {  	v51 =	vld.idx.msk [tilespmem:v8+s7+$0x0], $0xffff  }
0x382: {  	v52 =	vld.idx.msk [tilespmem:v4+s7+$0x0], $0xffff;
	_ =	sdelay $0x1  }
0x383: {  	v53 =	vld.idx.msk [tilespmem:v9+s7+$0x0], $0xffff;
	vm15 =	veq.s32 v49, v22  }
0x384: {  	vm0 =	veq.s32 v50, v22;
	v55 =	vsel vm15, $0x1, v1  }
0x385: {  	v54 =	vld.idx.msk [tilespmem:v10+s7+$0x0], $0xffff;
	v56 =	vsel vm15, $0x2, v11;
	vm15 =	veq.s32 v51, v22;
	v58 =	vsel vm0, $0x1, v1  }
0x386: {  	v57 =	vld.idx.msk [tilespmem:v14+s7+$0x0], $0xffff;
	vm0 =	veq.s32 v52, v22;
	v59 =	vsel vm15, $0x1, v1;
	vm15 =	veq.s32 v6, $0x0  }
0x387: {  	v61 =	vsel vm0, $0x1, v1;
	v26 =	vsel vm3, $0x0, v58;
	v50 =	vadd.s32 v20, v56  }
0x388: {  	v60 =	vld.idx.msk [tilespmem:v5+s7+$0x0], $0xffff;
	v27 =	vsel vm15, $0x0, v55;
	vm15 =	veq.s32 v53, v22;
	v32 =	vsel vm7, $0x0, v59  }
0x389: {  	v33 =	vsel vm6, $0x0, v61;
	v24 =	vadd.s32 v58, v50;
	v62 =	vsel vm15, $0x1, v1  }
0x38a: {  	v63 =	vld.idx.msk [tilespmem:v15+s7+$0x0], $0xffff;
	vm15 =	veq.s32 v54, v22;
	v55 =	vadd.s32 v59, v24;
	v20 =	vadd.s32 v20, v27  }
0x38b: {  	v45 =	vld.idx.msk [tilespmem:v18+s7+$0x0], $0xffff;
	v44 =	vsel vm15, $0x1, v1;
	v46 =	vsel vm2, $0x0, v62;
	vm15 =	veq.s32 v57, v22  }
0x38c: {  	v21 =	vadd.s32 v61, v55;
	v20 =	vadd.s32 v26, v20;
	v47 =	vsel vm4, $0x0, v44  }
0x38d: {  	v48 =	vld.idx.msk [tilespmem:v19+s7+$0x0], $0xffff;
	v49 =	vsel vm15, $0x1, v1;
	vm15 =	veq.s32 v60, v22;
	v21 =	vadd.s32 v62, v21  }
0x38e: {  	v20 =	vadd.s32 v32, v20;
	v51 =	vsel vm5, $0x0, v49;
	v52 =	vsel vm15, $0x1, v1  }
0x38f: {  	v53 =	vld.idx.msk [tilespmem:v17+s7+$0x0], $0xffff;
	vm15 =	veq.s32 v63, v22;
	v21 =	vadd.s32 v44, v21;
	v20 =	vadd.s32 v33, v20  }
0x390: {  	v57 =	vld.idx.msk [tilespmem:v16+s7+$0x0], $0xffff;
	v54 =	vsel vm11, $0x0, v52;
	v56 =	vsel vm15, $0x1, v1;
	vm15 =	veq.s32 v45, v22  }
0x391: {  	v61 =	vld.idx.msk [tilespmem:v13+s7+$0x0], $0xffff;
	v21 =	vadd.s32 v49, v21;
	v20 =	vadd.s32 v46, v20;
	v58 =	vsel vm15, $0x1, v1  }
0x392: {  	v63 =	vld.idx.msk [tilespmem:v12+s7+$0x0], $0xffff;
	vm15 =	veq.s32 v48, v22;
	v59 =	vsel vm8, $0x0, v56;
	v21 =	vadd.s32 v52, v21  }
0x393: {  	v20 =	vadd.s32 v47, v20;
	v60 =	vsel vm15, $0x1, v1;
	v21 =	vadd.s32 v56, v21  }
0x394: {  	vm15 =	veq.s32 v53, v22;
	v20 =	vadd.s32 v51, v20;
	v21 =	vadd.s32 v58, v21  }
0x395: {  	v62 =	vsel vm15, $0x1, v1;
	vm15 =	veq.s32 v57, v22;
	v21 =	vadd.s32 v60, v21  }
0x396: {  	v32 =	vsel vm15, $0x1, v1;
	vm15 =	veq.s32 v61, v22;
	v21 =	vadd.s32 v62, v21  }
0x397: {  	v33 =	vsel vm15, $0x1, v1;
	vm15 =	veq.s32 v63, v22;
	v21 =	vadd.s32 v32, v21  }
0x398: {  	v20 =	vadd.s32 v54, v20;
	v35 =	vsel vm15, $0x1, v1;
	v21 =	vadd.s32 v33, v21  }
0x399: {  	v36 =	vsel vm1, $0x0, v58;
	v20 =	vadd.s32 v59, v20;
	v21 =	vadd.s32 v35, v21  }
0x39a: {  	v37 =	vsel vm14, $0x0, v60;
	v20 =	vadd.s32 v36, v20;
	[tilespmem:v22+s22+$0x0] =	vst.idx.msk $0xffff, v21  }
0x39b: {  	v38 =	vsel vm12, $0x0, v62;
	v20 =	vadd.s32 v37, v20;
	v22 =	vld [tilespmem:$0xE0]  }
0x39c: {  	v39 =	vsel vm13, $0x0, v32;
	v20 =	vadd.s32 v38, v20  }
0x39d: {  	v40 =	vsel vm10, $0x0, v33;
	v20 =	vadd.s32 v39, v20  }
0x39e: {  	v41 =	vsel vm9, $0x0, v35;
	v20 =	vadd.s32 v40, v20  }
0x39f: {  	v42 =	vor.u32 $0xD0, v6;
	v20 =	vadd.s32 v41, v20  }
0x3a0: {  	v21 =	vor.u32 v42, v0;
	[tilespmem:$0x1D0] =	vst v20  }
0x3a1: {  	v43 =	vshrl.u32 v21, $0x1;
	[tilespmem:$0x2D0] =	vst v20  }
0x3a2: {  	[tilespmem:$0x3D0] =	vst v43  }
0x3a3: {  	v20 =	vld.idx.msk [tilespmem:v22+s22+$0x0], $0xffff;
	[tilespmem:$0x400] =	vst v22  }
0x3a4: {  	v44 =	vld.idx.msk [tilespmem:v2+s7+$0x0], $0xffff  }
0x3a5: {  	v45 =	vld.idx.msk [tilespmem:v3+s7+$0x0], $0xffff  }
0x3a6: {  	v46 =	vld.idx.msk [tilespmem:v8+s7+$0x0], $0xffff  }
0x3a7: {  	v48 =	vld.idx.msk [tilespmem:v9+s7+$0x0], $0xffff;
	_ =	sdelay $0x1  }
0x3a8: {  	v47 =	vld.idx.msk [tilespmem:v4+s7+$0x0], $0xffff  }
0x3a9: {  	v49 =	vld.idx.msk [tilespmem:v10+s7+$0x0], $0xffff  }
0x3aa: {  	vm15 =	veq.s32 v44, v22  }
0x3ab: {  	vm0 =	veq.s32 v45, v22;
	vm1 =	veq.s32 v46, v22;
	vm14 =	veq.s32 v48, v22  }
0x3ac: {  	v52 =	vld.idx.msk [tilespmem:v14+s7+$0x0], $0xffff;
	v50 =	vsel vm15, $0x1, v1;
	v51 =	vsel vm15, $0x2, v11;
	v53 =	vsel vm0, $0x1, v1  }
0x3ad: {  	v54 =	vsel vm1, $0x1, v1;
	vm0 =	veq.s32 v47, v22;
	vm15 =	veq.s32 v6, $0x0  }
0x3ae: {  	v55 =	vld.idx.msk [tilespmem:v5+s7+$0x0], $0xffff;
	vm1 =	vmmov vm3;
	v57 =	vsel vm14, $0x1, v1;
	vm14 =	veq.s32 v49, v22  }
0x3af: {  	v27 =	vsel vm15, $0x0, v50;
	v56 =	vsel vm0, $0x1, v1;
	v26 =	vsel vm3, $0x0, v53  }
0x3b0: {  	v58 =	vld.idx.msk [tilespmem:v15+s7+$0x0], $0xffff;
	v32 =	vsel vm7, $0x0, v54;
	v59 =	vsel vm14, $0x1, v1;
	vm3 =	vmmov vm2  }
0x3b1: {  	v61 =	vsel vm2, $0x0, v57;
	vm14 =	veq.s32 v52, v22;
	v45 =	vadd.s32 v20, v51  }
0x3b2: {  	v60 =	vld.idx.msk [tilespmem:v18+s7+$0x0], $0xffff;
	v33 =	vsel vm6, $0x0, v56;
	v62 =	vsel vm4, $0x0, v59;
	v44 =	vsel vm14, $0x1, v1  }
0x3b3: {  	v63 =	vld.idx.msk [tilespmem:v19+s7+$0x0], $0xffff;
	vm14 =	veq.s32 v55, v22;
	v24 =	vadd.s32 v53, v45;
	v20 =	vadd.s32 v20, v27  }
0x3b4: {  	v46 =	vsel vm5, $0x0, v44;
	v47 =	vsel vm14, $0x1, v1;
	v50 =	vadd.s32 v54, v24  }
0x3b5: {  	vm14 =	veq.s32 v58, v22;
	v20 =	vadd.s32 v26, v20;
	v21 =	vadd.s32 v56, v50  }
0x3b6: {  	v48 =	vld.idx.msk [tilespmem:v17+s7+$0x0], $0xffff;
	v49 =	vsel vm11, $0x0, v47;
	v51 =	vsel vm14, $0x1, v1;
	v21 =	vadd.s32 v57, v21  }
0x3b7: {  	v52 =	vld.idx.msk [tilespmem:v16+s7+$0x0], $0xffff;
	vm14 =	veq.s32 v60, v22;
	v20 =	vadd.s32 v32, v20;
	v21 =	vadd.s32 v59, v21  }
0x3b8: {  	v56 =	vld.idx.msk [tilespmem:v13+s7+$0x0], $0xffff;
	v53 =	vsel vm14, $0x1, v1;
	vm14 =	veq.s32 v63, v22;
	v21 =	vadd.s32 v44, v21  }
0x3b9: {  	v58 =	vld.idx.msk [tilespmem:v12+s7+$0x0], $0xffff;
	v54 =	vsel vm8, $0x0, v51;
	v20 =	vadd.s32 v33, v20;
	v21 =	vadd.s32 v47, v21  }
0x3ba: {  	v55 =	vsel vm14, $0x1, v1;
	v20 =	vadd.s32 v61, v20;
	v21 =	vadd.s32 v51, v21  }
0x3bb: {  	vm14 =	veq.s32 v48, v22;
	v20 =	vadd.s32 v62, v20;
	v62 =	vld [tilespmem:$0x1FFD0];
	v21 =	vadd.s32 v53, v21  }
0x3bc: {  	v63 =	vld [tilespmem:$0x1FFE0];
	v57 =	vsel vm14, $0x1, v1;
	vm14 =	veq.s32 v52, v22;
	v21 =	vadd.s32 v55, v21  }
0x3bd: {  	v59 =	vsel vm14, $0x1, v1;
	vm14 =	veq.s32 v56, v22;
	v21 =	vadd.s32 v57, v21  }
0x3be: {  	v60 =	vsel vm14, $0x1, v1;
	vm14 =	veq.s32 v58, v22;
	v21 =	vadd.s32 v59, v21  }
0x3bf: {  	v20 =	vadd.s32 v46, v20;
	v61 =	vsel vm14, $0x1, v1;
	v21 =	vadd.s32 v60, v21  }
0x3c0: {  	v20 =	vadd.s32 v49, v20;
	vm14 =	vnez.u8 v62;
	v21 =	vadd.s32 v61, v21  }
0x3c1: {  	v20 =	vadd.s32 v54, v20;
	vm2 =	vnez.u8 v63;
	v25 =	vsel vm14, $0x0, v53;
	[tilespmem:v22+s22+$0x0] =	vst.idx.msk $0xffff, v21  }
0x3c2: {  	v23 =	vsel vm2, $0x0, v55;
	v20 =	vadd.s32 v25, v20;
	v22 =	vld [tilespmem:$0xF0]  }
0x3c3: {  	v25 =	vsel vm12, $0x0, v57;
	v20 =	vadd.s32 v23, v20  }
0x3c4: {  	v31 =	vor.u32 $0xE0, v6;
	v27 =	vsel vm13, $0x0, v59;
	v20 =	vadd.s32 v25, v20  }
0x3c5: {  	v29 =	vsel vm10, $0x0, v60;
	v21 =	vor.u32 v31, v0;
	v20 =	vadd.s32 v27, v20  }
0x3c6: {  	v30 =	vsel vm9, $0x0, v61;
	v32 =	vshrl.u32 v21, $0x1;
	v20 =	vadd.s32 v29, v20  }
0x3c7: {  	[tilespmem:$0x3E0] =	vst v32;
	v20 =	vadd.s32 v30, v20  }
0x3c8: {  	[tilespmem:$0x1E0] =	vst v20  }
0x3c9: {  	[tilespmem:$0x2E0] =	vst v20  }
0x3ca: {  	v20 =	vld.idx.msk [tilespmem:v22+s22+$0x0], $0xffff;
	[tilespmem:$0x400] =	vst v22  }
0x3cb: {  	v2 =	vld.idx.msk [tilespmem:v2+s7+$0x0], $0xffff  }
0x3cc: {  	v3 =	vld.idx.msk [tilespmem:v3+s7+$0x0], $0xffff  }
0x3cd: {  	v8 =	vld.idx.msk [tilespmem:v8+s7+$0x0], $0xffff;
	_ =	sdelay $0x1  }
0x3ce: {  	v4 =	vld.idx.msk [tilespmem:v4+s7+$0x0], $0xffff  }
0x3cf: {  	v10 =	vld.idx.msk [tilespmem:v10+s7+$0x0], $0xffff;
	vm0 =	veq.s32 v2, v22  }
0x3d0: {  	v14 =	vld.idx.msk [tilespmem:v14+s7+$0x0], $0xffff;
	v34 =	vsel vm0, $0x1, v1;
	v11 =	vsel vm0, $0x2, v11  }
0x3d1: {  	v33 =	vld.idx.msk [tilespmem:v9+s7+$0x0], $0xffff;
	vm0 =	veq.s32 v3, v22;
	v9 =	vsel vm15, $0x0, v34;
	vm15 =	veq.s32 v8, v22  }
0x3d2: {  	v18 =	vld.idx.msk [tilespmem:v18+s7+$0x0], $0xffff;
	v36 =	vsel vm0, $0x1, v1;
	v11 =	vadd.s32 v20, v11;
	v8 =	vsel vm15, $0x1, v1  }
0x3d3: {  	v12 =	vld.idx.msk [tilespmem:v12+s7+$0x0], $0xffff;
	vm15 =	veq.s32 v4, v22;
	v38 =	vsel vm1, $0x0, v36;
	v9 =	vadd.s32 v20, v9  }
0x3d4: {  	v35 =	vld.idx.msk [tilespmem:v5+s7+$0x0], $0xffff;
	v5 =	vadd.s32 v36, v11;
	v39 =	vsel vm7, $0x0, v8;
	v40 =	vsel vm15, $0x1, v1  }
0x3d5: {  	v37 =	vld.idx.msk [tilespmem:v15+s7+$0x0], $0xffff;
	vm7 =	veq.s32 v10, v22;
	vm15 =	veq.s32 v14, v22;
	v9 =	vadd.s32 v38, v9  }
0x3d6: {  	v5 =	vadd.s32 v8, v5;
	v41 =	vsel vm6, $0x0, v40;
	vm6 =	veq.s32 v33, v22  }
0x3d7: {  	v42 =	vld.idx.msk [tilespmem:v19+s7+$0x0], $0xffff;
	v10 =	vsel vm7, $0x1, v1;
	v45 =	vsel vm15, $0x1, v1;
	vm7 =	veq.s32 v18, v22  }
0x3d8: {  	v13 =	vld.idx.msk [tilespmem:v13+s7+$0x0], $0xffff;
	v52 =	vadd.s32 v39, v9;
	v5 =	vadd.s32 v40, v5;
	vm15 =	veq.s32 v12, v22  }
0x3d9: {  	v17 =	vld.idx.msk [tilespmem:v17+s7+$0x0], $0xffff;
	v2 =	vsel vm6, $0x1, v1;
	v44 =	vsel vm4, $0x0, v10;
	v46 =	vsel vm5, $0x0, v45  }
0x3da: {  	vm5 =	veq.s32 v35, v22;
	vm6 =	veq.s32 v37, v22;
	v49 =	vsel vm7, $0x1, v1  }
0x3db: {  	v8 =	vadd.s32 v41, v52;
	v43 =	vsel vm3, $0x0, v2;
	v3 =	vsel vm5, $0x1, v1  }
0x3dc: {  	v4 =	vsel vm6, $0x1, v1;
	v50 =	vsel vm14, $0x0, v49;
	v2 =	vadd.s32 v2, v5  }
0x3dd: {  	vm14 =	veq.s32 v13, v22;
	v47 =	vsel vm11, $0x0, v3;
	v48 =	vsel vm8, $0x0, v4  }
0x3de: {  	vm8 =	veq.s32 v42, v22;
	vm11 =	veq.s32 v17, v22;
	v8 =	vadd.s32 v43, v8  }
0x3df: {  	v16 =	vld.idx.msk [tilespmem:v16+s7+$0x0], $0xffff;
	v2 =	vadd.s32 v10, v2;
	v58 =	vsel vm14, $0x1, v1;
	v14 =	vsel vm8, $0x1, v1  }
0x3e0: {  	v53 =	vsel vm11, $0x1, v1;
	v8 =	vadd.s32 v44, v8;
	v2 =	vadd.s32 v45, v2  }
0x3e1: {  	v59 =	vsel vm10, $0x0, v58;
	v8 =	vadd.s32 v46, v8;
	v2 =	vadd.s32 v3, v2  }
0x3e2: {  	v51 =	vsel vm2, $0x0, v14;
	v8 =	vadd.s32 v47, v8;
	v2 =	vadd.s32 v4, v2  }
0x3e3: {  	v54 =	vsel vm12, $0x0, v53;
	v57 =	vadd.s32 v48, v8;
	v2 =	vadd.s32 v49, v2  }
0x3e4: {  	vm12 =	veq.s32 v16, v22;
	v4 =	vadd.s32 v50, v57;
	v2 =	vadd.s32 v14, v2  }
0x3e5: {  	v55 =	vsel vm12, $0x1, v1;
	v4 =	vadd.s32 v51, v4;
	v2 =	vadd.s32 v53, v2  }
0x3e6: {  	v56 =	vsel vm13, $0x0, v55;
	v4 =	vadd.s32 v54, v4;
	v2 =	vadd.s32 v55, v2  }
0x3e7: {  	v1 =	vsel vm15, $0x1, v1;
	v3 =	vadd.s32 v56, v4;
	v2 =	vadd.s32 v58, v2  }
0x3e8: {  	v60 =	vsel vm9, $0x0, v1;
	v3 =	vadd.s32 v59, v3;
	v1 =	vadd.s32 v1, v2  }
0x3e9: {  	v62 =	vor.u32 $0xF0, v6;
	v61 =	vadd.s32 v60, v3;
	[tilespmem:v22+s22+$0x0] =	vst.idx.msk $0xffff, v1  }
0x3ea: {  	v63 =	vor.u32 v62, v0;
	[tilespmem:$0x1F0] =	vst v61  }
0x3eb: {  	v0 =	vshrl.u32 v63, $0x1;
	[tilespmem:$0x2F0] =	vst v61  }
0x3ec: {  	s23 =	simm.s32 $0x0;
	s24 =	simm.s32 $0x100;
	[tilespmem:$0x3F0] =	vst v0  }
0x3ed: {  	[hbm4b:s6+s23] =	stream.linear.scatter [tilespmem:s24], [sflag:$0x1], $0x100, $0x38;
	[tilespmem:$0xFD0] =	vst v63  }
0x3ee: {  	_ =	swait.ge [sflag:s21], $0x100  }
0x3ef: {  	[sflag:s21] =	ssyncset.done $0x0  }
0x3f0: {  	s25 =	simm.s32 $0x500;
	[sflag:s21] =	ssyncadd.s32 $0xFFFFFF00  }
0x3f1: {  	[spmem:s5] =	stream.linear.scatter [tilespmem:s25], [sflag:$0x1], $0x140, $0x38;
	[tilespmem:$0xFD0] =	vst v63  }
0x3f2: {  	_ =	swait.ge [sflag:s21], $0x140  }
0x3f3: {  	[sflag:s21] =	ssyncset.done $0x0  }
0x3f4: {  	s26 =	simm.s32 $0x80;
	[sflag:s21] =	ssyncadd.s32 $0xFFFFFEC0  }
0x3f5: {  	s28 =	simm.s32 $0x200;
	s29 =	simm.s32 $0x300;
	[bflag:$0x0] =	sbarrier.arrive $0xFFFF  }
0x3f6: {  	[spmem:s2] =	stream.indirect.scatter [tilespmem:s29], [sflag:$0x1], $0x1, s28, s26, $0xb8;
	[tilespmem:$0xFD0] =	vst v63  }
0x3f7: {  	_ =	swait.ge [sflag:s21], $0x80  }
0x3f8: {  	[sflag:s21] =	ssyncset.done $0x0  }
0x3f9: {  	s30 =	simm.s32 $0x280;
	s31 =	simm.s32 $0x380;
	[sflag:s21] =	ssyncadd.s32 $0xFFFFFF80  }
0x3fa: {  	[spmem:s2] =	stream.indirect.scatter [tilespmem:s31], [sflag:$0x1], $0x1, s30, s26, $0xb8;
	[tilespmem:$0xFD0] =	vst v63  }
0x3fb: {  	_ =	swait.ge [sflag:s21], $0x80  }
0x3fc: {  	[sflag:s21] =	ssyncset.done $0x0  }
0x3fd: {  	[sflag:s21] =	ssyncadd.s32 $0xFFFFFF80  }
0x3fe: {  	p0 =	sne.s32 s4, $0x0;
	[bflag:$0x0] =	sbarrier.arrive $0xFFFF  }
0x3ff: {  	_ =	sfence.sel @p0 $0x180000  }
0x400: {  	[bflag:$0x0] =	sbarrier.arrive @p0 $0xFFFF  }
0x401: {  	_ =	strace @p0 $0x90000047  }
0x402: {  	s4 =	simm.s32 @!p0 $0x1C01;
	s2 =	sshrl.u32 @!p0 s2, $0x3;
	[bflag:$0x2] =	sbarrier.arrive @p0 $0xFFFF  }
0x403: {  	[hbm:s1], [sflag:s4] =	dma.local @!p0 [spmem:s2], $0x280  }
0x404: {  	s1 =	simm.s32 @!p0 $0x1  }
0x405: {  	_ =	swait.ge @!p0 [sflag:s1], $0x280  }
0x406: {  	[sflag:s1] =	ssyncset.done @!p0 $0x0  }
0x407: {  	[sflag:s1] =	ssyncadd.s32 @!p0 $0xFFFFFD80  }
0x408: {  	s2 =	simm.s32 @!p0 $0x0;
	s4 =	simm.s32 @!p0 $0x500;
	[tilespmem:$0x500] =	vst @!p0 v7  }
0x409: {  	[hbm4b:s3+s2] =	stream.linear.scatter @!p0 [tilespmem:s4], [sflag:$0x1], $0x10, $0x38;
	[tilespmem:$0xFD0] =	vst v63  }
0x40a: {  	_ =	swait.ge @!p0 [sflag:s1], $0x10  }
0x40b: {  	[sflag:s1] =	ssyncset.done @!p0 $0x0  }
0x40c: {  	[sflag:s1] =	ssyncadd.s32 @!p0 $0xFFFFFFF0  }
0x40d: {  	_ =	sfence.sel @!p0 $0x180000  }
0x40e: {  	[bflag:$0x0] =	sbarrier.arrive @!p0 $0xFFFF  }
0x40f: {  	_ =	strace @!p0 $0x90000047  }
0x410: {  	s0 =	sadd.s32 @!p0 $0x100000, s0;
	[bflag:$0x2] =	sbarrier.arrive @!p0 $0xFFFF  }
0x411: {  	[sflag:s0] =	ssyncadd.tile.s32 @!p0 $0x1;
	_ =	shalt  }
.Lfunc_end2:
_tile_overlayer_lowered:
.L_overlay_start_2:
0x412: {  	(tag) =	ssettag $0x2  }
0x413: {  	s0 =	rddreg [dreg:$0x0];
	s2 =	stileid.u32  }
0x414: {  	s1 =	rddreg [dreg:$0x1];
	p0 =	sne.s32 s2, $0x0  }
0x415: {  	s3 =	rddreg [dreg:$0x2];
	[bflag:$0x3] =	sbarrier.arrive $0xFFFF;
	s2 =	simm.s32 @!p0 $0x1C01  }
0x416: {  	[timem:s3], [sflag:s2] =	dma.local @!p0 [hbm:s0], s1  }
0x417: {  	s0 =	simm.s32 @!p0 $0x1  }
0x418: {  	_ =	swait.ge @!p0 [sflag:s0], s1  }
0x419: {  	s1 =	ssub.s32 @!p0 $0x0, s1;
	[sflag:s0] =	ssyncset.done @!p0 $0x0  }
0x41a: {  	[sflag:s0] =	ssyncadd.s32 @!p0 s1  }
0x41b: {  	[bflag:$0x3] =	sbarrier.arrive $0xFFFF  }
0x41c: {  	_ =	shalt  }

</sc_bundles>
